<compile_context>
chip_gen: v7x
topology: tpu7x:2x2x1
jax: 0.10.2.dev20260603
libtpu: 0.0.44.dev20260713+nightly
codegen_flags: <defaults>
</compile_context>

<pallas_src>
import jax
import jax.numpy as jnp
from jax import lax
from jax.experimental import pallas as pl
from jax.experimental.layout import Layout, with_layout_constraint
from jax.experimental.pallas import tpu as pltpu
from jax.experimental.pallas import tpu_sc as plsc

B = 16384
K = 32
NC = 2
NS = 16
NW = NC * NS
ROWS = B // NW
GROUP = 16
NGROUPS = ROWS // GROUP
CHUNK = 128
NCHUNK = ROWS // CHUNK


def _fm_kernel(xu_hbm, xm_hbm, xg_hbm, uemb_hbm, memb_hbm, gemb_hbm,
               ubias_hbm, mbias_hbm, lin_hbm, out_hbm,
               idx_u, idx_m, idx_g, pdx_u, pdx_m, pdx_g,
               uv, mv, gv, ubv, mbv, outv, linv, sem):
    wid = lax.axis_index("s") * NC + lax.axis_index("c")
    base = wid * ROWS

    for j in range(NCHUNK):
        pltpu.sync_copy(xu_hbm.at[pl.ds(base + j * CHUNK, CHUNK)], idx_u.at[j])
        pltpu.sync_copy(xm_hbm.at[pl.ds(base + j * CHUNK, CHUNK)], idx_m.at[j])
        pltpu.sync_copy(xg_hbm.at[pl.ds(base + j * CHUNK, CHUNK)], idx_g.at[j])
    pltpu.sync_copy(lin_hbm, linv)

    for j in range(NCHUNK):
        for q in range(CHUNK // 16):
            s16 = pl.ds(q * 16, 16)
            pdx_u[j, s16] = idx_u[j, s16] >> 2
            pdx_m[j, s16] = idx_m[j, s16] >> 2
            pdx_g[j, s16] = idx_g[j, s16] >> 2

    cps = []
    for j in range(NCHUNK):
        s = pl.ds(j * CHUNK, CHUNK)
        cps.append(pltpu.async_copy(uemb_hbm.at[pdx_u.at[j]], uv.at[s, :], sem))
        cps.append(pltpu.async_copy(memb_hbm.at[pdx_m.at[j]], mv.at[s, :], sem))
        cps.append(pltpu.async_copy(gemb_hbm.at[pdx_g.at[j]], gv.at[s, :], sem))
        cps.append(pltpu.async_copy(ubias_hbm.at[idx_u.at[j]], ubv.at[s], sem))
        cps.append(pltpu.async_copy(mbias_hbm.at[idx_m.at[j]], mbv.at[s], sem))
    for cp in cps:
        cp.wait()

    def round_bf16(v):
        b = plsc.bitcast(v, jnp.int32)
        b = b + jnp.int32(0x7FFF) + ((b >> 16) & 1)
        b = b & jnp.int32(-65536)
        return plsc.bitcast(b, jnp.float32)

    lv = round_bf16(linv[pl.ds(0, 16)])
    w0 = lv[0]
    w1 = lv[1]
    w2 = lv[2]
    lb = linv[pl.ds(0, 16)][3]
    lane = lax.iota(jnp.int32, 16)

    @pl.loop(0, NGROUPS)
    def _(g):
        rbase = g * GROUP
        c = g // (CHUNK // GROUP)
        off = (g % (CHUNK // GROUP)) * GROUP
        uoff = (idx_u[c, pl.ds(off, 16)] & 3) * 32
        moff = (idx_m[c, pl.ds(off, 16)] & 3) * 32
        goff = (idx_g[c, pl.ds(off, 16)] & 3) * 32
        acc = jnp.zeros((16,), jnp.float32)
        for j in range(GROUP):
            r = rbase + j
            u = uv[r, pl.ds(uoff[j], 32)]
            m = mv[r, pl.ds(moff[j], 32)]
            gg = gv[r, pl.ds(goff[j], 32)]
            t = u * (m + gg) + m * gg
            ta, tb = plsc.unpack(t, format=plsc.PackFormat.INTERLEAVED)
            ts = jnp.sum(ta + tb, axis=0)
            acc = jnp.where(lane == j, ts, acc)
        iu = round_bf16(idx_u[c, pl.ds(off, 16)].astype(jnp.float32))
        im = round_bf16(idx_m[c, pl.ds(off, 16)].astype(jnp.float32))
        ig = round_bf16(idx_g[c, pl.ds(off, 16)].astype(jnp.float32))
        lin = iu * w0 + im * w1 + ig * w2 + lb
        pre = acc + ubv[pl.ds(rbase, 16)] + mbv[pl.ds(rbase, 16)] + lin
        pre = jnp.minimum(jnp.maximum(pre, -30.0), 30.0)
        outv[pl.ds(rbase, 16)] = 1.0 / (1.0 + jnp.exp(-pre))

    pltpu.sync_copy(outv, out_hbm.at[pl.ds(base, ROWS)])


def kernel(x, user_emb, movie_emb, genre_emb, user_bias, movie_bias, lin_w, lin_b):
    xu = x[:, 0]
    xm = x[:, 1]
    xg = x[:, 2]
    rowmajor = Layout((0, 1))

    def prep_table(t):
        t16 = t.astype(jnp.bfloat16).reshape(t.shape[0] // 4, 4 * K)
        return with_layout_constraint(t16, rowmajor)

    ue = prep_table(user_emb)
    me = prep_table(movie_emb)
    ge = prep_table(genre_emb)
    ub = user_bias.reshape(-1)
    mb = movie_bias.reshape(-1)
    lin = jnp.concatenate(
        [lin_w.reshape(-1), lin_b.reshape(-1), jnp.zeros((12,), jnp.float32)]
    )

    cp = pltpu.CompilerParams(
        needs_layout_passes=False, use_tc_tiling_on_sc=False
    )
    mesh = plsc.VectorSubcoreMesh(core_axis_name="c", subcore_axis_name="s")
    fm = pl.kernel(
        _fm_kernel,
        out_type=jax.ShapeDtypeStruct((B,), jnp.float32),
        mesh=mesh,
        scratch_types=[
            pltpu.VMEM((NCHUNK, CHUNK), jnp.int32),
            pltpu.VMEM((NCHUNK, CHUNK), jnp.int32),
            pltpu.VMEM((NCHUNK, CHUNK), jnp.int32),
            pltpu.VMEM((NCHUNK, CHUNK), jnp.int32),
            pltpu.VMEM((NCHUNK, CHUNK), jnp.int32),
            pltpu.VMEM((NCHUNK, CHUNK), jnp.int32),
            pltpu.VMEM((ROWS, 4 * K), jnp.bfloat16),
            pltpu.VMEM((ROWS, 4 * K), jnp.bfloat16),
            pltpu.VMEM((ROWS, 4 * K), jnp.bfloat16),
            pltpu.VMEM((ROWS,), jnp.float32),
            pltpu.VMEM((ROWS,), jnp.float32),
            pltpu.VMEM((ROWS,), jnp.float32),
            pltpu.VMEM((16,), jnp.float32),
            pltpu.SemaphoreType.DMA,
        ],
        compiler_params=cp,
    )
    out = fm(xu, xm, xg, ue, me, ge, ub, mb, lin)
    return out.reshape(B, 1)

# --- scband reference (transcript-rebuilt; emitter-appended) ---
"""Pipeline reference for scband-factorization-machine-69252052680905 (READ-ONLY COPY).

The authoritative reference and input builder live on the scoring server;
editing this copy changes nothing except your own understanding.
"""

import jax, jax.numpy as jnp
import numpy as np

B = 16384
V_USERS = 1000000
V_MOVIES = 1000000
V_GENRES = 1000000
K = 32


def setup_inputs(seed: int = 0) -> dict:
    key = jax.random.key(seed)
    ks = jax.random.split(key, 9)
    x = jax.random.randint(ks[0], (B, 3), 0, V_USERS, dtype=jnp.int32)
    user_emb = jax.random.normal(ks[1], (V_USERS, K), dtype=jnp.float32) * 0.02
    movie_emb = jax.random.normal(ks[2], (V_MOVIES, K), dtype=jnp.float32) * 0.02
    genre_emb = jax.random.normal(ks[3], (V_GENRES, K), dtype=jnp.float32) * 0.02
    user_bias = jax.random.normal(ks[4], (V_USERS, 1), dtype=jnp.float32) * 0.02
    movie_bias = jax.random.normal(ks[5], (V_MOVIES, 1), dtype=jnp.float32) * 0.02
    lin_w = jax.random.normal(ks[6], (1, 3), dtype=jnp.float32) * 0.02
    lin_b = jax.random.normal(ks[7], (1,), dtype=jnp.float32) * 0.02
    return {
        "x": x,
        "user_emb": user_emb,
        "movie_emb": movie_emb,
        "genre_emb": genre_emb,
        "user_bias": user_bias,
        "movie_bias": movie_bias,
        "lin_w": lin_w,
        "lin_b": lin_b,
    }


def reference(x, user_emb, movie_emb, genre_emb, user_bias, movie_bias, lin_w, lin_b):
    # embedding lookups (gathers)
    user_v = jnp.take(user_emb, x[:, 0], axis=0)    # [B, K]
    movie_v = jnp.take(movie_emb, x[:, 1], axis=0)  # [B, K]
    genre_v = jnp.take(genre_emb, x[:, 2], axis=0)  # [B, K]
    # pairwise FM interaction term
    inter = jnp.sum(user_v * movie_v + user_v * genre_v + movie_v * genre_v,
                    axis=1, keepdims=True)          # [B, 1]
    # per-id biases
    bias = jnp.take(user_bias, x[:, 0], axis=0) + jnp.take(movie_bias, x[:, 1], axis=0)  # [B, 1]
    # linear on raw (float-cast) ids, matching the torch module exactly
    lin = x.astype(jnp.float32) @ lin_w.T + lin_b   # [B, 1]
    out = lin + inter + bias
    return jax.nn.sigmoid(out)


if False:  # reference __main__ guard neutralized (emitter)
    inp = setup_inputs()
    out = reference(**inp)
    print(out.shape, out.dtype)

if __name__ == "__main__":
    import jax
    _d = setup_inputs()
    print(jax.jit(kernel)(*tuple(_d.values())))

</pallas_src>

<mosaic_0001>
#map = affine_map<(d0, d1) -> (0)>
#map1 = affine_map<(d0, d1) -> (0, 0)>
module attributes {stable_mosaic.version = 14 : i64} {
  func.func @_fm_kernel(%arg0: i32, %arg1: i32, %arg2: memref<16384xi32, #tpu.memory_space<hbm>>, %arg3: memref<16384xi32, #tpu.memory_space<hbm>>, %arg4: memref<16384xi32, #tpu.memory_space<hbm>>, %arg5: memref<250000x128xbf16, #tpu.memory_space<hbm>>, %arg6: memref<250000x128xbf16, #tpu.memory_space<hbm>>, %arg7: memref<250000x128xbf16, #tpu.memory_space<hbm>>, %arg8: memref<1000000xf32, #tpu.memory_space<hbm>>, %arg9: memref<1000000xf32, #tpu.memory_space<hbm>>, %arg10: memref<16xf32, #tpu.memory_space<hbm>>, %arg11: memref<16384xf32, #tpu.memory_space<hbm>>, %arg12: memref<4x128xi32, #tpu.memory_space<vmem>>, %arg13: memref<4x128xi32, #tpu.memory_space<vmem>>, %arg14: memref<4x128xi32, #tpu.memory_space<vmem>>, %arg15: memref<4x128xi32, #tpu.memory_space<vmem>>, %arg16: memref<4x128xi32, #tpu.memory_space<vmem>>, %arg17: memref<4x128xi32, #tpu.memory_space<vmem>>, %arg18: memref<512x128xbf16, #tpu.memory_space<vmem>>, %arg19: memref<512x128xbf16, #tpu.memory_space<vmem>>, %arg20: memref<512x128xbf16, #tpu.memory_space<vmem>>, %arg21: memref<512xf32, #tpu.memory_space<vmem>>, %arg22: memref<512xf32, #tpu.memory_space<vmem>>, %arg23: memref<512xf32, #tpu.memory_space<vmem>>, %arg24: memref<16xf32, #tpu.memory_space<vmem>>, %arg25: memref<!tpu.dma_semaphore, #tpu.memory_space<semaphore_mem>>) attributes {dimension_semantics = [#tpu.dimension_semantics<core_parallel>, #tpu.dimension_semantics<subcore_parallel>], iteration_bounds = array<i64: 2, 16>, scalar_prefetch = 0 : i64, scratch_operands = 14 : i64, tpu.core_type = #tpu.core_type<sc_vector_subcore>, window_params = [{transform_indices = #map}, {transform_indices = #map}, {transform_indices = #map}, {transform_indices = #map1}, {transform_indices = #map1}, {transform_indices = #map1}, {transform_indices = #map}, {transform_indices = #map}, {transform_indices = #map}, {transform_indices = #map}]} {
    %mul3A = arith.constant 2 : i32
    %mul3A_0 = arith.muli %arg1, %mul3A : i32
    %add3A = arith.addi %mul3A_0, %arg0 : i32
    %mul3A_1 = arith.constant 512 : i32
    %mul3A_2 = arith.muli %add3A, %mul3A_1 : i32
    %add3A_3 = arith.constant 0 : i32
    %add3A_4 = arith.addi %mul3A_2, %add3A_3 : i32
    %run_scoped3A = arith.constant 0 : i32
    "tpu.region"() ({
      %run_scoped3A_1484 = tpu.sem_alloc : memref<!tpu.dma_semaphore, #tpu.memory_space<semaphore_mem>>
      %dma_start3A_1485 = arith.constant 0 : i32
      %dma_start3A_1486 = tpu.memref_slice %arg12[%run_scoped3A, %dma_start3A_1485] : memref<4x128xi32, #tpu.memory_space<vmem>> -> memref<1x128xi32, #tpu.memory_space<vmem>>
      %dma_start3A_1487 = tpu.memref_squeeze %dma_start3A_1486 : memref<1x128xi32, #tpu.memory_space<vmem>> -> memref<128xi32, #tpu.memory_space<vmem>>
      %dma_start3A_1488 = tpu.memref_slice %arg2[%add3A_4] : memref<16384xi32, #tpu.memory_space<hbm>> -> memref<128xi32, #tpu.memory_space<hbm>>
      %dma_start3A_1489 = arith.constant 0 : i32
      %dma_start3A_1490 = tpu.memref_slice %arg12[%run_scoped3A, %dma_start3A_1489] : memref<4x128xi32, #tpu.memory_space<vmem>> -> memref<1x128xi32, #tpu.memory_space<vmem>>
      %dma_start3A_1491 = tpu.memref_squeeze %dma_start3A_1490 : memref<1x128xi32, #tpu.memory_space<vmem>> -> memref<128xi32, #tpu.memory_space<vmem>>
      %dma_start3A_1492 = tpu.memref_slice %arg2[%add3A_4] : memref<16384xi32, #tpu.memory_space<hbm>> -> memref<128xi32, #tpu.memory_space<hbm>>
      tpu.enqueue_dma source(%dma_start3A_1492 : memref<128xi32, #tpu.memory_space<hbm>>) target(%dma_start3A_1491 : memref<128xi32, #tpu.memory_space<vmem>>) target_semaphore(%run_scoped3A_1484 : memref<!tpu.dma_semaphore, #tpu.memory_space<semaphore_mem>>)
      %dma_wait3A_1493 = arith.constant 0 : i32
      %dma_wait3A_1494 = tpu.memref_slice %arg12[%run_scoped3A, %dma_wait3A_1493] : memref<4x128xi32, #tpu.memory_space<vmem>> -> memref<1x128xi32, #tpu.memory_space<vmem>>
      %dma_wait3A_1495 = tpu.memref_squeeze %dma_wait3A_1494 : memref<1x128xi32, #tpu.memory_space<vmem>> -> memref<128xi32, #tpu.memory_space<vmem>>
      %dma_wait3A_1496 = tpu.memref_slice %arg2[%add3A_4] : memref<16384xi32, #tpu.memory_space<hbm>> -> memref<128xi32, #tpu.memory_space<hbm>>
      %dma_wait3A_1497 = arith.constant 0 : i32
      %dma_wait3A_1498 = tpu.memref_slice %arg12[%run_scoped3A, %dma_wait3A_1497] : memref<4x128xi32, #tpu.memory_space<vmem>> -> memref<1x128xi32, #tpu.memory_space<vmem>>
      %dma_wait3A_1499 = tpu.memref_squeeze %dma_wait3A_1498 : memref<1x128xi32, #tpu.memory_space<vmem>> -> memref<128xi32, #tpu.memory_space<vmem>>
      %dma_wait3A_1500 = tpu.memref_slice %arg2[%add3A_4] : memref<16384xi32, #tpu.memory_space<hbm>> -> memref<128xi32, #tpu.memory_space<hbm>>
      tpu.wait_dma2 semaphore(%run_scoped3A_1484 : memref<!tpu.dma_semaphore, #tpu.memory_space<semaphore_mem>>) src(%dma_wait3A_1500 : memref<128xi32, #tpu.memory_space<hbm>>) dst(%dma_wait3A_1499 : memref<128xi32, #tpu.memory_space<vmem>>)
      tpu.yield
    }) : () -> ()
    %add3A_5 = arith.constant 0 : i32
    %add3A_6 = arith.addi %mul3A_2, %add3A_5 : i32
    %run_scoped3A_7 = arith.constant 0 : i32
    "tpu.region"() ({
      %run_scoped3A_1484 = tpu.sem_alloc : memref<!tpu.dma_semaphore, #tpu.memory_space<semaphore_mem>>
      %dma_start3A_1485 = arith.constant 0 : i32
      %dma_start3A_1486 = tpu.memref_slice %arg13[%run_scoped3A_7, %dma_start3A_1485] : memref<4x128xi32, #tpu.memory_space<vmem>> -> memref<1x128xi32, #tpu.memory_space<vmem>>
      %dma_start3A_1487 = tpu.memref_squeeze %dma_start3A_1486 : memref<1x128xi32, #tpu.memory_space<vmem>> -> memref<128xi32, #tpu.memory_space<vmem>>
      %dma_start3A_1488 = tpu.memref_slice %arg3[%add3A_6] : memref<16384xi32, #tpu.memory_space<hbm>> -> memref<128xi32, #tpu.memory_space<hbm>>
      %dma_start3A_1489 = arith.constant 0 : i32
      %dma_start3A_1490 = tpu.memref_slice %arg13[%run_scoped3A_7, %dma_start3A_1489] : memref<4x128xi32, #tpu.memory_space<vmem>> -> memref<1x128xi32, #tpu.memory_space<vmem>>
      %dma_start3A_1491 = tpu.memref_squeeze %dma_start3A_1490 : memref<1x128xi32, #tpu.memory_space<vmem>> -> memref<128xi32, #tpu.memory_space<vmem>>
      %dma_start3A_1492 = tpu.memref_slice %arg3[%add3A_6] : memref<16384xi32, #tpu.memory_space<hbm>> -> memref<128xi32, #tpu.memory_space<hbm>>
      tpu.enqueue_dma source(%dma_start3A_1492 : memref<128xi32, #tpu.memory_space<hbm>>) target(%dma_start3A_1491 : memref<128xi32, #tpu.memory_space<vmem>>) target_semaphore(%run_scoped3A_1484 : memref<!tpu.dma_semaphore, #tpu.memory_space<semaphore_mem>>)
      %dma_wait3A_1493 = arith.constant 0 : i32
      %dma_wait3A_1494 = tpu.memref_slice %arg13[%run_scoped3A_7, %dma_wait3A_1493] : memref<4x128xi32, #tpu.memory_space<vmem>> -> memref<1x128xi32, #tpu.memory_space<vmem>>
      %dma_wait3A_1495 = tpu.memref_squeeze %dma_wait3A_1494 : memref<1x128xi32, #tpu.memory_space<vmem>> -> memref<128xi32, #tpu.memory_space<vmem>>
      %dma_wait3A_1496 = tpu.memref_slice %arg3[%add3A_6] : memref<16384xi32, #tpu.memory_space<hbm>> -> memref<128xi32, #tpu.memory_space<hbm>>
      %dma_wait3A_1497 = arith.constant 0 : i32
      %dma_wait3A_1498 = tpu.memref_slice %arg13[%run_scoped3A_7, %dma_wait3A_1497] : memref<4x128xi32, #tpu.memory_space<vmem>> -> memref<1x128xi32, #tpu.memory_space<vmem>>
      %dma_wait3A_1499 = tpu.memref_squeeze %dma_wait3A_1498 : memref<1x128xi32, #tpu.memory_space<vmem>> -> memref<128xi32, #tpu.memory_space<vmem>>
      %dma_wait3A_1500 = tpu.memref_slice %arg3[%add3A_6] : memref<16384xi32, #tpu.memory_space<hbm>> -> memref<128xi32, #tpu.memory_space<hbm>>
      tpu.wait_dma2 semaphore(%run_scoped3A_1484 : memref<!tpu.dma_semaphore, #tpu.memory_space<semaphore_mem>>) src(%dma_wait3A_1500 : memref<128xi32, #tpu.memory_space<hbm>>) dst(%dma_wait3A_1499 : memref<128xi32, #tpu.memory_space<vmem>>)
      tpu.yield
    }) : () -> ()
    %add3A_8 = arith.constant 0 : i32
    %add3A_9 = arith.addi %mul3A_2, %add3A_8 : i32
    %run_scoped3A_10 = arith.constant 0 : i32
    "tpu.region"() ({
      %run_scoped3A_1484 = tpu.sem_alloc : memref<!tpu.dma_semaphore, #tpu.memory_space<semaphore_mem>>
      %dma_start3A_1485 = arith.constant 0 : i32
      %dma_start3A_1486 = tpu.memref_slice %arg14[%run_scoped3A_10, %dma_start3A_1485] : memref<4x128xi32, #tpu.memory_space<vmem>> -> memref<1x128xi32, #tpu.memory_space<vmem>>
      %dma_start3A_1487 = tpu.memref_squeeze %dma_start3A_1486 : memref<1x128xi32, #tpu.memory_space<vmem>> -> memref<128xi32, #tpu.memory_space<vmem>>
      %dma_start3A_1488 = tpu.memref_slice %arg4[%add3A_9] : memref<16384xi32, #tpu.memory_space<hbm>> -> memref<128xi32, #tpu.memory_space<hbm>>
      %dma_start3A_1489 = arith.constant 0 : i32
      %dma_start3A_1490 = tpu.memref_slice %arg14[%run_scoped3A_10, %dma_start3A_1489] : memref<4x128xi32, #tpu.memory_space<vmem>> -> memref<1x128xi32, #tpu.memory_space<vmem>>
      %dma_start3A_1491 = tpu.memref_squeeze %dma_start3A_1490 : memref<1x128xi32, #tpu.memory_space<vmem>> -> memref<128xi32, #tpu.memory_space<vmem>>
      %dma_start3A_1492 = tpu.memref_slice %arg4[%add3A_9] : memref<16384xi32, #tpu.memory_space<hbm>> -> memref<128xi32, #tpu.memory_space<hbm>>
      tpu.enqueue_dma source(%dma_start3A_1492 : memref<128xi32, #tpu.memory_space<hbm>>) target(%dma_start3A_1491 : memref<128xi32, #tpu.memory_space<vmem>>) target_semaphore(%run_scoped3A_1484 : memref<!tpu.dma_semaphore, #tpu.memory_space<semaphore_mem>>)
      %dma_wait3A_1493 = arith.constant 0 : i32
      %dma_wait3A_1494 = tpu.memref_slice %arg14[%run_scoped3A_10, %dma_wait3A_1493] : memref<4x128xi32, #tpu.memory_space<vmem>> -> memref<1x128xi32, #tpu.memory_space<vmem>>
      %dma_wait3A_1495 = tpu.memref_squeeze %dma_wait3A_1494 : memref<1x128xi32, #tpu.memory_space<vmem>> -> memref<128xi32, #tpu.memory_space<vmem>>
      %dma_wait3A_1496 = tpu.memref_slice %arg4[%add3A_9] : memref<16384xi32, #tpu.memory_space<hbm>> -> memref<128xi32, #tpu.memory_space<hbm>>
      %dma_wait3A_1497 = arith.constant 0 : i32
      %dma_wait3A_1498 = tpu.memref_slice %arg14[%run_scoped3A_10, %dma_wait3A_1497] : memref<4x128xi32, #tpu.memory_space<vmem>> -> memref<1x128xi32, #tpu.memory_space<vmem>>
      %dma_wait3A_1499 = tpu.memref_squeeze %dma_wait3A_1498 : memref<1x128xi32, #tpu.memory_space<vmem>> -> memref<128xi32, #tpu.memory_space<vmem>>
      %dma_wait3A_1500 = tpu.memref_slice %arg4[%add3A_9] : memref<16384xi32, #tpu.memory_space<hbm>> -> memref<128xi32, #tpu.memory_space<hbm>>
      tpu.wait_dma2 semaphore(%run_scoped3A_1484 : memref<!tpu.dma_semaphore, #tpu.memory_space<semaphore_mem>>) src(%dma_wait3A_1500 : memref<128xi32, #tpu.memory_space<hbm>>) dst(%dma_wait3A_1499 : memref<128xi32, #tpu.memory_space<vmem>>)
      tpu.yield
    }) : () -> ()
    %add3A_11 = arith.constant 128 : i32
    %add3A_12 = arith.addi %mul3A_2, %add3A_11 : i32
    %run_scoped3A_13 = arith.constant 1 : i32
    "tpu.region"() ({
      %run_scoped3A_1484 = tpu.sem_alloc : memref<!tpu.dma_semaphore, #tpu.memory_space<semaphore_mem>>
      %dma_start3A_1485 = arith.constant 0 : i32
      %dma_start3A_1486 = tpu.memref_slice %arg12[%run_scoped3A_13, %dma_start3A_1485] : memref<4x128xi32, #tpu.memory_space<vmem>> -> memref<1x128xi32, #tpu.memory_space<vmem>>
      %dma_start3A_1487 = tpu.memref_squeeze %dma_start3A_1486 : memref<1x128xi32, #tpu.memory_space<vmem>> -> memref<128xi32, #tpu.memory_space<vmem>>
      %dma_start3A_1488 = tpu.memref_slice %arg2[%add3A_12] : memref<16384xi32, #tpu.memory_space<hbm>> -> memref<128xi32, #tpu.memory_space<hbm>>
      %dma_start3A_1489 = arith.constant 0 : i32
      %dma_start3A_1490 = tpu.memref_slice %arg12[%run_scoped3A_13, %dma_start3A_1489] : memref<4x128xi32, #tpu.memory_space<vmem>> -> memref<1x128xi32, #tpu.memory_space<vmem>>
      %dma_start3A_1491 = tpu.memref_squeeze %dma_start3A_1490 : memref<1x128xi32, #tpu.memory_space<vmem>> -> memref<128xi32, #tpu.memory_space<vmem>>
      %dma_start3A_1492 = tpu.memref_slice %arg2[%add3A_12] : memref<16384xi32, #tpu.memory_space<hbm>> -> memref<128xi32, #tpu.memory_space<hbm>>
      tpu.enqueue_dma source(%dma_start3A_1492 : memref<128xi32, #tpu.memory_space<hbm>>) target(%dma_start3A_1491 : memref<128xi32, #tpu.memory_space<vmem>>) target_semaphore(%run_scoped3A_1484 : memref<!tpu.dma_semaphore, #tpu.memory_space<semaphore_mem>>)
      %dma_wait3A_1493 = arith.constant 0 : i32
      %dma_wait3A_1494 = tpu.memref_slice %arg12[%run_scoped3A_13, %dma_wait3A_1493] : memref<4x128xi32, #tpu.memory_space<vmem>> -> memref<1x128xi32, #tpu.memory_space<vmem>>
      %dma_wait3A_1495 = tpu.memref_squeeze %dma_wait3A_1494 : memref<1x128xi32, #tpu.memory_space<vmem>> -> memref<128xi32, #tpu.memory_space<vmem>>
      %dma_wait3A_1496 = tpu.memref_slice %arg2[%add3A_12] : memref<16384xi32, #tpu.memory_space<hbm>> -> memref<128xi32, #tpu.memory_space<hbm>>
      %dma_wait3A_1497 = arith.constant 0 : i32
      %dma_wait3A_1498 = tpu.memref_slice %arg12[%run_scoped3A_13, %dma_wait3A_1497] : memref<4x128xi32, #tpu.memory_space<vmem>> -> memref<1x128xi32, #tpu.memory_space<vmem>>
      %dma_wait3A_1499 = tpu.memref_squeeze %dma_wait3A_1498 : memref<1x128xi32, #tpu.memory_space<vmem>> -> memref<128xi32, #tpu.memory_space<vmem>>
      %dma_wait3A_1500 = tpu.memref_slice %arg2[%add3A_12] : memref<16384xi32, #tpu.memory_space<hbm>> -> memref<128xi32, #tpu.memory_space<hbm>>
      tpu.wait_dma2 semaphore(%run_scoped3A_1484 : memref<!tpu.dma_semaphore, #tpu.memory_space<semaphore_mem>>) src(%dma_wait3A_1500 : memref<128xi32, #tpu.memory_space<hbm>>) dst(%dma_wait3A_1499 : memref<128xi32, #tpu.memory_space<vmem>>)
      tpu.yield
    }) : () -> ()
    %add3A_14 = arith.constant 128 : i32
    %add3A_15 = arith.addi %mul3A_2, %add3A_14 : i32
    %run_scoped3A_16 = arith.constant 1 : i32
    "tpu.region"() ({
      %run_scoped3A_1484 = tpu.sem_alloc : memref<!tpu.dma_semaphore, #tpu.memory_space<semaphore_mem>>
      %dma_start3A_1485 = arith.constant 0 : i32
      %dma_start3A_1486 = tpu.memref_slice %arg13[%run_scoped3A_16, %dma_start3A_1485] : memref<4x128xi32, #tpu.memory_space<vmem>> -> memref<1x128xi32, #tpu.memory_space<vmem>>
      %dma_start3A_1487 = tpu.memref_squeeze %dma_start3A_1486 : memref<1x128xi32, #tpu.memory_space<vmem>> -> memref<128xi32, #tpu.memory_space<vmem>>
      %dma_start3A_1488 = tpu.memref_slice %arg3[%add3A_15] : memref<16384xi32, #tpu.memory_space<hbm>> -> memref<128xi32, #tpu.memory_space<hbm>>
      %dma_start3A_1489 = arith.constant 0 : i32
      %dma_start3A_1490 = tpu.memref_slice %arg13[%run_scoped3A_16, %dma_start3A_1489] : memref<4x128xi32, #tpu.memory_space<vmem>> -> memref<1x128xi32, #tpu.memory_space<vmem>>
      %dma_start3A_1491 = tpu.memref_squeeze %dma_start3A_1490 : memref<1x128xi32, #tpu.memory_space<vmem>> -> memref<128xi32, #tpu.memory_space<vmem>>
      %dma_start3A_1492 = tpu.memref_slice %arg3[%add3A_15] : memref<16384xi32, #tpu.memory_space<hbm>> -> memref<128xi32, #tpu.memory_space<hbm>>
      tpu.enqueue_dma source(%dma_start3A_1492 : memref<128xi32, #tpu.memory_space<hbm>>) target(%dma_start3A_1491 : memref<128xi32, #tpu.memory_space<vmem>>) target_semaphore(%run_scoped3A_1484 : memref<!tpu.dma_semaphore, #tpu.memory_space<semaphore_mem>>)
      %dma_wait3A_1493 = arith.constant 0 : i32
      %dma_wait3A_1494 = tpu.memref_slice %arg13[%run_scoped3A_16, %dma_wait3A_1493] : memref<4x128xi32, #tpu.memory_space<vmem>> -> memref<1x128xi32, #tpu.memory_space<vmem>>
      %dma_wait3A_1495 = tpu.memref_squeeze %dma_wait3A_1494 : memref<1x128xi32, #tpu.memory_space<vmem>> -> memref<128xi32, #tpu.memory_space<vmem>>
      %dma_wait3A_1496 = tpu.memref_slice %arg3[%add3A_15] : memref<16384xi32, #tpu.memory_space<hbm>> -> memref<128xi32, #tpu.memory_space<hbm>>
      %dma_wait3A_1497 = arith.constant 0 : i32
      %dma_wait3A_1498 = tpu.memref_slice %arg13[%run_scoped3A_16, %dma_wait3A_1497] : memref<4x128xi32, #tpu.memory_space<vmem>> -> memref<1x128xi32, #tpu.memory_space<vmem>>
      %dma_wait3A_1499 = tpu.memref_squeeze %dma_wait3A_1498 : memref<1x128xi32, #tpu.memory_space<vmem>> -> memref<128xi32, #tpu.memory_space<vmem>>
      %dma_wait3A_1500 = tpu.memref_slice %arg3[%add3A_15] : memref<16384xi32, #tpu.memory_space<hbm>> -> memref<128xi32, #tpu.memory_space<hbm>>
      tpu.wait_dma2 semaphore(%run_scoped3A_1484 : memref<!tpu.dma_semaphore, #tpu.memory_space<semaphore_mem>>) src(%dma_wait3A_1500 : memref<128xi32, #tpu.memory_space<hbm>>) dst(%dma_wait3A_1499 : memref<128xi32, #tpu.memory_space<vmem>>)
      tpu.yield
    }) : () -> ()
    %add3A_17 = arith.constant 128 : i32
    %add3A_18 = arith.addi %mul3A_2, %add3A_17 : i32
    %run_scoped3A_19 = arith.constant 1 : i32
    "tpu.region"() ({
      %run_scoped3A_1484 = tpu.sem_alloc : memref<!tpu.dma_semaphore, #tpu.memory_space<semaphore_mem>>
      %dma_start3A_1485 = arith.constant 0 : i32
      %dma_start3A_1486 = tpu.memref_slice %arg14[%run_scoped3A_19, %dma_start3A_1485] : memref<4x128xi32, #tpu.memory_space<vmem>> -> memref<1x128xi32, #tpu.memory_space<vmem>>
      %dma_start3A_1487 = tpu.memref_squeeze %dma_start3A_1486 : memref<1x128xi32, #tpu.memory_space<vmem>> -> memref<128xi32, #tpu.memory_space<vmem>>
      %dma_start3A_1488 = tpu.memref_slice %arg4[%add3A_18] : memref<16384xi32, #tpu.memory_space<hbm>> -> memref<128xi32, #tpu.memory_space<hbm>>
      %dma_start3A_1489 = arith.constant 0 : i32
      %dma_start3A_1490 = tpu.memref_slice %arg14[%run_scoped3A_19, %dma_start3A_1489] : memref<4x128xi32, #tpu.memory_space<vmem>> -> memref<1x128xi32, #tpu.memory_space<vmem>>
      %dma_start3A_1491 = tpu.memref_squeeze %dma_start3A_1490 : memref<1x128xi32, #tpu.memory_space<vmem>> -> memref<128xi32, #tpu.memory_space<vmem>>
      %dma_start3A_1492 = tpu.memref_slice %arg4[%add3A_18] : memref<16384xi32, #tpu.memory_space<hbm>> -> memref<128xi32, #tpu.memory_space<hbm>>
      tpu.enqueue_dma source(%dma_start3A_1492 : memref<128xi32, #tpu.memory_space<hbm>>) target(%dma_start3A_1491 : memref<128xi32, #tpu.memory_space<vmem>>) target_semaphore(%run_scoped3A_1484 : memref<!tpu.dma_semaphore, #tpu.memory_space<semaphore_mem>>)
      %dma_wait3A_1493 = arith.constant 0 : i32
      %dma_wait3A_1494 = tpu.memref_slice %arg14[%run_scoped3A_19, %dma_wait3A_1493] : memref<4x128xi32, #tpu.memory_space<vmem>> -> memref<1x128xi32, #tpu.memory_space<vmem>>
      %dma_wait3A_1495 = tpu.memref_squeeze %dma_wait3A_1494 : memref<1x128xi32, #tpu.memory_space<vmem>> -> memref<128xi32, #tpu.memory_space<vmem>>
      %dma_wait3A_1496 = tpu.memref_slice %arg4[%add3A_18] : memref<16384xi32, #tpu.memory_space<hbm>> -> memref<128xi32, #tpu.memory_space<hbm>>
      %dma_wait3A_1497 = arith.constant 0 : i32
      %dma_wait3A_1498 = tpu.memref_slice %arg14[%run_scoped3A_19, %dma_wait3A_1497] : memref<4x128xi32, #tpu.memory_space<vmem>> -> memref<1x128xi32, #tpu.memory_space<vmem>>
      %dma_wait3A_1499 = tpu.memref_squeeze %dma_wait3A_1498 : memref<1x128xi32, #tpu.memory_space<vmem>> -> memref<128xi32, #tpu.memory_space<vmem>>
      %dma_wait3A_1500 = tpu.memref_slice %arg4[%add3A_18] : memref<16384xi32, #tpu.memory_space<hbm>> -> memref<128xi32, #tpu.memory_space<hbm>>
      tpu.wait_dma2 semaphore(%run_scoped3A_1484 : memref<!tpu.dma_semaphore, #tpu.memory_space<semaphore_mem>>) src(%dma_wait3A_1500 : memref<128xi32, #tpu.memory_space<hbm>>) dst(%dma_wait3A_1499 : memref<128xi32, #tpu.memory_space<vmem>>)
      tpu.yield
    }) : () -> ()
    %add3A_20 = arith.constant 256 : i32
    %add3A_21 = arith.addi %mul3A_2, %add3A_20 : i32
    %run_scoped3A_22 = arith.constant 2 : i32
    "tpu.region"() ({
      %run_scoped3A_1484 = tpu.sem_alloc : memref<!tpu.dma_semaphore, #tpu.memory_space<semaphore_mem>>
      %dma_start3A_1485 = arith.constant 0 : i32
      %dma_start3A_1486 = tpu.memref_slice %arg12[%run_scoped3A_22, %dma_start3A_1485] : memref<4x128xi32, #tpu.memory_space<vmem>> -> memref<1x128xi32, #tpu.memory_space<vmem>>
      %dma_start3A_1487 = tpu.memref_squeeze %dma_start3A_1486 : memref<1x128xi32, #tpu.memory_space<vmem>> -> memref<128xi32, #tpu.memory_space<vmem>>
      %dma_start3A_1488 = tpu.memref_slice %arg2[%add3A_21] : memref<16384xi32, #tpu.memory_space<hbm>> -> memref<128xi32, #tpu.memory_space<hbm>>
      %dma_start3A_1489 = arith.constant 0 : i32
      %dma_start3A_1490 = tpu.memref_slice %arg12[%run_scoped3A_22, %dma_start3A_1489] : memref<4x128xi32, #tpu.memory_space<vmem>> -> memref<1x128xi32, #tpu.memory_space<vmem>>
      %dma_start3A_1491 = tpu.memref_squeeze %dma_start3A_1490 : memref<1x128xi32, #tpu.memory_space<vmem>> -> memref<128xi32, #tpu.memory_space<vmem>>
      %dma_start3A_1492 = tpu.memref_slice %arg2[%add3A_21] : memref<16384xi32, #tpu.memory_space<hbm>> -> memref<128xi32, #tpu.memory_space<hbm>>
      tpu.enqueue_dma source(%dma_start3A_1492 : memref<128xi32, #tpu.memory_space<hbm>>) target(%dma_start3A_1491 : memref<128xi32, #tpu.memory_space<vmem>>) target_semaphore(%run_scoped3A_1484 : memref<!tpu.dma_semaphore, #tpu.memory_space<semaphore_mem>>)
      %dma_wait3A_1493 = arith.constant 0 : i32
      %dma_wait3A_1494 = tpu.memref_slice %arg12[%run_scoped3A_22, %dma_wait3A_1493] : memref<4x128xi32, #tpu.memory_space<vmem>> -> memref<1x128xi32, #tpu.memory_space<vmem>>
      %dma_wait3A_1495 = tpu.memref_squeeze %dma_wait3A_1494 : memref<1x128xi32, #tpu.memory_space<vmem>> -> memref<128xi32, #tpu.memory_space<vmem>>
      %dma_wait3A_1496 = tpu.memref_slice %arg2[%add3A_21] : memref<16384xi32, #tpu.memory_space<hbm>> -> memref<128xi32, #tpu.memory_space<hbm>>
      %dma_wait3A_1497 = arith.constant 0 : i32
      %dma_wait3A_1498 = tpu.memref_slice %arg12[%run_scoped3A_22, %dma_wait3A_1497] : memref<4x128xi32, #tpu.memory_space<vmem>> -> memref<1x128xi32, #tpu.memory_space<vmem>>
      %dma_wait3A_1499 = tpu.memref_squeeze %dma_wait3A_1498 : memref<1x128xi32, #tpu.memory_space<vmem>> -> memref<128xi32, #tpu.memory_space<vmem>>
      %dma_wait3A_1500 = tpu.memref_slice %arg2[%add3A_21] : memref<16384xi32, #tpu.memory_space<hbm>> -> memref<128xi32, #tpu.memory_space<hbm>>
      tpu.wait_dma2 semaphore(%run_scoped3A_1484 : memref<!tpu.dma_semaphore, #tpu.memory_space<semaphore_mem>>) src(%dma_wait3A_1500 : memref<128xi32, #tpu.memory_space<hbm>>) dst(%dma_wait3A_1499 : memref<128xi32, #tpu.memory_space<vmem>>)
      tpu.yield
    }) : () -> ()
    %add3A_23 = arith.constant 256 : i32
    %add3A_24 = arith.addi %mul3A_2, %add3A_23 : i32
    %run_scoped3A_25 = arith.constant 2 : i32
    "tpu.region"() ({
      %run_scoped3A_1484 = tpu.sem_alloc : memref<!tpu.dma_semaphore, #tpu.memory_space<semaphore_mem>>
      %dma_start3A_1485 = arith.constant 0 : i32
      %dma_start3A_1486 = tpu.memref_slice %arg13[%run_scoped3A_25, %dma_start3A_1485] : memref<4x128xi32, #tpu.memory_space<vmem>> -> memref<1x128xi32, #tpu.memory_space<vmem>>
      %dma_start3A_1487 = tpu.memref_squeeze %dma_start3A_1486 : memref<1x128xi32, #tpu.memory_space<vmem>> -> memref<128xi32, #tpu.memory_space<vmem>>
      %dma_start3A_1488 = tpu.memref_slice %arg3[%add3A_24] : memref<16384xi32, #tpu.memory_space<hbm>> -> memref<128xi32, #tpu.memory_space<hbm>>
      %dma_start3A_1489 = arith.constant 0 : i32
      %dma_start3A_1490 = tpu.memref_slice %arg13[%run_scoped3A_25, %dma_start3A_1489] : memref<4x128xi32, #tpu.memory_space<vmem>> -> memref<1x128xi32, #tpu.memory_space<vmem>>
      %dma_start3A_1491 = tpu.memref_squeeze %dma_start3A_1490 : memref<1x128xi32, #tpu.memory_space<vmem>> -> memref<128xi32, #tpu.memory_space<vmem>>
      %dma_start3A_1492 = tpu.memref_slice %arg3[%add3A_24] : memref<16384xi32, #tpu.memory_space<hbm>> -> memref<128xi32, #tpu.memory_space<hbm>>
      tpu.enqueue_dma source(%dma_start3A_1492 : memref<128xi32, #tpu.memory_space<hbm>>) target(%dma_start3A_1491 : memref<128xi32, #tpu.memory_space<vmem>>) target_semaphore(%run_scoped3A_1484 : memref<!tpu.dma_semaphore, #tpu.memory_space<semaphore_mem>>)
      %dma_wait3A_1493 = arith.constant 0 : i32
      %dma_wait3A_1494 = tpu.memref_slice %arg13[%run_scoped3A_25, %dma_wait3A_1493] : memref<4x128xi32, #tpu.memory_space<vmem>> -> memref<1x128xi32, #tpu.memory_space<vmem>>
      %dma_wait3A_1495 = tpu.memref_squeeze %dma_wait3A_1494 : memref<1x128xi32, #tpu.memory_space<vmem>> -> memref<128xi32, #tpu.memory_space<vmem>>
      %dma_wait3A_1496 = tpu.memref_slice %arg3[%add3A_24] : memref<16384xi32, #tpu.memory_space<hbm>> -> memref<128xi32, #tpu.memory_space<hbm>>
      %dma_wait3A_1497 = arith.constant 0 : i32
      %dma_wait3A_1498 = tpu.memref_slice %arg13[%run_scoped3A_25, %dma_wait3A_1497] : memref<4x128xi32, #tpu.memory_space<vmem>> -> memref<1x128xi32, #tpu.memory_space<vmem>>
      %dma_wait3A_1499 = tpu.memref_squeeze %dma_wait3A_1498 : memref<1x128xi32, #tpu.memory_space<vmem>> -> memref<128xi32, #tpu.memory_space<vmem>>
      %dma_wait3A_1500 = tpu.memref_slice %arg3[%add3A_24] : memref<16384xi32, #tpu.memory_space<hbm>> -> memref<128xi32, #tpu.memory_space<hbm>>
      tpu.wait_dma2 semaphore(%run_scoped3A_1484 : memref<!tpu.dma_semaphore, #tpu.memory_space<semaphore_mem>>) src(%dma_wait3A_1500 : memref<128xi32, #tpu.memory_space<hbm>>) dst(%dma_wait3A_1499 : memref<128xi32, #tpu.memory_space<vmem>>)
      tpu.yield
    }) : () -> ()
    %add3A_26 = arith.constant 256 : i32
    %add3A_27 = arith.addi %mul3A_2, %add3A_26 : i32
    %run_scoped3A_28 = arith.constant 2 : i32
    "tpu.region"() ({
      %run_scoped3A_1484 = tpu.sem_alloc : memref<!tpu.dma_semaphore, #tpu.memory_space<semaphore_mem>>
      %dma_start3A_1485 = arith.constant 0 : i32
      %dma_start3A_1486 = tpu.memref_slice %arg14[%run_scoped3A_28, %dma_start3A_1485] : memref<4x128xi32, #tpu.memory_space<vmem>> -> memref<1x128xi32, #tpu.memory_space<vmem>>
      %dma_start3A_1487 = tpu.memref_squeeze %dma_start3A_1486 : memref<1x128xi32, #tpu.memory_space<vmem>> -> memref<128xi32, #tpu.memory_space<vmem>>
      %dma_start3A_1488 = tpu.memref_slice %arg4[%add3A_27] : memref<16384xi32, #tpu.memory_space<hbm>> -> memref<128xi32, #tpu.memory_space<hbm>>
      %dma_start3A_1489 = arith.constant 0 : i32
      %dma_start3A_1490 = tpu.memref_slice %arg14[%run_scoped3A_28, %dma_start3A_1489] : memref<4x128xi32, #tpu.memory_space<vmem>> -> memref<1x128xi32, #tpu.memory_space<vmem>>
      %dma_start3A_1491 = tpu.memref_squeeze %dma_start3A_1490 : memref<1x128xi32, #tpu.memory_space<vmem>> -> memref<128xi32, #tpu.memory_space<vmem>>
      %dma_start3A_1492 = tpu.memref_slice %arg4[%add3A_27] : memref<16384xi32, #tpu.memory_space<hbm>> -> memref<128xi32, #tpu.memory_space<hbm>>
      tpu.enqueue_dma source(%dma_start3A_1492 : memref<128xi32, #tpu.memory_space<hbm>>) target(%dma_start3A_1491 : memref<128xi32, #tpu.memory_space<vmem>>) target_semaphore(%run_scoped3A_1484 : memref<!tpu.dma_semaphore, #tpu.memory_space<semaphore_mem>>)
      %dma_wait3A_1493 = arith.constant 0 : i32
      %dma_wait3A_1494 = tpu.memref_slice %arg14[%run_scoped3A_28, %dma_wait3A_1493] : memref<4x128xi32, #tpu.memory_space<vmem>> -> memref<1x128xi32, #tpu.memory_space<vmem>>
      %dma_wait3A_1495 = tpu.memref_squeeze %dma_wait3A_1494 : memref<1x128xi32, #tpu.memory_space<vmem>> -> memref<128xi32, #tpu.memory_space<vmem>>
      %dma_wait3A_1496 = tpu.memref_slice %arg4[%add3A_27] : memref<16384xi32, #tpu.memory_space<hbm>> -> memref<128xi32, #tpu.memory_space<hbm>>
      %dma_wait3A_1497 = arith.constant 0 : i32
      %dma_wait3A_1498 = tpu.memref_slice %arg14[%run_scoped3A_28, %dma_wait3A_1497] : memref<4x128xi32, #tpu.memory_space<vmem>> -> memref<1x128xi32, #tpu.memory_space<vmem>>
      %dma_wait3A_1499 = tpu.memref_squeeze %dma_wait3A_1498 : memref<1x128xi32, #tpu.memory_space<vmem>> -> memref<128xi32, #tpu.memory_space<vmem>>
      %dma_wait3A_1500 = tpu.memref_slice %arg4[%add3A_27] : memref<16384xi32, #tpu.memory_space<hbm>> -> memref<128xi32, #tpu.memory_space<hbm>>
      tpu.wait_dma2 semaphore(%run_scoped3A_1484 : memref<!tpu.dma_semaphore, #tpu.memory_space<semaphore_mem>>) src(%dma_wait3A_1500 : memref<128xi32, #tpu.memory_space<hbm>>) dst(%dma_wait3A_1499 : memref<128xi32, #tpu.memory_space<vmem>>)
      tpu.yield
    }) : () -> ()
    %add3A_29 = arith.constant 384 : i32
    %add3A_30 = arith.addi %mul3A_2, %add3A_29 : i32
    %run_scoped3A_31 = arith.constant 3 : i32
    "tpu.region"() ({
      %run_scoped3A_1484 = tpu.sem_alloc : memref<!tpu.dma_semaphore, #tpu.memory_space<semaphore_mem>>
      %dma_start3A_1485 = arith.constant 0 : i32
      %dma_start3A_1486 = tpu.memref_slice %arg12[%run_scoped3A_31, %dma_start3A_1485] : memref<4x128xi32, #tpu.memory_space<vmem>> -> memref<1x128xi32, #tpu.memory_space<vmem>>
      %dma_start3A_1487 = tpu.memref_squeeze %dma_start3A_1486 : memref<1x128xi32, #tpu.memory_space<vmem>> -> memref<128xi32, #tpu.memory_space<vmem>>
      %dma_start3A_1488 = tpu.memref_slice %arg2[%add3A_30] : memref<16384xi32, #tpu.memory_space<hbm>> -> memref<128xi32, #tpu.memory_space<hbm>>
      %dma_start3A_1489 = arith.constant 0 : i32
      %dma_start3A_1490 = tpu.memref_slice %arg12[%run_scoped3A_31, %dma_start3A_1489] : memref<4x128xi32, #tpu.memory_space<vmem>> -> memref<1x128xi32, #tpu.memory_space<vmem>>
      %dma_start3A_1491 = tpu.memref_squeeze %dma_start3A_1490 : memref<1x128xi32, #tpu.memory_space<vmem>> -> memref<128xi32, #tpu.memory_space<vmem>>
      %dma_start3A_1492 = tpu.memref_slice %arg2[%add3A_30] : memref<16384xi32, #tpu.memory_space<hbm>> -> memref<128xi32, #tpu.memory_space<hbm>>
      tpu.enqueue_dma source(%dma_start3A_1492 : memref<128xi32, #tpu.memory_space<hbm>>) target(%dma_start3A_1491 : memref<128xi32, #tpu.memory_space<vmem>>) target_semaphore(%run_scoped3A_1484 : memref<!tpu.dma_semaphore, #tpu.memory_space<semaphore_mem>>)
      %dma_wait3A_1493 = arith.constant 0 : i32
      %dma_wait3A_1494 = tpu.memref_slice %arg12[%run_scoped3A_31, %dma_wait3A_1493] : memref<4x128xi32, #tpu.memory_space<vmem>> -> memref<1x128xi32, #tpu.memory_space<vmem>>
      %dma_wait3A_1495 = tpu.memref_squeeze %dma_wait3A_1494 : memref<1x128xi32, #tpu.memory_space<vmem>> -> memref<128xi32, #tpu.memory_space<vmem>>
      %dma_wait3A_1496 = tpu.memref_slice %arg2[%add3A_30] : memref<16384xi32, #tpu.memory_space<hbm>> -> memref<128xi32, #tpu.memory_space<hbm>>
      %dma_wait3A_1497 = arith.constant 0 : i32
      %dma_wait3A_1498 = tpu.memref_slice %arg12[%run_scoped3A_31, %dma_wait3A_1497] : memref<4x128xi32, #tpu.memory_space<vmem>> -> memref<1x128xi32, #tpu.memory_space<vmem>>
      %dma_wait3A_1499 = tpu.memref_squeeze %dma_wait3A_1498 : memref<1x128xi32, #tpu.memory_space<vmem>> -> memref<128xi32, #tpu.memory_space<vmem>>
      %dma_wait3A_1500 = tpu.memref_slice %arg2[%add3A_30] : memref<16384xi32, #tpu.memory_space<hbm>> -> memref<128xi32, #tpu.memory_space<hbm>>
      tpu.wait_dma2 semaphore(%run_scoped3A_1484 : memref<!tpu.dma_semaphore, #tpu.memory_space<semaphore_mem>>) src(%dma_wait3A_1500 : memref<128xi32, #tpu.memory_space<hbm>>) dst(%dma_wait3A_1499 : memref<128xi32, #tpu.memory_space<vmem>>)
      tpu.yield
    }) : () -> ()
    %add3A_32 = arith.constant 384 : i32
    %add3A_33 = arith.addi %mul3A_2, %add3A_32 : i32
    %run_scoped3A_34 = arith.constant 3 : i32
    "tpu.region"() ({
      %run_scoped3A_1484 = tpu.sem_alloc : memref<!tpu.dma_semaphore, #tpu.memory_space<semaphore_mem>>
      %dma_start3A_1485 = arith.constant 0 : i32
      %dma_start3A_1486 = tpu.memref_slice %arg13[%run_scoped3A_34, %dma_start3A_1485] : memref<4x128xi32, #tpu.memory_space<vmem>> -> memref<1x128xi32, #tpu.memory_space<vmem>>
      %dma_start3A_1487 = tpu.memref_squeeze %dma_start3A_1486 : memref<1x128xi32, #tpu.memory_space<vmem>> -> memref<128xi32, #tpu.memory_space<vmem>>
      %dma_start3A_1488 = tpu.memref_slice %arg3[%add3A_33] : memref<16384xi32, #tpu.memory_space<hbm>> -> memref<128xi32, #tpu.memory_space<hbm>>
      %dma_start3A_1489 = arith.constant 0 : i32
      %dma_start3A_1490 = tpu.memref_slice %arg13[%run_scoped3A_34, %dma_start3A_1489] : memref<4x128xi32, #tpu.memory_space<vmem>> -> memref<1x128xi32, #tpu.memory_space<vmem>>
      %dma_start3A_1491 = tpu.memref_squeeze %dma_start3A_1490 : memref<1x128xi32, #tpu.memory_space<vmem>> -> memref<128xi32, #tpu.memory_space<vmem>>
      %dma_start3A_1492 = tpu.memref_slice %arg3[%add3A_33] : memref<16384xi32, #tpu.memory_space<hbm>> -> memref<128xi32, #tpu.memory_space<hbm>>
      tpu.enqueue_dma source(%dma_start3A_1492 : memref<128xi32, #tpu.memory_space<hbm>>) target(%dma_start3A_1491 : memref<128xi32, #tpu.memory_space<vmem>>) target_semaphore(%run_scoped3A_1484 : memref<!tpu.dma_semaphore, #tpu.memory_space<semaphore_mem>>)
      %dma_wait3A_1493 = arith.constant 0 : i32
      %dma_wait3A_1494 = tpu.memref_slice %arg13[%run_scoped3A_34, %dma_wait3A_1493] : memref<4x128xi32, #tpu.memory_space<vmem>> -> memref<1x128xi32, #tpu.memory_space<vmem>>
      %dma_wait3A_1495 = tpu.memref_squeeze %dma_wait3A_1494 : memref<1x128xi32, #tpu.memory_space<vmem>> -> memref<128xi32, #tpu.memory_space<vmem>>
      %dma_wait3A_1496 = tpu.memref_slice %arg3[%add3A_33] : memref<16384xi32, #tpu.memory_space<hbm>> -> memref<128xi32, #tpu.memory_space<hbm>>
      %dma_wait3A_1497 = arith.constant 0 : i32
      %dma_wait3A_1498 = tpu.memref_slice %arg13[%run_scoped3A_34, %dma_wait3A_1497] : memref<4x128xi32, #tpu.memory_space<vmem>> -> memref<1x128xi32, #tpu.memory_space<vmem>>
      %dma_wait3A_1499 = tpu.memref_squeeze %dma_wait3A_1498 : memref<1x128xi32, #tpu.memory_space<vmem>> -> memref<128xi32, #tpu.memory_space<vmem>>
      %dma_wait3A_1500 = tpu.memref_slice %arg3[%add3A_33] : memref<16384xi32, #tpu.memory_space<hbm>> -> memref<128xi32, #tpu.memory_space<hbm>>
      tpu.wait_dma2 semaphore(%run_scoped3A_1484 : memref<!tpu.dma_semaphore, #tpu.memory_space<semaphore_mem>>) src(%dma_wait3A_1500 : memref<128xi32, #tpu.memory_space<hbm>>) dst(%dma_wait3A_1499 : memref<128xi32, #tpu.memory_space<vmem>>)
      tpu.yield
    }) : () -> ()
    %add3A_35 = arith.constant 384 : i32
    %add3A_36 = arith.addi %mul3A_2, %add3A_35 : i32
    %run_scoped3A_37 = arith.constant 3 : i32
    "tpu.region"() ({
      %run_scoped3A_1484 = tpu.sem_alloc : memref<!tpu.dma_semaphore, #tpu.memory_space<semaphore_mem>>
      %dma_start3A_1485 = arith.constant 0 : i32
      %dma_start3A_1486 = tpu.memref_slice %arg14[%run_scoped3A_37, %dma_start3A_1485] : memref<4x128xi32, #tpu.memory_space<vmem>> -> memref<1x128xi32, #tpu.memory_space<vmem>>
      %dma_start3A_1487 = tpu.memref_squeeze %dma_start3A_1486 : memref<1x128xi32, #tpu.memory_space<vmem>> -> memref<128xi32, #tpu.memory_space<vmem>>
      %dma_start3A_1488 = tpu.memref_slice %arg4[%add3A_36] : memref<16384xi32, #tpu.memory_space<hbm>> -> memref<128xi32, #tpu.memory_space<hbm>>
      %dma_start3A_1489 = arith.constant 0 : i32
      %dma_start3A_1490 = tpu.memref_slice %arg14[%run_scoped3A_37, %dma_start3A_1489] : memref<4x128xi32, #tpu.memory_space<vmem>> -> memref<1x128xi32, #tpu.memory_space<vmem>>
      %dma_start3A_1491 = tpu.memref_squeeze %dma_start3A_1490 : memref<1x128xi32, #tpu.memory_space<vmem>> -> memref<128xi32, #tpu.memory_space<vmem>>
      %dma_start3A_1492 = tpu.memref_slice %arg4[%add3A_36] : memref<16384xi32, #tpu.memory_space<hbm>> -> memref<128xi32, #tpu.memory_space<hbm>>
      tpu.enqueue_dma source(%dma_start3A_1492 : memref<128xi32, #tpu.memory_space<hbm>>) target(%dma_start3A_1491 : memref<128xi32, #tpu.memory_space<vmem>>) target_semaphore(%run_scoped3A_1484 : memref<!tpu.dma_semaphore, #tpu.memory_space<semaphore_mem>>)
      %dma_wait3A_1493 = arith.constant 0 : i32
      %dma_wait3A_1494 = tpu.memref_slice %arg14[%run_scoped3A_37, %dma_wait3A_1493] : memref<4x128xi32, #tpu.memory_space<vmem>> -> memref<1x128xi32, #tpu.memory_space<vmem>>
      %dma_wait3A_1495 = tpu.memref_squeeze %dma_wait3A_1494 : memref<1x128xi32, #tpu.memory_space<vmem>> -> memref<128xi32, #tpu.memory_space<vmem>>
      %dma_wait3A_1496 = tpu.memref_slice %arg4[%add3A_36] : memref<16384xi32, #tpu.memory_space<hbm>> -> memref<128xi32, #tpu.memory_space<hbm>>
      %dma_wait3A_1497 = arith.constant 0 : i32
      %dma_wait3A_1498 = tpu.memref_slice %arg14[%run_scoped3A_37, %dma_wait3A_1497] : memref<4x128xi32, #tpu.memory_space<vmem>> -> memref<1x128xi32, #tpu.memory_space<vmem>>
      %dma_wait3A_1499 = tpu.memref_squeeze %dma_wait3A_1498 : memref<1x128xi32, #tpu.memory_space<vmem>> -> memref<128xi32, #tpu.memory_space<vmem>>
      %dma_wait3A_1500 = tpu.memref_slice %arg4[%add3A_36] : memref<16384xi32, #tpu.memory_space<hbm>> -> memref<128xi32, #tpu.memory_space<hbm>>
      tpu.wait_dma2 semaphore(%run_scoped3A_1484 : memref<!tpu.dma_semaphore, #tpu.memory_space<semaphore_mem>>) src(%dma_wait3A_1500 : memref<128xi32, #tpu.memory_space<hbm>>) dst(%dma_wait3A_1499 : memref<128xi32, #tpu.memory_space<vmem>>)
      tpu.yield
    }) : () -> ()
    "tpu.region"() ({
      %run_scoped3A_1484 = tpu.sem_alloc : memref<!tpu.dma_semaphore, #tpu.memory_space<semaphore_mem>>
      tpu.enqueue_dma source(%arg10 : memref<16xf32, #tpu.memory_space<hbm>>) target(%arg24 : memref<16xf32, #tpu.memory_space<vmem>>) target_semaphore(%run_scoped3A_1484 : memref<!tpu.dma_semaphore, #tpu.memory_space<semaphore_mem>>)
      tpu.wait_dma2 semaphore(%run_scoped3A_1484 : memref<!tpu.dma_semaphore, #tpu.memory_space<semaphore_mem>>) src(%arg10 : memref<16xf32, #tpu.memory_space<hbm>>) dst(%arg24 : memref<16xf32, #tpu.memory_space<vmem>>)
      tpu.yield
    }) : () -> ()
    %get3A = arith.constant 0 : i32
    %get3A_38 = arith.index_cast %get3A : i32 to index
    %get3A_39 = arith.constant 0 : index
    %get3A_40 = tpu.vector_load %arg12[%get3A_38, %get3A_39] {strides = array<i32>} : memref<4x128xi32, #tpu.memory_space<vmem>>, vector<16xi32>,
    %shift_right_arithmetic3A = arith.constant 2 : i32
    %shift_right_arithmetic3A_41 = vector.broadcast %shift_right_arithmetic3A : i32 to vector<16xi32>
    %shift_right_arithmetic3A_42 = arith.shrsi %get3A_40, %shift_right_arithmetic3A_41 : vector<16xi32>
    %swap3A = arith.constant 0 : i32
    %swap3A_43 = arith.index_cast %swap3A : i32 to index
    %swap3A_44 = arith.constant 0 : index
    %swap3A_45 = tpu.vector_load %arg15[%swap3A_43, %swap3A_44] {strides = array<i32>} : memref<4x128xi32, #tpu.memory_space<vmem>>, vector<16xi32>,
    tpu.vector_store %arg15[%swap3A_43, %swap3A_44], %shift_right_arithmetic3A_42 {strides = array<i32>} : memref<4x128xi32, #tpu.memory_space<vmem>>, vector<16xi32>,
    %get3A_46 = arith.constant 0 : i32
    %get3A_47 = arith.index_cast %get3A_46 : i32 to index
    %get3A_48 = arith.constant 0 : index
    %get3A_49 = tpu.vector_load %arg13[%get3A_47, %get3A_48] {strides = array<i32>} : memref<4x128xi32, #tpu.memory_space<vmem>>, vector<16xi32>,
    %shift_right_arithmetic3A_50 = arith.constant 2 : i32
    %shift_right_arithmetic3A_51 = vector.broadcast %shift_right_arithmetic3A_50 : i32 to vector<16xi32>
    %shift_right_arithmetic3A_52 = arith.shrsi %get3A_49, %shift_right_arithmetic3A_51 : vector<16xi32>
    %swap3A_53 = arith.constant 0 : i32
    %swap3A_54 = arith.index_cast %swap3A_53 : i32 to index
    %swap3A_55 = arith.constant 0 : index
    %swap3A_56 = tpu.vector_load %arg16[%swap3A_54, %swap3A_55] {strides = array<i32>} : memref<4x128xi32, #tpu.memory_space<vmem>>, vector<16xi32>,
    tpu.vector_store %arg16[%swap3A_54, %swap3A_55], %shift_right_arithmetic3A_52 {strides = array<i32>} : memref<4x128xi32, #tpu.memory_space<vmem>>, vector<16xi32>,
    %get3A_57 = arith.constant 0 : i32
    %get3A_58 = arith.index_cast %get3A_57 : i32 to index
    %get3A_59 = arith.constant 0 : index
    %get3A_60 = tpu.vector_load %arg14[%get3A_58, %get3A_59] {strides = array<i32>} : memref<4x128xi32, #tpu.memory_space<vmem>>, vector<16xi32>,
    %shift_right_arithmetic3A_61 = arith.constant 2 : i32
    %shift_right_arithmetic3A_62 = vector.broadcast %shift_right_arithmetic3A_61 : i32 to vector<16xi32>
    %shift_right_arithmetic3A_63 = arith.shrsi %get3A_60, %shift_right_arithmetic3A_62 : vector<16xi32>
    %swap3A_64 = arith.constant 0 : i32
    %swap3A_65 = arith.index_cast %swap3A_64 : i32 to index
    %swap3A_66 = arith.constant 0 : index
    %swap3A_67 = tpu.vector_load %arg17[%swap3A_65, %swap3A_66] {strides = array<i32>} : memref<4x128xi32, #tpu.memory_space<vmem>>, vector<16xi32>,
    tpu.vector_store %arg17[%swap3A_65, %swap3A_66], %shift_right_arithmetic3A_63 {strides = array<i32>} : memref<4x128xi32, #tpu.memory_space<vmem>>, vector<16xi32>,
    %get3A_68 = arith.constant 0 : i32
    %get3A_69 = arith.index_cast %get3A_68 : i32 to index
    %get3A_70 = arith.constant 16 : index
    %get3A_71 = tpu.vector_load %arg12[%get3A_69, %get3A_70] {strides = array<i32>} : memref<4x128xi32, #tpu.memory_space<vmem>>, vector<16xi32>,
    %shift_right_arithmetic3A_72 = arith.constant 2 : i32
    %shift_right_arithmetic3A_73 = vector.broadcast %shift_right_arithmetic3A_72 : i32 to vector<16xi32>
    %shift_right_arithmetic3A_74 = arith.shrsi %get3A_71, %shift_right_arithmetic3A_73 : vector<16xi32>
    %swap3A_75 = arith.constant 0 : i32
    %swap3A_76 = arith.index_cast %swap3A_75 : i32 to index
    %swap3A_77 = arith.constant 16 : index
    %swap3A_78 = tpu.vector_load %arg15[%swap3A_76, %swap3A_77] {strides = array<i32>} : memref<4x128xi32, #tpu.memory_space<vmem>>, vector<16xi32>,
    tpu.vector_store %arg15[%swap3A_76, %swap3A_77], %shift_right_arithmetic3A_74 {strides = array<i32>} : memref<4x128xi32, #tpu.memory_space<vmem>>, vector<16xi32>,
    %get3A_79 = arith.constant 0 : i32
    %get3A_80 = arith.index_cast %get3A_79 : i32 to index
    %get3A_81 = arith.constant 16 : index
    %get3A_82 = tpu.vector_load %arg13[%get3A_80, %get3A_81] {strides = array<i32>} : memref<4x128xi32, #tpu.memory_space<vmem>>, vector<16xi32>,
    %shift_right_arithmetic3A_83 = arith.constant 2 : i32
    %shift_right_arithmetic3A_84 = vector.broadcast %shift_right_arithmetic3A_83 : i32 to vector<16xi32>
    %shift_right_arithmetic3A_85 = arith.shrsi %get3A_82, %shift_right_arithmetic3A_84 : vector<16xi32>
    %swap3A_86 = arith.constant 0 : i32
    %swap3A_87 = arith.index_cast %swap3A_86 : i32 to index
    %swap3A_88 = arith.constant 16 : index
    %swap3A_89 = tpu.vector_load %arg16[%swap3A_87, %swap3A_88] {strides = array<i32>} : memref<4x128xi32, #tpu.memory_space<vmem>>, vector<16xi32>,
    tpu.vector_store %arg16[%swap3A_87, %swap3A_88], %shift_right_arithmetic3A_85 {strides = array<i32>} : memref<4x128xi32, #tpu.memory_space<vmem>>, vector<16xi32>,
    %get3A_90 = arith.constant 0 : i32
    %get3A_91 = arith.index_cast %get3A_90 : i32 to index
    %get3A_92 = arith.constant 16 : index
    %get3A_93 = tpu.vector_load %arg14[%get3A_91, %get3A_92] {strides = array<i32>} : memref<4x128xi32, #tpu.memory_space<vmem>>, vector<16xi32>,
    %shift_right_arithmetic3A_94 = arith.constant 2 : i32
    %shift_right_arithmetic3A_95 = vector.broadcast %shift_right_arithmetic3A_94 : i32 to vector<16xi32>
    %shift_right_arithmetic3A_96 = arith.shrsi %get3A_93, %shift_right_arithmetic3A_95 : vector<16xi32>
    %swap3A_97 = arith.constant 0 : i32
    %swap3A_98 = arith.index_cast %swap3A_97 : i32 to index
    %swap3A_99 = arith.constant 16 : index
    %swap3A_100 = tpu.vector_load %arg17[%swap3A_98, %swap3A_99] {strides = array<i32>} : memref<4x128xi32, #tpu.memory_space<vmem>>, vector<16xi32>,
    tpu.vector_store %arg17[%swap3A_98, %swap3A_99], %shift_right_arithmetic3A_96 {strides = array<i32>} : memref<4x128xi32, #tpu.memory_space<vmem>>, vector<16xi32>,
    %get3A_101 = arith.constant 0 : i32
    %get3A_102 = arith.index_cast %get3A_101 : i32 to index
    %get3A_103 = arith.constant 32 : index
    %get3A_104 = tpu.vector_load %arg12[%get3A_102, %get3A_103] {strides = array<i32>} : memref<4x128xi32, #tpu.memory_space<vmem>>, vector<16xi32>,
    %shift_right_arithmetic3A_105 = arith.constant 2 : i32
    %shift_right_arithmetic3A_106 = vector.broadcast %shift_right_arithmetic3A_105 : i32 to vector<16xi32>
    %shift_right_arithmetic3A_107 = arith.shrsi %get3A_104, %shift_right_arithmetic3A_106 : vector<16xi32>
    %swap3A_108 = arith.constant 0 : i32
    %swap3A_109 = arith.index_cast %swap3A_108 : i32 to index
    %swap3A_110 = arith.constant 32 : index
    %swap3A_111 = tpu.vector_load %arg15[%swap3A_109, %swap3A_110] {strides = array<i32>} : memref<4x128xi32, #tpu.memory_space<vmem>>, vector<16xi32>,
    tpu.vector_store %arg15[%swap3A_109, %swap3A_110], %shift_right_arithmetic3A_107 {strides = array<i32>} : memref<4x128xi32, #tpu.memory_space<vmem>>, vector<16xi32>,
    %get3A_112 = arith.constant 0 : i32
    %get3A_113 = arith.index_cast %get3A_112 : i32 to index
    %get3A_114 = arith.constant 32 : index
    %get3A_115 = tpu.vector_load %arg13[%get3A_113, %get3A_114] {strides = array<i32>} : memref<4x128xi32, #tpu.memory_space<vmem>>, vector<16xi32>,
    %shift_right_arithmetic3A_116 = arith.constant 2 : i32
    %shift_right_arithmetic3A_117 = vector.broadcast %shift_right_arithmetic3A_116 : i32 to vector<16xi32>
    %shift_right_arithmetic3A_118 = arith.shrsi %get3A_115, %shift_right_arithmetic3A_117 : vector<16xi32>
    %swap3A_119 = arith.constant 0 : i32
    %swap3A_120 = arith.index_cast %swap3A_119 : i32 to index
    %swap3A_121 = arith.constant 32 : index
    %swap3A_122 = tpu.vector_load %arg16[%swap3A_120, %swap3A_121] {strides = array<i32>} : memref<4x128xi32, #tpu.memory_space<vmem>>, vector<16xi32>,
    tpu.vector_store %arg16[%swap3A_120, %swap3A_121], %shift_right_arithmetic3A_118 {strides = array<i32>} : memref<4x128xi32, #tpu.memory_space<vmem>>, vector<16xi32>,
    %get3A_123 = arith.constant 0 : i32
    %get3A_124 = arith.index_cast %get3A_123 : i32 to index
    %get3A_125 = arith.constant 32 : index
    %get3A_126 = tpu.vector_load %arg14[%get3A_124, %get3A_125] {strides = array<i32>} : memref<4x128xi32, #tpu.memory_space<vmem>>, vector<16xi32>,
    %shift_right_arithmetic3A_127 = arith.constant 2 : i32
    %shift_right_arithmetic3A_128 = vector.broadcast %shift_right_arithmetic3A_127 : i32 to vector<16xi32>
    %shift_right_arithmetic3A_129 = arith.shrsi %get3A_126, %shift_right_arithmetic3A_128 : vector<16xi32>
    %swap3A_130 = arith.constant 0 : i32
    %swap3A_131 = arith.index_cast %swap3A_130 : i32 to index
    %swap3A_132 = arith.constant 32 : index
    %swap3A_133 = tpu.vector_load %arg17[%swap3A_131, %swap3A_132] {strides = array<i32>} : memref<4x128xi32, #tpu.memory_space<vmem>>, vector<16xi32>,
    tpu.vector_store %arg17[%swap3A_131, %swap3A_132], %shift_right_arithmetic3A_129 {strides = array<i32>} : memref<4x128xi32, #tpu.memory_space<vmem>>, vector<16xi32>,
    %get3A_134 = arith.constant 0 : i32
    %get3A_135 = arith.index_cast %get3A_134 : i32 to index
    %get3A_136 = arith.constant 48 : index
    %get3A_137 = tpu.vector_load %arg12[%get3A_135, %get3A_136] {strides = array<i32>} : memref<4x128xi32, #tpu.memory_space<vmem>>, vector<16xi32>,
    %shift_right_arithmetic3A_138 = arith.constant 2 : i32
    %shift_right_arithmetic3A_139 = vector.broadcast %shift_right_arithmetic3A_138 : i32 to vector<16xi32>
    %shift_right_arithmetic3A_140 = arith.shrsi %get3A_137, %shift_right_arithmetic3A_139 : vector<16xi32>
    %swap3A_141 = arith.constant 0 : i32
    %swap3A_142 = arith.index_cast %swap3A_141 : i32 to index
    %swap3A_143 = arith.constant 48 : index
    %swap3A_144 = tpu.vector_load %arg15[%swap3A_142, %swap3A_143] {strides = array<i32>} : memref<4x128xi32, #tpu.memory_space<vmem>>, vector<16xi32>,
    tpu.vector_store %arg15[%swap3A_142, %swap3A_143], %shift_right_arithmetic3A_140 {strides = array<i32>} : memref<4x128xi32, #tpu.memory_space<vmem>>, vector<16xi32>,
    %get3A_145 = arith.constant 0 : i32
    %get3A_146 = arith.index_cast %get3A_145 : i32 to index
    %get3A_147 = arith.constant 48 : index
    %get3A_148 = tpu.vector_load %arg13[%get3A_146, %get3A_147] {strides = array<i32>} : memref<4x128xi32, #tpu.memory_space<vmem>>, vector<16xi32>,
    %shift_right_arithmetic3A_149 = arith.constant 2 : i32
    %shift_right_arithmetic3A_150 = vector.broadcast %shift_right_arithmetic3A_149 : i32 to vector<16xi32>
    %shift_right_arithmetic3A_151 = arith.shrsi %get3A_148, %shift_right_arithmetic3A_150 : vector<16xi32>
    %swap3A_152 = arith.constant 0 : i32
    %swap3A_153 = arith.index_cast %swap3A_152 : i32 to index
    %swap3A_154 = arith.constant 48 : index
    %swap3A_155 = tpu.vector_load %arg16[%swap3A_153, %swap3A_154] {strides = array<i32>} : memref<4x128xi32, #tpu.memory_space<vmem>>, vector<16xi32>,
    tpu.vector_store %arg16[%swap3A_153, %swap3A_154], %shift_right_arithmetic3A_151 {strides = array<i32>} : memref<4x128xi32, #tpu.memory_space<vmem>>, vector<16xi32>,
    %get3A_156 = arith.constant 0 : i32
    %get3A_157 = arith.index_cast %get3A_156 : i32 to index
    %get3A_158 = arith.constant 48 : index
    %get3A_159 = tpu.vector_load %arg14[%get3A_157, %get3A_158] {strides = array<i32>} : memref<4x128xi32, #tpu.memory_space<vmem>>, vector<16xi32>,
    %shift_right_arithmetic3A_160 = arith.constant 2 : i32
    %shift_right_arithmetic3A_161 = vector.broadcast %shift_right_arithmetic3A_160 : i32 to vector<16xi32>
    %shift_right_arithmetic3A_162 = arith.shrsi %get3A_159, %shift_right_arithmetic3A_161 : vector<16xi32>
    %swap3A_163 = arith.constant 0 : i32
    %swap3A_164 = arith.index_cast %swap3A_163 : i32 to index
    %swap3A_165 = arith.constant 48 : index
    %swap3A_166 = tpu.vector_load %arg17[%swap3A_164, %swap3A_165] {strides = array<i32>} : memref<4x128xi32, #tpu.memory_space<vmem>>, vector<16xi32>,
    tpu.vector_store %arg17[%swap3A_164, %swap3A_165], %shift_right_arithmetic3A_162 {strides = array<i32>} : memref<4x128xi32, #tpu.memory_space<vmem>>, vector<16xi32>,
    %get3A_167 = arith.constant 0 : i32
    %get3A_168 = arith.index_cast %get3A_167 : i32 to index
    %get3A_169 = arith.constant 64 : index
    %get3A_170 = tpu.vector_load %arg12[%get3A_168, %get3A_169] {strides = array<i32>} : memref<4x128xi32, #tpu.memory_space<vmem>>, vector<16xi32>,
    %shift_right_arithmetic3A_171 = arith.constant 2 : i32
    %shift_right_arithmetic3A_172 = vector.broadcast %shift_right_arithmetic3A_171 : i32 to vector<16xi32>
    %shift_right_arithmetic3A_173 = arith.shrsi %get3A_170, %shift_right_arithmetic3A_172 : vector<16xi32>
    %swap3A_174 = arith.constant 0 : i32
    %swap3A_175 = arith.index_cast %swap3A_174 : i32 to index
    %swap3A_176 = arith.constant 64 : index
    %swap3A_177 = tpu.vector_load %arg15[%swap3A_175, %swap3A_176] {strides = array<i32>} : memref<4x128xi32, #tpu.memory_space<vmem>>, vector<16xi32>,
    tpu.vector_store %arg15[%swap3A_175, %swap3A_176], %shift_right_arithmetic3A_173 {strides = array<i32>} : memref<4x128xi32, #tpu.memory_space<vmem>>, vector<16xi32>,
    %get3A_178 = arith.constant 0 : i32
    %get3A_179 = arith.index_cast %get3A_178 : i32 to index
    %get3A_180 = arith.constant 64 : index
    %get3A_181 = tpu.vector_load %arg13[%get3A_179, %get3A_180] {strides = array<i32>} : memref<4x128xi32, #tpu.memory_space<vmem>>, vector<16xi32>,
    %shift_right_arithmetic3A_182 = arith.constant 2 : i32
    %shift_right_arithmetic3A_183 = vector.broadcast %shift_right_arithmetic3A_182 : i32 to vector<16xi32>
    %shift_right_arithmetic3A_184 = arith.shrsi %get3A_181, %shift_right_arithmetic3A_183 : vector<16xi32>
    %swap3A_185 = arith.constant 0 : i32
    %swap3A_186 = arith.index_cast %swap3A_185 : i32 to index
    %swap3A_187 = arith.constant 64 : index
    %swap3A_188 = tpu.vector_load %arg16[%swap3A_186, %swap3A_187] {strides = array<i32>} : memref<4x128xi32, #tpu.memory_space<vmem>>, vector<16xi32>,
    tpu.vector_store %arg16[%swap3A_186, %swap3A_187], %shift_right_arithmetic3A_184 {strides = array<i32>} : memref<4x128xi32, #tpu.memory_space<vmem>>, vector<16xi32>,
    %get3A_189 = arith.constant 0 : i32
    %get3A_190 = arith.index_cast %get3A_189 : i32 to index
    %get3A_191 = arith.constant 64 : index
    %get3A_192 = tpu.vector_load %arg14[%get3A_190, %get3A_191] {strides = array<i32>} : memref<4x128xi32, #tpu.memory_space<vmem>>, vector<16xi32>,
    %shift_right_arithmetic3A_193 = arith.constant 2 : i32
    %shift_right_arithmetic3A_194 = vector.broadcast %shift_right_arithmetic3A_193 : i32 to vector<16xi32>
    %shift_right_arithmetic3A_195 = arith.shrsi %get3A_192, %shift_right_arithmetic3A_194 : vector<16xi32>
    %swap3A_196 = arith.constant 0 : i32
    %swap3A_197 = arith.index_cast %swap3A_196 : i32 to index
    %swap3A_198 = arith.constant 64 : index
    %swap3A_199 = tpu.vector_load %arg17[%swap3A_197, %swap3A_198] {strides = array<i32>} : memref<4x128xi32, #tpu.memory_space<vmem>>, vector<16xi32>,
    tpu.vector_store %arg17[%swap3A_197, %swap3A_198], %shift_right_arithmetic3A_195 {strides = array<i32>} : memref<4x128xi32, #tpu.memory_space<vmem>>, vector<16xi32>,
    %get3A_200 = arith.constant 0 : i32
    %get3A_201 = arith.index_cast %get3A_200 : i32 to index
    %get3A_202 = arith.constant 80 : index
    %get3A_203 = tpu.vector_load %arg12[%get3A_201, %get3A_202] {strides = array<i32>} : memref<4x128xi32, #tpu.memory_space<vmem>>, vector<16xi32>,
    %shift_right_arithmetic3A_204 = arith.constant 2 : i32
    %shift_right_arithmetic3A_205 = vector.broadcast %shift_right_arithmetic3A_204 : i32 to vector<16xi32>
    %shift_right_arithmetic3A_206 = arith.shrsi %get3A_203, %shift_right_arithmetic3A_205 : vector<16xi32>
    %swap3A_207 = arith.constant 0 : i32
    %swap3A_208 = arith.index_cast %swap3A_207 : i32 to index
    %swap3A_209 = arith.constant 80 : index
    %swap3A_210 = tpu.vector_load %arg15[%swap3A_208, %swap3A_209] {strides = array<i32>} : memref<4x128xi32, #tpu.memory_space<vmem>>, vector<16xi32>,
    tpu.vector_store %arg15[%swap3A_208, %swap3A_209], %shift_right_arithmetic3A_206 {strides = array<i32>} : memref<4x128xi32, #tpu.memory_space<vmem>>, vector<16xi32>,
    %get3A_211 = arith.constant 0 : i32
    %get3A_212 = arith.index_cast %get3A_211 : i32 to index
    %get3A_213 = arith.constant 80 : index
    %get3A_214 = tpu.vector_load %arg13[%get3A_212, %get3A_213] {strides = array<i32>} : memref<4x128xi32, #tpu.memory_space<vmem>>, vector<16xi32>,
    %shift_right_arithmetic3A_215 = arith.constant 2 : i32
    %shift_right_arithmetic3A_216 = vector.broadcast %shift_right_arithmetic3A_215 : i32 to vector<16xi32>
    %shift_right_arithmetic3A_217 = arith.shrsi %get3A_214, %shift_right_arithmetic3A_216 : vector<16xi32>
    %swap3A_218 = arith.constant 0 : i32
    %swap3A_219 = arith.index_cast %swap3A_218 : i32 to index
    %swap3A_220 = arith.constant 80 : index
    %swap3A_221 = tpu.vector_load %arg16[%swap3A_219, %swap3A_220] {strides = array<i32>} : memref<4x128xi32, #tpu.memory_space<vmem>>, vector<16xi32>,
    tpu.vector_store %arg16[%swap3A_219, %swap3A_220], %shift_right_arithmetic3A_217 {strides = array<i32>} : memref<4x128xi32, #tpu.memory_space<vmem>>, vector<16xi32>,
    %get3A_222 = arith.constant 0 : i32
    %get3A_223 = arith.index_cast %get3A_222 : i32 to index
    %get3A_224 = arith.constant 80 : index
    %get3A_225 = tpu.vector_load %arg14[%get3A_223, %get3A_224] {strides = array<i32>} : memref<4x128xi32, #tpu.memory_space<vmem>>, vector<16xi32>,
    %shift_right_arithmetic3A_226 = arith.constant 2 : i32
    %shift_right_arithmetic3A_227 = vector.broadcast %shift_right_arithmetic3A_226 : i32 to vector<16xi32>
    %shift_right_arithmetic3A_228 = arith.shrsi %get3A_225, %shift_right_arithmetic3A_227 : vector<16xi32>
    %swap3A_229 = arith.constant 0 : i32
    %swap3A_230 = arith.index_cast %swap3A_229 : i32 to index
    %swap3A_231 = arith.constant 80 : index
    %swap3A_232 = tpu.vector_load %arg17[%swap3A_230, %swap3A_231] {strides = array<i32>} : memref<4x128xi32, #tpu.memory_space<vmem>>, vector<16xi32>,
    tpu.vector_store %arg17[%swap3A_230, %swap3A_231], %shift_right_arithmetic3A_228 {strides = array<i32>} : memref<4x128xi32, #tpu.memory_space<vmem>>, vector<16xi32>,
    %get3A_233 = arith.constant 0 : i32
    %get3A_234 = arith.index_cast %get3A_233 : i32 to index
    %get3A_235 = arith.constant 96 : index
    %get3A_236 = tpu.vector_load %arg12[%get3A_234, %get3A_235] {strides = array<i32>} : memref<4x128xi32, #tpu.memory_space<vmem>>, vector<16xi32>,
    %shift_right_arithmetic3A_237 = arith.constant 2 : i32
    %shift_right_arithmetic3A_238 = vector.broadcast %shift_right_arithmetic3A_237 : i32 to vector<16xi32>
    %shift_right_arithmetic3A_239 = arith.shrsi %get3A_236, %shift_right_arithmetic3A_238 : vector<16xi32>
    %swap3A_240 = arith.constant 0 : i32
    %swap3A_241 = arith.index_cast %swap3A_240 : i32 to index
    %swap3A_242 = arith.constant 96 : index
    %swap3A_243 = tpu.vector_load %arg15[%swap3A_241, %swap3A_242] {strides = array<i32>} : memref<4x128xi32, #tpu.memory_space<vmem>>, vector<16xi32>,
    tpu.vector_store %arg15[%swap3A_241, %swap3A_242], %shift_right_arithmetic3A_239 {strides = array<i32>} : memref<4x128xi32, #tpu.memory_space<vmem>>, vector<16xi32>,
    %get3A_244 = arith.constant 0 : i32
    %get3A_245 = arith.index_cast %get3A_244 : i32 to index
    %get3A_246 = arith.constant 96 : index
    %get3A_247 = tpu.vector_load %arg13[%get3A_245, %get3A_246] {strides = array<i32>} : memref<4x128xi32, #tpu.memory_space<vmem>>, vector<16xi32>,
    %shift_right_arithmetic3A_248 = arith.constant 2 : i32
    %shift_right_arithmetic3A_249 = vector.broadcast %shift_right_arithmetic3A_248 : i32 to vector<16xi32>
    %shift_right_arithmetic3A_250 = arith.shrsi %get3A_247, %shift_right_arithmetic3A_249 : vector<16xi32>
    %swap3A_251 = arith.constant 0 : i32
    %swap3A_252 = arith.index_cast %swap3A_251 : i32 to index
    %swap3A_253 = arith.constant 96 : index
    %swap3A_254 = tpu.vector_load %arg16[%swap3A_252, %swap3A_253] {strides = array<i32>} : memref<4x128xi32, #tpu.memory_space<vmem>>, vector<16xi32>,
    tpu.vector_store %arg16[%swap3A_252, %swap3A_253], %shift_right_arithmetic3A_250 {strides = array<i32>} : memref<4x128xi32, #tpu.memory_space<vmem>>, vector<16xi32>,
    %get3A_255 = arith.constant 0 : i32
    %get3A_256 = arith.index_cast %get3A_255 : i32 to index
    %get3A_257 = arith.constant 96 : index
    %get3A_258 = tpu.vector_load %arg14[%get3A_256, %get3A_257] {strides = array<i32>} : memref<4x128xi32, #tpu.memory_space<vmem>>, vector<16xi32>,
    %shift_right_arithmetic3A_259 = arith.constant 2 : i32
    %shift_right_arithmetic3A_260 = vector.broadcast %shift_right_arithmetic3A_259 : i32 to vector<16xi32>
    %shift_right_arithmetic3A_261 = arith.shrsi %get3A_258, %shift_right_arithmetic3A_260 : vector<16xi32>
    %swap3A_262 = arith.constant 0 : i32
    %swap3A_263 = arith.index_cast %swap3A_262 : i32 to index
    %swap3A_264 = arith.constant 96 : index
    %swap3A_265 = tpu.vector_load %arg17[%swap3A_263, %swap3A_264] {strides = array<i32>} : memref<4x128xi32, #tpu.memory_space<vmem>>, vector<16xi32>,
    tpu.vector_store %arg17[%swap3A_263, %swap3A_264], %shift_right_arithmetic3A_261 {strides = array<i32>} : memref<4x128xi32, #tpu.memory_space<vmem>>, vector<16xi32>,
    %get3A_266 = arith.constant 0 : i32
    %get3A_267 = arith.index_cast %get3A_266 : i32 to index
    %get3A_268 = arith.constant 112 : index
    %get3A_269 = tpu.vector_load %arg12[%get3A_267, %get3A_268] {strides = array<i32>} : memref<4x128xi32, #tpu.memory_space<vmem>>, vector<16xi32>,
    %shift_right_arithmetic3A_270 = arith.constant 2 : i32
    %shift_right_arithmetic3A_271 = vector.broadcast %shift_right_arithmetic3A_270 : i32 to vector<16xi32>
    %shift_right_arithmetic3A_272 = arith.shrsi %get3A_269, %shift_right_arithmetic3A_271 : vector<16xi32>
    %swap3A_273 = arith.constant 0 : i32
    %swap3A_274 = arith.index_cast %swap3A_273 : i32 to index
    %swap3A_275 = arith.constant 112 : index
    %swap3A_276 = tpu.vector_load %arg15[%swap3A_274, %swap3A_275] {strides = array<i32>} : memref<4x128xi32, #tpu.memory_space<vmem>>, vector<16xi32>,
    tpu.vector_store %arg15[%swap3A_274, %swap3A_275], %shift_right_arithmetic3A_272 {strides = array<i32>} : memref<4x128xi32, #tpu.memory_space<vmem>>, vector<16xi32>,
    %get3A_277 = arith.constant 0 : i32
    %get3A_278 = arith.index_cast %get3A_277 : i32 to index
    %get3A_279 = arith.constant 112 : index
    %get3A_280 = tpu.vector_load %arg13[%get3A_278, %get3A_279] {strides = array<i32>} : memref<4x128xi32, #tpu.memory_space<vmem>>, vector<16xi32>,
    %shift_right_arithmetic3A_281 = arith.constant 2 : i32
    %shift_right_arithmetic3A_282 = vector.broadcast %shift_right_arithmetic3A_281 : i32 to vector<16xi32>
    %shift_right_arithmetic3A_283 = arith.shrsi %get3A_280, %shift_right_arithmetic3A_282 : vector<16xi32>
    %swap3A_284 = arith.constant 0 : i32
    %swap3A_285 = arith.index_cast %swap3A_284 : i32 to index
    %swap3A_286 = arith.constant 112 : index
    %swap3A_287 = tpu.vector_load %arg16[%swap3A_285, %swap3A_286] {strides = array<i32>} : memref<4x128xi32, #tpu.memory_space<vmem>>, vector<16xi32>,
    tpu.vector_store %arg16[%swap3A_285, %swap3A_286], %shift_right_arithmetic3A_283 {strides = array<i32>} : memref<4x128xi32, #tpu.memory_space<vmem>>, vector<16xi32>,
    %get3A_288 = arith.constant 0 : i32
    %get3A_289 = arith.index_cast %get3A_288 : i32 to index
    %get3A_290 = arith.constant 112 : index
    %get3A_291 = tpu.vector_load %arg14[%get3A_289, %get3A_290] {strides = array<i32>} : memref<4x128xi32, #tpu.memory_space<vmem>>, vector<16xi32>,
    %shift_right_arithmetic3A_292 = arith.constant 2 : i32
    %shift_right_arithmetic3A_293 = vector.broadcast %shift_right_arithmetic3A_292 : i32 to vector<16xi32>
    %shift_right_arithmetic3A_294 = arith.shrsi %get3A_291, %shift_right_arithmetic3A_293 : vector<16xi32>
    %swap3A_295 = arith.constant 0 : i32
    %swap3A_296 = arith.index_cast %swap3A_295 : i32 to index
    %swap3A_297 = arith.constant 112 : index
    %swap3A_298 = tpu.vector_load %arg17[%swap3A_296, %swap3A_297] {strides = array<i32>} : memref<4x128xi32, #tpu.memory_space<vmem>>, vector<16xi32>,
    tpu.vector_store %arg17[%swap3A_296, %swap3A_297], %shift_right_arithmetic3A_294 {strides = array<i32>} : memref<4x128xi32, #tpu.memory_space<vmem>>, vector<16xi32>,
    %get3A_299 = arith.constant 1 : i32
    %get3A_300 = arith.index_cast %get3A_299 : i32 to index
    %get3A_301 = arith.constant 0 : index
    %get3A_302 = tpu.vector_load %arg12[%get3A_300, %get3A_301] {strides = array<i32>} : memref<4x128xi32, #tpu.memory_space<vmem>>, vector<16xi32>,
    %shift_right_arithmetic3A_303 = arith.constant 2 : i32
    %shift_right_arithmetic3A_304 = vector.broadcast %shift_right_arithmetic3A_303 : i32 to vector<16xi32>
    %shift_right_arithmetic3A_305 = arith.shrsi %get3A_302, %shift_right_arithmetic3A_304 : vector<16xi32>
    %swap3A_306 = arith.constant 1 : i32
    %swap3A_307 = arith.index_cast %swap3A_306 : i32 to index
    %swap3A_308 = arith.constant 0 : index
    %swap3A_309 = tpu.vector_load %arg15[%swap3A_307, %swap3A_308] {strides = array<i32>} : memref<4x128xi32, #tpu.memory_space<vmem>>, vector<16xi32>,
    tpu.vector_store %arg15[%swap3A_307, %swap3A_308], %shift_right_arithmetic3A_305 {strides = array<i32>} : memref<4x128xi32, #tpu.memory_space<vmem>>, vector<16xi32>,
    %get3A_310 = arith.constant 1 : i32
    %get3A_311 = arith.index_cast %get3A_310 : i32 to index
    %get3A_312 = arith.constant 0 : index
    %get3A_313 = tpu.vector_load %arg13[%get3A_311, %get3A_312] {strides = array<i32>} : memref<4x128xi32, #tpu.memory_space<vmem>>, vector<16xi32>,
    %shift_right_arithmetic3A_314 = arith.constant 2 : i32
    %shift_right_arithmetic3A_315 = vector.broadcast %shift_right_arithmetic3A_314 : i32 to vector<16xi32>
    %shift_right_arithmetic3A_316 = arith.shrsi %get3A_313, %shift_right_arithmetic3A_315 : vector<16xi32>
    %swap3A_317 = arith.constant 1 : i32
    %swap3A_318 = arith.index_cast %swap3A_317 : i32 to index
    %swap3A_319 = arith.constant 0 : index
    %swap3A_320 = tpu.vector_load %arg16[%swap3A_318, %swap3A_319] {strides = array<i32>} : memref<4x128xi32, #tpu.memory_space<vmem>>, vector<16xi32>,
    tpu.vector_store %arg16[%swap3A_318, %swap3A_319], %shift_right_arithmetic3A_316 {strides = array<i32>} : memref<4x128xi32, #tpu.memory_space<vmem>>, vector<16xi32>,
    %get3A_321 = arith.constant 1 : i32
    %get3A_322 = arith.index_cast %get3A_321 : i32 to index
    %get3A_323 = arith.constant 0 : index
    %get3A_324 = tpu.vector_load %arg14[%get3A_322, %get3A_323] {strides = array<i32>} : memref<4x128xi32, #tpu.memory_space<vmem>>, vector<16xi32>,
    %shift_right_arithmetic3A_325 = arith.constant 2 : i32
    %shift_right_arithmetic3A_326 = vector.broadcast %shift_right_arithmetic3A_325 : i32 to vector<16xi32>
    %shift_right_arithmetic3A_327 = arith.shrsi %get3A_324, %shift_right_arithmetic3A_326 : vector<16xi32>
    %swap3A_328 = arith.constant 1 : i32
    %swap3A_329 = arith.index_cast %swap3A_328 : i32 to index
    %swap3A_330 = arith.constant 0 : index
    %swap3A_331 = tpu.vector_load %arg17[%swap3A_329, %swap3A_330] {strides = array<i32>} : memref<4x128xi32, #tpu.memory_space<vmem>>, vector<16xi32>,
    tpu.vector_store %arg17[%swap3A_329, %swap3A_330], %shift_right_arithmetic3A_327 {strides = array<i32>} : memref<4x128xi32, #tpu.memory_space<vmem>>, vector<16xi32>,
    %get3A_332 = arith.constant 1 : i32
    %get3A_333 = arith.index_cast %get3A_332 : i32 to index
    %get3A_334 = arith.constant 16 : index
    %get3A_335 = tpu.vector_load %arg12[%get3A_333, %get3A_334] {strides = array<i32>} : memref<4x128xi32, #tpu.memory_space<vmem>>, vector<16xi32>,
    %shift_right_arithmetic3A_336 = arith.constant 2 : i32
    %shift_right_arithmetic3A_337 = vector.broadcast %shift_right_arithmetic3A_336 : i32 to vector<16xi32>
    %shift_right_arithmetic3A_338 = arith.shrsi %get3A_335, %shift_right_arithmetic3A_337 : vector<16xi32>
    %swap3A_339 = arith.constant 1 : i32
    %swap3A_340 = arith.index_cast %swap3A_339 : i32 to index
    %swap3A_341 = arith.constant 16 : index
    %swap3A_342 = tpu.vector_load %arg15[%swap3A_340, %swap3A_341] {strides = array<i32>} : memref<4x128xi32, #tpu.memory_space<vmem>>, vector<16xi32>,
    tpu.vector_store %arg15[%swap3A_340, %swap3A_341], %shift_right_arithmetic3A_338 {strides = array<i32>} : memref<4x128xi32, #tpu.memory_space<vmem>>, vector<16xi32>,
    %get3A_343 = arith.constant 1 : i32
    %get3A_344 = arith.index_cast %get3A_343 : i32 to index
    %get3A_345 = arith.constant 16 : index
    %get3A_346 = tpu.vector_load %arg13[%get3A_344, %get3A_345] {strides = array<i32>} : memref<4x128xi32, #tpu.memory_space<vmem>>, vector<16xi32>,
    %shift_right_arithmetic3A_347 = arith.constant 2 : i32
    %shift_right_arithmetic3A_348 = vector.broadcast %shift_right_arithmetic3A_347 : i32 to vector<16xi32>
    %shift_right_arithmetic3A_349 = arith.shrsi %get3A_346, %shift_right_arithmetic3A_348 : vector<16xi32>
    %swap3A_350 = arith.constant 1 : i32
    %swap3A_351 = arith.index_cast %swap3A_350 : i32 to index
    %swap3A_352 = arith.constant 16 : index
    %swap3A_353 = tpu.vector_load %arg16[%swap3A_351, %swap3A_352] {strides = array<i32>} : memref<4x128xi32, #tpu.memory_space<vmem>>, vector<16xi32>,
    tpu.vector_store %arg16[%swap3A_351, %swap3A_352], %shift_right_arithmetic3A_349 {strides = array<i32>} : memref<4x128xi32, #tpu.memory_space<vmem>>, vector<16xi32>,
    %get3A_354 = arith.constant 1 : i32
    %get3A_355 = arith.index_cast %get3A_354 : i32 to index
    %get3A_356 = arith.constant 16 : index
    %get3A_357 = tpu.vector_load %arg14[%get3A_355, %get3A_356] {strides = array<i32>} : memref<4x128xi32, #tpu.memory_space<vmem>>, vector<16xi32>,
    %shift_right_arithmetic3A_358 = arith.constant 2 : i32
    %shift_right_arithmetic3A_359 = vector.broadcast %shift_right_arithmetic3A_358 : i32 to vector<16xi32>
    %shift_right_arithmetic3A_360 = arith.shrsi %get3A_357, %shift_right_arithmetic3A_359 : vector<16xi32>
    %swap3A_361 = arith.constant 1 : i32
    %swap3A_362 = arith.index_cast %swap3A_361 : i32 to index
    %swap3A_363 = arith.constant 16 : index
    %swap3A_364 = tpu.vector_load %arg17[%swap3A_362, %swap3A_363] {strides = array<i32>} : memref<4x128xi32, #tpu.memory_space<vmem>>, vector<16xi32>,
    tpu.vector_store %arg17[%swap3A_362, %swap3A_363], %shift_right_arithmetic3A_360 {strides = array<i32>} : memref<4x128xi32, #tpu.memory_space<vmem>>, vector<16xi32>,
    %get3A_365 = arith.constant 1 : i32
    %get3A_366 = arith.index_cast %get3A_365 : i32 to index
    %get3A_367 = arith.constant 32 : index
    %get3A_368 = tpu.vector_load %arg12[%get3A_366, %get3A_367] {strides = array<i32>} : memref<4x128xi32, #tpu.memory_space<vmem>>, vector<16xi32>,
    %shift_right_arithmetic3A_369 = arith.constant 2 : i32
    %shift_right_arithmetic3A_370 = vector.broadcast %shift_right_arithmetic3A_369 : i32 to vector<16xi32>
    %shift_right_arithmetic3A_371 = arith.shrsi %get3A_368, %shift_right_arithmetic3A_370 : vector<16xi32>
    %swap3A_372 = arith.constant 1 : i32
    %swap3A_373 = arith.index_cast %swap3A_372 : i32 to index
    %swap3A_374 = arith.constant 32 : index
    %swap3A_375 = tpu.vector_load %arg15[%swap3A_373, %swap3A_374] {strides = array<i32>} : memref<4x128xi32, #tpu.memory_space<vmem>>, vector<16xi32>,
    tpu.vector_store %arg15[%swap3A_373, %swap3A_374], %shift_right_arithmetic3A_371 {strides = array<i32>} : memref<4x128xi32, #tpu.memory_space<vmem>>, vector<16xi32>,
    %get3A_376 = arith.constant 1 : i32
    %get3A_377 = arith.index_cast %get3A_376 : i32 to index
    %get3A_378 = arith.constant 32 : index
    %get3A_379 = tpu.vector_load %arg13[%get3A_377, %get3A_378] {strides = array<i32>} : memref<4x128xi32, #tpu.memory_space<vmem>>, vector<16xi32>,
    %shift_right_arithmetic3A_380 = arith.constant 2 : i32
    %shift_right_arithmetic3A_381 = vector.broadcast %shift_right_arithmetic3A_380 : i32 to vector<16xi32>
    %shift_right_arithmetic3A_382 = arith.shrsi %get3A_379, %shift_right_arithmetic3A_381 : vector<16xi32>
    %swap3A_383 = arith.constant 1 : i32
    %swap3A_384 = arith.index_cast %swap3A_383 : i32 to index
    %swap3A_385 = arith.constant 32 : index
    %swap3A_386 = tpu.vector_load %arg16[%swap3A_384, %swap3A_385] {strides = array<i32>} : memref<4x128xi32, #tpu.memory_space<vmem>>, vector<16xi32>,
    tpu.vector_store %arg16[%swap3A_384, %swap3A_385], %shift_right_arithmetic3A_382 {strides = array<i32>} : memref<4x128xi32, #tpu.memory_space<vmem>>, vector<16xi32>,
    %get3A_387 = arith.constant 1 : i32
    %get3A_388 = arith.index_cast %get3A_387 : i32 to index
    %get3A_389 = arith.constant 32 : index
    %get3A_390 = tpu.vector_load %arg14[%get3A_388, %get3A_389] {strides = array<i32>} : memref<4x128xi32, #tpu.memory_space<vmem>>, vector<16xi32>,
    %shift_right_arithmetic3A_391 = arith.constant 2 : i32
    %shift_right_arithmetic3A_392 = vector.broadcast %shift_right_arithmetic3A_391 : i32 to vector<16xi32>
    %shift_right_arithmetic3A_393 = arith.shrsi %get3A_390, %shift_right_arithmetic3A_392 : vector<16xi32>
    %swap3A_394 = arith.constant 1 : i32
    %swap3A_395 = arith.index_cast %swap3A_394 : i32 to index
    %swap3A_396 = arith.constant 32 : index
    %swap3A_397 = tpu.vector_load %arg17[%swap3A_395, %swap3A_396] {strides = array<i32>} : memref<4x128xi32, #tpu.memory_space<vmem>>, vector<16xi32>,
    tpu.vector_store %arg17[%swap3A_395, %swap3A_396], %shift_right_arithmetic3A_393 {strides = array<i32>} : memref<4x128xi32, #tpu.memory_space<vmem>>, vector<16xi32>,
    %get3A_398 = arith.constant 1 : i32
    %get3A_399 = arith.index_cast %get3A_398 : i32 to index
    %get3A_400 = arith.constant 48 : index
    %get3A_401 = tpu.vector_load %arg12[%get3A_399, %get3A_400] {strides = array<i32>} : memref<4x128xi32, #tpu.memory_space<vmem>>, vector<16xi32>,
    %shift_right_arithmetic3A_402 = arith.constant 2 : i32
    %shift_right_arithmetic3A_403 = vector.broadcast %shift_right_arithmetic3A_402 : i32 to vector<16xi32>
    %shift_right_arithmetic3A_404 = arith.shrsi %get3A_401, %shift_right_arithmetic3A_403 : vector<16xi32>
    %swap3A_405 = arith.constant 1 : i32
    %swap3A_406 = arith.index_cast %swap3A_405 : i32 to index
    %swap3A_407 = arith.constant 48 : index
    %swap3A_408 = tpu.vector_load %arg15[%swap3A_406, %swap3A_407] {strides = array<i32>} : memref<4x128xi32, #tpu.memory_space<vmem>>, vector<16xi32>,
    tpu.vector_store %arg15[%swap3A_406, %swap3A_407], %shift_right_arithmetic3A_404 {strides = array<i32>} : memref<4x128xi32, #tpu.memory_space<vmem>>, vector<16xi32>,
    %get3A_409 = arith.constant 1 : i32
    %get3A_410 = arith.index_cast %get3A_409 : i32 to index
    %get3A_411 = arith.constant 48 : index
    %get3A_412 = tpu.vector_load %arg13[%get3A_410, %get3A_411] {strides = array<i32>} : memref<4x128xi32, #tpu.memory_space<vmem>>, vector<16xi32>,
    %shift_right_arithmetic3A_413 = arith.constant 2 : i32
    %shift_right_arithmetic3A_414 = vector.broadcast %shift_right_arithmetic3A_413 : i32 to vector<16xi32>
    %shift_right_arithmetic3A_415 = arith.shrsi %get3A_412, %shift_right_arithmetic3A_414 : vector<16xi32>
    %swap3A_416 = arith.constant 1 : i32
    %swap3A_417 = arith.index_cast %swap3A_416 : i32 to index
    %swap3A_418 = arith.constant 48 : index
    %swap3A_419 = tpu.vector_load %arg16[%swap3A_417, %swap3A_418] {strides = array<i32>} : memref<4x128xi32, #tpu.memory_space<vmem>>, vector<16xi32>,
    tpu.vector_store %arg16[%swap3A_417, %swap3A_418], %shift_right_arithmetic3A_415 {strides = array<i32>} : memref<4x128xi32, #tpu.memory_space<vmem>>, vector<16xi32>,
    %get3A_420 = arith.constant 1 : i32
    %get3A_421 = arith.index_cast %get3A_420 : i32 to index
    %get3A_422 = arith.constant 48 : index
    %get3A_423 = tpu.vector_load %arg14[%get3A_421, %get3A_422] {strides = array<i32>} : memref<4x128xi32, #tpu.memory_space<vmem>>, vector<16xi32>,
    %shift_right_arithmetic3A_424 = arith.constant 2 : i32
    %shift_right_arithmetic3A_425 = vector.broadcast %shift_right_arithmetic3A_424 : i32 to vector<16xi32>
    %shift_right_arithmetic3A_426 = arith.shrsi %get3A_423, %shift_right_arithmetic3A_425 : vector<16xi32>
    %swap3A_427 = arith.constant 1 : i32
    %swap3A_428 = arith.index_cast %swap3A_427 : i32 to index
    %swap3A_429 = arith.constant 48 : index
    %swap3A_430 = tpu.vector_load %arg17[%swap3A_428, %swap3A_429] {strides = array<i32>} : memref<4x128xi32, #tpu.memory_space<vmem>>, vector<16xi32>,
    tpu.vector_store %arg17[%swap3A_428, %swap3A_429], %shift_right_arithmetic3A_426 {strides = array<i32>} : memref<4x128xi32, #tpu.memory_space<vmem>>, vector<16xi32>,
    %get3A_431 = arith.constant 1 : i32
    %get3A_432 = arith.index_cast %get3A_431 : i32 to index
    %get3A_433 = arith.constant 64 : index
    %get3A_434 = tpu.vector_load %arg12[%get3A_432, %get3A_433] {strides = array<i32>} : memref<4x128xi32, #tpu.memory_space<vmem>>, vector<16xi32>,
    %shift_right_arithmetic3A_435 = arith.constant 2 : i32
    %shift_right_arithmetic3A_436 = vector.broadcast %shift_right_arithmetic3A_435 : i32 to vector<16xi32>
    %shift_right_arithmetic3A_437 = arith.shrsi %get3A_434, %shift_right_arithmetic3A_436 : vector<16xi32>
    %swap3A_438 = arith.constant 1 : i32
    %swap3A_439 = arith.index_cast %swap3A_438 : i32 to index
    %swap3A_440 = arith.constant 64 : index
    %swap3A_441 = tpu.vector_load %arg15[%swap3A_439, %swap3A_440] {strides = array<i32>} : memref<4x128xi32, #tpu.memory_space<vmem>>, vector<16xi32>,
    tpu.vector_store %arg15[%swap3A_439, %swap3A_440], %shift_right_arithmetic3A_437 {strides = array<i32>} : memref<4x128xi32, #tpu.memory_space<vmem>>, vector<16xi32>,
    %get3A_442 = arith.constant 1 : i32
    %get3A_443 = arith.index_cast %get3A_442 : i32 to index
    %get3A_444 = arith.constant 64 : index
    %get3A_445 = tpu.vector_load %arg13[%get3A_443, %get3A_444] {strides = array<i32>} : memref<4x128xi32, #tpu.memory_space<vmem>>, vector<16xi32>,
    %shift_right_arithmetic3A_446 = arith.constant 2 : i32
    %shift_right_arithmetic3A_447 = vector.broadcast %shift_right_arithmetic3A_446 : i32 to vector<16xi32>
    %shift_right_arithmetic3A_448 = arith.shrsi %get3A_445, %shift_right_arithmetic3A_447 : vector<16xi32>
    %swap3A_449 = arith.constant 1 : i32
    %swap3A_450 = arith.index_cast %swap3A_449 : i32 to index
    %swap3A_451 = arith.constant 64 : index
    %swap3A_452 = tpu.vector_load %arg16[%swap3A_450, %swap3A_451] {strides = array<i32>} : memref<4x128xi32, #tpu.memory_space<vmem>>, vector<16xi32>,
    tpu.vector_store %arg16[%swap3A_450, %swap3A_451], %shift_right_arithmetic3A_448 {strides = array<i32>} : memref<4x128xi32, #tpu.memory_space<vmem>>, vector<16xi32>,
    %get3A_453 = arith.constant 1 : i32
    %get3A_454 = arith.index_cast %get3A_453 : i32 to index
    %get3A_455 = arith.constant 64 : index
    %get3A_456 = tpu.vector_load %arg14[%get3A_454, %get3A_455] {strides = array<i32>} : memref<4x128xi32, #tpu.memory_space<vmem>>, vector<16xi32>,
    %shift_right_arithmetic3A_457 = arith.constant 2 : i32
    %shift_right_arithmetic3A_458 = vector.broadcast %shift_right_arithmetic3A_457 : i32 to vector<16xi32>
    %shift_right_arithmetic3A_459 = arith.shrsi %get3A_456, %shift_right_arithmetic3A_458 : vector<16xi32>
    %swap3A_460 = arith.constant 1 : i32
    %swap3A_461 = arith.index_cast %swap3A_460 : i32 to index
    %swap3A_462 = arith.constant 64 : index
    %swap3A_463 = tpu.vector_load %arg17[%swap3A_461, %swap3A_462] {strides = array<i32>} : memref<4x128xi32, #tpu.memory_space<vmem>>, vector<16xi32>,
    tpu.vector_store %arg17[%swap3A_461, %swap3A_462], %shift_right_arithmetic3A_459 {strides = array<i32>} : memref<4x128xi32, #tpu.memory_space<vmem>>, vector<16xi32>,
    %get3A_464 = arith.constant 1 : i32
    %get3A_465 = arith.index_cast %get3A_464 : i32 to index
    %get3A_466 = arith.constant 80 : index
    %get3A_467 = tpu.vector_load %arg12[%get3A_465, %get3A_466] {strides = array<i32>} : memref<4x128xi32, #tpu.memory_space<vmem>>, vector<16xi32>,
    %shift_right_arithmetic3A_468 = arith.constant 2 : i32
    %shift_right_arithmetic3A_469 = vector.broadcast %shift_right_arithmetic3A_468 : i32 to vector<16xi32>
    %shift_right_arithmetic3A_470 = arith.shrsi %get3A_467, %shift_right_arithmetic3A_469 : vector<16xi32>
    %swap3A_471 = arith.constant 1 : i32
    %swap3A_472 = arith.index_cast %swap3A_471 : i32 to index
    %swap3A_473 = arith.constant 80 : index
    %swap3A_474 = tpu.vector_load %arg15[%swap3A_472, %swap3A_473] {strides = array<i32>} : memref<4x128xi32, #tpu.memory_space<vmem>>, vector<16xi32>,
    tpu.vector_store %arg15[%swap3A_472, %swap3A_473], %shift_right_arithmetic3A_470 {strides = array<i32>} : memref<4x128xi32, #tpu.memory_space<vmem>>, vector<16xi32>,
    %get3A_475 = arith.constant 1 : i32
    %get3A_476 = arith.index_cast %get3A_475 : i32 to index
    %get3A_477 = arith.constant 80 : index
    %get3A_478 = tpu.vector_load %arg13[%get3A_476, %get3A_477] {strides = array<i32>} : memref<4x128xi32, #tpu.memory_space<vmem>>, vector<16xi32>,
    %shift_right_arithmetic3A_479 = arith.constant 2 : i32
    %shift_right_arithmetic3A_480 = vector.broadcast %shift_right_arithmetic3A_479 : i32 to vector<16xi32>
    %shift_right_arithmetic3A_481 = arith.shrsi %get3A_478, %shift_right_arithmetic3A_480 : vector<16xi32>
    %swap3A_482 = arith.constant 1 : i32
    %swap3A_483 = arith.index_cast %swap3A_482 : i32 to index
    %swap3A_484 = arith.constant 80 : index
    %swap3A_485 = tpu.vector_load %arg16[%swap3A_483, %swap3A_484] {strides = array<i32>} : memref<4x128xi32, #tpu.memory_space<vmem>>, vector<16xi32>,
    tpu.vector_store %arg16[%swap3A_483, %swap3A_484], %shift_right_arithmetic3A_481 {strides = array<i32>} : memref<4x128xi32, #tpu.memory_space<vmem>>, vector<16xi32>,
    %get3A_486 = arith.constant 1 : i32
    %get3A_487 = arith.index_cast %get3A_486 : i32 to index
    %get3A_488 = arith.constant 80 : index
    %get3A_489 = tpu.vector_load %arg14[%get3A_487, %get3A_488] {strides = array<i32>} : memref<4x128xi32, #tpu.memory_space<vmem>>, vector<16xi32>,
    %shift_right_arithmetic3A_490 = arith.constant 2 : i32
    %shift_right_arithmetic3A_491 = vector.broadcast %shift_right_arithmetic3A_490 : i32 to vector<16xi32>
    %shift_right_arithmetic3A_492 = arith.shrsi %get3A_489, %shift_right_arithmetic3A_491 : vector<16xi32>
    %swap3A_493 = arith.constant 1 : i32
    %swap3A_494 = arith.index_cast %swap3A_493 : i32 to index
    %swap3A_495 = arith.constant 80 : index
    %swap3A_496 = tpu.vector_load %arg17[%swap3A_494, %swap3A_495] {strides = array<i32>} : memref<4x128xi32, #tpu.memory_space<vmem>>, vector<16xi32>,
    tpu.vector_store %arg17[%swap3A_494, %swap3A_495], %shift_right_arithmetic3A_492 {strides = array<i32>} : memref<4x128xi32, #tpu.memory_space<vmem>>, vector<16xi32>,
    %get3A_497 = arith.constant 1 : i32
    %get3A_498 = arith.index_cast %get3A_497 : i32 to index
    %get3A_499 = arith.constant 96 : index
    %get3A_500 = tpu.vector_load %arg12[%get3A_498, %get3A_499] {strides = array<i32>} : memref<4x128xi32, #tpu.memory_space<vmem>>, vector<16xi32>,
    %shift_right_arithmetic3A_501 = arith.constant 2 : i32
    %shift_right_arithmetic3A_502 = vector.broadcast %shift_right_arithmetic3A_501 : i32 to vector<16xi32>
    %shift_right_arithmetic3A_503 = arith.shrsi %get3A_500, %shift_right_arithmetic3A_502 : vector<16xi32>
    %swap3A_504 = arith.constant 1 : i32
    %swap3A_505 = arith.index_cast %swap3A_504 : i32 to index
    %swap3A_506 = arith.constant 96 : index
    %swap3A_507 = tpu.vector_load %arg15[%swap3A_505, %swap3A_506] {strides = array<i32>} : memref<4x128xi32, #tpu.memory_space<vmem>>, vector<16xi32>,
    tpu.vector_store %arg15[%swap3A_505, %swap3A_506], %shift_right_arithmetic3A_503 {strides = array<i32>} : memref<4x128xi32, #tpu.memory_space<vmem>>, vector<16xi32>,
    %get3A_508 = arith.constant 1 : i32
    %get3A_509 = arith.index_cast %get3A_508 : i32 to index
    %get3A_510 = arith.constant 96 : index
    %get3A_511 = tpu.vector_load %arg13[%get3A_509, %get3A_510] {strides = array<i32>} : memref<4x128xi32, #tpu.memory_space<vmem>>, vector<16xi32>,
    %shift_right_arithmetic3A_512 = arith.constant 2 : i32
    %shift_right_arithmetic3A_513 = vector.broadcast %shift_right_arithmetic3A_512 : i32 to vector<16xi32>
    %shift_right_arithmetic3A_514 = arith.shrsi %get3A_511, %shift_right_arithmetic3A_513 : vector<16xi32>
    %swap3A_515 = arith.constant 1 : i32
    %swap3A_516 = arith.index_cast %swap3A_515 : i32 to index
    %swap3A_517 = arith.constant 96 : index
    %swap3A_518 = tpu.vector_load %arg16[%swap3A_516, %swap3A_517] {strides = array<i32>} : memref<4x128xi32, #tpu.memory_space<vmem>>, vector<16xi32>,
    tpu.vector_store %arg16[%swap3A_516, %swap3A_517], %shift_right_arithmetic3A_514 {strides = array<i32>} : memref<4x128xi32, #tpu.memory_space<vmem>>, vector<16xi32>,
    %get3A_519 = arith.constant 1 : i32
    %get3A_520 = arith.index_cast %get3A_519 : i32 to index
    %get3A_521 = arith.constant 96 : index
    %get3A_522 = tpu.vector_load %arg14[%get3A_520, %get3A_521] {strides = array<i32>} : memref<4x128xi32, #tpu.memory_space<vmem>>, vector<16xi32>,
    %shift_right_arithmetic3A_523 = arith.constant 2 : i32
    %shift_right_arithmetic3A_524 = vector.broadcast %shift_right_arithmetic3A_523 : i32 to vector<16xi32>
    %shift_right_arithmetic3A_525 = arith.shrsi %get3A_522, %shift_right_arithmetic3A_524 : vector<16xi32>
    %swap3A_526 = arith.constant 1 : i32
    %swap3A_527 = arith.index_cast %swap3A_526 : i32 to index
    %swap3A_528 = arith.constant 96 : index
    %swap3A_529 = tpu.vector_load %arg17[%swap3A_527, %swap3A_528] {strides = array<i32>} : memref<4x128xi32, #tpu.memory_space<vmem>>, vector<16xi32>,
    tpu.vector_store %arg17[%swap3A_527, %swap3A_528], %shift_right_arithmetic3A_525 {strides = array<i32>} : memref<4x128xi32, #tpu.memory_space<vmem>>, vector<16xi32>,
    %get3A_530 = arith.constant 1 : i32
    %get3A_531 = arith.index_cast %get3A_530 : i32 to index
    %get3A_532 = arith.constant 112 : index
    %get3A_533 = tpu.vector_load %arg12[%get3A_531, %get3A_532] {strides = array<i32>} : memref<4x128xi32, #tpu.memory_space<vmem>>, vector<16xi32>,
    %shift_right_arithmetic3A_534 = arith.constant 2 : i32
    %shift_right_arithmetic3A_535 = vector.broadcast %shift_right_arithmetic3A_534 : i32 to vector<16xi32>
    %shift_right_arithmetic3A_536 = arith.shrsi %get3A_533, %shift_right_arithmetic3A_535 : vector<16xi32>
    %swap3A_537 = arith.constant 1 : i32
    %swap3A_538 = arith.index_cast %swap3A_537 : i32 to index
    %swap3A_539 = arith.constant 112 : index
    %swap3A_540 = tpu.vector_load %arg15[%swap3A_538, %swap3A_539] {strides = array<i32>} : memref<4x128xi32, #tpu.memory_space<vmem>>, vector<16xi32>,
    tpu.vector_store %arg15[%swap3A_538, %swap3A_539], %shift_right_arithmetic3A_536 {strides = array<i32>} : memref<4x128xi32, #tpu.memory_space<vmem>>, vector<16xi32>,
    %get3A_541 = arith.constant 1 : i32
    %get3A_542 = arith.index_cast %get3A_541 : i32 to index
    %get3A_543 = arith.constant 112 : index
    %get3A_544 = tpu.vector_load %arg13[%get3A_542, %get3A_543] {strides = array<i32>} : memref<4x128xi32, #tpu.memory_space<vmem>>, vector<16xi32>,
    %shift_right_arithmetic3A_545 = arith.constant 2 : i32
    %shift_right_arithmetic3A_546 = vector.broadcast %shift_right_arithmetic3A_545 : i32 to vector<16xi32>
    %shift_right_arithmetic3A_547 = arith.shrsi %get3A_544, %shift_right_arithmetic3A_546 : vector<16xi32>
    %swap3A_548 = arith.constant 1 : i32
    %swap3A_549 = arith.index_cast %swap3A_548 : i32 to index
    %swap3A_550 = arith.constant 112 : index
    %swap3A_551 = tpu.vector_load %arg16[%swap3A_549, %swap3A_550] {strides = array<i32>} : memref<4x128xi32, #tpu.memory_space<vmem>>, vector<16xi32>,
    tpu.vector_store %arg16[%swap3A_549, %swap3A_550], %shift_right_arithmetic3A_547 {strides = array<i32>} : memref<4x128xi32, #tpu.memory_space<vmem>>, vector<16xi32>,
    %get3A_552 = arith.constant 1 : i32
    %get3A_553 = arith.index_cast %get3A_552 : i32 to index
    %get3A_554 = arith.constant 112 : index
    %get3A_555 = tpu.vector_load %arg14[%get3A_553, %get3A_554] {strides = array<i32>} : memref<4x128xi32, #tpu.memory_space<vmem>>, vector<16xi32>,
    %shift_right_arithmetic3A_556 = arith.constant 2 : i32
    %shift_right_arithmetic3A_557 = vector.broadcast %shift_right_arithmetic3A_556 : i32 to vector<16xi32>
    %shift_right_arithmetic3A_558 = arith.shrsi %get3A_555, %shift_right_arithmetic3A_557 : vector<16xi32>
    %swap3A_559 = arith.constant 1 : i32
    %swap3A_560 = arith.index_cast %swap3A_559 : i32 to index
    %swap3A_561 = arith.constant 112 : index
    %swap3A_562 = tpu.vector_load %arg17[%swap3A_560, %swap3A_561] {strides = array<i32>} : memref<4x128xi32, #tpu.memory_space<vmem>>, vector<16xi32>,
    tpu.vector_store %arg17[%swap3A_560, %swap3A_561], %shift_right_arithmetic3A_558 {strides = array<i32>} : memref<4x128xi32, #tpu.memory_space<vmem>>, vector<16xi32>,
    %get3A_563 = arith.constant 2 : i32
    %get3A_564 = arith.index_cast %get3A_563 : i32 to index
    %get3A_565 = arith.constant 0 : index
    %get3A_566 = tpu.vector_load %arg12[%get3A_564, %get3A_565] {strides = array<i32>} : memref<4x128xi32, #tpu.memory_space<vmem>>, vector<16xi32>,
    %shift_right_arithmetic3A_567 = arith.constant 2 : i32
    %shift_right_arithmetic3A_568 = vector.broadcast %shift_right_arithmetic3A_567 : i32 to vector<16xi32>
    %shift_right_arithmetic3A_569 = arith.shrsi %get3A_566, %shift_right_arithmetic3A_568 : vector<16xi32>
    %swap3A_570 = arith.constant 2 : i32
    %swap3A_571 = arith.index_cast %swap3A_570 : i32 to index
    %swap3A_572 = arith.constant 0 : index
    %swap3A_573 = tpu.vector_load %arg15[%swap3A_571, %swap3A_572] {strides = array<i32>} : memref<4x128xi32, #tpu.memory_space<vmem>>, vector<16xi32>,
    tpu.vector_store %arg15[%swap3A_571, %swap3A_572], %shift_right_arithmetic3A_569 {strides = array<i32>} : memref<4x128xi32, #tpu.memory_space<vmem>>, vector<16xi32>,
    %get3A_574 = arith.constant 2 : i32
    %get3A_575 = arith.index_cast %get3A_574 : i32 to index
    %get3A_576 = arith.constant 0 : index
    %get3A_577 = tpu.vector_load %arg13[%get3A_575, %get3A_576] {strides = array<i32>} : memref<4x128xi32, #tpu.memory_space<vmem>>, vector<16xi32>,
    %shift_right_arithmetic3A_578 = arith.constant 2 : i32
    %shift_right_arithmetic3A_579 = vector.broadcast %shift_right_arithmetic3A_578 : i32 to vector<16xi32>
    %shift_right_arithmetic3A_580 = arith.shrsi %get3A_577, %shift_right_arithmetic3A_579 : vector<16xi32>
    %swap3A_581 = arith.constant 2 : i32
    %swap3A_582 = arith.index_cast %swap3A_581 : i32 to index
    %swap3A_583 = arith.constant 0 : index
    %swap3A_584 = tpu.vector_load %arg16[%swap3A_582, %swap3A_583] {strides = array<i32>} : memref<4x128xi32, #tpu.memory_space<vmem>>, vector<16xi32>,
    tpu.vector_store %arg16[%swap3A_582, %swap3A_583], %shift_right_arithmetic3A_580 {strides = array<i32>} : memref<4x128xi32, #tpu.memory_space<vmem>>, vector<16xi32>,
    %get3A_585 = arith.constant 2 : i32
    %get3A_586 = arith.index_cast %get3A_585 : i32 to index
    %get3A_587 = arith.constant 0 : index
    %get3A_588 = tpu.vector_load %arg14[%get3A_586, %get3A_587] {strides = array<i32>} : memref<4x128xi32, #tpu.memory_space<vmem>>, vector<16xi32>,
    %shift_right_arithmetic3A_589 = arith.constant 2 : i32
    %shift_right_arithmetic3A_590 = vector.broadcast %shift_right_arithmetic3A_589 : i32 to vector<16xi32>
    %shift_right_arithmetic3A_591 = arith.shrsi %get3A_588, %shift_right_arithmetic3A_590 : vector<16xi32>
    %swap3A_592 = arith.constant 2 : i32
    %swap3A_593 = arith.index_cast %swap3A_592 : i32 to index
    %swap3A_594 = arith.constant 0 : index
    %swap3A_595 = tpu.vector_load %arg17[%swap3A_593, %swap3A_594] {strides = array<i32>} : memref<4x128xi32, #tpu.memory_space<vmem>>, vector<16xi32>,
    tpu.vector_store %arg17[%swap3A_593, %swap3A_594], %shift_right_arithmetic3A_591 {strides = array<i32>} : memref<4x128xi32, #tpu.memory_space<vmem>>, vector<16xi32>,
    %get3A_596 = arith.constant 2 : i32
    %get3A_597 = arith.index_cast %get3A_596 : i32 to index
    %get3A_598 = arith.constant 16 : index
    %get3A_599 = tpu.vector_load %arg12[%get3A_597, %get3A_598] {strides = array<i32>} : memref<4x128xi32, #tpu.memory_space<vmem>>, vector<16xi32>,
    %shift_right_arithmetic3A_600 = arith.constant 2 : i32
    %shift_right_arithmetic3A_601 = vector.broadcast %shift_right_arithmetic3A_600 : i32 to vector<16xi32>
    %shift_right_arithmetic3A_602 = arith.shrsi %get3A_599, %shift_right_arithmetic3A_601 : vector<16xi32>
    %swap3A_603 = arith.constant 2 : i32
    %swap3A_604 = arith.index_cast %swap3A_603 : i32 to index
    %swap3A_605 = arith.constant 16 : index
    %swap3A_606 = tpu.vector_load %arg15[%swap3A_604, %swap3A_605] {strides = array<i32>} : memref<4x128xi32, #tpu.memory_space<vmem>>, vector<16xi32>,
    tpu.vector_store %arg15[%swap3A_604, %swap3A_605], %shift_right_arithmetic3A_602 {strides = array<i32>} : memref<4x128xi32, #tpu.memory_space<vmem>>, vector<16xi32>,
    %get3A_607 = arith.constant 2 : i32
    %get3A_608 = arith.index_cast %get3A_607 : i32 to index
    %get3A_609 = arith.constant 16 : index
    %get3A_610 = tpu.vector_load %arg13[%get3A_608, %get3A_609] {strides = array<i32>} : memref<4x128xi32, #tpu.memory_space<vmem>>, vector<16xi32>,
    %shift_right_arithmetic3A_611 = arith.constant 2 : i32
    %shift_right_arithmetic3A_612 = vector.broadcast %shift_right_arithmetic3A_611 : i32 to vector<16xi32>
    %shift_right_arithmetic3A_613 = arith.shrsi %get3A_610, %shift_right_arithmetic3A_612 : vector<16xi32>
    %swap3A_614 = arith.constant 2 : i32
    %swap3A_615 = arith.index_cast %swap3A_614 : i32 to index
    %swap3A_616 = arith.constant 16 : index
    %swap3A_617 = tpu.vector_load %arg16[%swap3A_615, %swap3A_616] {strides = array<i32>} : memref<4x128xi32, #tpu.memory_space<vmem>>, vector<16xi32>,
    tpu.vector_store %arg16[%swap3A_615, %swap3A_616], %shift_right_arithmetic3A_613 {strides = array<i32>} : memref<4x128xi32, #tpu.memory_space<vmem>>, vector<16xi32>,
    %get3A_618 = arith.constant 2 : i32
    %get3A_619 = arith.index_cast %get3A_618 : i32 to index
    %get3A_620 = arith.constant 16 : index
    %get3A_621 = tpu.vector_load %arg14[%get3A_619, %get3A_620] {strides = array<i32>} : memref<4x128xi32, #tpu.memory_space<vmem>>, vector<16xi32>,
    %shift_right_arithmetic3A_622 = arith.constant 2 : i32
    %shift_right_arithmetic3A_623 = vector.broadcast %shift_right_arithmetic3A_622 : i32 to vector<16xi32>
    %shift_right_arithmetic3A_624 = arith.shrsi %get3A_621, %shift_right_arithmetic3A_623 : vector<16xi32>
    %swap3A_625 = arith.constant 2 : i32
    %swap3A_626 = arith.index_cast %swap3A_625 : i32 to index
    %swap3A_627 = arith.constant 16 : index
    %swap3A_628 = tpu.vector_load %arg17[%swap3A_626, %swap3A_627] {strides = array<i32>} : memref<4x128xi32, #tpu.memory_space<vmem>>, vector<16xi32>,
    tpu.vector_store %arg17[%swap3A_626, %swap3A_627], %shift_right_arithmetic3A_624 {strides = array<i32>} : memref<4x128xi32, #tpu.memory_space<vmem>>, vector<16xi32>,
    %get3A_629 = arith.constant 2 : i32
    %get3A_630 = arith.index_cast %get3A_629 : i32 to index
    %get3A_631 = arith.constant 32 : index
    %get3A_632 = tpu.vector_load %arg12[%get3A_630, %get3A_631] {strides = array<i32>} : memref<4x128xi32, #tpu.memory_space<vmem>>, vector<16xi32>,
    %shift_right_arithmetic3A_633 = arith.constant 2 : i32
    %shift_right_arithmetic3A_634 = vector.broadcast %shift_right_arithmetic3A_633 : i32 to vector<16xi32>
    %shift_right_arithmetic3A_635 = arith.shrsi %get3A_632, %shift_right_arithmetic3A_634 : vector<16xi32>
    %swap3A_636 = arith.constant 2 : i32
    %swap3A_637 = arith.index_cast %swap3A_636 : i32 to index
    %swap3A_638 = arith.constant 32 : index
    %swap3A_639 = tpu.vector_load %arg15[%swap3A_637, %swap3A_638] {strides = array<i32>} : memref<4x128xi32, #tpu.memory_space<vmem>>, vector<16xi32>,
    tpu.vector_store %arg15[%swap3A_637, %swap3A_638], %shift_right_arithmetic3A_635 {strides = array<i32>} : memref<4x128xi32, #tpu.memory_space<vmem>>, vector<16xi32>,
    %get3A_640 = arith.constant 2 : i32
    %get3A_641 = arith.index_cast %get3A_640 : i32 to index
    %get3A_642 = arith.constant 32 : index
    %get3A_643 = tpu.vector_load %arg13[%get3A_641, %get3A_642] {strides = array<i32>} : memref<4x128xi32, #tpu.memory_space<vmem>>, vector<16xi32>,
    %shift_right_arithmetic3A_644 = arith.constant 2 : i32
    %shift_right_arithmetic3A_645 = vector.broadcast %shift_right_arithmetic3A_644 : i32 to vector<16xi32>
    %shift_right_arithmetic3A_646 = arith.shrsi %get3A_643, %shift_right_arithmetic3A_645 : vector<16xi32>
    %swap3A_647 = arith.constant 2 : i32
    %swap3A_648 = arith.index_cast %swap3A_647 : i32 to index
    %swap3A_649 = arith.constant 32 : index
    %swap3A_650 = tpu.vector_load %arg16[%swap3A_648, %swap3A_649] {strides = array<i32>} : memref<4x128xi32, #tpu.memory_space<vmem>>, vector<16xi32>,
    tpu.vector_store %arg16[%swap3A_648, %swap3A_649], %shift_right_arithmetic3A_646 {strides = array<i32>} : memref<4x128xi32, #tpu.memory_space<vmem>>, vector<16xi32>,
    %get3A_651 = arith.constant 2 : i32
    %get3A_652 = arith.index_cast %get3A_651 : i32 to index
    %get3A_653 = arith.constant 32 : index
    %get3A_654 = tpu.vector_load %arg14[%get3A_652, %get3A_653] {strides = array<i32>} : memref<4x128xi32, #tpu.memory_space<vmem>>, vector<16xi32>,
    %shift_right_arithmetic3A_655 = arith.constant 2 : i32
    %shift_right_arithmetic3A_656 = vector.broadcast %shift_right_arithmetic3A_655 : i32 to vector<16xi32>
    %shift_right_arithmetic3A_657 = arith.shrsi %get3A_654, %shift_right_arithmetic3A_656 : vector<16xi32>
    %swap3A_658 = arith.constant 2 : i32
    %swap3A_659 = arith.index_cast %swap3A_658 : i32 to index
    %swap3A_660 = arith.constant 32 : index
    %swap3A_661 = tpu.vector_load %arg17[%swap3A_659, %swap3A_660] {strides = array<i32>} : memref<4x128xi32, #tpu.memory_space<vmem>>, vector<16xi32>,
    tpu.vector_store %arg17[%swap3A_659, %swap3A_660], %shift_right_arithmetic3A_657 {strides = array<i32>} : memref<4x128xi32, #tpu.memory_space<vmem>>, vector<16xi32>,
    %get3A_662 = arith.constant 2 : i32
    %get3A_663 = arith.index_cast %get3A_662 : i32 to index
    %get3A_664 = arith.constant 48 : index
    %get3A_665 = tpu.vector_load %arg12[%get3A_663, %get3A_664] {strides = array<i32>} : memref<4x128xi32, #tpu.memory_space<vmem>>, vector<16xi32>,
    %shift_right_arithmetic3A_666 = arith.constant 2 : i32
    %shift_right_arithmetic3A_667 = vector.broadcast %shift_right_arithmetic3A_666 : i32 to vector<16xi32>
    %shift_right_arithmetic3A_668 = arith.shrsi %get3A_665, %shift_right_arithmetic3A_667 : vector<16xi32>
    %swap3A_669 = arith.constant 2 : i32
    %swap3A_670 = arith.index_cast %swap3A_669 : i32 to index
    %swap3A_671 = arith.constant 48 : index
    %swap3A_672 = tpu.vector_load %arg15[%swap3A_670, %swap3A_671] {strides = array<i32>} : memref<4x128xi32, #tpu.memory_space<vmem>>, vector<16xi32>,
    tpu.vector_store %arg15[%swap3A_670, %swap3A_671], %shift_right_arithmetic3A_668 {strides = array<i32>} : memref<4x128xi32, #tpu.memory_space<vmem>>, vector<16xi32>,
    %get3A_673 = arith.constant 2 : i32
    %get3A_674 = arith.index_cast %get3A_673 : i32 to index
    %get3A_675 = arith.constant 48 : index
    %get3A_676 = tpu.vector_load %arg13[%get3A_674, %get3A_675] {strides = array<i32>} : memref<4x128xi32, #tpu.memory_space<vmem>>, vector<16xi32>,
    %shift_right_arithmetic3A_677 = arith.constant 2 : i32
    %shift_right_arithmetic3A_678 = vector.broadcast %shift_right_arithmetic3A_677 : i32 to vector<16xi32>
    %shift_right_arithmetic3A_679 = arith.shrsi %get3A_676, %shift_right_arithmetic3A_678 : vector<16xi32>
    %swap3A_680 = arith.constant 2 : i32
    %swap3A_681 = arith.index_cast %swap3A_680 : i32 to index
    %swap3A_682 = arith.constant 48 : index
    %swap3A_683 = tpu.vector_load %arg16[%swap3A_681, %swap3A_682] {strides = array<i32>} : memref<4x128xi32, #tpu.memory_space<vmem>>, vector<16xi32>,
    tpu.vector_store %arg16[%swap3A_681, %swap3A_682], %shift_right_arithmetic3A_679 {strides = array<i32>} : memref<4x128xi32, #tpu.memory_space<vmem>>, vector<16xi32>,
    %get3A_684 = arith.constant 2 : i32
    %get3A_685 = arith.index_cast %get3A_684 : i32 to index
    %get3A_686 = arith.constant 48 : index
    %get3A_687 = tpu.vector_load %arg14[%get3A_685, %get3A_686] {strides = array<i32>} : memref<4x128xi32, #tpu.memory_space<vmem>>, vector<16xi32>,
    %shift_right_arithmetic3A_688 = arith.constant 2 : i32
    %shift_right_arithmetic3A_689 = vector.broadcast %shift_right_arithmetic3A_688 : i32 to vector<16xi32>
    %shift_right_arithmetic3A_690 = arith.shrsi %get3A_687, %shift_right_arithmetic3A_689 : vector<16xi32>
    %swap3A_691 = arith.constant 2 : i32
    %swap3A_692 = arith.index_cast %swap3A_691 : i32 to index
    %swap3A_693 = arith.constant 48 : index
    %swap3A_694 = tpu.vector_load %arg17[%swap3A_692, %swap3A_693] {strides = array<i32>} : memref<4x128xi32, #tpu.memory_space<vmem>>, vector<16xi32>,
    tpu.vector_store %arg17[%swap3A_692, %swap3A_693], %shift_right_arithmetic3A_690 {strides = array<i32>} : memref<4x128xi32, #tpu.memory_space<vmem>>, vector<16xi32>,
    %get3A_695 = arith.constant 2 : i32
    %get3A_696 = arith.index_cast %get3A_695 : i32 to index
    %get3A_697 = arith.constant 64 : index
    %get3A_698 = tpu.vector_load %arg12[%get3A_696, %get3A_697] {strides = array<i32>} : memref<4x128xi32, #tpu.memory_space<vmem>>, vector<16xi32>,
    %shift_right_arithmetic3A_699 = arith.constant 2 : i32
    %shift_right_arithmetic3A_700 = vector.broadcast %shift_right_arithmetic3A_699 : i32 to vector<16xi32>
    %shift_right_arithmetic3A_701 = arith.shrsi %get3A_698, %shift_right_arithmetic3A_700 : vector<16xi32>
    %swap3A_702 = arith.constant 2 : i32
    %swap3A_703 = arith.index_cast %swap3A_702 : i32 to index
    %swap3A_704 = arith.constant 64 : index
    %swap3A_705 = tpu.vector_load %arg15[%swap3A_703, %swap3A_704] {strides = array<i32>} : memref<4x128xi32, #tpu.memory_space<vmem>>, vector<16xi32>,
    tpu.vector_store %arg15[%swap3A_703, %swap3A_704], %shift_right_arithmetic3A_701 {strides = array<i32>} : memref<4x128xi32, #tpu.memory_space<vmem>>, vector<16xi32>,
    %get3A_706 = arith.constant 2 : i32
    %get3A_707 = arith.index_cast %get3A_706 : i32 to index
    %get3A_708 = arith.constant 64 : index
    %get3A_709 = tpu.vector_load %arg13[%get3A_707, %get3A_708] {strides = array<i32>} : memref<4x128xi32, #tpu.memory_space<vmem>>, vector<16xi32>,
    %shift_right_arithmetic3A_710 = arith.constant 2 : i32
    %shift_right_arithmetic3A_711 = vector.broadcast %shift_right_arithmetic3A_710 : i32 to vector<16xi32>
    %shift_right_arithmetic3A_712 = arith.shrsi %get3A_709, %shift_right_arithmetic3A_711 : vector<16xi32>
    %swap3A_713 = arith.constant 2 : i32
    %swap3A_714 = arith.index_cast %swap3A_713 : i32 to index
    %swap3A_715 = arith.constant 64 : index
    %swap3A_716 = tpu.vector_load %arg16[%swap3A_714, %swap3A_715] {strides = array<i32>} : memref<4x128xi32, #tpu.memory_space<vmem>>, vector<16xi32>,
    tpu.vector_store %arg16[%swap3A_714, %swap3A_715], %shift_right_arithmetic3A_712 {strides = array<i32>} : memref<4x128xi32, #tpu.memory_space<vmem>>, vector<16xi32>,
    %get3A_717 = arith.constant 2 : i32
    %get3A_718 = arith.index_cast %get3A_717 : i32 to index
    %get3A_719 = arith.constant 64 : index
    %get3A_720 = tpu.vector_load %arg14[%get3A_718, %get3A_719] {strides = array<i32>} : memref<4x128xi32, #tpu.memory_space<vmem>>, vector<16xi32>,
    %shift_right_arithmetic3A_721 = arith.constant 2 : i32
    %shift_right_arithmetic3A_722 = vector.broadcast %shift_right_arithmetic3A_721 : i32 to vector<16xi32>
    %shift_right_arithmetic3A_723 = arith.shrsi %get3A_720, %shift_right_arithmetic3A_722 : vector<16xi32>
    %swap3A_724 = arith.constant 2 : i32
    %swap3A_725 = arith.index_cast %swap3A_724 : i32 to index
    %swap3A_726 = arith.constant 64 : index
    %swap3A_727 = tpu.vector_load %arg17[%swap3A_725, %swap3A_726] {strides = array<i32>} : memref<4x128xi32, #tpu.memory_space<vmem>>, vector<16xi32>,
    tpu.vector_store %arg17[%swap3A_725, %swap3A_726], %shift_right_arithmetic3A_723 {strides = array<i32>} : memref<4x128xi32, #tpu.memory_space<vmem>>, vector<16xi32>,
    %get3A_728 = arith.constant 2 : i32
    %get3A_729 = arith.index_cast %get3A_728 : i32 to index
    %get3A_730 = arith.constant 80 : index
    %get3A_731 = tpu.vector_load %arg12[%get3A_729, %get3A_730] {strides = array<i32>} : memref<4x128xi32, #tpu.memory_space<vmem>>, vector<16xi32>,
    %shift_right_arithmetic3A_732 = arith.constant 2 : i32
    %shift_right_arithmetic3A_733 = vector.broadcast %shift_right_arithmetic3A_732 : i32 to vector<16xi32>
    %shift_right_arithmetic3A_734 = arith.shrsi %get3A_731, %shift_right_arithmetic3A_733 : vector<16xi32>
    %swap3A_735 = arith.constant 2 : i32
    %swap3A_736 = arith.index_cast %swap3A_735 : i32 to index
    %swap3A_737 = arith.constant 80 : index
    %swap3A_738 = tpu.vector_load %arg15[%swap3A_736, %swap3A_737] {strides = array<i32>} : memref<4x128xi32, #tpu.memory_space<vmem>>, vector<16xi32>,
    tpu.vector_store %arg15[%swap3A_736, %swap3A_737], %shift_right_arithmetic3A_734 {strides = array<i32>} : memref<4x128xi32, #tpu.memory_space<vmem>>, vector<16xi32>,
    %get3A_739 = arith.constant 2 : i32
    %get3A_740 = arith.index_cast %get3A_739 : i32 to index
    %get3A_741 = arith.constant 80 : index
    %get3A_742 = tpu.vector_load %arg13[%get3A_740, %get3A_741] {strides = array<i32>} : memref<4x128xi32, #tpu.memory_space<vmem>>, vector<16xi32>,
    %shift_right_arithmetic3A_743 = arith.constant 2 : i32
    %shift_right_arithmetic3A_744 = vector.broadcast %shift_right_arithmetic3A_743 : i32 to vector<16xi32>
    %shift_right_arithmetic3A_745 = arith.shrsi %get3A_742, %shift_right_arithmetic3A_744 : vector<16xi32>
    %swap3A_746 = arith.constant 2 : i32
    %swap3A_747 = arith.index_cast %swap3A_746 : i32 to index
    %swap3A_748 = arith.constant 80 : index
    %swap3A_749 = tpu.vector_load %arg16[%swap3A_747, %swap3A_748] {strides = array<i32>} : memref<4x128xi32, #tpu.memory_space<vmem>>, vector<16xi32>,
    tpu.vector_store %arg16[%swap3A_747, %swap3A_748], %shift_right_arithmetic3A_745 {strides = array<i32>} : memref<4x128xi32, #tpu.memory_space<vmem>>, vector<16xi32>,
    %get3A_750 = arith.constant 2 : i32
    %get3A_751 = arith.index_cast %get3A_750 : i32 to index
    %get3A_752 = arith.constant 80 : index
    %get3A_753 = tpu.vector_load %arg14[%get3A_751, %get3A_752] {strides = array<i32>} : memref<4x128xi32, #tpu.memory_space<vmem>>, vector<16xi32>,
    %shift_right_arithmetic3A_754 = arith.constant 2 : i32
    %shift_right_arithmetic3A_755 = vector.broadcast %shift_right_arithmetic3A_754 : i32 to vector<16xi32>
    %shift_right_arithmetic3A_756 = arith.shrsi %get3A_753, %shift_right_arithmetic3A_755 : vector<16xi32>
    %swap3A_757 = arith.constant 2 : i32
    %swap3A_758 = arith.index_cast %swap3A_757 : i32 to index
    %swap3A_759 = arith.constant 80 : index
    %swap3A_760 = tpu.vector_load %arg17[%swap3A_758, %swap3A_759] {strides = array<i32>} : memref<4x128xi32, #tpu.memory_space<vmem>>, vector<16xi32>,
    tpu.vector_store %arg17[%swap3A_758, %swap3A_759], %shift_right_arithmetic3A_756 {strides = array<i32>} : memref<4x128xi32, #tpu.memory_space<vmem>>, vector<16xi32>,
    %get3A_761 = arith.constant 2 : i32
    %get3A_762 = arith.index_cast %get3A_761 : i32 to index
    %get3A_763 = arith.constant 96 : index
    %get3A_764 = tpu.vector_load %arg12[%get3A_762, %get3A_763] {strides = array<i32>} : memref<4x128xi32, #tpu.memory_space<vmem>>, vector<16xi32>,
    %shift_right_arithmetic3A_765 = arith.constant 2 : i32
    %shift_right_arithmetic3A_766 = vector.broadcast %shift_right_arithmetic3A_765 : i32 to vector<16xi32>
    %shift_right_arithmetic3A_767 = arith.shrsi %get3A_764, %shift_right_arithmetic3A_766 : vector<16xi32>
    %swap3A_768 = arith.constant 2 : i32
    %swap3A_769 = arith.index_cast %swap3A_768 : i32 to index
    %swap3A_770 = arith.constant 96 : index
    %swap3A_771 = tpu.vector_load %arg15[%swap3A_769, %swap3A_770] {strides = array<i32>} : memref<4x128xi32, #tpu.memory_space<vmem>>, vector<16xi32>,
    tpu.vector_store %arg15[%swap3A_769, %swap3A_770], %shift_right_arithmetic3A_767 {strides = array<i32>} : memref<4x128xi32, #tpu.memory_space<vmem>>, vector<16xi32>,
    %get3A_772 = arith.constant 2 : i32
    %get3A_773 = arith.index_cast %get3A_772 : i32 to index
    %get3A_774 = arith.constant 96 : index
    %get3A_775 = tpu.vector_load %arg13[%get3A_773, %get3A_774] {strides = array<i32>} : memref<4x128xi32, #tpu.memory_space<vmem>>, vector<16xi32>,
    %shift_right_arithmetic3A_776 = arith.constant 2 : i32
    %shift_right_arithmetic3A_777 = vector.broadcast %shift_right_arithmetic3A_776 : i32 to vector<16xi32>
    %shift_right_arithmetic3A_778 = arith.shrsi %get3A_775, %shift_right_arithmetic3A_777 : vector<16xi32>
    %swap3A_779 = arith.constant 2 : i32
    %swap3A_780 = arith.index_cast %swap3A_779 : i32 to index
    %swap3A_781 = arith.constant 96 : index
    %swap3A_782 = tpu.vector_load %arg16[%swap3A_780, %swap3A_781] {strides = array<i32>} : memref<4x128xi32, #tpu.memory_space<vmem>>, vector<16xi32>,
    tpu.vector_store %arg16[%swap3A_780, %swap3A_781], %shift_right_arithmetic3A_778 {strides = array<i32>} : memref<4x128xi32, #tpu.memory_space<vmem>>, vector<16xi32>,
    %get3A_783 = arith.constant 2 : i32
    %get3A_784 = arith.index_cast %get3A_783 : i32 to index
    %get3A_785 = arith.constant 96 : index
    %get3A_786 = tpu.vector_load %arg14[%get3A_784, %get3A_785] {strides = array<i32>} : memref<4x128xi32, #tpu.memory_space<vmem>>, vector<16xi32>,
    %shift_right_arithmetic3A_787 = arith.constant 2 : i32
    %shift_right_arithmetic3A_788 = vector.broadcast %shift_right_arithmetic3A_787 : i32 to vector<16xi32>
    %shift_right_arithmetic3A_789 = arith.shrsi %get3A_786, %shift_right_arithmetic3A_788 : vector<16xi32>
    %swap3A_790 = arith.constant 2 : i32
    %swap3A_791 = arith.index_cast %swap3A_790 : i32 to index
    %swap3A_792 = arith.constant 96 : index
    %swap3A_793 = tpu.vector_load %arg17[%swap3A_791, %swap3A_792] {strides = array<i32>} : memref<4x128xi32, #tpu.memory_space<vmem>>, vector<16xi32>,
    tpu.vector_store %arg17[%swap3A_791, %swap3A_792], %shift_right_arithmetic3A_789 {strides = array<i32>} : memref<4x128xi32, #tpu.memory_space<vmem>>, vector<16xi32>,
    %get3A_794 = arith.constant 2 : i32
    %get3A_795 = arith.index_cast %get3A_794 : i32 to index
    %get3A_796 = arith.constant 112 : index
    %get3A_797 = tpu.vector_load %arg12[%get3A_795, %get3A_796] {strides = array<i32>} : memref<4x128xi32, #tpu.memory_space<vmem>>, vector<16xi32>,
    %shift_right_arithmetic3A_798 = arith.constant 2 : i32
    %shift_right_arithmetic3A_799 = vector.broadcast %shift_right_arithmetic3A_798 : i32 to vector<16xi32>
    %shift_right_arithmetic3A_800 = arith.shrsi %get3A_797, %shift_right_arithmetic3A_799 : vector<16xi32>
    %swap3A_801 = arith.constant 2 : i32
    %swap3A_802 = arith.index_cast %swap3A_801 : i32 to index
    %swap3A_803 = arith.constant 112 : index
    %swap3A_804 = tpu.vector_load %arg15[%swap3A_802, %swap3A_803] {strides = array<i32>} : memref<4x128xi32, #tpu.memory_space<vmem>>, vector<16xi32>,
    tpu.vector_store %arg15[%swap3A_802, %swap3A_803], %shift_right_arithmetic3A_800 {strides = array<i32>} : memref<4x128xi32, #tpu.memory_space<vmem>>, vector<16xi32>,
    %get3A_805 = arith.constant 2 : i32
    %get3A_806 = arith.index_cast %get3A_805 : i32 to index
    %get3A_807 = arith.constant 112 : index
    %get3A_808 = tpu.vector_load %arg13[%get3A_806, %get3A_807] {strides = array<i32>} : memref<4x128xi32, #tpu.memory_space<vmem>>, vector<16xi32>,
    %shift_right_arithmetic3A_809 = arith.constant 2 : i32
    %shift_right_arithmetic3A_810 = vector.broadcast %shift_right_arithmetic3A_809 : i32 to vector<16xi32>
    %shift_right_arithmetic3A_811 = arith.shrsi %get3A_808, %shift_right_arithmetic3A_810 : vector<16xi32>
    %swap3A_812 = arith.constant 2 : i32
    %swap3A_813 = arith.index_cast %swap3A_812 : i32 to index
    %swap3A_814 = arith.constant 112 : index
    %swap3A_815 = tpu.vector_load %arg16[%swap3A_813, %swap3A_814] {strides = array<i32>} : memref<4x128xi32, #tpu.memory_space<vmem>>, vector<16xi32>,
    tpu.vector_store %arg16[%swap3A_813, %swap3A_814], %shift_right_arithmetic3A_811 {strides = array<i32>} : memref<4x128xi32, #tpu.memory_space<vmem>>, vector<16xi32>,
    %get3A_816 = arith.constant 2 : i32
    %get3A_817 = arith.index_cast %get3A_816 : i32 to index
    %get3A_818 = arith.constant 112 : index
    %get3A_819 = tpu.vector_load %arg14[%get3A_817, %get3A_818] {strides = array<i32>} : memref<4x128xi32, #tpu.memory_space<vmem>>, vector<16xi32>,
    %shift_right_arithmetic3A_820 = arith.constant 2 : i32
    %shift_right_arithmetic3A_821 = vector.broadcast %shift_right_arithmetic3A_820 : i32 to vector<16xi32>
    %shift_right_arithmetic3A_822 = arith.shrsi %get3A_819, %shift_right_arithmetic3A_821 : vector<16xi32>
    %swap3A_823 = arith.constant 2 : i32
    %swap3A_824 = arith.index_cast %swap3A_823 : i32 to index
    %swap3A_825 = arith.constant 112 : index
    %swap3A_826 = tpu.vector_load %arg17[%swap3A_824, %swap3A_825] {strides = array<i32>} : memref<4x128xi32, #tpu.memory_space<vmem>>, vector<16xi32>,
    tpu.vector_store %arg17[%swap3A_824, %swap3A_825], %shift_right_arithmetic3A_822 {strides = array<i32>} : memref<4x128xi32, #tpu.memory_space<vmem>>, vector<16xi32>,
    %get3A_827 = arith.constant 3 : i32
    %get3A_828 = arith.index_cast %get3A_827 : i32 to index
    %get3A_829 = arith.constant 0 : index
    %get3A_830 = tpu.vector_load %arg12[%get3A_828, %get3A_829] {strides = array<i32>} : memref<4x128xi32, #tpu.memory_space<vmem>>, vector<16xi32>,
    %shift_right_arithmetic3A_831 = arith.constant 2 : i32
    %shift_right_arithmetic3A_832 = vector.broadcast %shift_right_arithmetic3A_831 : i32 to vector<16xi32>
    %shift_right_arithmetic3A_833 = arith.shrsi %get3A_830, %shift_right_arithmetic3A_832 : vector<16xi32>
    %swap3A_834 = arith.constant 3 : i32
    %swap3A_835 = arith.index_cast %swap3A_834 : i32 to index
    %swap3A_836 = arith.constant 0 : index
    %swap3A_837 = tpu.vector_load %arg15[%swap3A_835, %swap3A_836] {strides = array<i32>} : memref<4x128xi32, #tpu.memory_space<vmem>>, vector<16xi32>,
    tpu.vector_store %arg15[%swap3A_835, %swap3A_836], %shift_right_arithmetic3A_833 {strides = array<i32>} : memref<4x128xi32, #tpu.memory_space<vmem>>, vector<16xi32>,
    %get3A_838 = arith.constant 3 : i32
    %get3A_839 = arith.index_cast %get3A_838 : i32 to index
    %get3A_840 = arith.constant 0 : index
    %get3A_841 = tpu.vector_load %arg13[%get3A_839, %get3A_840] {strides = array<i32>} : memref<4x128xi32, #tpu.memory_space<vmem>>, vector<16xi32>,
    %shift_right_arithmetic3A_842 = arith.constant 2 : i32
    %shift_right_arithmetic3A_843 = vector.broadcast %shift_right_arithmetic3A_842 : i32 to vector<16xi32>
    %shift_right_arithmetic3A_844 = arith.shrsi %get3A_841, %shift_right_arithmetic3A_843 : vector<16xi32>
    %swap3A_845 = arith.constant 3 : i32
    %swap3A_846 = arith.index_cast %swap3A_845 : i32 to index
    %swap3A_847 = arith.constant 0 : index
    %swap3A_848 = tpu.vector_load %arg16[%swap3A_846, %swap3A_847] {strides = array<i32>} : memref<4x128xi32, #tpu.memory_space<vmem>>, vector<16xi32>,
    tpu.vector_store %arg16[%swap3A_846, %swap3A_847], %shift_right_arithmetic3A_844 {strides = array<i32>} : memref<4x128xi32, #tpu.memory_space<vmem>>, vector<16xi32>,
    %get3A_849 = arith.constant 3 : i32
    %get3A_850 = arith.index_cast %get3A_849 : i32 to index
    %get3A_851 = arith.constant 0 : index
    %get3A_852 = tpu.vector_load %arg14[%get3A_850, %get3A_851] {strides = array<i32>} : memref<4x128xi32, #tpu.memory_space<vmem>>, vector<16xi32>,
    %shift_right_arithmetic3A_853 = arith.constant 2 : i32
    %shift_right_arithmetic3A_854 = vector.broadcast %shift_right_arithmetic3A_853 : i32 to vector<16xi32>
    %shift_right_arithmetic3A_855 = arith.shrsi %get3A_852, %shift_right_arithmetic3A_854 : vector<16xi32>
    %swap3A_856 = arith.constant 3 : i32
    %swap3A_857 = arith.index_cast %swap3A_856 : i32 to index
    %swap3A_858 = arith.constant 0 : index
    %swap3A_859 = tpu.vector_load %arg17[%swap3A_857, %swap3A_858] {strides = array<i32>} : memref<4x128xi32, #tpu.memory_space<vmem>>, vector<16xi32>,
    tpu.vector_store %arg17[%swap3A_857, %swap3A_858], %shift_right_arithmetic3A_855 {strides = array<i32>} : memref<4x128xi32, #tpu.memory_space<vmem>>, vector<16xi32>,
    %get3A_860 = arith.constant 3 : i32
    %get3A_861 = arith.index_cast %get3A_860 : i32 to index
    %get3A_862 = arith.constant 16 : index
    %get3A_863 = tpu.vector_load %arg12[%get3A_861, %get3A_862] {strides = array<i32>} : memref<4x128xi32, #tpu.memory_space<vmem>>, vector<16xi32>,
    %shift_right_arithmetic3A_864 = arith.constant 2 : i32
    %shift_right_arithmetic3A_865 = vector.broadcast %shift_right_arithmetic3A_864 : i32 to vector<16xi32>
    %shift_right_arithmetic3A_866 = arith.shrsi %get3A_863, %shift_right_arithmetic3A_865 : vector<16xi32>
    %swap3A_867 = arith.constant 3 : i32
    %swap3A_868 = arith.index_cast %swap3A_867 : i32 to index
    %swap3A_869 = arith.constant 16 : index
    %swap3A_870 = tpu.vector_load %arg15[%swap3A_868, %swap3A_869] {strides = array<i32>} : memref<4x128xi32, #tpu.memory_space<vmem>>, vector<16xi32>,
    tpu.vector_store %arg15[%swap3A_868, %swap3A_869], %shift_right_arithmetic3A_866 {strides = array<i32>} : memref<4x128xi32, #tpu.memory_space<vmem>>, vector<16xi32>,
    %get3A_871 = arith.constant 3 : i32
    %get3A_872 = arith.index_cast %get3A_871 : i32 to index
    %get3A_873 = arith.constant 16 : index
    %get3A_874 = tpu.vector_load %arg13[%get3A_872, %get3A_873] {strides = array<i32>} : memref<4x128xi32, #tpu.memory_space<vmem>>, vector<16xi32>,
    %shift_right_arithmetic3A_875 = arith.constant 2 : i32
    %shift_right_arithmetic3A_876 = vector.broadcast %shift_right_arithmetic3A_875 : i32 to vector<16xi32>
    %shift_right_arithmetic3A_877 = arith.shrsi %get3A_874, %shift_right_arithmetic3A_876 : vector<16xi32>
    %swap3A_878 = arith.constant 3 : i32
    %swap3A_879 = arith.index_cast %swap3A_878 : i32 to index
    %swap3A_880 = arith.constant 16 : index
    %swap3A_881 = tpu.vector_load %arg16[%swap3A_879, %swap3A_880] {strides = array<i32>} : memref<4x128xi32, #tpu.memory_space<vmem>>, vector<16xi32>,
    tpu.vector_store %arg16[%swap3A_879, %swap3A_880], %shift_right_arithmetic3A_877 {strides = array<i32>} : memref<4x128xi32, #tpu.memory_space<vmem>>, vector<16xi32>,
    %get3A_882 = arith.constant 3 : i32
    %get3A_883 = arith.index_cast %get3A_882 : i32 to index
    %get3A_884 = arith.constant 16 : index
    %get3A_885 = tpu.vector_load %arg14[%get3A_883, %get3A_884] {strides = array<i32>} : memref<4x128xi32, #tpu.memory_space<vmem>>, vector<16xi32>,
    %shift_right_arithmetic3A_886 = arith.constant 2 : i32
    %shift_right_arithmetic3A_887 = vector.broadcast %shift_right_arithmetic3A_886 : i32 to vector<16xi32>
    %shift_right_arithmetic3A_888 = arith.shrsi %get3A_885, %shift_right_arithmetic3A_887 : vector<16xi32>
    %swap3A_889 = arith.constant 3 : i32
    %swap3A_890 = arith.index_cast %swap3A_889 : i32 to index
    %swap3A_891 = arith.constant 16 : index
    %swap3A_892 = tpu.vector_load %arg17[%swap3A_890, %swap3A_891] {strides = array<i32>} : memref<4x128xi32, #tpu.memory_space<vmem>>, vector<16xi32>,
    tpu.vector_store %arg17[%swap3A_890, %swap3A_891], %shift_right_arithmetic3A_888 {strides = array<i32>} : memref<4x128xi32, #tpu.memory_space<vmem>>, vector<16xi32>,
    %get3A_893 = arith.constant 3 : i32
    %get3A_894 = arith.index_cast %get3A_893 : i32 to index
    %get3A_895 = arith.constant 32 : index
    %get3A_896 = tpu.vector_load %arg12[%get3A_894, %get3A_895] {strides = array<i32>} : memref<4x128xi32, #tpu.memory_space<vmem>>, vector<16xi32>,
    %shift_right_arithmetic3A_897 = arith.constant 2 : i32
    %shift_right_arithmetic3A_898 = vector.broadcast %shift_right_arithmetic3A_897 : i32 to vector<16xi32>
    %shift_right_arithmetic3A_899 = arith.shrsi %get3A_896, %shift_right_arithmetic3A_898 : vector<16xi32>
    %swap3A_900 = arith.constant 3 : i32
    %swap3A_901 = arith.index_cast %swap3A_900 : i32 to index
    %swap3A_902 = arith.constant 32 : index
    %swap3A_903 = tpu.vector_load %arg15[%swap3A_901, %swap3A_902] {strides = array<i32>} : memref<4x128xi32, #tpu.memory_space<vmem>>, vector<16xi32>,
    tpu.vector_store %arg15[%swap3A_901, %swap3A_902], %shift_right_arithmetic3A_899 {strides = array<i32>} : memref<4x128xi32, #tpu.memory_space<vmem>>, vector<16xi32>,
    %get3A_904 = arith.constant 3 : i32
    %get3A_905 = arith.index_cast %get3A_904 : i32 to index
    %get3A_906 = arith.constant 32 : index
    %get3A_907 = tpu.vector_load %arg13[%get3A_905, %get3A_906] {strides = array<i32>} : memref<4x128xi32, #tpu.memory_space<vmem>>, vector<16xi32>,
    %shift_right_arithmetic3A_908 = arith.constant 2 : i32
    %shift_right_arithmetic3A_909 = vector.broadcast %shift_right_arithmetic3A_908 : i32 to vector<16xi32>
    %shift_right_arithmetic3A_910 = arith.shrsi %get3A_907, %shift_right_arithmetic3A_909 : vector<16xi32>
    %swap3A_911 = arith.constant 3 : i32
    %swap3A_912 = arith.index_cast %swap3A_911 : i32 to index
    %swap3A_913 = arith.constant 32 : index
    %swap3A_914 = tpu.vector_load %arg16[%swap3A_912, %swap3A_913] {strides = array<i32>} : memref<4x128xi32, #tpu.memory_space<vmem>>, vector<16xi32>,
    tpu.vector_store %arg16[%swap3A_912, %swap3A_913], %shift_right_arithmetic3A_910 {strides = array<i32>} : memref<4x128xi32, #tpu.memory_space<vmem>>, vector<16xi32>,
    %get3A_915 = arith.constant 3 : i32
    %get3A_916 = arith.index_cast %get3A_915 : i32 to index
    %get3A_917 = arith.constant 32 : index
    %get3A_918 = tpu.vector_load %arg14[%get3A_916, %get3A_917] {strides = array<i32>} : memref<4x128xi32, #tpu.memory_space<vmem>>, vector<16xi32>,
    %shift_right_arithmetic3A_919 = arith.constant 2 : i32
    %shift_right_arithmetic3A_920 = vector.broadcast %shift_right_arithmetic3A_919 : i32 to vector<16xi32>
    %shift_right_arithmetic3A_921 = arith.shrsi %get3A_918, %shift_right_arithmetic3A_920 : vector<16xi32>
    %swap3A_922 = arith.constant 3 : i32
    %swap3A_923 = arith.index_cast %swap3A_922 : i32 to index
    %swap3A_924 = arith.constant 32 : index
    %swap3A_925 = tpu.vector_load %arg17[%swap3A_923, %swap3A_924] {strides = array<i32>} : memref<4x128xi32, #tpu.memory_space<vmem>>, vector<16xi32>,
    tpu.vector_store %arg17[%swap3A_923, %swap3A_924], %shift_right_arithmetic3A_921 {strides = array<i32>} : memref<4x128xi32, #tpu.memory_space<vmem>>, vector<16xi32>,
    %get3A_926 = arith.constant 3 : i32
    %get3A_927 = arith.index_cast %get3A_926 : i32 to index
    %get3A_928 = arith.constant 48 : index
    %get3A_929 = tpu.vector_load %arg12[%get3A_927, %get3A_928] {strides = array<i32>} : memref<4x128xi32, #tpu.memory_space<vmem>>, vector<16xi32>,
    %shift_right_arithmetic3A_930 = arith.constant 2 : i32
    %shift_right_arithmetic3A_931 = vector.broadcast %shift_right_arithmetic3A_930 : i32 to vector<16xi32>
    %shift_right_arithmetic3A_932 = arith.shrsi %get3A_929, %shift_right_arithmetic3A_931 : vector<16xi32>
    %swap3A_933 = arith.constant 3 : i32
    %swap3A_934 = arith.index_cast %swap3A_933 : i32 to index
    %swap3A_935 = arith.constant 48 : index
    %swap3A_936 = tpu.vector_load %arg15[%swap3A_934, %swap3A_935] {strides = array<i32>} : memref<4x128xi32, #tpu.memory_space<vmem>>, vector<16xi32>,
    tpu.vector_store %arg15[%swap3A_934, %swap3A_935], %shift_right_arithmetic3A_932 {strides = array<i32>} : memref<4x128xi32, #tpu.memory_space<vmem>>, vector<16xi32>,
    %get3A_937 = arith.constant 3 : i32
    %get3A_938 = arith.index_cast %get3A_937 : i32 to index
    %get3A_939 = arith.constant 48 : index
    %get3A_940 = tpu.vector_load %arg13[%get3A_938, %get3A_939] {strides = array<i32>} : memref<4x128xi32, #tpu.memory_space<vmem>>, vector<16xi32>,
    %shift_right_arithmetic3A_941 = arith.constant 2 : i32
    %shift_right_arithmetic3A_942 = vector.broadcast %shift_right_arithmetic3A_941 : i32 to vector<16xi32>
    %shift_right_arithmetic3A_943 = arith.shrsi %get3A_940, %shift_right_arithmetic3A_942 : vector<16xi32>
    %swap3A_944 = arith.constant 3 : i32
    %swap3A_945 = arith.index_cast %swap3A_944 : i32 to index
    %swap3A_946 = arith.constant 48 : index
    %swap3A_947 = tpu.vector_load %arg16[%swap3A_945, %swap3A_946] {strides = array<i32>} : memref<4x128xi32, #tpu.memory_space<vmem>>, vector<16xi32>,
    tpu.vector_store %arg16[%swap3A_945, %swap3A_946], %shift_right_arithmetic3A_943 {strides = array<i32>} : memref<4x128xi32, #tpu.memory_space<vmem>>, vector<16xi32>,
    %get3A_948 = arith.constant 3 : i32
    %get3A_949 = arith.index_cast %get3A_948 : i32 to index
    %get3A_950 = arith.constant 48 : index
    %get3A_951 = tpu.vector_load %arg14[%get3A_949, %get3A_950] {strides = array<i32>} : memref<4x128xi32, #tpu.memory_space<vmem>>, vector<16xi32>,
    %shift_right_arithmetic3A_952 = arith.constant 2 : i32
    %shift_right_arithmetic3A_953 = vector.broadcast %shift_right_arithmetic3A_952 : i32 to vector<16xi32>
    %shift_right_arithmetic3A_954 = arith.shrsi %get3A_951, %shift_right_arithmetic3A_953 : vector<16xi32>
    %swap3A_955 = arith.constant 3 : i32
    %swap3A_956 = arith.index_cast %swap3A_955 : i32 to index
    %swap3A_957 = arith.constant 48 : index
    %swap3A_958 = tpu.vector_load %arg17[%swap3A_956, %swap3A_957] {strides = array<i32>} : memref<4x128xi32, #tpu.memory_space<vmem>>, vector<16xi32>,
    tpu.vector_store %arg17[%swap3A_956, %swap3A_957], %shift_right_arithmetic3A_954 {strides = array<i32>} : memref<4x128xi32, #tpu.memory_space<vmem>>, vector<16xi32>,
    %get3A_959 = arith.constant 3 : i32
    %get3A_960 = arith.index_cast %get3A_959 : i32 to index
    %get3A_961 = arith.constant 64 : index
    %get3A_962 = tpu.vector_load %arg12[%get3A_960, %get3A_961] {strides = array<i32>} : memref<4x128xi32, #tpu.memory_space<vmem>>, vector<16xi32>,
    %shift_right_arithmetic3A_963 = arith.constant 2 : i32
    %shift_right_arithmetic3A_964 = vector.broadcast %shift_right_arithmetic3A_963 : i32 to vector<16xi32>
    %shift_right_arithmetic3A_965 = arith.shrsi %get3A_962, %shift_right_arithmetic3A_964 : vector<16xi32>
    %swap3A_966 = arith.constant 3 : i32
    %swap3A_967 = arith.index_cast %swap3A_966 : i32 to index
    %swap3A_968 = arith.constant 64 : index
    %swap3A_969 = tpu.vector_load %arg15[%swap3A_967, %swap3A_968] {strides = array<i32>} : memref<4x128xi32, #tpu.memory_space<vmem>>, vector<16xi32>,
    tpu.vector_store %arg15[%swap3A_967, %swap3A_968], %shift_right_arithmetic3A_965 {strides = array<i32>} : memref<4x128xi32, #tpu.memory_space<vmem>>, vector<16xi32>,
    %get3A_970 = arith.constant 3 : i32
    %get3A_971 = arith.index_cast %get3A_970 : i32 to index
    %get3A_972 = arith.constant 64 : index
    %get3A_973 = tpu.vector_load %arg13[%get3A_971, %get3A_972] {strides = array<i32>} : memref<4x128xi32, #tpu.memory_space<vmem>>, vector<16xi32>,
    %shift_right_arithmetic3A_974 = arith.constant 2 : i32
    %shift_right_arithmetic3A_975 = vector.broadcast %shift_right_arithmetic3A_974 : i32 to vector<16xi32>
    %shift_right_arithmetic3A_976 = arith.shrsi %get3A_973, %shift_right_arithmetic3A_975 : vector<16xi32>
    %swap3A_977 = arith.constant 3 : i32
    %swap3A_978 = arith.index_cast %swap3A_977 : i32 to index
    %swap3A_979 = arith.constant 64 : index
    %swap3A_980 = tpu.vector_load %arg16[%swap3A_978, %swap3A_979] {strides = array<i32>} : memref<4x128xi32, #tpu.memory_space<vmem>>, vector<16xi32>,
    tpu.vector_store %arg16[%swap3A_978, %swap3A_979], %shift_right_arithmetic3A_976 {strides = array<i32>} : memref<4x128xi32, #tpu.memory_space<vmem>>, vector<16xi32>,
    %get3A_981 = arith.constant 3 : i32
    %get3A_982 = arith.index_cast %get3A_981 : i32 to index
    %get3A_983 = arith.constant 64 : index
    %get3A_984 = tpu.vector_load %arg14[%get3A_982, %get3A_983] {strides = array<i32>} : memref<4x128xi32, #tpu.memory_space<vmem>>, vector<16xi32>,
    %shift_right_arithmetic3A_985 = arith.constant 2 : i32
    %shift_right_arithmetic3A_986 = vector.broadcast %shift_right_arithmetic3A_985 : i32 to vector<16xi32>
    %shift_right_arithmetic3A_987 = arith.shrsi %get3A_984, %shift_right_arithmetic3A_986 : vector<16xi32>
    %swap3A_988 = arith.constant 3 : i32
    %swap3A_989 = arith.index_cast %swap3A_988 : i32 to index
    %swap3A_990 = arith.constant 64 : index
    %swap3A_991 = tpu.vector_load %arg17[%swap3A_989, %swap3A_990] {strides = array<i32>} : memref<4x128xi32, #tpu.memory_space<vmem>>, vector<16xi32>,
    tpu.vector_store %arg17[%swap3A_989, %swap3A_990], %shift_right_arithmetic3A_987 {strides = array<i32>} : memref<4x128xi32, #tpu.memory_space<vmem>>, vector<16xi32>,
    %get3A_992 = arith.constant 3 : i32
    %get3A_993 = arith.index_cast %get3A_992 : i32 to index
    %get3A_994 = arith.constant 80 : index
    %get3A_995 = tpu.vector_load %arg12[%get3A_993, %get3A_994] {strides = array<i32>} : memref<4x128xi32, #tpu.memory_space<vmem>>, vector<16xi32>,
    %shift_right_arithmetic3A_996 = arith.constant 2 : i32
    %shift_right_arithmetic3A_997 = vector.broadcast %shift_right_arithmetic3A_996 : i32 to vector<16xi32>
    %shift_right_arithmetic3A_998 = arith.shrsi %get3A_995, %shift_right_arithmetic3A_997 : vector<16xi32>
    %swap3A_999 = arith.constant 3 : i32
    %swap3A_1000 = arith.index_cast %swap3A_999 : i32 to index
    %swap3A_1001 = arith.constant 80 : index
    %swap3A_1002 = tpu.vector_load %arg15[%swap3A_1000, %swap3A_1001] {strides = array<i32>} : memref<4x128xi32, #tpu.memory_space<vmem>>, vector<16xi32>,
    tpu.vector_store %arg15[%swap3A_1000, %swap3A_1001], %shift_right_arithmetic3A_998 {strides = array<i32>} : memref<4x128xi32, #tpu.memory_space<vmem>>, vector<16xi32>,
    %get3A_1003 = arith.constant 3 : i32
    %get3A_1004 = arith.index_cast %get3A_1003 : i32 to index
    %get3A_1005 = arith.constant 80 : index
    %get3A_1006 = tpu.vector_load %arg13[%get3A_1004, %get3A_1005] {strides = array<i32>} : memref<4x128xi32, #tpu.memory_space<vmem>>, vector<16xi32>,
    %shift_right_arithmetic3A_1007 = arith.constant 2 : i32
    %shift_right_arithmetic3A_1008 = vector.broadcast %shift_right_arithmetic3A_1007 : i32 to vector<16xi32>
    %shift_right_arithmetic3A_1009 = arith.shrsi %get3A_1006, %shift_right_arithmetic3A_1008 : vector<16xi32>
    %swap3A_1010 = arith.constant 3 : i32
    %swap3A_1011 = arith.index_cast %swap3A_1010 : i32 to index
    %swap3A_1012 = arith.constant 80 : index
    %swap3A_1013 = tpu.vector_load %arg16[%swap3A_1011, %swap3A_1012] {strides = array<i32>} : memref<4x128xi32, #tpu.memory_space<vmem>>, vector<16xi32>,
    tpu.vector_store %arg16[%swap3A_1011, %swap3A_1012], %shift_right_arithmetic3A_1009 {strides = array<i32>} : memref<4x128xi32, #tpu.memory_space<vmem>>, vector<16xi32>,
    %get3A_1014 = arith.constant 3 : i32
    %get3A_1015 = arith.index_cast %get3A_1014 : i32 to index
    %get3A_1016 = arith.constant 80 : index
    %get3A_1017 = tpu.vector_load %arg14[%get3A_1015, %get3A_1016] {strides = array<i32>} : memref<4x128xi32, #tpu.memory_space<vmem>>, vector<16xi32>,
    %shift_right_arithmetic3A_1018 = arith.constant 2 : i32
    %shift_right_arithmetic3A_1019 = vector.broadcast %shift_right_arithmetic3A_1018 : i32 to vector<16xi32>
    %shift_right_arithmetic3A_1020 = arith.shrsi %get3A_1017, %shift_right_arithmetic3A_1019 : vector<16xi32>
    %swap3A_1021 = arith.constant 3 : i32
    %swap3A_1022 = arith.index_cast %swap3A_1021 : i32 to index
    %swap3A_1023 = arith.constant 80 : index
    %swap3A_1024 = tpu.vector_load %arg17[%swap3A_1022, %swap3A_1023] {strides = array<i32>} : memref<4x128xi32, #tpu.memory_space<vmem>>, vector<16xi32>,
    tpu.vector_store %arg17[%swap3A_1022, %swap3A_1023], %shift_right_arithmetic3A_1020 {strides = array<i32>} : memref<4x128xi32, #tpu.memory_space<vmem>>, vector<16xi32>,
    %get3A_1025 = arith.constant 3 : i32
    %get3A_1026 = arith.index_cast %get3A_1025 : i32 to index
    %get3A_1027 = arith.constant 96 : index
    %get3A_1028 = tpu.vector_load %arg12[%get3A_1026, %get3A_1027] {strides = array<i32>} : memref<4x128xi32, #tpu.memory_space<vmem>>, vector<16xi32>,
    %shift_right_arithmetic3A_1029 = arith.constant 2 : i32
    %shift_right_arithmetic3A_1030 = vector.broadcast %shift_right_arithmetic3A_1029 : i32 to vector<16xi32>
    %shift_right_arithmetic3A_1031 = arith.shrsi %get3A_1028, %shift_right_arithmetic3A_1030 : vector<16xi32>
    %swap3A_1032 = arith.constant 3 : i32
    %swap3A_1033 = arith.index_cast %swap3A_1032 : i32 to index
    %swap3A_1034 = arith.constant 96 : index
    %swap3A_1035 = tpu.vector_load %arg15[%swap3A_1033, %swap3A_1034] {strides = array<i32>} : memref<4x128xi32, #tpu.memory_space<vmem>>, vector<16xi32>,
    tpu.vector_store %arg15[%swap3A_1033, %swap3A_1034], %shift_right_arithmetic3A_1031 {strides = array<i32>} : memref<4x128xi32, #tpu.memory_space<vmem>>, vector<16xi32>,
    %get3A_1036 = arith.constant 3 : i32
    %get3A_1037 = arith.index_cast %get3A_1036 : i32 to index
    %get3A_1038 = arith.constant 96 : index
    %get3A_1039 = tpu.vector_load %arg13[%get3A_1037, %get3A_1038] {strides = array<i32>} : memref<4x128xi32, #tpu.memory_space<vmem>>, vector<16xi32>,
    %shift_right_arithmetic3A_1040 = arith.constant 2 : i32
    %shift_right_arithmetic3A_1041 = vector.broadcast %shift_right_arithmetic3A_1040 : i32 to vector<16xi32>
    %shift_right_arithmetic3A_1042 = arith.shrsi %get3A_1039, %shift_right_arithmetic3A_1041 : vector<16xi32>
    %swap3A_1043 = arith.constant 3 : i32
    %swap3A_1044 = arith.index_cast %swap3A_1043 : i32 to index
    %swap3A_1045 = arith.constant 96 : index
    %swap3A_1046 = tpu.vector_load %arg16[%swap3A_1044, %swap3A_1045] {strides = array<i32>} : memref<4x128xi32, #tpu.memory_space<vmem>>, vector<16xi32>,
    tpu.vector_store %arg16[%swap3A_1044, %swap3A_1045], %shift_right_arithmetic3A_1042 {strides = array<i32>} : memref<4x128xi32, #tpu.memory_space<vmem>>, vector<16xi32>,
    %get3A_1047 = arith.constant 3 : i32
    %get3A_1048 = arith.index_cast %get3A_1047 : i32 to index
    %get3A_1049 = arith.constant 96 : index
    %get3A_1050 = tpu.vector_load %arg14[%get3A_1048, %get3A_1049] {strides = array<i32>} : memref<4x128xi32, #tpu.memory_space<vmem>>, vector<16xi32>,
    %shift_right_arithmetic3A_1051 = arith.constant 2 : i32
    %shift_right_arithmetic3A_1052 = vector.broadcast %shift_right_arithmetic3A_1051 : i32 to vector<16xi32>
    %shift_right_arithmetic3A_1053 = arith.shrsi %get3A_1050, %shift_right_arithmetic3A_1052 : vector<16xi32>
    %swap3A_1054 = arith.constant 3 : i32
    %swap3A_1055 = arith.index_cast %swap3A_1054 : i32 to index
    %swap3A_1056 = arith.constant 96 : index
    %swap3A_1057 = tpu.vector_load %arg17[%swap3A_1055, %swap3A_1056] {strides = array<i32>} : memref<4x128xi32, #tpu.memory_space<vmem>>, vector<16xi32>,
    tpu.vector_store %arg17[%swap3A_1055, %swap3A_1056], %shift_right_arithmetic3A_1053 {strides = array<i32>} : memref<4x128xi32, #tpu.memory_space<vmem>>, vector<16xi32>,
    %get3A_1058 = arith.constant 3 : i32
    %get3A_1059 = arith.index_cast %get3A_1058 : i32 to index
    %get3A_1060 = arith.constant 112 : index
    %get3A_1061 = tpu.vector_load %arg12[%get3A_1059, %get3A_1060] {strides = array<i32>} : memref<4x128xi32, #tpu.memory_space<vmem>>, vector<16xi32>,
    %shift_right_arithmetic3A_1062 = arith.constant 2 : i32
    %shift_right_arithmetic3A_1063 = vector.broadcast %shift_right_arithmetic3A_1062 : i32 to vector<16xi32>
    %shift_right_arithmetic3A_1064 = arith.shrsi %get3A_1061, %shift_right_arithmetic3A_1063 : vector<16xi32>
    %swap3A_1065 = arith.constant 3 : i32
    %swap3A_1066 = arith.index_cast %swap3A_1065 : i32 to index
    %swap3A_1067 = arith.constant 112 : index
    %swap3A_1068 = tpu.vector_load %arg15[%swap3A_1066, %swap3A_1067] {strides = array<i32>} : memref<4x128xi32, #tpu.memory_space<vmem>>, vector<16xi32>,
    tpu.vector_store %arg15[%swap3A_1066, %swap3A_1067], %shift_right_arithmetic3A_1064 {strides = array<i32>} : memref<4x128xi32, #tpu.memory_space<vmem>>, vector<16xi32>,
    %get3A_1069 = arith.constant 3 : i32
    %get3A_1070 = arith.index_cast %get3A_1069 : i32 to index
    %get3A_1071 = arith.constant 112 : index
    %get3A_1072 = tpu.vector_load %arg13[%get3A_1070, %get3A_1071] {strides = array<i32>} : memref<4x128xi32, #tpu.memory_space<vmem>>, vector<16xi32>,
    %shift_right_arithmetic3A_1073 = arith.constant 2 : i32
    %shift_right_arithmetic3A_1074 = vector.broadcast %shift_right_arithmetic3A_1073 : i32 to vector<16xi32>
    %shift_right_arithmetic3A_1075 = arith.shrsi %get3A_1072, %shift_right_arithmetic3A_1074 : vector<16xi32>
    %swap3A_1076 = arith.constant 3 : i32
    %swap3A_1077 = arith.index_cast %swap3A_1076 : i32 to index
    %swap3A_1078 = arith.constant 112 : index
    %swap3A_1079 = tpu.vector_load %arg16[%swap3A_1077, %swap3A_1078] {strides = array<i32>} : memref<4x128xi32, #tpu.memory_space<vmem>>, vector<16xi32>,
    tpu.vector_store %arg16[%swap3A_1077, %swap3A_1078], %shift_right_arithmetic3A_1075 {strides = array<i32>} : memref<4x128xi32, #tpu.memory_space<vmem>>, vector<16xi32>,
    %get3A_1080 = arith.constant 3 : i32
    %get3A_1081 = arith.index_cast %get3A_1080 : i32 to index
    %get3A_1082 = arith.constant 112 : index
    %get3A_1083 = tpu.vector_load %arg14[%get3A_1081, %get3A_1082] {strides = array<i32>} : memref<4x128xi32, #tpu.memory_space<vmem>>, vector<16xi32>,
    %shift_right_arithmetic3A_1084 = arith.constant 2 : i32
    %shift_right_arithmetic3A_1085 = vector.broadcast %shift_right_arithmetic3A_1084 : i32 to vector<16xi32>
    %shift_right_arithmetic3A_1086 = arith.shrsi %get3A_1083, %shift_right_arithmetic3A_1085 : vector<16xi32>
    %swap3A_1087 = arith.constant 3 : i32
    %swap3A_1088 = arith.index_cast %swap3A_1087 : i32 to index
    %swap3A_1089 = arith.constant 112 : index
    %swap3A_1090 = tpu.vector_load %arg17[%swap3A_1088, %swap3A_1089] {strides = array<i32>} : memref<4x128xi32, #tpu.memory_space<vmem>>, vector<16xi32>,
    tpu.vector_store %arg17[%swap3A_1088, %swap3A_1089], %shift_right_arithmetic3A_1086 {strides = array<i32>} : memref<4x128xi32, #tpu.memory_space<vmem>>, vector<16xi32>,
    %dma_start3A = arith.constant 0 : i32
    %dma_start3A_1091 = arith.constant 0 : i32
    %dma_start3A_1092 = arith.constant 0 : i32
    %dma_start3A_1093 = tpu.memref_slice %arg18[%dma_start3A_1091, %dma_start3A_1092] : memref<512x128xbf16, #tpu.memory_space<vmem>> -> memref<128x128xbf16, #tpu.memory_space<vmem>>
    %dma_start3A_1094 = arith.constant 0 : i32
    %dma_start3A_1095 = tpu.memref_slice %arg15[%dma_start3A, %dma_start3A_1094] : memref<4x128xi32, #tpu.memory_space<vmem>> -> memref<1x128xi32, #tpu.memory_space<vmem>>
    %dma_start3A_1096 = tpu.memref_squeeze %dma_start3A_1095 : memref<1x128xi32, #tpu.memory_space<vmem>> -> memref<128xi32, #tpu.memory_space<vmem>>
    %dma_start3A_1097 = arith.constant 0 : i32
    %dma_start3A_1098 = arith.constant 0 : i32
    %dma_start3A_1099 = tpu.memref_slice %arg5[%dma_start3A_1097, %dma_start3A_1098] : memref<250000x128xbf16, #tpu.memory_space<hbm>> -> memref<250000x128xbf16, #tpu.memory_space<hbm>>
    tpu.enqueue_indirect_dma source(%dma_start3A_1099 : memref<250000x128xbf16, #tpu.memory_space<hbm>>) target(%dma_start3A_1093 : memref<128x128xbf16, #tpu.memory_space<vmem>>) offsets(%dma_start3A_1096 : memref<128xi32, #tpu.memory_space<vmem>>) semaphore(%arg25 : memref<!tpu.dma_semaphore, #tpu.memory_space<semaphore_mem>>)
    %dma_start3A_1100 = arith.constant 0 : i32
    %dma_start3A_1101 = arith.constant 0 : i32
    %dma_start3A_1102 = arith.constant 0 : i32
    %dma_start3A_1103 = tpu.memref_slice %arg19[%dma_start3A_1101, %dma_start3A_1102] : memref<512x128xbf16, #tpu.memory_space<vmem>> -> memref<128x128xbf16, #tpu.memory_space<vmem>>
    %dma_start3A_1104 = arith.constant 0 : i32
    %dma_start3A_1105 = tpu.memref_slice %arg16[%dma_start3A_1100, %dma_start3A_1104] : memref<4x128xi32, #tpu.memory_space<vmem>> -> memref<1x128xi32, #tpu.memory_space<vmem>>
    %dma_start3A_1106 = tpu.memref_squeeze %dma_start3A_1105 : memref<1x128xi32, #tpu.memory_space<vmem>> -> memref<128xi32, #tpu.memory_space<vmem>>
    %dma_start3A_1107 = arith.constant 0 : i32
    %dma_start3A_1108 = arith.constant 0 : i32
    %dma_start3A_1109 = tpu.memref_slice %arg6[%dma_start3A_1107, %dma_start3A_1108] : memref<250000x128xbf16, #tpu.memory_space<hbm>> -> memref<250000x128xbf16, #tpu.memory_space<hbm>>
    tpu.enqueue_indirect_dma source(%dma_start3A_1109 : memref<250000x128xbf16, #tpu.memory_space<hbm>>) target(%dma_start3A_1103 : memref<128x128xbf16, #tpu.memory_space<vmem>>) offsets(%dma_start3A_1106 : memref<128xi32, #tpu.memory_space<vmem>>) semaphore(%arg25 : memref<!tpu.dma_semaphore, #tpu.memory_space<semaphore_mem>>)
    %dma_start3A_1110 = arith.constant 0 : i32
    %dma_start3A_1111 = arith.constant 0 : i32
    %dma_start3A_1112 = arith.constant 0 : i32
    %dma_start3A_1113 = tpu.memref_slice %arg20[%dma_start3A_1111, %dma_start3A_1112] : memref<512x128xbf16, #tpu.memory_space<vmem>> -> memref<128x128xbf16, #tpu.memory_space<vmem>>
    %dma_start3A_1114 = arith.constant 0 : i32
    %dma_start3A_1115 = tpu.memref_slice %arg17[%dma_start3A_1110, %dma_start3A_1114] : memref<4x128xi32, #tpu.memory_space<vmem>> -> memref<1x128xi32, #tpu.memory_space<vmem>>
    %dma_start3A_1116 = tpu.memref_squeeze %dma_start3A_1115 : memref<1x128xi32, #tpu.memory_space<vmem>> -> memref<128xi32, #tpu.memory_space<vmem>>
    %dma_start3A_1117 = arith.constant 0 : i32
    %dma_start3A_1118 = arith.constant 0 : i32
    %dma_start3A_1119 = tpu.memref_slice %arg7[%dma_start3A_1117, %dma_start3A_1118] : memref<250000x128xbf16, #tpu.memory_space<hbm>> -> memref<250000x128xbf16, #tpu.memory_space<hbm>>
    tpu.enqueue_indirect_dma source(%dma_start3A_1119 : memref<250000x128xbf16, #tpu.memory_space<hbm>>) target(%dma_start3A_1113 : memref<128x128xbf16, #tpu.memory_space<vmem>>) offsets(%dma_start3A_1116 : memref<128xi32, #tpu.memory_space<vmem>>) semaphore(%arg25 : memref<!tpu.dma_semaphore, #tpu.memory_space<semaphore_mem>>)
    %dma_start3A_1120 = arith.constant 0 : i32
    %dma_start3A_1121 = arith.constant 0 : i32
    %dma_start3A_1122 = tpu.memref_slice %arg21[%dma_start3A_1121] : memref<512xf32, #tpu.memory_space<vmem>> -> memref<128xf32, #tpu.memory_space<vmem>>
    %dma_start3A_1123 = arith.constant 0 : i32
    %dma_start3A_1124 = tpu.memref_slice %arg12[%dma_start3A_1120, %dma_start3A_1123] : memref<4x128xi32, #tpu.memory_space<vmem>> -> memref<1x128xi32, #tpu.memory_space<vmem>>
    %dma_start3A_1125 = tpu.memref_squeeze %dma_start3A_1124 : memref<1x128xi32, #tpu.memory_space<vmem>> -> memref<128xi32, #tpu.memory_space<vmem>>
    %dma_start3A_1126 = arith.constant 0 : i32
    %dma_start3A_1127 = tpu.memref_slice %arg8[%dma_start3A_1126] : memref<1000000xf32, #tpu.memory_space<hbm>> -> memref<1000000xf32, #tpu.memory_space<hbm>>
    tpu.enqueue_indirect_dma source(%dma_start3A_1127 : memref<1000000xf32, #tpu.memory_space<hbm>>) target(%dma_start3A_1122 : memref<128xf32, #tpu.memory_space<vmem>>) offsets(%dma_start3A_1125 : memref<128xi32, #tpu.memory_space<vmem>>) semaphore(%arg25 : memref<!tpu.dma_semaphore, #tpu.memory_space<semaphore_mem>>)
    %dma_start3A_1128 = arith.constant 0 : i32
    %dma_start3A_1129 = arith.constant 0 : i32
    %dma_start3A_1130 = tpu.memref_slice %arg22[%dma_start3A_1129] : memref<512xf32, #tpu.memory_space<vmem>> -> memref<128xf32, #tpu.memory_space<vmem>>
    %dma_start3A_1131 = arith.constant 0 : i32
    %dma_start3A_1132 = tpu.memref_slice %arg13[%dma_start3A_1128, %dma_start3A_1131] : memref<4x128xi32, #tpu.memory_space<vmem>> -> memref<1x128xi32, #tpu.memory_space<vmem>>
    %dma_start3A_1133 = tpu.memref_squeeze %dma_start3A_1132 : memref<1x128xi32, #tpu.memory_space<vmem>> -> memref<128xi32, #tpu.memory_space<vmem>>
    %dma_start3A_1134 = arith.constant 0 : i32
    %dma_start3A_1135 = tpu.memref_slice %arg9[%dma_start3A_1134] : memref<1000000xf32, #tpu.memory_space<hbm>> -> memref<1000000xf32, #tpu.memory_space<hbm>>
    tpu.enqueue_indirect_dma source(%dma_start3A_1135 : memref<1000000xf32, #tpu.memory_space<hbm>>) target(%dma_start3A_1130 : memref<128xf32, #tpu.memory_space<vmem>>) offsets(%dma_start3A_1133 : memref<128xi32, #tpu.memory_space<vmem>>) semaphore(%arg25 : memref<!tpu.dma_semaphore, #tpu.memory_space<semaphore_mem>>)
    %dma_start3A_1136 = arith.constant 1 : i32
    %dma_start3A_1137 = arith.constant 128 : i32
    %dma_start3A_1138 = arith.constant 0 : i32
    %dma_start3A_1139 = tpu.memref_slice %arg18[%dma_start3A_1137, %dma_start3A_1138] : memref<512x128xbf16, #tpu.memory_space<vmem>> -> memref<128x128xbf16, #tpu.memory_space<vmem>>
    %dma_start3A_1140 = arith.constant 0 : i32
    %dma_start3A_1141 = tpu.memref_slice %arg15[%dma_start3A_1136, %dma_start3A_1140] : memref<4x128xi32, #tpu.memory_space<vmem>> -> memref<1x128xi32, #tpu.memory_space<vmem>>
    %dma_start3A_1142 = tpu.memref_squeeze %dma_start3A_1141 : memref<1x128xi32, #tpu.memory_space<vmem>> -> memref<128xi32, #tpu.memory_space<vmem>>
    %dma_start3A_1143 = arith.constant 0 : i32
    %dma_start3A_1144 = arith.constant 0 : i32
    %dma_start3A_1145 = tpu.memref_slice %arg5[%dma_start3A_1143, %dma_start3A_1144] : memref<250000x128xbf16, #tpu.memory_space<hbm>> -> memref<250000x128xbf16, #tpu.memory_space<hbm>>
    tpu.enqueue_indirect_dma source(%dma_start3A_1145 : memref<250000x128xbf16, #tpu.memory_space<hbm>>) target(%dma_start3A_1139 : memref<128x128xbf16, #tpu.memory_space<vmem>>) offsets(%dma_start3A_1142 : memref<128xi32, #tpu.memory_space<vmem>>) semaphore(%arg25 : memref<!tpu.dma_semaphore, #tpu.memory_space<semaphore_mem>>)
    %dma_start3A_1146 = arith.constant 1 : i32
    %dma_start3A_1147 = arith.constant 128 : i32
    %dma_start3A_1148 = arith.constant 0 : i32
    %dma_start3A_1149 = tpu.memref_slice %arg19[%dma_start3A_1147, %dma_start3A_1148] : memref<512x128xbf16, #tpu.memory_space<vmem>> -> memref<128x128xbf16, #tpu.memory_space<vmem>>
    %dma_start3A_1150 = arith.constant 0 : i32
    %dma_start3A_1151 = tpu.memref_slice %arg16[%dma_start3A_1146, %dma_start3A_1150] : memref<4x128xi32, #tpu.memory_space<vmem>> -> memref<1x128xi32, #tpu.memory_space<vmem>>
    %dma_start3A_1152 = tpu.memref_squeeze %dma_start3A_1151 : memref<1x128xi32, #tpu.memory_space<vmem>> -> memref<128xi32, #tpu.memory_space<vmem>>
    %dma_start3A_1153 = arith.constant 0 : i32
    %dma_start3A_1154 = arith.constant 0 : i32
    %dma_start3A_1155 = tpu.memref_slice %arg6[%dma_start3A_1153, %dma_start3A_1154] : memref<250000x128xbf16, #tpu.memory_space<hbm>> -> memref<250000x128xbf16, #tpu.memory_space<hbm>>
    tpu.enqueue_indirect_dma source(%dma_start3A_1155 : memref<250000x128xbf16, #tpu.memory_space<hbm>>) target(%dma_start3A_1149 : memref<128x128xbf16, #tpu.memory_space<vmem>>) offsets(%dma_start3A_1152 : memref<128xi32, #tpu.memory_space<vmem>>) semaphore(%arg25 : memref<!tpu.dma_semaphore, #tpu.memory_space<semaphore_mem>>)
    %dma_start3A_1156 = arith.constant 1 : i32
    %dma_start3A_1157 = arith.constant 128 : i32
    %dma_start3A_1158 = arith.constant 0 : i32
    %dma_start3A_1159 = tpu.memref_slice %arg20[%dma_start3A_1157, %dma_start3A_1158] : memref<512x128xbf16, #tpu.memory_space<vmem>> -> memref<128x128xbf16, #tpu.memory_space<vmem>>
    %dma_start3A_1160 = arith.constant 0 : i32
    %dma_start3A_1161 = tpu.memref_slice %arg17[%dma_start3A_1156, %dma_start3A_1160] : memref<4x128xi32, #tpu.memory_space<vmem>> -> memref<1x128xi32, #tpu.memory_space<vmem>>
    %dma_start3A_1162 = tpu.memref_squeeze %dma_start3A_1161 : memref<1x128xi32, #tpu.memory_space<vmem>> -> memref<128xi32, #tpu.memory_space<vmem>>
    %dma_start3A_1163 = arith.constant 0 : i32
    %dma_start3A_1164 = arith.constant 0 : i32
    %dma_start3A_1165 = tpu.memref_slice %arg7[%dma_start3A_1163, %dma_start3A_1164] : memref<250000x128xbf16, #tpu.memory_space<hbm>> -> memref<250000x128xbf16, #tpu.memory_space<hbm>>
    tpu.enqueue_indirect_dma source(%dma_start3A_1165 : memref<250000x128xbf16, #tpu.memory_space<hbm>>) target(%dma_start3A_1159 : memref<128x128xbf16, #tpu.memory_space<vmem>>) offsets(%dma_start3A_1162 : memref<128xi32, #tpu.memory_space<vmem>>) semaphore(%arg25 : memref<!tpu.dma_semaphore, #tpu.memory_space<semaphore_mem>>)
    %dma_start3A_1166 = arith.constant 1 : i32
    %dma_start3A_1167 = arith.constant 128 : i32
    %dma_start3A_1168 = tpu.memref_slice %arg21[%dma_start3A_1167] : memref<512xf32, #tpu.memory_space<vmem>> -> memref<128xf32, #tpu.memory_space<vmem>>
    %dma_start3A_1169 = arith.constant 0 : i32
    %dma_start3A_1170 = tpu.memref_slice %arg12[%dma_start3A_1166, %dma_start3A_1169] : memref<4x128xi32, #tpu.memory_space<vmem>> -> memref<1x128xi32, #tpu.memory_space<vmem>>
    %dma_start3A_1171 = tpu.memref_squeeze %dma_start3A_1170 : memref<1x128xi32, #tpu.memory_space<vmem>> -> memref<128xi32, #tpu.memory_space<vmem>>
    %dma_start3A_1172 = arith.constant 0 : i32
    %dma_start3A_1173 = tpu.memref_slice %arg8[%dma_start3A_1172] : memref<1000000xf32, #tpu.memory_space<hbm>> -> memref<1000000xf32, #tpu.memory_space<hbm>>
    tpu.enqueue_indirect_dma source(%dma_start3A_1173 : memref<1000000xf32, #tpu.memory_space<hbm>>) target(%dma_start3A_1168 : memref<128xf32, #tpu.memory_space<vmem>>) offsets(%dma_start3A_1171 : memref<128xi32, #tpu.memory_space<vmem>>) semaphore(%arg25 : memref<!tpu.dma_semaphore, #tpu.memory_space<semaphore_mem>>)
    %dma_start3A_1174 = arith.constant 1 : i32
    %dma_start3A_1175 = arith.constant 128 : i32
    %dma_start3A_1176 = tpu.memref_slice %arg22[%dma_start3A_1175] : memref<512xf32, #tpu.memory_space<vmem>> -> memref<128xf32, #tpu.memory_space<vmem>>
    %dma_start3A_1177 = arith.constant 0 : i32
    %dma_start3A_1178 = tpu.memref_slice %arg13[%dma_start3A_1174, %dma_start3A_1177] : memref<4x128xi32, #tpu.memory_space<vmem>> -> memref<1x128xi32, #tpu.memory_space<vmem>>
    %dma_start3A_1179 = tpu.memref_squeeze %dma_start3A_1178 : memref<1x128xi32, #tpu.memory_space<vmem>> -> memref<128xi32, #tpu.memory_space<vmem>>
    %dma_start3A_1180 = arith.constant 0 : i32
    %dma_start3A_1181 = tpu.memref_slice %arg9[%dma_start3A_1180] : memref<1000000xf32, #tpu.memory_space<hbm>> -> memref<1000000xf32, #tpu.memory_space<hbm>>
    tpu.enqueue_indirect_dma source(%dma_start3A_1181 : memref<1000000xf32, #tpu.memory_space<hbm>>) target(%dma_start3A_1176 : memref<128xf32, #tpu.memory_space<vmem>>) offsets(%dma_start3A_1179 : memref<128xi32, #tpu.memory_space<vmem>>) semaphore(%arg25 : memref<!tpu.dma_semaphore, #tpu.memory_space<semaphore_mem>>)
    %dma_start3A_1182 = arith.constant 2 : i32
    %dma_start3A_1183 = arith.constant 256 : i32
    %dma_start3A_1184 = arith.constant 0 : i32
    %dma_start3A_1185 = tpu.memref_slice %arg18[%dma_start3A_1183, %dma_start3A_1184] : memref<512x128xbf16, #tpu.memory_space<vmem>> -> memref<128x128xbf16, #tpu.memory_space<vmem>>
    %dma_start3A_1186 = arith.constant 0 : i32
    %dma_start3A_1187 = tpu.memref_slice %arg15[%dma_start3A_1182, %dma_start3A_1186] : memref<4x128xi32, #tpu.memory_space<vmem>> -> memref<1x128xi32, #tpu.memory_space<vmem>>
    %dma_start3A_1188 = tpu.memref_squeeze %dma_start3A_1187 : memref<1x128xi32, #tpu.memory_space<vmem>> -> memref<128xi32, #tpu.memory_space<vmem>>
    %dma_start3A_1189 = arith.constant 0 : i32
    %dma_start3A_1190 = arith.constant 0 : i32
    %dma_start3A_1191 = tpu.memref_slice %arg5[%dma_start3A_1189, %dma_start3A_1190] : memref<250000x128xbf16, #tpu.memory_space<hbm>> -> memref<250000x128xbf16, #tpu.memory_space<hbm>>
    tpu.enqueue_indirect_dma source(%dma_start3A_1191 : memref<250000x128xbf16, #tpu.memory_space<hbm>>) target(%dma_start3A_1185 : memref<128x128xbf16, #tpu.memory_space<vmem>>) offsets(%dma_start3A_1188 : memref<128xi32, #tpu.memory_space<vmem>>) semaphore(%arg25 : memref<!tpu.dma_semaphore, #tpu.memory_space<semaphore_mem>>)
    %dma_start3A_1192 = arith.constant 2 : i32
    %dma_start3A_1193 = arith.constant 256 : i32
    %dma_start3A_1194 = arith.constant 0 : i32
    %dma_start3A_1195 = tpu.memref_slice %arg19[%dma_start3A_1193, %dma_start3A_1194] : memref<512x128xbf16, #tpu.memory_space<vmem>> -> memref<128x128xbf16, #tpu.memory_space<vmem>>
    %dma_start3A_1196 = arith.constant 0 : i32
    %dma_start3A_1197 = tpu.memref_slice %arg16[%dma_start3A_1192, %dma_start3A_1196] : memref<4x128xi32, #tpu.memory_space<vmem>> -> memref<1x128xi32, #tpu.memory_space<vmem>>
    %dma_start3A_1198 = tpu.memref_squeeze %dma_start3A_1197 : memref<1x128xi32, #tpu.memory_space<vmem>> -> memref<128xi32, #tpu.memory_space<vmem>>
    %dma_start3A_1199 = arith.constant 0 : i32
    %dma_start3A_1200 = arith.constant 0 : i32
    %dma_start3A_1201 = tpu.memref_slice %arg6[%dma_start3A_1199, %dma_start3A_1200] : memref<250000x128xbf16, #tpu.memory_space<hbm>> -> memref<250000x128xbf16, #tpu.memory_space<hbm>>
    tpu.enqueue_indirect_dma source(%dma_start3A_1201 : memref<250000x128xbf16, #tpu.memory_space<hbm>>) target(%dma_start3A_1195 : memref<128x128xbf16, #tpu.memory_space<vmem>>) offsets(%dma_start3A_1198 : memref<128xi32, #tpu.memory_space<vmem>>) semaphore(%arg25 : memref<!tpu.dma_semaphore, #tpu.memory_space<semaphore_mem>>)
    %dma_start3A_1202 = arith.constant 2 : i32
    %dma_start3A_1203 = arith.constant 256 : i32
    %dma_start3A_1204 = arith.constant 0 : i32
    %dma_start3A_1205 = tpu.memref_slice %arg20[%dma_start3A_1203, %dma_start3A_1204] : memref<512x128xbf16, #tpu.memory_space<vmem>> -> memref<128x128xbf16, #tpu.memory_space<vmem>>
    %dma_start3A_1206 = arith.constant 0 : i32
    %dma_start3A_1207 = tpu.memref_slice %arg17[%dma_start3A_1202, %dma_start3A_1206] : memref<4x128xi32, #tpu.memory_space<vmem>> -> memref<1x128xi32, #tpu.memory_space<vmem>>
    %dma_start3A_1208 = tpu.memref_squeeze %dma_start3A_1207 : memref<1x128xi32, #tpu.memory_space<vmem>> -> memref<128xi32, #tpu.memory_space<vmem>>
    %dma_start3A_1209 = arith.constant 0 : i32
    %dma_start3A_1210 = arith.constant 0 : i32
    %dma_start3A_1211 = tpu.memref_slice %arg7[%dma_start3A_1209, %dma_start3A_1210] : memref<250000x128xbf16, #tpu.memory_space<hbm>> -> memref<250000x128xbf16, #tpu.memory_space<hbm>>
    tpu.enqueue_indirect_dma source(%dma_start3A_1211 : memref<250000x128xbf16, #tpu.memory_space<hbm>>) target(%dma_start3A_1205 : memref<128x128xbf16, #tpu.memory_space<vmem>>) offsets(%dma_start3A_1208 : memref<128xi32, #tpu.memory_space<vmem>>) semaphore(%arg25 : memref<!tpu.dma_semaphore, #tpu.memory_space<semaphore_mem>>)
    %dma_start3A_1212 = arith.constant 2 : i32
    %dma_start3A_1213 = arith.constant 256 : i32
    %dma_start3A_1214 = tpu.memref_slice %arg21[%dma_start3A_1213] : memref<512xf32, #tpu.memory_space<vmem>> -> memref<128xf32, #tpu.memory_space<vmem>>
    %dma_start3A_1215 = arith.constant 0 : i32
    %dma_start3A_1216 = tpu.memref_slice %arg12[%dma_start3A_1212, %dma_start3A_1215] : memref<4x128xi32, #tpu.memory_space<vmem>> -> memref<1x128xi32, #tpu.memory_space<vmem>>
    %dma_start3A_1217 = tpu.memref_squeeze %dma_start3A_1216 : memref<1x128xi32, #tpu.memory_space<vmem>> -> memref<128xi32, #tpu.memory_space<vmem>>
    %dma_start3A_1218 = arith.constant 0 : i32
    %dma_start3A_1219 = tpu.memref_slice %arg8[%dma_start3A_1218] : memref<1000000xf32, #tpu.memory_space<hbm>> -> memref<1000000xf32, #tpu.memory_space<hbm>>
    tpu.enqueue_indirect_dma source(%dma_start3A_1219 : memref<1000000xf32, #tpu.memory_space<hbm>>) target(%dma_start3A_1214 : memref<128xf32, #tpu.memory_space<vmem>>) offsets(%dma_start3A_1217 : memref<128xi32, #tpu.memory_space<vmem>>) semaphore(%arg25 : memref<!tpu.dma_semaphore, #tpu.memory_space<semaphore_mem>>)
    %dma_start3A_1220 = arith.constant 2 : i32
    %dma_start3A_1221 = arith.constant 256 : i32
    %dma_start3A_1222 = tpu.memref_slice %arg22[%dma_start3A_1221] : memref<512xf32, #tpu.memory_space<vmem>> -> memref<128xf32, #tpu.memory_space<vmem>>
    %dma_start3A_1223 = arith.constant 0 : i32
    %dma_start3A_1224 = tpu.memref_slice %arg13[%dma_start3A_1220, %dma_start3A_1223] : memref<4x128xi32, #tpu.memory_space<vmem>> -> memref<1x128xi32, #tpu.memory_space<vmem>>
    %dma_start3A_1225 = tpu.memref_squeeze %dma_start3A_1224 : memref<1x128xi32, #tpu.memory_space<vmem>> -> memref<128xi32, #tpu.memory_space<vmem>>
    %dma_start3A_1226 = arith.constant 0 : i32
    %dma_start3A_1227 = tpu.memref_slice %arg9[%dma_start3A_1226] : memref<1000000xf32, #tpu.memory_space<hbm>> -> memref<1000000xf32, #tpu.memory_space<hbm>>
    tpu.enqueue_indirect_dma source(%dma_start3A_1227 : memref<1000000xf32, #tpu.memory_space<hbm>>) target(%dma_start3A_1222 : memref<128xf32, #tpu.memory_space<vmem>>) offsets(%dma_start3A_1225 : memref<128xi32, #tpu.memory_space<vmem>>) semaphore(%arg25 : memref<!tpu.dma_semaphore, #tpu.memory_space<semaphore_mem>>)
    %dma_start3A_1228 = arith.constant 3 : i32
    %dma_start3A_1229 = arith.constant 384 : i32
    %dma_start3A_1230 = arith.constant 0 : i32
    %dma_start3A_1231 = tpu.memref_slice %arg18[%dma_start3A_1229, %dma_start3A_1230] : memref<512x128xbf16, #tpu.memory_space<vmem>> -> memref<128x128xbf16, #tpu.memory_space<vmem>>
    %dma_start3A_1232 = arith.constant 0 : i32
    %dma_start3A_1233 = tpu.memref_slice %arg15[%dma_start3A_1228, %dma_start3A_1232] : memref<4x128xi32, #tpu.memory_space<vmem>> -> memref<1x128xi32, #tpu.memory_space<vmem>>
    %dma_start3A_1234 = tpu.memref_squeeze %dma_start3A_1233 : memref<1x128xi32, #tpu.memory_space<vmem>> -> memref<128xi32, #tpu.memory_space<vmem>>
    %dma_start3A_1235 = arith.constant 0 : i32
    %dma_start3A_1236 = arith.constant 0 : i32
    %dma_start3A_1237 = tpu.memref_slice %arg5[%dma_start3A_1235, %dma_start3A_1236] : memref<250000x128xbf16, #tpu.memory_space<hbm>> -> memref<250000x128xbf16, #tpu.memory_space<hbm>>
    tpu.enqueue_indirect_dma source(%dma_start3A_1237 : memref<250000x128xbf16, #tpu.memory_space<hbm>>) target(%dma_start3A_1231 : memref<128x128xbf16, #tpu.memory_space<vmem>>) offsets(%dma_start3A_1234 : memref<128xi32, #tpu.memory_space<vmem>>) semaphore(%arg25 : memref<!tpu.dma_semaphore, #tpu.memory_space<semaphore_mem>>)
    %dma_start3A_1238 = arith.constant 3 : i32
    %dma_start3A_1239 = arith.constant 384 : i32
    %dma_start3A_1240 = arith.constant 0 : i32
    %dma_start3A_1241 = tpu.memref_slice %arg19[%dma_start3A_1239, %dma_start3A_1240] : memref<512x128xbf16, #tpu.memory_space<vmem>> -> memref<128x128xbf16, #tpu.memory_space<vmem>>
    %dma_start3A_1242 = arith.constant 0 : i32
    %dma_start3A_1243 = tpu.memref_slice %arg16[%dma_start3A_1238, %dma_start3A_1242] : memref<4x128xi32, #tpu.memory_space<vmem>> -> memref<1x128xi32, #tpu.memory_space<vmem>>
    %dma_start3A_1244 = tpu.memref_squeeze %dma_start3A_1243 : memref<1x128xi32, #tpu.memory_space<vmem>> -> memref<128xi32, #tpu.memory_space<vmem>>
    %dma_start3A_1245 = arith.constant 0 : i32
    %dma_start3A_1246 = arith.constant 0 : i32
    %dma_start3A_1247 = tpu.memref_slice %arg6[%dma_start3A_1245, %dma_start3A_1246] : memref<250000x128xbf16, #tpu.memory_space<hbm>> -> memref<250000x128xbf16, #tpu.memory_space<hbm>>
    tpu.enqueue_indirect_dma source(%dma_start3A_1247 : memref<250000x128xbf16, #tpu.memory_space<hbm>>) target(%dma_start3A_1241 : memref<128x128xbf16, #tpu.memory_space<vmem>>) offsets(%dma_start3A_1244 : memref<128xi32, #tpu.memory_space<vmem>>) semaphore(%arg25 : memref<!tpu.dma_semaphore, #tpu.memory_space<semaphore_mem>>)
    %dma_start3A_1248 = arith.constant 3 : i32
    %dma_start3A_1249 = arith.constant 384 : i32
    %dma_start3A_1250 = arith.constant 0 : i32
    %dma_start3A_1251 = tpu.memref_slice %arg20[%dma_start3A_1249, %dma_start3A_1250] : memref<512x128xbf16, #tpu.memory_space<vmem>> -> memref<128x128xbf16, #tpu.memory_space<vmem>>
    %dma_start3A_1252 = arith.constant 0 : i32
    %dma_start3A_1253 = tpu.memref_slice %arg17[%dma_start3A_1248, %dma_start3A_1252] : memref<4x128xi32, #tpu.memory_space<vmem>> -> memref<1x128xi32, #tpu.memory_space<vmem>>
    %dma_start3A_1254 = tpu.memref_squeeze %dma_start3A_1253 : memref<1x128xi32, #tpu.memory_space<vmem>> -> memref<128xi32, #tpu.memory_space<vmem>>
    %dma_start3A_1255 = arith.constant 0 : i32
    %dma_start3A_1256 = arith.constant 0 : i32
    %dma_start3A_1257 = tpu.memref_slice %arg7[%dma_start3A_1255, %dma_start3A_1256] : memref<250000x128xbf16, #tpu.memory_space<hbm>> -> memref<250000x128xbf16, #tpu.memory_space<hbm>>
    tpu.enqueue_indirect_dma source(%dma_start3A_1257 : memref<250000x128xbf16, #tpu.memory_space<hbm>>) target(%dma_start3A_1251 : memref<128x128xbf16, #tpu.memory_space<vmem>>) offsets(%dma_start3A_1254 : memref<128xi32, #tpu.memory_space<vmem>>) semaphore(%arg25 : memref<!tpu.dma_semaphore, #tpu.memory_space<semaphore_mem>>)
    %dma_start3A_1258 = arith.constant 3 : i32
    %dma_start3A_1259 = arith.constant 384 : i32
    %dma_start3A_1260 = tpu.memref_slice %arg21[%dma_start3A_1259] : memref<512xf32, #tpu.memory_space<vmem>> -> memref<128xf32, #tpu.memory_space<vmem>>
    %dma_start3A_1261 = arith.constant 0 : i32
    %dma_start3A_1262 = tpu.memref_slice %arg12[%dma_start3A_1258, %dma_start3A_1261] : memref<4x128xi32, #tpu.memory_space<vmem>> -> memref<1x128xi32, #tpu.memory_space<vmem>>
    %dma_start3A_1263 = tpu.memref_squeeze %dma_start3A_1262 : memref<1x128xi32, #tpu.memory_space<vmem>> -> memref<128xi32, #tpu.memory_space<vmem>>
    %dma_start3A_1264 = arith.constant 0 : i32
    %dma_start3A_1265 = tpu.memref_slice %arg8[%dma_start3A_1264] : memref<1000000xf32, #tpu.memory_space<hbm>> -> memref<1000000xf32, #tpu.memory_space<hbm>>
    tpu.enqueue_indirect_dma source(%dma_start3A_1265 : memref<1000000xf32, #tpu.memory_space<hbm>>) target(%dma_start3A_1260 : memref<128xf32, #tpu.memory_space<vmem>>) offsets(%dma_start3A_1263 : memref<128xi32, #tpu.memory_space<vmem>>) semaphore(%arg25 : memref<!tpu.dma_semaphore, #tpu.memory_space<semaphore_mem>>)
    %dma_start3A_1266 = arith.constant 3 : i32
    %dma_start3A_1267 = arith.constant 384 : i32
    %dma_start3A_1268 = tpu.memref_slice %arg22[%dma_start3A_1267] : memref<512xf32, #tpu.memory_space<vmem>> -> memref<128xf32, #tpu.memory_space<vmem>>
    %dma_start3A_1269 = arith.constant 0 : i32
    %dma_start3A_1270 = tpu.memref_slice %arg13[%dma_start3A_1266, %dma_start3A_1269] : memref<4x128xi32, #tpu.memory_space<vmem>> -> memref<1x128xi32, #tpu.memory_space<vmem>>
    %dma_start3A_1271 = tpu.memref_squeeze %dma_start3A_1270 : memref<1x128xi32, #tpu.memory_space<vmem>> -> memref<128xi32, #tpu.memory_space<vmem>>
    %dma_start3A_1272 = arith.constant 0 : i32
    %dma_start3A_1273 = tpu.memref_slice %arg9[%dma_start3A_1272] : memref<1000000xf32, #tpu.memory_space<hbm>> -> memref<1000000xf32, #tpu.memory_space<hbm>>
    tpu.enqueue_indirect_dma source(%dma_start3A_1273 : memref<1000000xf32, #tpu.memory_space<hbm>>) target(%dma_start3A_1268 : memref<128xf32, #tpu.memory_space<vmem>>) offsets(%dma_start3A_1271 : memref<128xi32, #tpu.memory_space<vmem>>) semaphore(%arg25 : memref<!tpu.dma_semaphore, #tpu.memory_space<semaphore_mem>>)
    %dma_wait3A = arith.constant 0 : i32
    %dma_wait3A_1274 = arith.constant 0 : i32
    %dma_wait3A_1275 = arith.constant 0 : i32
    %dma_wait3A_1276 = tpu.memref_slice %arg18[%dma_wait3A_1274, %dma_wait3A_1275] : memref<512x128xbf16, #tpu.memory_space<vmem>> -> memref<128x128xbf16, #tpu.memory_space<vmem>>
    %dma_wait3A_1277 = arith.constant 0 : i32
    %dma_wait3A_1278 = tpu.memref_slice %arg15[%dma_wait3A, %dma_wait3A_1277] : memref<4x128xi32, #tpu.memory_space<vmem>> -> memref<1x128xi32, #tpu.memory_space<vmem>>
    %dma_wait3A_1279 = tpu.memref_squeeze %dma_wait3A_1278 : memref<1x128xi32, #tpu.memory_space<vmem>> -> memref<128xi32, #tpu.memory_space<vmem>>
    %dma_wait3A_1280 = arith.constant 0 : i32
    %dma_wait3A_1281 = arith.constant 0 : i32
    %dma_wait3A_1282 = tpu.memref_slice %arg5[%dma_wait3A_1280, %dma_wait3A_1281] : memref<250000x128xbf16, #tpu.memory_space<hbm>> -> memref<250000x128xbf16, #tpu.memory_space<hbm>>
    tpu.wait_indirect_dma semaphore(%arg25 : memref<!tpu.dma_semaphore, #tpu.memory_space<semaphore_mem>>) src(%dma_wait3A_1282 : memref<250000x128xbf16, #tpu.memory_space<hbm>>) dst(%dma_wait3A_1276 : memref<128x128xbf16, #tpu.memory_space<vmem>>)
    %dma_wait3A_1283 = arith.constant 0 : i32
    %dma_wait3A_1284 = arith.constant 0 : i32
    %dma_wait3A_1285 = arith.constant 0 : i32
    %dma_wait3A_1286 = tpu.memref_slice %arg19[%dma_wait3A_1284, %dma_wait3A_1285] : memref<512x128xbf16, #tpu.memory_space<vmem>> -> memref<128x128xbf16, #tpu.memory_space<vmem>>
    %dma_wait3A_1287 = arith.constant 0 : i32
    %dma_wait3A_1288 = tpu.memref_slice %arg16[%dma_wait3A_1283, %dma_wait3A_1287] : memref<4x128xi32, #tpu.memory_space<vmem>> -> memref<1x128xi32, #tpu.memory_space<vmem>>
    %dma_wait3A_1289 = tpu.memref_squeeze %dma_wait3A_1288 : memref<1x128xi32, #tpu.memory_space<vmem>> -> memref<128xi32, #tpu.memory_space<vmem>>
    %dma_wait3A_1290 = arith.constant 0 : i32
    %dma_wait3A_1291 = arith.constant 0 : i32
    %dma_wait3A_1292 = tpu.memref_slice %arg6[%dma_wait3A_1290, %dma_wait3A_1291] : memref<250000x128xbf16, #tpu.memory_space<hbm>> -> memref<250000x128xbf16, #tpu.memory_space<hbm>>
    tpu.wait_indirect_dma semaphore(%arg25 : memref<!tpu.dma_semaphore, #tpu.memory_space<semaphore_mem>>) src(%dma_wait3A_1292 : memref<250000x128xbf16, #tpu.memory_space<hbm>>) dst(%dma_wait3A_1286 : memref<128x128xbf16, #tpu.memory_space<vmem>>)
    %dma_wait3A_1293 = arith.constant 0 : i32
    %dma_wait3A_1294 = arith.constant 0 : i32
    %dma_wait3A_1295 = arith.constant 0 : i32
    %dma_wait3A_1296 = tpu.memref_slice %arg20[%dma_wait3A_1294, %dma_wait3A_1295] : memref<512x128xbf16, #tpu.memory_space<vmem>> -> memref<128x128xbf16, #tpu.memory_space<vmem>>
    %dma_wait3A_1297 = arith.constant 0 : i32
    %dma_wait3A_1298 = tpu.memref_slice %arg17[%dma_wait3A_1293, %dma_wait3A_1297] : memref<4x128xi32, #tpu.memory_space<vmem>> -> memref<1x128xi32, #tpu.memory_space<vmem>>
    %dma_wait3A_1299 = tpu.memref_squeeze %dma_wait3A_1298 : memref<1x128xi32, #tpu.memory_space<vmem>> -> memref<128xi32, #tpu.memory_space<vmem>>
    %dma_wait3A_1300 = arith.constant 0 : i32
    %dma_wait3A_1301 = arith.constant 0 : i32
    %dma_wait3A_1302 = tpu.memref_slice %arg7[%dma_wait3A_1300, %dma_wait3A_1301] : memref<250000x128xbf16, #tpu.memory_space<hbm>> -> memref<250000x128xbf16, #tpu.memory_space<hbm>>
    tpu.wait_indirect_dma semaphore(%arg25 : memref<!tpu.dma_semaphore, #tpu.memory_space<semaphore_mem>>) src(%dma_wait3A_1302 : memref<250000x128xbf16, #tpu.memory_space<hbm>>) dst(%dma_wait3A_1296 : memref<128x128xbf16, #tpu.memory_space<vmem>>)
    %dma_wait3A_1303 = arith.constant 0 : i32
    %dma_wait3A_1304 = arith.constant 0 : i32
    %dma_wait3A_1305 = tpu.memref_slice %arg21[%dma_wait3A_1304] : memref<512xf32, #tpu.memory_space<vmem>> -> memref<128xf32, #tpu.memory_space<vmem>>
    %dma_wait3A_1306 = arith.constant 0 : i32
    %dma_wait3A_1307 = tpu.memref_slice %arg12[%dma_wait3A_1303, %dma_wait3A_1306] : memref<4x128xi32, #tpu.memory_space<vmem>> -> memref<1x128xi32, #tpu.memory_space<vmem>>
    %dma_wait3A_1308 = tpu.memref_squeeze %dma_wait3A_1307 : memref<1x128xi32, #tpu.memory_space<vmem>> -> memref<128xi32, #tpu.memory_space<vmem>>
    %dma_wait3A_1309 = arith.constant 0 : i32
    %dma_wait3A_1310 = tpu.memref_slice %arg8[%dma_wait3A_1309] : memref<1000000xf32, #tpu.memory_space<hbm>> -> memref<1000000xf32, #tpu.memory_space<hbm>>
    tpu.wait_indirect_dma semaphore(%arg25 : memref<!tpu.dma_semaphore, #tpu.memory_space<semaphore_mem>>) src(%dma_wait3A_1310 : memref<1000000xf32, #tpu.memory_space<hbm>>) dst(%dma_wait3A_1305 : memref<128xf32, #tpu.memory_space<vmem>>)
    %dma_wait3A_1311 = arith.constant 0 : i32
    %dma_wait3A_1312 = arith.constant 0 : i32
    %dma_wait3A_1313 = tpu.memref_slice %arg22[%dma_wait3A_1312] : memref<512xf32, #tpu.memory_space<vmem>> -> memref<128xf32, #tpu.memory_space<vmem>>
    %dma_wait3A_1314 = arith.constant 0 : i32
    %dma_wait3A_1315 = tpu.memref_slice %arg13[%dma_wait3A_1311, %dma_wait3A_1314] : memref<4x128xi32, #tpu.memory_space<vmem>> -> memref<1x128xi32, #tpu.memory_space<vmem>>
    %dma_wait3A_1316 = tpu.memref_squeeze %dma_wait3A_1315 : memref<1x128xi32, #tpu.memory_space<vmem>> -> memref<128xi32, #tpu.memory_space<vmem>>
    %dma_wait3A_1317 = arith.constant 0 : i32
    %dma_wait3A_1318 = tpu.memref_slice %arg9[%dma_wait3A_1317] : memref<1000000xf32, #tpu.memory_space<hbm>> -> memref<1000000xf32, #tpu.memory_space<hbm>>
    tpu.wait_indirect_dma semaphore(%arg25 : memref<!tpu.dma_semaphore, #tpu.memory_space<semaphore_mem>>) src(%dma_wait3A_1318 : memref<1000000xf32, #tpu.memory_space<hbm>>) dst(%dma_wait3A_1313 : memref<128xf32, #tpu.memory_space<vmem>>)
    %dma_wait3A_1319 = arith.constant 1 : i32
    %dma_wait3A_1320 = arith.constant 128 : i32
    %dma_wait3A_1321 = arith.constant 0 : i32
    %dma_wait3A_1322 = tpu.memref_slice %arg18[%dma_wait3A_1320, %dma_wait3A_1321] : memref<512x128xbf16, #tpu.memory_space<vmem>> -> memref<128x128xbf16, #tpu.memory_space<vmem>>
    %dma_wait3A_1323 = arith.constant 0 : i32
    %dma_wait3A_1324 = tpu.memref_slice %arg15[%dma_wait3A_1319, %dma_wait3A_1323] : memref<4x128xi32, #tpu.memory_space<vmem>> -> memref<1x128xi32, #tpu.memory_space<vmem>>
    %dma_wait3A_1325 = tpu.memref_squeeze %dma_wait3A_1324 : memref<1x128xi32, #tpu.memory_space<vmem>> -> memref<128xi32, #tpu.memory_space<vmem>>
    %dma_wait3A_1326 = arith.constant 0 : i32
    %dma_wait3A_1327 = arith.constant 0 : i32
    %dma_wait3A_1328 = tpu.memref_slice %arg5[%dma_wait3A_1326, %dma_wait3A_1327] : memref<250000x128xbf16, #tpu.memory_space<hbm>> -> memref<250000x128xbf16, #tpu.memory_space<hbm>>
    tpu.wait_indirect_dma semaphore(%arg25 : memref<!tpu.dma_semaphore, #tpu.memory_space<semaphore_mem>>) src(%dma_wait3A_1328 : memref<250000x128xbf16, #tpu.memory_space<hbm>>) dst(%dma_wait3A_1322 : memref<128x128xbf16, #tpu.memory_space<vmem>>)
    %dma_wait3A_1329 = arith.constant 1 : i32
    %dma_wait3A_1330 = arith.constant 128 : i32
    %dma_wait3A_1331 = arith.constant 0 : i32
    %dma_wait3A_1332 = tpu.memref_slice %arg19[%dma_wait3A_1330, %dma_wait3A_1331] : memref<512x128xbf16, #tpu.memory_space<vmem>> -> memref<128x128xbf16, #tpu.memory_space<vmem>>
    %dma_wait3A_1333 = arith.constant 0 : i32
    %dma_wait3A_1334 = tpu.memref_slice %arg16[%dma_wait3A_1329, %dma_wait3A_1333] : memref<4x128xi32, #tpu.memory_space<vmem>> -> memref<1x128xi32, #tpu.memory_space<vmem>>
    %dma_wait3A_1335 = tpu.memref_squeeze %dma_wait3A_1334 : memref<1x128xi32, #tpu.memory_space<vmem>> -> memref<128xi32, #tpu.memory_space<vmem>>
    %dma_wait3A_1336 = arith.constant 0 : i32
    %dma_wait3A_1337 = arith.constant 0 : i32
    %dma_wait3A_1338 = tpu.memref_slice %arg6[%dma_wait3A_1336, %dma_wait3A_1337] : memref<250000x128xbf16, #tpu.memory_space<hbm>> -> memref<250000x128xbf16, #tpu.memory_space<hbm>>
    tpu.wait_indirect_dma semaphore(%arg25 : memref<!tpu.dma_semaphore, #tpu.memory_space<semaphore_mem>>) src(%dma_wait3A_1338 : memref<250000x128xbf16, #tpu.memory_space<hbm>>) dst(%dma_wait3A_1332 : memref<128x128xbf16, #tpu.memory_space<vmem>>)
    %dma_wait3A_1339 = arith.constant 1 : i32
    %dma_wait3A_1340 = arith.constant 128 : i32
    %dma_wait3A_1341 = arith.constant 0 : i32
    %dma_wait3A_1342 = tpu.memref_slice %arg20[%dma_wait3A_1340, %dma_wait3A_1341] : memref<512x128xbf16, #tpu.memory_space<vmem>> -> memref<128x128xbf16, #tpu.memory_space<vmem>>
    %dma_wait3A_1343 = arith.constant 0 : i32
    %dma_wait3A_1344 = tpu.memref_slice %arg17[%dma_wait3A_1339, %dma_wait3A_1343] : memref<4x128xi32, #tpu.memory_space<vmem>> -> memref<1x128xi32, #tpu.memory_space<vmem>>
    %dma_wait3A_1345 = tpu.memref_squeeze %dma_wait3A_1344 : memref<1x128xi32, #tpu.memory_space<vmem>> -> memref<128xi32, #tpu.memory_space<vmem>>
    %dma_wait3A_1346 = arith.constant 0 : i32
    %dma_wait3A_1347 = arith.constant 0 : i32
    %dma_wait3A_1348 = tpu.memref_slice %arg7[%dma_wait3A_1346, %dma_wait3A_1347] : memref<250000x128xbf16, #tpu.memory_space<hbm>> -> memref<250000x128xbf16, #tpu.memory_space<hbm>>
    tpu.wait_indirect_dma semaphore(%arg25 : memref<!tpu.dma_semaphore, #tpu.memory_space<semaphore_mem>>) src(%dma_wait3A_1348 : memref<250000x128xbf16, #tpu.memory_space<hbm>>) dst(%dma_wait3A_1342 : memref<128x128xbf16, #tpu.memory_space<vmem>>)
    %dma_wait3A_1349 = arith.constant 1 : i32
    %dma_wait3A_1350 = arith.constant 128 : i32
    %dma_wait3A_1351 = tpu.memref_slice %arg21[%dma_wait3A_1350] : memref<512xf32, #tpu.memory_space<vmem>> -> memref<128xf32, #tpu.memory_space<vmem>>
    %dma_wait3A_1352 = arith.constant 0 : i32
    %dma_wait3A_1353 = tpu.memref_slice %arg12[%dma_wait3A_1349, %dma_wait3A_1352] : memref<4x128xi32, #tpu.memory_space<vmem>> -> memref<1x128xi32, #tpu.memory_space<vmem>>
    %dma_wait3A_1354 = tpu.memref_squeeze %dma_wait3A_1353 : memref<1x128xi32, #tpu.memory_space<vmem>> -> memref<128xi32, #tpu.memory_space<vmem>>
    %dma_wait3A_1355 = arith.constant 0 : i32
    %dma_wait3A_1356 = tpu.memref_slice %arg8[%dma_wait3A_1355] : memref<1000000xf32, #tpu.memory_space<hbm>> -> memref<1000000xf32, #tpu.memory_space<hbm>>
    tpu.wait_indirect_dma semaphore(%arg25 : memref<!tpu.dma_semaphore, #tpu.memory_space<semaphore_mem>>) src(%dma_wait3A_1356 : memref<1000000xf32, #tpu.memory_space<hbm>>) dst(%dma_wait3A_1351 : memref<128xf32, #tpu.memory_space<vmem>>)
    %dma_wait3A_1357 = arith.constant 1 : i32
    %dma_wait3A_1358 = arith.constant 128 : i32
    %dma_wait3A_1359 = tpu.memref_slice %arg22[%dma_wait3A_1358] : memref<512xf32, #tpu.memory_space<vmem>> -> memref<128xf32, #tpu.memory_space<vmem>>
    %dma_wait3A_1360 = arith.constant 0 : i32
    %dma_wait3A_1361 = tpu.memref_slice %arg13[%dma_wait3A_1357, %dma_wait3A_1360] : memref<4x128xi32, #tpu.memory_space<vmem>> -> memref<1x128xi32, #tpu.memory_space<vmem>>
    %dma_wait3A_1362 = tpu.memref_squeeze %dma_wait3A_1361 : memref<1x128xi32, #tpu.memory_space<vmem>> -> memref<128xi32, #tpu.memory_space<vmem>>
    %dma_wait3A_1363 = arith.constant 0 : i32
    %dma_wait3A_1364 = tpu.memref_slice %arg9[%dma_wait3A_1363] : memref<1000000xf32, #tpu.memory_space<hbm>> -> memref<1000000xf32, #tpu.memory_space<hbm>>
    tpu.wait_indirect_dma semaphore(%arg25 : memref<!tpu.dma_semaphore, #tpu.memory_space<semaphore_mem>>) src(%dma_wait3A_1364 : memref<1000000xf32, #tpu.memory_space<hbm>>) dst(%dma_wait3A_1359 : memref<128xf32, #tpu.memory_space<vmem>>)
    %dma_wait3A_1365 = arith.constant 2 : i32
    %dma_wait3A_1366 = arith.constant 256 : i32
    %dma_wait3A_1367 = arith.constant 0 : i32
    %dma_wait3A_1368 = tpu.memref_slice %arg18[%dma_wait3A_1366, %dma_wait3A_1367] : memref<512x128xbf16, #tpu.memory_space<vmem>> -> memref<128x128xbf16, #tpu.memory_space<vmem>>
    %dma_wait3A_1369 = arith.constant 0 : i32
    %dma_wait3A_1370 = tpu.memref_slice %arg15[%dma_wait3A_1365, %dma_wait3A_1369] : memref<4x128xi32, #tpu.memory_space<vmem>> -> memref<1x128xi32, #tpu.memory_space<vmem>>
    %dma_wait3A_1371 = tpu.memref_squeeze %dma_wait3A_1370 : memref<1x128xi32, #tpu.memory_space<vmem>> -> memref<128xi32, #tpu.memory_space<vmem>>
    %dma_wait3A_1372 = arith.constant 0 : i32
    %dma_wait3A_1373 = arith.constant 0 : i32
    %dma_wait3A_1374 = tpu.memref_slice %arg5[%dma_wait3A_1372, %dma_wait3A_1373] : memref<250000x128xbf16, #tpu.memory_space<hbm>> -> memref<250000x128xbf16, #tpu.memory_space<hbm>>
    tpu.wait_indirect_dma semaphore(%arg25 : memref<!tpu.dma_semaphore, #tpu.memory_space<semaphore_mem>>) src(%dma_wait3A_1374 : memref<250000x128xbf16, #tpu.memory_space<hbm>>) dst(%dma_wait3A_1368 : memref<128x128xbf16, #tpu.memory_space<vmem>>)
    %dma_wait3A_1375 = arith.constant 2 : i32
    %dma_wait3A_1376 = arith.constant 256 : i32
    %dma_wait3A_1377 = arith.constant 0 : i32
    %dma_wait3A_1378 = tpu.memref_slice %arg19[%dma_wait3A_1376, %dma_wait3A_1377] : memref<512x128xbf16, #tpu.memory_space<vmem>> -> memref<128x128xbf16, #tpu.memory_space<vmem>>
    %dma_wait3A_1379 = arith.constant 0 : i32
    %dma_wait3A_1380 = tpu.memref_slice %arg16[%dma_wait3A_1375, %dma_wait3A_1379] : memref<4x128xi32, #tpu.memory_space<vmem>> -> memref<1x128xi32, #tpu.memory_space<vmem>>
    %dma_wait3A_1381 = tpu.memref_squeeze %dma_wait3A_1380 : memref<1x128xi32, #tpu.memory_space<vmem>> -> memref<128xi32, #tpu.memory_space<vmem>>
    %dma_wait3A_1382 = arith.constant 0 : i32
    %dma_wait3A_1383 = arith.constant 0 : i32
    %dma_wait3A_1384 = tpu.memref_slice %arg6[%dma_wait3A_1382, %dma_wait3A_1383] : memref<250000x128xbf16, #tpu.memory_space<hbm>> -> memref<250000x128xbf16, #tpu.memory_space<hbm>>
    tpu.wait_indirect_dma semaphore(%arg25 : memref<!tpu.dma_semaphore, #tpu.memory_space<semaphore_mem>>) src(%dma_wait3A_1384 : memref<250000x128xbf16, #tpu.memory_space<hbm>>) dst(%dma_wait3A_1378 : memref<128x128xbf16, #tpu.memory_space<vmem>>)
    %dma_wait3A_1385 = arith.constant 2 : i32
    %dma_wait3A_1386 = arith.constant 256 : i32
    %dma_wait3A_1387 = arith.constant 0 : i32
    %dma_wait3A_1388 = tpu.memref_slice %arg20[%dma_wait3A_1386, %dma_wait3A_1387] : memref<512x128xbf16, #tpu.memory_space<vmem>> -> memref<128x128xbf16, #tpu.memory_space<vmem>>
    %dma_wait3A_1389 = arith.constant 0 : i32
    %dma_wait3A_1390 = tpu.memref_slice %arg17[%dma_wait3A_1385, %dma_wait3A_1389] : memref<4x128xi32, #tpu.memory_space<vmem>> -> memref<1x128xi32, #tpu.memory_space<vmem>>
    %dma_wait3A_1391 = tpu.memref_squeeze %dma_wait3A_1390 : memref<1x128xi32, #tpu.memory_space<vmem>> -> memref<128xi32, #tpu.memory_space<vmem>>
    %dma_wait3A_1392 = arith.constant 0 : i32
    %dma_wait3A_1393 = arith.constant 0 : i32
    %dma_wait3A_1394 = tpu.memref_slice %arg7[%dma_wait3A_1392, %dma_wait3A_1393] : memref<250000x128xbf16, #tpu.memory_space<hbm>> -> memref<250000x128xbf16, #tpu.memory_space<hbm>>
    tpu.wait_indirect_dma semaphore(%arg25 : memref<!tpu.dma_semaphore, #tpu.memory_space<semaphore_mem>>) src(%dma_wait3A_1394 : memref<250000x128xbf16, #tpu.memory_space<hbm>>) dst(%dma_wait3A_1388 : memref<128x128xbf16, #tpu.memory_space<vmem>>)
    %dma_wait3A_1395 = arith.constant 2 : i32
    %dma_wait3A_1396 = arith.constant 256 : i32
    %dma_wait3A_1397 = tpu.memref_slice %arg21[%dma_wait3A_1396] : memref<512xf32, #tpu.memory_space<vmem>> -> memref<128xf32, #tpu.memory_space<vmem>>
    %dma_wait3A_1398 = arith.constant 0 : i32
    %dma_wait3A_1399 = tpu.memref_slice %arg12[%dma_wait3A_1395, %dma_wait3A_1398] : memref<4x128xi32, #tpu.memory_space<vmem>> -> memref<1x128xi32, #tpu.memory_space<vmem>>
    %dma_wait3A_1400 = tpu.memref_squeeze %dma_wait3A_1399 : memref<1x128xi32, #tpu.memory_space<vmem>> -> memref<128xi32, #tpu.memory_space<vmem>>
    %dma_wait3A_1401 = arith.constant 0 : i32
    %dma_wait3A_1402 = tpu.memref_slice %arg8[%dma_wait3A_1401] : memref<1000000xf32, #tpu.memory_space<hbm>> -> memref<1000000xf32, #tpu.memory_space<hbm>>
    tpu.wait_indirect_dma semaphore(%arg25 : memref<!tpu.dma_semaphore, #tpu.memory_space<semaphore_mem>>) src(%dma_wait3A_1402 : memref<1000000xf32, #tpu.memory_space<hbm>>) dst(%dma_wait3A_1397 : memref<128xf32, #tpu.memory_space<vmem>>)
    %dma_wait3A_1403 = arith.constant 2 : i32
    %dma_wait3A_1404 = arith.constant 256 : i32
    %dma_wait3A_1405 = tpu.memref_slice %arg22[%dma_wait3A_1404] : memref<512xf32, #tpu.memory_space<vmem>> -> memref<128xf32, #tpu.memory_space<vmem>>
    %dma_wait3A_1406 = arith.constant 0 : i32
    %dma_wait3A_1407 = tpu.memref_slice %arg13[%dma_wait3A_1403, %dma_wait3A_1406] : memref<4x128xi32, #tpu.memory_space<vmem>> -> memref<1x128xi32, #tpu.memory_space<vmem>>
    %dma_wait3A_1408 = tpu.memref_squeeze %dma_wait3A_1407 : memref<1x128xi32, #tpu.memory_space<vmem>> -> memref<128xi32, #tpu.memory_space<vmem>>
    %dma_wait3A_1409 = arith.constant 0 : i32
    %dma_wait3A_1410 = tpu.memref_slice %arg9[%dma_wait3A_1409] : memref<1000000xf32, #tpu.memory_space<hbm>> -> memref<1000000xf32, #tpu.memory_space<hbm>>
    tpu.wait_indirect_dma semaphore(%arg25 : memref<!tpu.dma_semaphore, #tpu.memory_space<semaphore_mem>>) src(%dma_wait3A_1410 : memref<1000000xf32, #tpu.memory_space<hbm>>) dst(%dma_wait3A_1405 : memref<128xf32, #tpu.memory_space<vmem>>)
    %dma_wait3A_1411 = arith.constant 3 : i32
    %dma_wait3A_1412 = arith.constant 384 : i32
    %dma_wait3A_1413 = arith.constant 0 : i32
    %dma_wait3A_1414 = tpu.memref_slice %arg18[%dma_wait3A_1412, %dma_wait3A_1413] : memref<512x128xbf16, #tpu.memory_space<vmem>> -> memref<128x128xbf16, #tpu.memory_space<vmem>>
    %dma_wait3A_1415 = arith.constant 0 : i32
    %dma_wait3A_1416 = tpu.memref_slice %arg15[%dma_wait3A_1411, %dma_wait3A_1415] : memref<4x128xi32, #tpu.memory_space<vmem>> -> memref<1x128xi32, #tpu.memory_space<vmem>>
    %dma_wait3A_1417 = tpu.memref_squeeze %dma_wait3A_1416 : memref<1x128xi32, #tpu.memory_space<vmem>> -> memref<128xi32, #tpu.memory_space<vmem>>
    %dma_wait3A_1418 = arith.constant 0 : i32
    %dma_wait3A_1419 = arith.constant 0 : i32
    %dma_wait3A_1420 = tpu.memref_slice %arg5[%dma_wait3A_1418, %dma_wait3A_1419] : memref<250000x128xbf16, #tpu.memory_space<hbm>> -> memref<250000x128xbf16, #tpu.memory_space<hbm>>
    tpu.wait_indirect_dma semaphore(%arg25 : memref<!tpu.dma_semaphore, #tpu.memory_space<semaphore_mem>>) src(%dma_wait3A_1420 : memref<250000x128xbf16, #tpu.memory_space<hbm>>) dst(%dma_wait3A_1414 : memref<128x128xbf16, #tpu.memory_space<vmem>>)
    %dma_wait3A_1421 = arith.constant 3 : i32
    %dma_wait3A_1422 = arith.constant 384 : i32
    %dma_wait3A_1423 = arith.constant 0 : i32
    %dma_wait3A_1424 = tpu.memref_slice %arg19[%dma_wait3A_1422, %dma_wait3A_1423] : memref<512x128xbf16, #tpu.memory_space<vmem>> -> memref<128x128xbf16, #tpu.memory_space<vmem>>
    %dma_wait3A_1425 = arith.constant 0 : i32
    %dma_wait3A_1426 = tpu.memref_slice %arg16[%dma_wait3A_1421, %dma_wait3A_1425] : memref<4x128xi32, #tpu.memory_space<vmem>> -> memref<1x128xi32, #tpu.memory_space<vmem>>
    %dma_wait3A_1427 = tpu.memref_squeeze %dma_wait3A_1426 : memref<1x128xi32, #tpu.memory_space<vmem>> -> memref<128xi32, #tpu.memory_space<vmem>>
    %dma_wait3A_1428 = arith.constant 0 : i32
    %dma_wait3A_1429 = arith.constant 0 : i32
    %dma_wait3A_1430 = tpu.memref_slice %arg6[%dma_wait3A_1428, %dma_wait3A_1429] : memref<250000x128xbf16, #tpu.memory_space<hbm>> -> memref<250000x128xbf16, #tpu.memory_space<hbm>>
    tpu.wait_indirect_dma semaphore(%arg25 : memref<!tpu.dma_semaphore, #tpu.memory_space<semaphore_mem>>) src(%dma_wait3A_1430 : memref<250000x128xbf16, #tpu.memory_space<hbm>>) dst(%dma_wait3A_1424 : memref<128x128xbf16, #tpu.memory_space<vmem>>)
    %dma_wait3A_1431 = arith.constant 3 : i32
    %dma_wait3A_1432 = arith.constant 384 : i32
    %dma_wait3A_1433 = arith.constant 0 : i32
    %dma_wait3A_1434 = tpu.memref_slice %arg20[%dma_wait3A_1432, %dma_wait3A_1433] : memref<512x128xbf16, #tpu.memory_space<vmem>> -> memref<128x128xbf16, #tpu.memory_space<vmem>>
    %dma_wait3A_1435 = arith.constant 0 : i32
    %dma_wait3A_1436 = tpu.memref_slice %arg17[%dma_wait3A_1431, %dma_wait3A_1435] : memref<4x128xi32, #tpu.memory_space<vmem>> -> memref<1x128xi32, #tpu.memory_space<vmem>>
    %dma_wait3A_1437 = tpu.memref_squeeze %dma_wait3A_1436 : memref<1x128xi32, #tpu.memory_space<vmem>> -> memref<128xi32, #tpu.memory_space<vmem>>
    %dma_wait3A_1438 = arith.constant 0 : i32
    %dma_wait3A_1439 = arith.constant 0 : i32
    %dma_wait3A_1440 = tpu.memref_slice %arg7[%dma_wait3A_1438, %dma_wait3A_1439] : memref<250000x128xbf16, #tpu.memory_space<hbm>> -> memref<250000x128xbf16, #tpu.memory_space<hbm>>
    tpu.wait_indirect_dma semaphore(%arg25 : memref<!tpu.dma_semaphore, #tpu.memory_space<semaphore_mem>>) src(%dma_wait3A_1440 : memref<250000x128xbf16, #tpu.memory_space<hbm>>) dst(%dma_wait3A_1434 : memref<128x128xbf16, #tpu.memory_space<vmem>>)
    %dma_wait3A_1441 = arith.constant 3 : i32
    %dma_wait3A_1442 = arith.constant 384 : i32
    %dma_wait3A_1443 = tpu.memref_slice %arg21[%dma_wait3A_1442] : memref<512xf32, #tpu.memory_space<vmem>> -> memref<128xf32, #tpu.memory_space<vmem>>
    %dma_wait3A_1444 = arith.constant 0 : i32
    %dma_wait3A_1445 = tpu.memref_slice %arg12[%dma_wait3A_1441, %dma_wait3A_1444] : memref<4x128xi32, #tpu.memory_space<vmem>> -> memref<1x128xi32, #tpu.memory_space<vmem>>
    %dma_wait3A_1446 = tpu.memref_squeeze %dma_wait3A_1445 : memref<1x128xi32, #tpu.memory_space<vmem>> -> memref<128xi32, #tpu.memory_space<vmem>>
    %dma_wait3A_1447 = arith.constant 0 : i32
    %dma_wait3A_1448 = tpu.memref_slice %arg8[%dma_wait3A_1447] : memref<1000000xf32, #tpu.memory_space<hbm>> -> memref<1000000xf32, #tpu.memory_space<hbm>>
    tpu.wait_indirect_dma semaphore(%arg25 : memref<!tpu.dma_semaphore, #tpu.memory_space<semaphore_mem>>) src(%dma_wait3A_1448 : memref<1000000xf32, #tpu.memory_space<hbm>>) dst(%dma_wait3A_1443 : memref<128xf32, #tpu.memory_space<vmem>>)
    %dma_wait3A_1449 = arith.constant 3 : i32
    %dma_wait3A_1450 = arith.constant 384 : i32
    %dma_wait3A_1451 = tpu.memref_slice %arg22[%dma_wait3A_1450] : memref<512xf32, #tpu.memory_space<vmem>> -> memref<128xf32, #tpu.memory_space<vmem>>
    %dma_wait3A_1452 = arith.constant 0 : i32
    %dma_wait3A_1453 = tpu.memref_slice %arg13[%dma_wait3A_1449, %dma_wait3A_1452] : memref<4x128xi32, #tpu.memory_space<vmem>> -> memref<1x128xi32, #tpu.memory_space<vmem>>
    %dma_wait3A_1454 = tpu.memref_squeeze %dma_wait3A_1453 : memref<1x128xi32, #tpu.memory_space<vmem>> -> memref<128xi32, #tpu.memory_space<vmem>>
    %dma_wait3A_1455 = arith.constant 0 : i32
    %dma_wait3A_1456 = tpu.memref_slice %arg9[%dma_wait3A_1455] : memref<1000000xf32, #tpu.memory_space<hbm>> -> memref<1000000xf32, #tpu.memory_space<hbm>>
    tpu.wait_indirect_dma semaphore(%arg25 : memref<!tpu.dma_semaphore, #tpu.memory_space<semaphore_mem>>) src(%dma_wait3A_1456 : memref<1000000xf32, #tpu.memory_space<hbm>>) dst(%dma_wait3A_1451 : memref<128xf32, #tpu.memory_space<vmem>>)
    %get3A_1457 = arith.constant 0 : index
    %get3A_1458 = tpu.vector_load %arg24[%get3A_1457] {strides = array<i32>} : memref<16xf32, #tpu.memory_space<vmem>>, vector<16xf32>,
    %bitcast3A = vector.bitcast %get3A_1458 : vector<16xf32> to vector<16xi32>
    %add3A_1459 = arith.constant 32767 : i32
    %add3A_1460 = vector.broadcast %add3A_1459 : i32 to vector<16xi32>
    %add3A_1461 = arith.addi %bitcast3A, %add3A_1460 : vector<16xi32>
    %shift_right_arithmetic3A_1462 = arith.constant 16 : i32
    %shift_right_arithmetic3A_1463 = vector.broadcast %shift_right_arithmetic3A_1462 : i32 to vector<16xi32>
    %shift_right_arithmetic3A_1464 = arith.shrsi %bitcast3A, %shift_right_arithmetic3A_1463 : vector<16xi32>
    %and3A = arith.constant 1 : i32
    %and3A_1465 = vector.broadcast %and3A : i32 to vector<16xi32>
    %and3A_1466 = arith.andi %shift_right_arithmetic3A_1464, %and3A_1465 : vector<16xi32>
    %add3A_1467 = arith.addi %add3A_1461, %and3A_1466 : vector<16xi32>
    %and3A_1468 = arith.constant -65536 : i32
    %and3A_1469 = vector.broadcast %and3A_1468 : i32 to vector<16xi32>
    %and3A_1470 = arith.andi %add3A_1467, %and3A_1469 : vector<16xi32>
    %bitcast3A_1471 = vector.bitcast %and3A_1470 : vector<16xi32> to vector<16xf32>
    %slice3A = vector.extract_strided_slice %bitcast3A_1471 {offsets = [0], sizes = [1], strides = [1]} : vector<16xf32> to vector<1xf32>
    %squeeze3A = vector.extract %slice3A[0] : f32 from vector<1xf32>
    %slice3A_1472 = vector.extract_strided_slice %bitcast3A_1471 {offsets = [1], sizes = [1], strides = [1]} : vector<16xf32> to vector<1xf32>
    %squeeze3A_1473 = vector.extract %slice3A_1472[0] : f32 from vector<1xf32>
    %slice3A_1474 = vector.extract_strided_slice %bitcast3A_1471 {offsets = [2], sizes = [1], strides = [1]} : vector<16xf32> to vector<1xf32>
    %squeeze3A_1475 = vector.extract %slice3A_1474[0] : f32 from vector<1xf32>
    %get3A_1476 = arith.constant 0 : index
    %get3A_1477 = tpu.vector_load %arg24[%get3A_1476] {strides = array<i32>} : memref<16xf32, #tpu.memory_space<vmem>>, vector<16xf32>,
    %slice3A_1478 = vector.extract_strided_slice %get3A_1477 {offsets = [3], sizes = [1], strides = [1]} : vector<16xf32> to vector<1xf32>
    %squeeze3A_1479 = vector.extract %slice3A_1478[0] : f32 from vector<1xf32>
    %iota3A = tpu.iota {dimensions = array<i32: 0>} : vector<16xi32>
    %scan3A = arith.constant 0 : i32
    %scan3A_1480 = arith.constant 32 : i32
    %scan3A_1481 = arith.addi %scan3A, %scan3A_1480 : i32
    %scan3A_1482 = arith.constant 1 : i32
    scf.for %scan3A_1484 = %scan3A to %scan3A_1481 step %scan3A_1482  : i32 {
      %mul3A_1485 = arith.constant 1 : i32
      %mul3A_1486 = arith.muli %scan3A_1484, %mul3A_1485 : i32
      %add3A_1487 = arith.constant 0 : i32
      %add3A_1488 = arith.addi %add3A_1487, %mul3A_1486 : i32
      %mul3A_1489 = arith.constant 16 : i32
      %mul3A_1490 = arith.muli %add3A_1488, %mul3A_1489 : i32
      %jit3A = arith.constant 8 : i32
      %div3A = arith.divsi %add3A_1488, %jit3A : i32
      %sign3A = arith.constant 0 : i32
      %sign3A_1491 = arith.cmpi sgt, %add3A_1488, %sign3A : i32
      %sign3A_1492 = arith.extui %sign3A_1491 : i1 to i32
      %sign3A_1493 = arith.constant 0 : i32
      %sign3A_1494 = arith.cmpi slt, %add3A_1488, %sign3A_1493 : i32
      %sign3A_1495 = arith.extui %sign3A_1494 : i1 to i32
      %sign3A_1496 = arith.subi %sign3A_1492, %sign3A_1495 : i32
      %sign3A_1497 = arith.constant 0 : i32
      %sign3A_1498 = arith.cmpi sgt, %jit3A, %sign3A_1497 : i32
      %sign3A_1499 = arith.extui %sign3A_1498 : i1 to i32
      %sign3A_1500 = arith.constant 0 : i32
      %sign3A_1501 = arith.cmpi slt, %jit3A, %sign3A_1500 : i32
      %sign3A_1502 = arith.extui %sign3A_1501 : i1 to i32
      %sign3A_1503 = arith.subi %sign3A_1499, %sign3A_1502 : i32
      %ne3A = arith.cmpi ne, %sign3A_1496, %sign3A_1503 : i32
      %rem3A = arith.remsi %add3A_1488, %jit3A : i32
      %ne3A_1504 = arith.constant 0 : i32
      %ne3A_1505 = arith.cmpi ne, %rem3A, %ne3A_1504 : i32
      %and3A_1506 = arith.andi %ne3A, %ne3A_1505 : i1
      %sub3A = arith.constant 1 : i32
      %sub3A_1507 = arith.subi %div3A, %sub3A : i32
      %select_n3A = arith.select %and3A_1506, %sub3A_1507, %div3A : i32
      %jit3A_1508 = arith.constant 8 : i32
      %eq3A = arith.constant 0 : i32
      %eq3A_1509 = arith.cmpi eq, %jit3A_1508, %eq3A : i32
      %jit3A_1510 = arith.constant 1 : i32
      %select_n3A_1511 = arith.select %eq3A_1509, %jit3A_1510, %jit3A_1508 : i32
      %rem3A_1512 = arith.remsi %add3A_1488, %select_n3A_1511 : i32
      %ne3A_1513 = arith.constant 0 : i32
      %ne3A_1514 = arith.cmpi ne, %rem3A_1512, %ne3A_1513 : i32
      %lt3A = arith.constant 0 : i32
      %lt3A_1515 = arith.cmpi slt, %rem3A_1512, %lt3A : i32
      %lt3A_1516 = arith.constant 0 : i32
      %lt3A_1517 = arith.cmpi slt, %select_n3A_1511, %lt3A_1516 : i32
      %ne3A_1518 = arith.xori %lt3A_1515, %lt3A_1517 : i1
      %and3A_1519 = arith.andi %ne3A_1518, %ne3A_1514 : i1
      %add3A_1520 = arith.addi %rem3A_1512, %select_n3A_1511 : i32
      %select_n3A_1521 = arith.select %and3A_1519, %add3A_1520, %rem3A_1512 : i32
      %mul3A_1522 = arith.constant 16 : i32
      %mul3A_1523 = arith.muli %select_n3A_1521, %mul3A_1522 : i32
      %get3A_1524 = arith.index_cast %select_n3A : i32 to index
      %get3A_1525 = arith.index_cast %mul3A_1523 : i32 to index
      %get3A_1526 = tpu.vector_load %arg12[%get3A_1524, %get3A_1525] {strides = array<i32>} : memref<4x128xi32, #tpu.memory_space<vmem>>, vector<16xi32>,
      %and3A_1527 = arith.constant 3 : i32
      %and3A_1528 = vector.broadcast %and3A_1527 : i32 to vector<16xi32>
      %and3A_1529 = arith.andi %get3A_1526, %and3A_1528 : vector<16xi32>
      %mul3A_1530 = arith.constant 32 : i32
      %mul3A_1531 = vector.broadcast %mul3A_1530 : i32 to vector<16xi32>
      %mul3A_1532 = arith.muli %and3A_1529, %mul3A_1531 : vector<16xi32>
      %get3A_1533 = arith.index_cast %select_n3A : i32 to index
      %get3A_1534 = arith.index_cast %mul3A_1523 : i32 to index
      %get3A_1535 = tpu.vector_load %arg13[%get3A_1533, %get3A_1534] {strides = array<i32>} : memref<4x128xi32, #tpu.memory_space<vmem>>, vector<16xi32>,
      %and3A_1536 = arith.constant 3 : i32
      %and3A_1537 = vector.broadcast %and3A_1536 : i32 to vector<16xi32>
      %and3A_1538 = arith.andi %get3A_1535, %and3A_1537 : vector<16xi32>
      %mul3A_1539 = arith.constant 32 : i32
      %mul3A_1540 = vector.broadcast %mul3A_1539 : i32 to vector<16xi32>
      %mul3A_1541 = arith.muli %and3A_1538, %mul3A_1540 : vector<16xi32>
      %get3A_1542 = arith.index_cast %select_n3A : i32 to index
      %get3A_1543 = arith.index_cast %mul3A_1523 : i32 to index
      %get3A_1544 = tpu.vector_load %arg14[%get3A_1542, %get3A_1543] {strides = array<i32>} : memref<4x128xi32, #tpu.memory_space<vmem>>, vector<16xi32>,
      %and3A_1545 = arith.constant 3 : i32
      %and3A_1546 = vector.broadcast %and3A_1545 : i32 to vector<16xi32>
      %and3A_1547 = arith.andi %get3A_1544, %and3A_1546 : vector<16xi32>
      %mul3A_1548 = arith.constant 32 : i32
      %mul3A_1549 = vector.broadcast %mul3A_1548 : i32 to vector<16xi32>
      %mul3A_1550 = arith.muli %and3A_1547, %mul3A_1549 : vector<16xi32>
      %broadcast_in_dim3A = arith.constant 0.000000e+00 : f32
      %broadcast_in_dim3A_1551 = vector.broadcast %broadcast_in_dim3A : f32 to vector<16xf32>
      %add3A_1552 = arith.constant 0 : i32
      %add3A_1553 = arith.addi %mul3A_1490, %add3A_1552 : i32
      %slice3A_1554 = vector.extract_strided_slice %mul3A_1532 {offsets = [0], sizes = [1], strides = [1]} : vector<16xi32> to vector<1xi32>
      %squeeze3A_1555 = vector.extract %slice3A_1554[0] : i32 from vector<1xi32>
      %get3A_1556 = arith.index_cast %add3A_1553 : i32 to index
      %get3A_1557 = arith.index_cast %squeeze3A_1555 : i32 to index
      %get3A_1558 = tpu.vector_load %arg18[%get3A_1556, %get3A_1557] {strides = array<i32>} : memref<512x128xbf16, #tpu.memory_space<vmem>>, vector<32xbf16>,
      %slice3A_1559 = vector.extract_strided_slice %mul3A_1541 {offsets = [0], sizes = [1], strides = [1]} : vector<16xi32> to vector<1xi32>
      %squeeze3A_1560 = vector.extract %slice3A_1559[0] : i32 from vector<1xi32>
      %get3A_1561 = arith.index_cast %add3A_1553 : i32 to index
      %get3A_1562 = arith.index_cast %squeeze3A_1560 : i32 to index
      %get3A_1563 = tpu.vector_load %arg19[%get3A_1561, %get3A_1562] {strides = array<i32>} : memref<512x128xbf16, #tpu.memory_space<vmem>>, vector<32xbf16>,
      %slice3A_1564 = vector.extract_strided_slice %mul3A_1550 {offsets = [0], sizes = [1], strides = [1]} : vector<16xi32> to vector<1xi32>
      %squeeze3A_1565 = vector.extract %slice3A_1564[0] : i32 from vector<1xi32>
      %get3A_1566 = arith.index_cast %add3A_1553 : i32 to index
      %get3A_1567 = arith.index_cast %squeeze3A_1565 : i32 to index
      %get3A_1568 = tpu.vector_load %arg20[%get3A_1566, %get3A_1567] {strides = array<i32>} : memref<512x128xbf16, #tpu.memory_space<vmem>>, vector<32xbf16>,
      %add3A_1569 = arith.addf %get3A_1563, %get3A_1568 : vector<32xbf16>
      %mul3A_1570 = arith.mulf %get3A_1558, %add3A_1569 : vector<32xbf16>
      %mul3A_1571 = arith.mulf %get3A_1563, %get3A_1568 : vector<32xbf16>
      %add3A_1572 = arith.addf %mul3A_1570, %mul3A_1571 : vector<32xbf16>
      %unpack3A = tpu.unpack_subelements %add3A_1572, 0 {pack_format = #tpu.pack_format<interleaved>} : vector<32xbf16> -> vector<16xf32>
      %unpack3A_1573 = tpu.unpack_subelements %add3A_1572, 1 {pack_format = #tpu.pack_format<interleaved>} : vector<32xbf16> -> vector<16xf32>
      %add3A_1574 = arith.addf %unpack3A, %unpack3A_1573 : vector<16xf32>
      %reduce_sum3A = arith.constant true
      %reduce_sum3A_1575 = vector.broadcast %reduce_sum3A : i1 to vector<16xi1>
      %reduce_sum3A_1576 = tpu.scan <sum>, %add3A_1574 masked %reduce_sum3A_1575 : vector<16xf32>, vector<16xi1> -> vector<16xf32>
      %reduce_sum3A_1577 = vector.extract %reduce_sum3A_1576[15] : f32 from vector<16xf32>
      %eq3A_1578 = arith.constant 0 : i32
      %eq3A_1579 = vector.broadcast %eq3A_1578 : i32 to vector<16xi32>
      %eq3A_1580 = arith.cmpi eq, %iota3A, %eq3A_1579 : vector<16xi32>
      %broadcast_in_dim3A_1581 = vector.broadcast %reduce_sum3A_1577 : f32 to vector<16xf32>
      %select_n3A_1582 = arith.select %eq3A_1580, %broadcast_in_dim3A_1581, %broadcast_in_dim3A_1551 : vector<16xi1>, vector<16xf32>
      %add3A_1583 = arith.constant 1 : i32
      %add3A_1584 = arith.addi %mul3A_1490, %add3A_1583 : i32
      %slice3A_1585 = vector.extract_strided_slice %mul3A_1532 {offsets = [1], sizes = [1], strides = [1]} : vector<16xi32> to vector<1xi32>
      %squeeze3A_1586 = vector.extract %slice3A_1585[0] : i32 from vector<1xi32>
      %get3A_1587 = arith.index_cast %add3A_1584 : i32 to index
      %get3A_1588 = arith.index_cast %squeeze3A_1586 : i32 to index
      %get3A_1589 = tpu.vector_load %arg18[%get3A_1587, %get3A_1588] {strides = array<i32>} : memref<512x128xbf16, #tpu.memory_space<vmem>>, vector<32xbf16>,
      %slice3A_1590 = vector.extract_strided_slice %mul3A_1541 {offsets = [1], sizes = [1], strides = [1]} : vector<16xi32> to vector<1xi32>
      %squeeze3A_1591 = vector.extract %slice3A_1590[0] : i32 from vector<1xi32>
      %get3A_1592 = arith.index_cast %add3A_1584 : i32 to index
      %get3A_1593 = arith.index_cast %squeeze3A_1591 : i32 to index
      %get3A_1594 = tpu.vector_load %arg19[%get3A_1592, %get3A_1593] {strides = array<i32>} : memref<512x128xbf16, #tpu.memory_space<vmem>>, vector<32xbf16>,
      %slice3A_1595 = vector.extract_strided_slice %mul3A_1550 {offsets = [1], sizes = [1], strides = [1]} : vector<16xi32> to vector<1xi32>
      %squeeze3A_1596 = vector.extract %slice3A_1595[0] : i32 from vector<1xi32>
      %get3A_1597 = arith.index_cast %add3A_1584 : i32 to index
      %get3A_1598 = arith.index_cast %squeeze3A_1596 : i32 to index
      %get3A_1599 = tpu.vector_load %arg20[%get3A_1597, %get3A_1598] {strides = array<i32>} : memref<512x128xbf16, #tpu.memory_space<vmem>>, vector<32xbf16>,
      %add3A_1600 = arith.addf %get3A_1594, %get3A_1599 : vector<32xbf16>
      %mul3A_1601 = arith.mulf %get3A_1589, %add3A_1600 : vector<32xbf16>
      %mul3A_1602 = arith.mulf %get3A_1594, %get3A_1599 : vector<32xbf16>
      %add3A_1603 = arith.addf %mul3A_1601, %mul3A_1602 : vector<32xbf16>
      %unpack3A_1604 = tpu.unpack_subelements %add3A_1603, 0 {pack_format = #tpu.pack_format<interleaved>} : vector<32xbf16> -> vector<16xf32>
      %unpack3A_1605 = tpu.unpack_subelements %add3A_1603, 1 {pack_format = #tpu.pack_format<interleaved>} : vector<32xbf16> -> vector<16xf32>
      %add3A_1606 = arith.addf %unpack3A_1604, %unpack3A_1605 : vector<16xf32>
      %reduce_sum3A_1607 = arith.constant true
      %reduce_sum3A_1608 = vector.broadcast %reduce_sum3A_1607 : i1 to vector<16xi1>
      %reduce_sum3A_1609 = tpu.scan <sum>, %add3A_1606 masked %reduce_sum3A_1608 : vector<16xf32>, vector<16xi1> -> vector<16xf32>
      %reduce_sum3A_1610 = vector.extract %reduce_sum3A_1609[15] : f32 from vector<16xf32>
      %eq3A_1611 = arith.constant 1 : i32
      %eq3A_1612 = vector.broadcast %eq3A_1611 : i32 to vector<16xi32>
      %eq3A_1613 = arith.cmpi eq, %iota3A, %eq3A_1612 : vector<16xi32>
      %broadcast_in_dim3A_1614 = vector.broadcast %reduce_sum3A_1610 : f32 to vector<16xf32>
      %select_n3A_1615 = arith.select %eq3A_1613, %broadcast_in_dim3A_1614, %select_n3A_1582 : vector<16xi1>, vector<16xf32>
      %add3A_1616 = arith.constant 2 : i32
      %add3A_1617 = arith.addi %mul3A_1490, %add3A_1616 : i32
      %slice3A_1618 = vector.extract_strided_slice %mul3A_1532 {offsets = [2], sizes = [1], strides = [1]} : vector<16xi32> to vector<1xi32>
      %squeeze3A_1619 = vector.extract %slice3A_1618[0] : i32 from vector<1xi32>
      %get3A_1620 = arith.index_cast %add3A_1617 : i32 to index
      %get3A_1621 = arith.index_cast %squeeze3A_1619 : i32 to index
      %get3A_1622 = tpu.vector_load %arg18[%get3A_1620, %get3A_1621] {strides = array<i32>} : memref<512x128xbf16, #tpu.memory_space<vmem>>, vector<32xbf16>,
      %slice3A_1623 = vector.extract_strided_slice %mul3A_1541 {offsets = [2], sizes = [1], strides = [1]} : vector<16xi32> to vector<1xi32>
      %squeeze3A_1624 = vector.extract %slice3A_1623[0] : i32 from vector<1xi32>
      %get3A_1625 = arith.index_cast %add3A_1617 : i32 to index
      %get3A_1626 = arith.index_cast %squeeze3A_1624 : i32 to index
      %get3A_1627 = tpu.vector_load %arg19[%get3A_1625, %get3A_1626] {strides = array<i32>} : memref<512x128xbf16, #tpu.memory_space<vmem>>, vector<32xbf16>,
      %slice3A_1628 = vector.extract_strided_slice %mul3A_1550 {offsets = [2], sizes = [1], strides = [1]} : vector<16xi32> to vector<1xi32>
      %squeeze3A_1629 = vector.extract %slice3A_1628[0] : i32 from vector<1xi32>
      %get3A_1630 = arith.index_cast %add3A_1617 : i32 to index
      %get3A_1631 = arith.index_cast %squeeze3A_1629 : i32 to index
      %get3A_1632 = tpu.vector_load %arg20[%get3A_1630, %get3A_1631] {strides = array<i32>} : memref<512x128xbf16, #tpu.memory_space<vmem>>, vector<32xbf16>,
      %add3A_1633 = arith.addf %get3A_1627, %get3A_1632 : vector<32xbf16>
      %mul3A_1634 = arith.mulf %get3A_1622, %add3A_1633 : vector<32xbf16>
      %mul3A_1635 = arith.mulf %get3A_1627, %get3A_1632 : vector<32xbf16>
      %add3A_1636 = arith.addf %mul3A_1634, %mul3A_1635 : vector<32xbf16>
      %unpack3A_1637 = tpu.unpack_subelements %add3A_1636, 0 {pack_format = #tpu.pack_format<interleaved>} : vector<32xbf16> -> vector<16xf32>
      %unpack3A_1638 = tpu.unpack_subelements %add3A_1636, 1 {pack_format = #tpu.pack_format<interleaved>} : vector<32xbf16> -> vector<16xf32>
      %add3A_1639 = arith.addf %unpack3A_1637, %unpack3A_1638 : vector<16xf32>
      %reduce_sum3A_1640 = arith.constant true
      %reduce_sum3A_1641 = vector.broadcast %reduce_sum3A_1640 : i1 to vector<16xi1>
      %reduce_sum3A_1642 = tpu.scan <sum>, %add3A_1639 masked %reduce_sum3A_1641 : vector<16xf32>, vector<16xi1> -> vector<16xf32>
      %reduce_sum3A_1643 = vector.extract %reduce_sum3A_1642[15] : f32 from vector<16xf32>
      %eq3A_1644 = arith.constant 2 : i32
      %eq3A_1645 = vector.broadcast %eq3A_1644 : i32 to vector<16xi32>
      %eq3A_1646 = arith.cmpi eq, %iota3A, %eq3A_1645 : vector<16xi32>
      %broadcast_in_dim3A_1647 = vector.broadcast %reduce_sum3A_1643 : f32 to vector<16xf32>
      %select_n3A_1648 = arith.select %eq3A_1646, %broadcast_in_dim3A_1647, %select_n3A_1615 : vector<16xi1>, vector<16xf32>
      %add3A_1649 = arith.constant 3 : i32
      %add3A_1650 = arith.addi %mul3A_1490, %add3A_1649 : i32
      %slice3A_1651 = vector.extract_strided_slice %mul3A_1532 {offsets = [3], sizes = [1], strides = [1]} : vector<16xi32> to vector<1xi32>
      %squeeze3A_1652 = vector.extract %slice3A_1651[0] : i32 from vector<1xi32>
      %get3A_1653 = arith.index_cast %add3A_1650 : i32 to index
      %get3A_1654 = arith.index_cast %squeeze3A_1652 : i32 to index
      %get3A_1655 = tpu.vector_load %arg18[%get3A_1653, %get3A_1654] {strides = array<i32>} : memref<512x128xbf16, #tpu.memory_space<vmem>>, vector<32xbf16>,
      %slice3A_1656 = vector.extract_strided_slice %mul3A_1541 {offsets = [3], sizes = [1], strides = [1]} : vector<16xi32> to vector<1xi32>
      %squeeze3A_1657 = vector.extract %slice3A_1656[0] : i32 from vector<1xi32>
      %get3A_1658 = arith.index_cast %add3A_1650 : i32 to index
      %get3A_1659 = arith.index_cast %squeeze3A_1657 : i32 to index
      %get3A_1660 = tpu.vector_load %arg19[%get3A_1658, %get3A_1659] {strides = array<i32>} : memref<512x128xbf16, #tpu.memory_space<vmem>>, vector<32xbf16>,
      %slice3A_1661 = vector.extract_strided_slice %mul3A_1550 {offsets = [3], sizes = [1], strides = [1]} : vector<16xi32> to vector<1xi32>
      %squeeze3A_1662 = vector.extract %slice3A_1661[0] : i32 from vector<1xi32>
      %get3A_1663 = arith.index_cast %add3A_1650 : i32 to index
      %get3A_1664 = arith.index_cast %squeeze3A_1662 : i32 to index
      %get3A_1665 = tpu.vector_load %arg20[%get3A_1663, %get3A_1664] {strides = array<i32>} : memref<512x128xbf16, #tpu.memory_space<vmem>>, vector<32xbf16>,
      %add3A_1666 = arith.addf %get3A_1660, %get3A_1665 : vector<32xbf16>
      %mul3A_1667 = arith.mulf %get3A_1655, %add3A_1666 : vector<32xbf16>
      %mul3A_1668 = arith.mulf %get3A_1660, %get3A_1665 : vector<32xbf16>
      %add3A_1669 = arith.addf %mul3A_1667, %mul3A_1668 : vector<32xbf16>
      %unpack3A_1670 = tpu.unpack_subelements %add3A_1669, 0 {pack_format = #tpu.pack_format<interleaved>} : vector<32xbf16> -> vector<16xf32>
      %unpack3A_1671 = tpu.unpack_subelements %add3A_1669, 1 {pack_format = #tpu.pack_format<interleaved>} : vector<32xbf16> -> vector<16xf32>
      %add3A_1672 = arith.addf %unpack3A_1670, %unpack3A_1671 : vector<16xf32>
      %reduce_sum3A_1673 = arith.constant true
      %reduce_sum3A_1674 = vector.broadcast %reduce_sum3A_1673 : i1 to vector<16xi1>
      %reduce_sum3A_1675 = tpu.scan <sum>, %add3A_1672 masked %reduce_sum3A_1674 : vector<16xf32>, vector<16xi1> -> vector<16xf32>
      %reduce_sum3A_1676 = vector.extract %reduce_sum3A_1675[15] : f32 from vector<16xf32>
      %eq3A_1677 = arith.constant 3 : i32
      %eq3A_1678 = vector.broadcast %eq3A_1677 : i32 to vector<16xi32>
      %eq3A_1679 = arith.cmpi eq, %iota3A, %eq3A_1678 : vector<16xi32>
      %broadcast_in_dim3A_1680 = vector.broadcast %reduce_sum3A_1676 : f32 to vector<16xf32>
      %select_n3A_1681 = arith.select %eq3A_1679, %broadcast_in_dim3A_1680, %select_n3A_1648 : vector<16xi1>, vector<16xf32>
      %add3A_1682 = arith.constant 4 : i32
      %add3A_1683 = arith.addi %mul3A_1490, %add3A_1682 : i32
      %slice3A_1684 = vector.extract_strided_slice %mul3A_1532 {offsets = [4], sizes = [1], strides = [1]} : vector<16xi32> to vector<1xi32>
      %squeeze3A_1685 = vector.extract %slice3A_1684[0] : i32 from vector<1xi32>
      %get3A_1686 = arith.index_cast %add3A_1683 : i32 to index
      %get3A_1687 = arith.index_cast %squeeze3A_1685 : i32 to index
      %get3A_1688 = tpu.vector_load %arg18[%get3A_1686, %get3A_1687] {strides = array<i32>} : memref<512x128xbf16, #tpu.memory_space<vmem>>, vector<32xbf16>,
      %slice3A_1689 = vector.extract_strided_slice %mul3A_1541 {offsets = [4], sizes = [1], strides = [1]} : vector<16xi32> to vector<1xi32>
      %squeeze3A_1690 = vector.extract %slice3A_1689[0] : i32 from vector<1xi32>
      %get3A_1691 = arith.index_cast %add3A_1683 : i32 to index
      %get3A_1692 = arith.index_cast %squeeze3A_1690 : i32 to index
      %get3A_1693 = tpu.vector_load %arg19[%get3A_1691, %get3A_1692] {strides = array<i32>} : memref<512x128xbf16, #tpu.memory_space<vmem>>, vector<32xbf16>,
      %slice3A_1694 = vector.extract_strided_slice %mul3A_1550 {offsets = [4], sizes = [1], strides = [1]} : vector<16xi32> to vector<1xi32>
      %squeeze3A_1695 = vector.extract %slice3A_1694[0] : i32 from vector<1xi32>
      %get3A_1696 = arith.index_cast %add3A_1683 : i32 to index
      %get3A_1697 = arith.index_cast %squeeze3A_1695 : i32 to index
      %get3A_1698 = tpu.vector_load %arg20[%get3A_1696, %get3A_1697] {strides = array<i32>} : memref<512x128xbf16, #tpu.memory_space<vmem>>, vector<32xbf16>,
      %add3A_1699 = arith.addf %get3A_1693, %get3A_1698 : vector<32xbf16>
      %mul3A_1700 = arith.mulf %get3A_1688, %add3A_1699 : vector<32xbf16>
      %mul3A_1701 = arith.mulf %get3A_1693, %get3A_1698 : vector<32xbf16>
      %add3A_1702 = arith.addf %mul3A_1700, %mul3A_1701 : vector<32xbf16>
      %unpack3A_1703 = tpu.unpack_subelements %add3A_1702, 0 {pack_format = #tpu.pack_format<interleaved>} : vector<32xbf16> -> vector<16xf32>
      %unpack3A_1704 = tpu.unpack_subelements %add3A_1702, 1 {pack_format = #tpu.pack_format<interleaved>} : vector<32xbf16> -> vector<16xf32>
      %add3A_1705 = arith.addf %unpack3A_1703, %unpack3A_1704 : vector<16xf32>
      %reduce_sum3A_1706 = arith.constant true
      %reduce_sum3A_1707 = vector.broadcast %reduce_sum3A_1706 : i1 to vector<16xi1>
      %reduce_sum3A_1708 = tpu.scan <sum>, %add3A_1705 masked %reduce_sum3A_1707 : vector<16xf32>, vector<16xi1> -> vector<16xf32>
      %reduce_sum3A_1709 = vector.extract %reduce_sum3A_1708[15] : f32 from vector<16xf32>
      %eq3A_1710 = arith.constant 4 : i32
      %eq3A_1711 = vector.broadcast %eq3A_1710 : i32 to vector<16xi32>
      %eq3A_1712 = arith.cmpi eq, %iota3A, %eq3A_1711 : vector<16xi32>
      %broadcast_in_dim3A_1713 = vector.broadcast %reduce_sum3A_1709 : f32 to vector<16xf32>
      %select_n3A_1714 = arith.select %eq3A_1712, %broadcast_in_dim3A_1713, %select_n3A_1681 : vector<16xi1>, vector<16xf32>
      %add3A_1715 = arith.constant 5 : i32
      %add3A_1716 = arith.addi %mul3A_1490, %add3A_1715 : i32
      %slice3A_1717 = vector.extract_strided_slice %mul3A_1532 {offsets = [5], sizes = [1], strides = [1]} : vector<16xi32> to vector<1xi32>
      %squeeze3A_1718 = vector.extract %slice3A_1717[0] : i32 from vector<1xi32>
      %get3A_1719 = arith.index_cast %add3A_1716 : i32 to index
      %get3A_1720 = arith.index_cast %squeeze3A_1718 : i32 to index
      %get3A_1721 = tpu.vector_load %arg18[%get3A_1719, %get3A_1720] {strides = array<i32>} : memref<512x128xbf16, #tpu.memory_space<vmem>>, vector<32xbf16>,
      %slice3A_1722 = vector.extract_strided_slice %mul3A_1541 {offsets = [5], sizes = [1], strides = [1]} : vector<16xi32> to vector<1xi32>
      %squeeze3A_1723 = vector.extract %slice3A_1722[0] : i32 from vector<1xi32>
      %get3A_1724 = arith.index_cast %add3A_1716 : i32 to index
      %get3A_1725 = arith.index_cast %squeeze3A_1723 : i32 to index
      %get3A_1726 = tpu.vector_load %arg19[%get3A_1724, %get3A_1725] {strides = array<i32>} : memref<512x128xbf16, #tpu.memory_space<vmem>>, vector<32xbf16>,
      %slice3A_1727 = vector.extract_strided_slice %mul3A_1550 {offsets = [5], sizes = [1], strides = [1]} : vector<16xi32> to vector<1xi32>
      %squeeze3A_1728 = vector.extract %slice3A_1727[0] : i32 from vector<1xi32>
      %get3A_1729 = arith.index_cast %add3A_1716 : i32 to index
      %get3A_1730 = arith.index_cast %squeeze3A_1728 : i32 to index
      %get3A_1731 = tpu.vector_load %arg20[%get3A_1729, %get3A_1730] {strides = array<i32>} : memref<512x128xbf16, #tpu.memory_space<vmem>>, vector<32xbf16>,
      %add3A_1732 = arith.addf %get3A_1726, %get3A_1731 : vector<32xbf16>
      %mul3A_1733 = arith.mulf %get3A_1721, %add3A_1732 : vector<32xbf16>
      %mul3A_1734 = arith.mulf %get3A_1726, %get3A_1731 : vector<32xbf16>
      %add3A_1735 = arith.addf %mul3A_1733, %mul3A_1734 : vector<32xbf16>
      %unpack3A_1736 = tpu.unpack_subelements %add3A_1735, 0 {pack_format = #tpu.pack_format<interleaved>} : vector<32xbf16> -> vector<16xf32>
      %unpack3A_1737 = tpu.unpack_subelements %add3A_1735, 1 {pack_format = #tpu.pack_format<interleaved>} : vector<32xbf16> -> vector<16xf32>
      %add3A_1738 = arith.addf %unpack3A_1736, %unpack3A_1737 : vector<16xf32>
      %reduce_sum3A_1739 = arith.constant true
      %reduce_sum3A_1740 = vector.broadcast %reduce_sum3A_1739 : i1 to vector<16xi1>
      %reduce_sum3A_1741 = tpu.scan <sum>, %add3A_1738 masked %reduce_sum3A_1740 : vector<16xf32>, vector<16xi1> -> vector<16xf32>
      %reduce_sum3A_1742 = vector.extract %reduce_sum3A_1741[15] : f32 from vector<16xf32>
      %eq3A_1743 = arith.constant 5 : i32
      %eq3A_1744 = vector.broadcast %eq3A_1743 : i32 to vector<16xi32>
      %eq3A_1745 = arith.cmpi eq, %iota3A, %eq3A_1744 : vector<16xi32>
      %broadcast_in_dim3A_1746 = vector.broadcast %reduce_sum3A_1742 : f32 to vector<16xf32>
      %select_n3A_1747 = arith.select %eq3A_1745, %broadcast_in_dim3A_1746, %select_n3A_1714 : vector<16xi1>, vector<16xf32>
      %add3A_1748 = arith.constant 6 : i32
      %add3A_1749 = arith.addi %mul3A_1490, %add3A_1748 : i32
      %slice3A_1750 = vector.extract_strided_slice %mul3A_1532 {offsets = [6], sizes = [1], strides = [1]} : vector<16xi32> to vector<1xi32>
      %squeeze3A_1751 = vector.extract %slice3A_1750[0] : i32 from vector<1xi32>
      %get3A_1752 = arith.index_cast %add3A_1749 : i32 to index
      %get3A_1753 = arith.index_cast %squeeze3A_1751 : i32 to index
      %get3A_1754 = tpu.vector_load %arg18[%get3A_1752, %get3A_1753] {strides = array<i32>} : memref<512x128xbf16, #tpu.memory_space<vmem>>, vector<32xbf16>,
      %slice3A_1755 = vector.extract_strided_slice %mul3A_1541 {offsets = [6], sizes = [1], strides = [1]} : vector<16xi32> to vector<1xi32>
      %squeeze3A_1756 = vector.extract %slice3A_1755[0] : i32 from vector<1xi32>
      %get3A_1757 = arith.index_cast %add3A_1749 : i32 to index
      %get3A_1758 = arith.index_cast %squeeze3A_1756 : i32 to index
      %get3A_1759 = tpu.vector_load %arg19[%get3A_1757, %get3A_1758] {strides = array<i32>} : memref<512x128xbf16, #tpu.memory_space<vmem>>, vector<32xbf16>,
      %slice3A_1760 = vector.extract_strided_slice %mul3A_1550 {offsets = [6], sizes = [1], strides = [1]} : vector<16xi32> to vector<1xi32>
      %squeeze3A_1761 = vector.extract %slice3A_1760[0] : i32 from vector<1xi32>
      %get3A_1762 = arith.index_cast %add3A_1749 : i32 to index
      %get3A_1763 = arith.index_cast %squeeze3A_1761 : i32 to index
      %get3A_1764 = tpu.vector_load %arg20[%get3A_1762, %get3A_1763] {strides = array<i32>} : memref<512x128xbf16, #tpu.memory_space<vmem>>, vector<32xbf16>,
      %add3A_1765 = arith.addf %get3A_1759, %get3A_1764 : vector<32xbf16>
      %mul3A_1766 = arith.mulf %get3A_1754, %add3A_1765 : vector<32xbf16>
      %mul3A_1767 = arith.mulf %get3A_1759, %get3A_1764 : vector<32xbf16>
      %add3A_1768 = arith.addf %mul3A_1766, %mul3A_1767 : vector<32xbf16>
      %unpack3A_1769 = tpu.unpack_subelements %add3A_1768, 0 {pack_format = #tpu.pack_format<interleaved>} : vector<32xbf16> -> vector<16xf32>
      %unpack3A_1770 = tpu.unpack_subelements %add3A_1768, 1 {pack_format = #tpu.pack_format<interleaved>} : vector<32xbf16> -> vector<16xf32>
      %add3A_1771 = arith.addf %unpack3A_1769, %unpack3A_1770 : vector<16xf32>
      %reduce_sum3A_1772 = arith.constant true
      %reduce_sum3A_1773 = vector.broadcast %reduce_sum3A_1772 : i1 to vector<16xi1>
      %reduce_sum3A_1774 = tpu.scan <sum>, %add3A_1771 masked %reduce_sum3A_1773 : vector<16xf32>, vector<16xi1> -> vector<16xf32>
      %reduce_sum3A_1775 = vector.extract %reduce_sum3A_1774[15] : f32 from vector<16xf32>
      %eq3A_1776 = arith.constant 6 : i32
      %eq3A_1777 = vector.broadcast %eq3A_1776 : i32 to vector<16xi32>
      %eq3A_1778 = arith.cmpi eq, %iota3A, %eq3A_1777 : vector<16xi32>
      %broadcast_in_dim3A_1779 = vector.broadcast %reduce_sum3A_1775 : f32 to vector<16xf32>
      %select_n3A_1780 = arith.select %eq3A_1778, %broadcast_in_dim3A_1779, %select_n3A_1747 : vector<16xi1>, vector<16xf32>
      %add3A_1781 = arith.constant 7 : i32
      %add3A_1782 = arith.addi %mul3A_1490, %add3A_1781 : i32
      %slice3A_1783 = vector.extract_strided_slice %mul3A_1532 {offsets = [7], sizes = [1], strides = [1]} : vector<16xi32> to vector<1xi32>
      %squeeze3A_1784 = vector.extract %slice3A_1783[0] : i32 from vector<1xi32>
      %get3A_1785 = arith.index_cast %add3A_1782 : i32 to index
      %get3A_1786 = arith.index_cast %squeeze3A_1784 : i32 to index
      %get3A_1787 = tpu.vector_load %arg18[%get3A_1785, %get3A_1786] {strides = array<i32>} : memref<512x128xbf16, #tpu.memory_space<vmem>>, vector<32xbf16>,
      %slice3A_1788 = vector.extract_strided_slice %mul3A_1541 {offsets = [7], sizes = [1], strides = [1]} : vector<16xi32> to vector<1xi32>
      %squeeze3A_1789 = vector.extract %slice3A_1788[0] : i32 from vector<1xi32>
      %get3A_1790 = arith.index_cast %add3A_1782 : i32 to index
      %get3A_1791 = arith.index_cast %squeeze3A_1789 : i32 to index
      %get3A_1792 = tpu.vector_load %arg19[%get3A_1790, %get3A_1791] {strides = array<i32>} : memref<512x128xbf16, #tpu.memory_space<vmem>>, vector<32xbf16>,
      %slice3A_1793 = vector.extract_strided_slice %mul3A_1550 {offsets = [7], sizes = [1], strides = [1]} : vector<16xi32> to vector<1xi32>
      %squeeze3A_1794 = vector.extract %slice3A_1793[0] : i32 from vector<1xi32>
      %get3A_1795 = arith.index_cast %add3A_1782 : i32 to index
      %get3A_1796 = arith.index_cast %squeeze3A_1794 : i32 to index
      %get3A_1797 = tpu.vector_load %arg20[%get3A_1795, %get3A_1796] {strides = array<i32>} : memref<512x128xbf16, #tpu.memory_space<vmem>>, vector<32xbf16>,
      %add3A_1798 = arith.addf %get3A_1792, %get3A_1797 : vector<32xbf16>
      %mul3A_1799 = arith.mulf %get3A_1787, %add3A_1798 : vector<32xbf16>
      %mul3A_1800 = arith.mulf %get3A_1792, %get3A_1797 : vector<32xbf16>
      %add3A_1801 = arith.addf %mul3A_1799, %mul3A_1800 : vector<32xbf16>
      %unpack3A_1802 = tpu.unpack_subelements %add3A_1801, 0 {pack_format = #tpu.pack_format<interleaved>} : vector<32xbf16> -> vector<16xf32>
      %unpack3A_1803 = tpu.unpack_subelements %add3A_1801, 1 {pack_format = #tpu.pack_format<interleaved>} : vector<32xbf16> -> vector<16xf32>
      %add3A_1804 = arith.addf %unpack3A_1802, %unpack3A_1803 : vector<16xf32>
      %reduce_sum3A_1805 = arith.constant true
      %reduce_sum3A_1806 = vector.broadcast %reduce_sum3A_1805 : i1 to vector<16xi1>
      %reduce_sum3A_1807 = tpu.scan <sum>, %add3A_1804 masked %reduce_sum3A_1806 : vector<16xf32>, vector<16xi1> -> vector<16xf32>
      %reduce_sum3A_1808 = vector.extract %reduce_sum3A_1807[15] : f32 from vector<16xf32>
      %eq3A_1809 = arith.constant 7 : i32
      %eq3A_1810 = vector.broadcast %eq3A_1809 : i32 to vector<16xi32>
      %eq3A_1811 = arith.cmpi eq, %iota3A, %eq3A_1810 : vector<16xi32>
      %broadcast_in_dim3A_1812 = vector.broadcast %reduce_sum3A_1808 : f32 to vector<16xf32>
      %select_n3A_1813 = arith.select %eq3A_1811, %broadcast_in_dim3A_1812, %select_n3A_1780 : vector<16xi1>, vector<16xf32>
      %add3A_1814 = arith.constant 8 : i32
      %add3A_1815 = arith.addi %mul3A_1490, %add3A_1814 : i32
      %slice3A_1816 = vector.extract_strided_slice %mul3A_1532 {offsets = [8], sizes = [1], strides = [1]} : vector<16xi32> to vector<1xi32>
      %squeeze3A_1817 = vector.extract %slice3A_1816[0] : i32 from vector<1xi32>
      %get3A_1818 = arith.index_cast %add3A_1815 : i32 to index
      %get3A_1819 = arith.index_cast %squeeze3A_1817 : i32 to index
      %get3A_1820 = tpu.vector_load %arg18[%get3A_1818, %get3A_1819] {strides = array<i32>} : memref<512x128xbf16, #tpu.memory_space<vmem>>, vector<32xbf16>,
      %slice3A_1821 = vector.extract_strided_slice %mul3A_1541 {offsets = [8], sizes = [1], strides = [1]} : vector<16xi32> to vector<1xi32>
      %squeeze3A_1822 = vector.extract %slice3A_1821[0] : i32 from vector<1xi32>
      %get3A_1823 = arith.index_cast %add3A_1815 : i32 to index
      %get3A_1824 = arith.index_cast %squeeze3A_1822 : i32 to index
      %get3A_1825 = tpu.vector_load %arg19[%get3A_1823, %get3A_1824] {strides = array<i32>} : memref<512x128xbf16, #tpu.memory_space<vmem>>, vector<32xbf16>,
      %slice3A_1826 = vector.extract_strided_slice %mul3A_1550 {offsets = [8], sizes = [1], strides = [1]} : vector<16xi32> to vector<1xi32>
      %squeeze3A_1827 = vector.extract %slice3A_1826[0] : i32 from vector<1xi32>
      %get3A_1828 = arith.index_cast %add3A_1815 : i32 to index
      %get3A_1829 = arith.index_cast %squeeze3A_1827 : i32 to index
      %get3A_1830 = tpu.vector_load %arg20[%get3A_1828, %get3A_1829] {strides = array<i32>} : memref<512x128xbf16, #tpu.memory_space<vmem>>, vector<32xbf16>,
      %add3A_1831 = arith.addf %get3A_1825, %get3A_1830 : vector<32xbf16>
      %mul3A_1832 = arith.mulf %get3A_1820, %add3A_1831 : vector<32xbf16>
      %mul3A_1833 = arith.mulf %get3A_1825, %get3A_1830 : vector<32xbf16>
      %add3A_1834 = arith.addf %mul3A_1832, %mul3A_1833 : vector<32xbf16>
      %unpack3A_1835 = tpu.unpack_subelements %add3A_1834, 0 {pack_format = #tpu.pack_format<interleaved>} : vector<32xbf16> -> vector<16xf32>
      %unpack3A_1836 = tpu.unpack_subelements %add3A_1834, 1 {pack_format = #tpu.pack_format<interleaved>} : vector<32xbf16> -> vector<16xf32>
      %add3A_1837 = arith.addf %unpack3A_1835, %unpack3A_1836 : vector<16xf32>
      %reduce_sum3A_1838 = arith.constant true
      %reduce_sum3A_1839 = vector.broadcast %reduce_sum3A_1838 : i1 to vector<16xi1>
      %reduce_sum3A_1840 = tpu.scan <sum>, %add3A_1837 masked %reduce_sum3A_1839 : vector<16xf32>, vector<16xi1> -> vector<16xf32>
      %reduce_sum3A_1841 = vector.extract %reduce_sum3A_1840[15] : f32 from vector<16xf32>
      %eq3A_1842 = arith.constant 8 : i32
      %eq3A_1843 = vector.broadcast %eq3A_1842 : i32 to vector<16xi32>
      %eq3A_1844 = arith.cmpi eq, %iota3A, %eq3A_1843 : vector<16xi32>
      %broadcast_in_dim3A_1845 = vector.broadcast %reduce_sum3A_1841 : f32 to vector<16xf32>
      %select_n3A_1846 = arith.select %eq3A_1844, %broadcast_in_dim3A_1845, %select_n3A_1813 : vector<16xi1>, vector<16xf32>
      %add3A_1847 = arith.constant 9 : i32
      %add3A_1848 = arith.addi %mul3A_1490, %add3A_1847 : i32
      %slice3A_1849 = vector.extract_strided_slice %mul3A_1532 {offsets = [9], sizes = [1], strides = [1]} : vector<16xi32> to vector<1xi32>
      %squeeze3A_1850 = vector.extract %slice3A_1849[0] : i32 from vector<1xi32>
      %get3A_1851 = arith.index_cast %add3A_1848 : i32 to index
      %get3A_1852 = arith.index_cast %squeeze3A_1850 : i32 to index
      %get3A_1853 = tpu.vector_load %arg18[%get3A_1851, %get3A_1852] {strides = array<i32>} : memref<512x128xbf16, #tpu.memory_space<vmem>>, vector<32xbf16>,
      %slice3A_1854 = vector.extract_strided_slice %mul3A_1541 {offsets = [9], sizes = [1], strides = [1]} : vector<16xi32> to vector<1xi32>
      %squeeze3A_1855 = vector.extract %slice3A_1854[0] : i32 from vector<1xi32>
      %get3A_1856 = arith.index_cast %add3A_1848 : i32 to index
      %get3A_1857 = arith.index_cast %squeeze3A_1855 : i32 to index
      %get3A_1858 = tpu.vector_load %arg19[%get3A_1856, %get3A_1857] {strides = array<i32>} : memref<512x128xbf16, #tpu.memory_space<vmem>>, vector<32xbf16>,
      %slice3A_1859 = vector.extract_strided_slice %mul3A_1550 {offsets = [9], sizes = [1], strides = [1]} : vector<16xi32> to vector<1xi32>
      %squeeze3A_1860 = vector.extract %slice3A_1859[0] : i32 from vector<1xi32>
      %get3A_1861 = arith.index_cast %add3A_1848 : i32 to index
      %get3A_1862 = arith.index_cast %squeeze3A_1860 : i32 to index
      %get3A_1863 = tpu.vector_load %arg20[%get3A_1861, %get3A_1862] {strides = array<i32>} : memref<512x128xbf16, #tpu.memory_space<vmem>>, vector<32xbf16>,
      %add3A_1864 = arith.addf %get3A_1858, %get3A_1863 : vector<32xbf16>
      %mul3A_1865 = arith.mulf %get3A_1853, %add3A_1864 : vector<32xbf16>
      %mul3A_1866 = arith.mulf %get3A_1858, %get3A_1863 : vector<32xbf16>
      %add3A_1867 = arith.addf %mul3A_1865, %mul3A_1866 : vector<32xbf16>
      %unpack3A_1868 = tpu.unpack_subelements %add3A_1867, 0 {pack_format = #tpu.pack_format<interleaved>} : vector<32xbf16> -> vector<16xf32>
      %unpack3A_1869 = tpu.unpack_subelements %add3A_1867, 1 {pack_format = #tpu.pack_format<interleaved>} : vector<32xbf16> -> vector<16xf32>
      %add3A_1870 = arith.addf %unpack3A_1868, %unpack3A_1869 : vector<16xf32>
      %reduce_sum3A_1871 = arith.constant true
      %reduce_sum3A_1872 = vector.broadcast %reduce_sum3A_1871 : i1 to vector<16xi1>
      %reduce_sum3A_1873 = tpu.scan <sum>, %add3A_1870 masked %reduce_sum3A_1872 : vector<16xf32>, vector<16xi1> -> vector<16xf32>
      %reduce_sum3A_1874 = vector.extract %reduce_sum3A_1873[15] : f32 from vector<16xf32>
      %eq3A_1875 = arith.constant 9 : i32
      %eq3A_1876 = vector.broadcast %eq3A_1875 : i32 to vector<16xi32>
      %eq3A_1877 = arith.cmpi eq, %iota3A, %eq3A_1876 : vector<16xi32>
      %broadcast_in_dim3A_1878 = vector.broadcast %reduce_sum3A_1874 : f32 to vector<16xf32>
      %select_n3A_1879 = arith.select %eq3A_1877, %broadcast_in_dim3A_1878, %select_n3A_1846 : vector<16xi1>, vector<16xf32>
      %add3A_1880 = arith.constant 10 : i32
      %add3A_1881 = arith.addi %mul3A_1490, %add3A_1880 : i32
      %slice3A_1882 = vector.extract_strided_slice %mul3A_1532 {offsets = [10], sizes = [1], strides = [1]} : vector<16xi32> to vector<1xi32>
      %squeeze3A_1883 = vector.extract %slice3A_1882[0] : i32 from vector<1xi32>
      %get3A_1884 = arith.index_cast %add3A_1881 : i32 to index
      %get3A_1885 = arith.index_cast %squeeze3A_1883 : i32 to index
      %get3A_1886 = tpu.vector_load %arg18[%get3A_1884, %get3A_1885] {strides = array<i32>} : memref<512x128xbf16, #tpu.memory_space<vmem>>, vector<32xbf16>,
      %slice3A_1887 = vector.extract_strided_slice %mul3A_1541 {offsets = [10], sizes = [1], strides = [1]} : vector<16xi32> to vector<1xi32>
      %squeeze3A_1888 = vector.extract %slice3A_1887[0] : i32 from vector<1xi32>
      %get3A_1889 = arith.index_cast %add3A_1881 : i32 to index
      %get3A_1890 = arith.index_cast %squeeze3A_1888 : i32 to index
      %get3A_1891 = tpu.vector_load %arg19[%get3A_1889, %get3A_1890] {strides = array<i32>} : memref<512x128xbf16, #tpu.memory_space<vmem>>, vector<32xbf16>,
      %slice3A_1892 = vector.extract_strided_slice %mul3A_1550 {offsets = [10], sizes = [1], strides = [1]} : vector<16xi32> to vector<1xi32>
      %squeeze3A_1893 = vector.extract %slice3A_1892[0] : i32 from vector<1xi32>
      %get3A_1894 = arith.index_cast %add3A_1881 : i32 to index
      %get3A_1895 = arith.index_cast %squeeze3A_1893 : i32 to index
      %get3A_1896 = tpu.vector_load %arg20[%get3A_1894, %get3A_1895] {strides = array<i32>} : memref<512x128xbf16, #tpu.memory_space<vmem>>, vector<32xbf16>,
      %add3A_1897 = arith.addf %get3A_1891, %get3A_1896 : vector<32xbf16>
      %mul3A_1898 = arith.mulf %get3A_1886, %add3A_1897 : vector<32xbf16>
      %mul3A_1899 = arith.mulf %get3A_1891, %get3A_1896 : vector<32xbf16>
      %add3A_1900 = arith.addf %mul3A_1898, %mul3A_1899 : vector<32xbf16>
      %unpack3A_1901 = tpu.unpack_subelements %add3A_1900, 0 {pack_format = #tpu.pack_format<interleaved>} : vector<32xbf16> -> vector<16xf32>
      %unpack3A_1902 = tpu.unpack_subelements %add3A_1900, 1 {pack_format = #tpu.pack_format<interleaved>} : vector<32xbf16> -> vector<16xf32>
      %add3A_1903 = arith.addf %unpack3A_1901, %unpack3A_1902 : vector<16xf32>
      %reduce_sum3A_1904 = arith.constant true
      %reduce_sum3A_1905 = vector.broadcast %reduce_sum3A_1904 : i1 to vector<16xi1>
      %reduce_sum3A_1906 = tpu.scan <sum>, %add3A_1903 masked %reduce_sum3A_1905 : vector<16xf32>, vector<16xi1> -> vector<16xf32>
      %reduce_sum3A_1907 = vector.extract %reduce_sum3A_1906[15] : f32 from vector<16xf32>
      %eq3A_1908 = arith.constant 10 : i32
      %eq3A_1909 = vector.broadcast %eq3A_1908 : i32 to vector<16xi32>
      %eq3A_1910 = arith.cmpi eq, %iota3A, %eq3A_1909 : vector<16xi32>
      %broadcast_in_dim3A_1911 = vector.broadcast %reduce_sum3A_1907 : f32 to vector<16xf32>
      %select_n3A_1912 = arith.select %eq3A_1910, %broadcast_in_dim3A_1911, %select_n3A_1879 : vector<16xi1>, vector<16xf32>
      %add3A_1913 = arith.constant 11 : i32
      %add3A_1914 = arith.addi %mul3A_1490, %add3A_1913 : i32
      %slice3A_1915 = vector.extract_strided_slice %mul3A_1532 {offsets = [11], sizes = [1], strides = [1]} : vector<16xi32> to vector<1xi32>
      %squeeze3A_1916 = vector.extract %slice3A_1915[0] : i32 from vector<1xi32>
      %get3A_1917 = arith.index_cast %add3A_1914 : i32 to index
      %get3A_1918 = arith.index_cast %squeeze3A_1916 : i32 to index
      %get3A_1919 = tpu.vector_load %arg18[%get3A_1917, %get3A_1918] {strides = array<i32>} : memref<512x128xbf16, #tpu.memory_space<vmem>>, vector<32xbf16>,
      %slice3A_1920 = vector.extract_strided_slice %mul3A_1541 {offsets = [11], sizes = [1], strides = [1]} : vector<16xi32> to vector<1xi32>
      %squeeze3A_1921 = vector.extract %slice3A_1920[0] : i32 from vector<1xi32>
      %get3A_1922 = arith.index_cast %add3A_1914 : i32 to index
      %get3A_1923 = arith.index_cast %squeeze3A_1921 : i32 to index
      %get3A_1924 = tpu.vector_load %arg19[%get3A_1922, %get3A_1923] {strides = array<i32>} : memref<512x128xbf16, #tpu.memory_space<vmem>>, vector<32xbf16>,
      %slice3A_1925 = vector.extract_strided_slice %mul3A_1550 {offsets = [11], sizes = [1], strides = [1]} : vector<16xi32> to vector<1xi32>
      %squeeze3A_1926 = vector.extract %slice3A_1925[0] : i32 from vector<1xi32>
      %get3A_1927 = arith.index_cast %add3A_1914 : i32 to index
      %get3A_1928 = arith.index_cast %squeeze3A_1926 : i32 to index
      %get3A_1929 = tpu.vector_load %arg20[%get3A_1927, %get3A_1928] {strides = array<i32>} : memref<512x128xbf16, #tpu.memory_space<vmem>>, vector<32xbf16>,
      %add3A_1930 = arith.addf %get3A_1924, %get3A_1929 : vector<32xbf16>
      %mul3A_1931 = arith.mulf %get3A_1919, %add3A_1930 : vector<32xbf16>
      %mul3A_1932 = arith.mulf %get3A_1924, %get3A_1929 : vector<32xbf16>
      %add3A_1933 = arith.addf %mul3A_1931, %mul3A_1932 : vector<32xbf16>
      %unpack3A_1934 = tpu.unpack_subelements %add3A_1933, 0 {pack_format = #tpu.pack_format<interleaved>} : vector<32xbf16> -> vector<16xf32>
      %unpack3A_1935 = tpu.unpack_subelements %add3A_1933, 1 {pack_format = #tpu.pack_format<interleaved>} : vector<32xbf16> -> vector<16xf32>
      %add3A_1936 = arith.addf %unpack3A_1934, %unpack3A_1935 : vector<16xf32>
      %reduce_sum3A_1937 = arith.constant true
      %reduce_sum3A_1938 = vector.broadcast %reduce_sum3A_1937 : i1 to vector<16xi1>
      %reduce_sum3A_1939 = tpu.scan <sum>, %add3A_1936 masked %reduce_sum3A_1938 : vector<16xf32>, vector<16xi1> -> vector<16xf32>
      %reduce_sum3A_1940 = vector.extract %reduce_sum3A_1939[15] : f32 from vector<16xf32>
      %eq3A_1941 = arith.constant 11 : i32
      %eq3A_1942 = vector.broadcast %eq3A_1941 : i32 to vector<16xi32>
      %eq3A_1943 = arith.cmpi eq, %iota3A, %eq3A_1942 : vector<16xi32>
      %broadcast_in_dim3A_1944 = vector.broadcast %reduce_sum3A_1940 : f32 to vector<16xf32>
      %select_n3A_1945 = arith.select %eq3A_1943, %broadcast_in_dim3A_1944, %select_n3A_1912 : vector<16xi1>, vector<16xf32>
      %add3A_1946 = arith.constant 12 : i32
      %add3A_1947 = arith.addi %mul3A_1490, %add3A_1946 : i32
      %slice3A_1948 = vector.extract_strided_slice %mul3A_1532 {offsets = [12], sizes = [1], strides = [1]} : vector<16xi32> to vector<1xi32>
      %squeeze3A_1949 = vector.extract %slice3A_1948[0] : i32 from vector<1xi32>
      %get3A_1950 = arith.index_cast %add3A_1947 : i32 to index
      %get3A_1951 = arith.index_cast %squeeze3A_1949 : i32 to index
      %get3A_1952 = tpu.vector_load %arg18[%get3A_1950, %get3A_1951] {strides = array<i32>} : memref<512x128xbf16, #tpu.memory_space<vmem>>, vector<32xbf16>,
      %slice3A_1953 = vector.extract_strided_slice %mul3A_1541 {offsets = [12], sizes = [1], strides = [1]} : vector<16xi32> to vector<1xi32>
      %squeeze3A_1954 = vector.extract %slice3A_1953[0] : i32 from vector<1xi32>
      %get3A_1955 = arith.index_cast %add3A_1947 : i32 to index
      %get3A_1956 = arith.index_cast %squeeze3A_1954 : i32 to index
      %get3A_1957 = tpu.vector_load %arg19[%get3A_1955, %get3A_1956] {strides = array<i32>} : memref<512x128xbf16, #tpu.memory_space<vmem>>, vector<32xbf16>,
      %slice3A_1958 = vector.extract_strided_slice %mul3A_1550 {offsets = [12], sizes = [1], strides = [1]} : vector<16xi32> to vector<1xi32>
      %squeeze3A_1959 = vector.extract %slice3A_1958[0] : i32 from vector<1xi32>
      %get3A_1960 = arith.index_cast %add3A_1947 : i32 to index
      %get3A_1961 = arith.index_cast %squeeze3A_1959 : i32 to index
      %get3A_1962 = tpu.vector_load %arg20[%get3A_1960, %get3A_1961] {strides = array<i32>} : memref<512x128xbf16, #tpu.memory_space<vmem>>, vector<32xbf16>,
      %add3A_1963 = arith.addf %get3A_1957, %get3A_1962 : vector<32xbf16>
      %mul3A_1964 = arith.mulf %get3A_1952, %add3A_1963 : vector<32xbf16>
      %mul3A_1965 = arith.mulf %get3A_1957, %get3A_1962 : vector<32xbf16>
      %add3A_1966 = arith.addf %mul3A_1964, %mul3A_1965 : vector<32xbf16>
      %unpack3A_1967 = tpu.unpack_subelements %add3A_1966, 0 {pack_format = #tpu.pack_format<interleaved>} : vector<32xbf16> -> vector<16xf32>
      %unpack3A_1968 = tpu.unpack_subelements %add3A_1966, 1 {pack_format = #tpu.pack_format<interleaved>} : vector<32xbf16> -> vector<16xf32>
      %add3A_1969 = arith.addf %unpack3A_1967, %unpack3A_1968 : vector<16xf32>
      %reduce_sum3A_1970 = arith.constant true
      %reduce_sum3A_1971 = vector.broadcast %reduce_sum3A_1970 : i1 to vector<16xi1>
      %reduce_sum3A_1972 = tpu.scan <sum>, %add3A_1969 masked %reduce_sum3A_1971 : vector<16xf32>, vector<16xi1> -> vector<16xf32>
      %reduce_sum3A_1973 = vector.extract %reduce_sum3A_1972[15] : f32 from vector<16xf32>
      %eq3A_1974 = arith.constant 12 : i32
      %eq3A_1975 = vector.broadcast %eq3A_1974 : i32 to vector<16xi32>
      %eq3A_1976 = arith.cmpi eq, %iota3A, %eq3A_1975 : vector<16xi32>
      %broadcast_in_dim3A_1977 = vector.broadcast %reduce_sum3A_1973 : f32 to vector<16xf32>
      %select_n3A_1978 = arith.select %eq3A_1976, %broadcast_in_dim3A_1977, %select_n3A_1945 : vector<16xi1>, vector<16xf32>
      %add3A_1979 = arith.constant 13 : i32
      %add3A_1980 = arith.addi %mul3A_1490, %add3A_1979 : i32
      %slice3A_1981 = vector.extract_strided_slice %mul3A_1532 {offsets = [13], sizes = [1], strides = [1]} : vector<16xi32> to vector<1xi32>
      %squeeze3A_1982 = vector.extract %slice3A_1981[0] : i32 from vector<1xi32>
      %get3A_1983 = arith.index_cast %add3A_1980 : i32 to index
      %get3A_1984 = arith.index_cast %squeeze3A_1982 : i32 to index
      %get3A_1985 = tpu.vector_load %arg18[%get3A_1983, %get3A_1984] {strides = array<i32>} : memref<512x128xbf16, #tpu.memory_space<vmem>>, vector<32xbf16>,
      %slice3A_1986 = vector.extract_strided_slice %mul3A_1541 {offsets = [13], sizes = [1], strides = [1]} : vector<16xi32> to vector<1xi32>
      %squeeze3A_1987 = vector.extract %slice3A_1986[0] : i32 from vector<1xi32>
      %get3A_1988 = arith.index_cast %add3A_1980 : i32 to index
      %get3A_1989 = arith.index_cast %squeeze3A_1987 : i32 to index
      %get3A_1990 = tpu.vector_load %arg19[%get3A_1988, %get3A_1989] {strides = array<i32>} : memref<512x128xbf16, #tpu.memory_space<vmem>>, vector<32xbf16>,
      %slice3A_1991 = vector.extract_strided_slice %mul3A_1550 {offsets = [13], sizes = [1], strides = [1]} : vector<16xi32> to vector<1xi32>
      %squeeze3A_1992 = vector.extract %slice3A_1991[0] : i32 from vector<1xi32>
      %get3A_1993 = arith.index_cast %add3A_1980 : i32 to index
      %get3A_1994 = arith.index_cast %squeeze3A_1992 : i32 to index
      %get3A_1995 = tpu.vector_load %arg20[%get3A_1993, %get3A_1994] {strides = array<i32>} : memref<512x128xbf16, #tpu.memory_space<vmem>>, vector<32xbf16>,
      %add3A_1996 = arith.addf %get3A_1990, %get3A_1995 : vector<32xbf16>
      %mul3A_1997 = arith.mulf %get3A_1985, %add3A_1996 : vector<32xbf16>
      %mul3A_1998 = arith.mulf %get3A_1990, %get3A_1995 : vector<32xbf16>
      %add3A_1999 = arith.addf %mul3A_1997, %mul3A_1998 : vector<32xbf16>
      %unpack3A_2000 = tpu.unpack_subelements %add3A_1999, 0 {pack_format = #tpu.pack_format<interleaved>} : vector<32xbf16> -> vector<16xf32>
      %unpack3A_2001 = tpu.unpack_subelements %add3A_1999, 1 {pack_format = #tpu.pack_format<interleaved>} : vector<32xbf16> -> vector<16xf32>
      %add3A_2002 = arith.addf %unpack3A_2000, %unpack3A_2001 : vector<16xf32>
      %reduce_sum3A_2003 = arith.constant true
      %reduce_sum3A_2004 = vector.broadcast %reduce_sum3A_2003 : i1 to vector<16xi1>
      %reduce_sum3A_2005 = tpu.scan <sum>, %add3A_2002 masked %reduce_sum3A_2004 : vector<16xf32>, vector<16xi1> -> vector<16xf32>
      %reduce_sum3A_2006 = vector.extract %reduce_sum3A_2005[15] : f32 from vector<16xf32>
      %eq3A_2007 = arith.constant 13 : i32
      %eq3A_2008 = vector.broadcast %eq3A_2007 : i32 to vector<16xi32>
      %eq3A_2009 = arith.cmpi eq, %iota3A, %eq3A_2008 : vector<16xi32>
      %broadcast_in_dim3A_2010 = vector.broadcast %reduce_sum3A_2006 : f32 to vector<16xf32>
      %select_n3A_2011 = arith.select %eq3A_2009, %broadcast_in_dim3A_2010, %select_n3A_1978 : vector<16xi1>, vector<16xf32>
      %add3A_2012 = arith.constant 14 : i32
      %add3A_2013 = arith.addi %mul3A_1490, %add3A_2012 : i32
      %slice3A_2014 = vector.extract_strided_slice %mul3A_1532 {offsets = [14], sizes = [1], strides = [1]} : vector<16xi32> to vector<1xi32>
      %squeeze3A_2015 = vector.extract %slice3A_2014[0] : i32 from vector<1xi32>
      %get3A_2016 = arith.index_cast %add3A_2013 : i32 to index
      %get3A_2017 = arith.index_cast %squeeze3A_2015 : i32 to index
      %get3A_2018 = tpu.vector_load %arg18[%get3A_2016, %get3A_2017] {strides = array<i32>} : memref<512x128xbf16, #tpu.memory_space<vmem>>, vector<32xbf16>,
      %slice3A_2019 = vector.extract_strided_slice %mul3A_1541 {offsets = [14], sizes = [1], strides = [1]} : vector<16xi32> to vector<1xi32>
      %squeeze3A_2020 = vector.extract %slice3A_2019[0] : i32 from vector<1xi32>
      %get3A_2021 = arith.index_cast %add3A_2013 : i32 to index
      %get3A_2022 = arith.index_cast %squeeze3A_2020 : i32 to index
      %get3A_2023 = tpu.vector_load %arg19[%get3A_2021, %get3A_2022] {strides = array<i32>} : memref<512x128xbf16, #tpu.memory_space<vmem>>, vector<32xbf16>,
      %slice3A_2024 = vector.extract_strided_slice %mul3A_1550 {offsets = [14], sizes = [1], strides = [1]} : vector<16xi32> to vector<1xi32>
      %squeeze3A_2025 = vector.extract %slice3A_2024[0] : i32 from vector<1xi32>
      %get3A_2026 = arith.index_cast %add3A_2013 : i32 to index
      %get3A_2027 = arith.index_cast %squeeze3A_2025 : i32 to index
      %get3A_2028 = tpu.vector_load %arg20[%get3A_2026, %get3A_2027] {strides = array<i32>} : memref<512x128xbf16, #tpu.memory_space<vmem>>, vector<32xbf16>,
      %add3A_2029 = arith.addf %get3A_2023, %get3A_2028 : vector<32xbf16>
      %mul3A_2030 = arith.mulf %get3A_2018, %add3A_2029 : vector<32xbf16>
      %mul3A_2031 = arith.mulf %get3A_2023, %get3A_2028 : vector<32xbf16>
      %add3A_2032 = arith.addf %mul3A_2030, %mul3A_2031 : vector<32xbf16>
      %unpack3A_2033 = tpu.unpack_subelements %add3A_2032, 0 {pack_format = #tpu.pack_format<interleaved>} : vector<32xbf16> -> vector<16xf32>
      %unpack3A_2034 = tpu.unpack_subelements %add3A_2032, 1 {pack_format = #tpu.pack_format<interleaved>} : vector<32xbf16> -> vector<16xf32>
      %add3A_2035 = arith.addf %unpack3A_2033, %unpack3A_2034 : vector<16xf32>
      %reduce_sum3A_2036 = arith.constant true
      %reduce_sum3A_2037 = vector.broadcast %reduce_sum3A_2036 : i1 to vector<16xi1>
      %reduce_sum3A_2038 = tpu.scan <sum>, %add3A_2035 masked %reduce_sum3A_2037 : vector<16xf32>, vector<16xi1> -> vector<16xf32>
      %reduce_sum3A_2039 = vector.extract %reduce_sum3A_2038[15] : f32 from vector<16xf32>
      %eq3A_2040 = arith.constant 14 : i32
      %eq3A_2041 = vector.broadcast %eq3A_2040 : i32 to vector<16xi32>
      %eq3A_2042 = arith.cmpi eq, %iota3A, %eq3A_2041 : vector<16xi32>
      %broadcast_in_dim3A_2043 = vector.broadcast %reduce_sum3A_2039 : f32 to vector<16xf32>
      %select_n3A_2044 = arith.select %eq3A_2042, %broadcast_in_dim3A_2043, %select_n3A_2011 : vector<16xi1>, vector<16xf32>
      %add3A_2045 = arith.constant 15 : i32
      %add3A_2046 = arith.addi %mul3A_1490, %add3A_2045 : i32
      %slice3A_2047 = vector.extract_strided_slice %mul3A_1532 {offsets = [15], sizes = [1], strides = [1]} : vector<16xi32> to vector<1xi32>
      %squeeze3A_2048 = vector.extract %slice3A_2047[0] : i32 from vector<1xi32>
      %get3A_2049 = arith.index_cast %add3A_2046 : i32 to index
      %get3A_2050 = arith.index_cast %squeeze3A_2048 : i32 to index
      %get3A_2051 = tpu.vector_load %arg18[%get3A_2049, %get3A_2050] {strides = array<i32>} : memref<512x128xbf16, #tpu.memory_space<vmem>>, vector<32xbf16>,
      %slice3A_2052 = vector.extract_strided_slice %mul3A_1541 {offsets = [15], sizes = [1], strides = [1]} : vector<16xi32> to vector<1xi32>
      %squeeze3A_2053 = vector.extract %slice3A_2052[0] : i32 from vector<1xi32>
      %get3A_2054 = arith.index_cast %add3A_2046 : i32 to index
      %get3A_2055 = arith.index_cast %squeeze3A_2053 : i32 to index
      %get3A_2056 = tpu.vector_load %arg19[%get3A_2054, %get3A_2055] {strides = array<i32>} : memref<512x128xbf16, #tpu.memory_space<vmem>>, vector<32xbf16>,
      %slice3A_2057 = vector.extract_strided_slice %mul3A_1550 {offsets = [15], sizes = [1], strides = [1]} : vector<16xi32> to vector<1xi32>
      %squeeze3A_2058 = vector.extract %slice3A_2057[0] : i32 from vector<1xi32>
      %get3A_2059 = arith.index_cast %add3A_2046 : i32 to index
      %get3A_2060 = arith.index_cast %squeeze3A_2058 : i32 to index
      %get3A_2061 = tpu.vector_load %arg20[%get3A_2059, %get3A_2060] {strides = array<i32>} : memref<512x128xbf16, #tpu.memory_space<vmem>>, vector<32xbf16>,
      %add3A_2062 = arith.addf %get3A_2056, %get3A_2061 : vector<32xbf16>
      %mul3A_2063 = arith.mulf %get3A_2051, %add3A_2062 : vector<32xbf16>
      %mul3A_2064 = arith.mulf %get3A_2056, %get3A_2061 : vector<32xbf16>
      %add3A_2065 = arith.addf %mul3A_2063, %mul3A_2064 : vector<32xbf16>
      %unpack3A_2066 = tpu.unpack_subelements %add3A_2065, 0 {pack_format = #tpu.pack_format<interleaved>} : vector<32xbf16> -> vector<16xf32>
      %unpack3A_2067 = tpu.unpack_subelements %add3A_2065, 1 {pack_format = #tpu.pack_format<interleaved>} : vector<32xbf16> -> vector<16xf32>
      %add3A_2068 = arith.addf %unpack3A_2066, %unpack3A_2067 : vector<16xf32>
      %reduce_sum3A_2069 = arith.constant true
      %reduce_sum3A_2070 = vector.broadcast %reduce_sum3A_2069 : i1 to vector<16xi1>
      %reduce_sum3A_2071 = tpu.scan <sum>, %add3A_2068 masked %reduce_sum3A_2070 : vector<16xf32>, vector<16xi1> -> vector<16xf32>
      %reduce_sum3A_2072 = vector.extract %reduce_sum3A_2071[15] : f32 from vector<16xf32>
      %eq3A_2073 = arith.constant 15 : i32
      %eq3A_2074 = vector.broadcast %eq3A_2073 : i32 to vector<16xi32>
      %eq3A_2075 = arith.cmpi eq, %iota3A, %eq3A_2074 : vector<16xi32>
      %broadcast_in_dim3A_2076 = vector.broadcast %reduce_sum3A_2072 : f32 to vector<16xf32>
      %select_n3A_2077 = arith.select %eq3A_2075, %broadcast_in_dim3A_2076, %select_n3A_2044 : vector<16xi1>, vector<16xf32>
      %get3A_2078 = arith.index_cast %select_n3A : i32 to index
      %get3A_2079 = arith.index_cast %mul3A_1523 : i32 to index
      %get3A_2080 = tpu.vector_load %arg12[%get3A_2078, %get3A_2079] {strides = array<i32>} : memref<4x128xi32, #tpu.memory_space<vmem>>, vector<16xi32>,
      %convert_element_type3A = arith.sitofp %get3A_2080 : vector<16xi32> to vector<16xf32>
      %bitcast3A_2081 = vector.bitcast %convert_element_type3A : vector<16xf32> to vector<16xi32>
      %add3A_2082 = arith.constant 32767 : i32
      %add3A_2083 = vector.broadcast %add3A_2082 : i32 to vector<16xi32>
      %add3A_2084 = arith.addi %bitcast3A_2081, %add3A_2083 : vector<16xi32>
      %shift_right_arithmetic3A_2085 = arith.constant 16 : i32
      %shift_right_arithmetic3A_2086 = vector.broadcast %shift_right_arithmetic3A_2085 : i32 to vector<16xi32>
      %shift_right_arithmetic3A_2087 = arith.shrsi %bitcast3A_2081, %shift_right_arithmetic3A_2086 : vector<16xi32>
      %and3A_2088 = arith.constant 1 : i32
      %and3A_2089 = vector.broadcast %and3A_2088 : i32 to vector<16xi32>
      %and3A_2090 = arith.andi %shift_right_arithmetic3A_2087, %and3A_2089 : vector<16xi32>
      %add3A_2091 = arith.addi %add3A_2084, %and3A_2090 : vector<16xi32>
      %and3A_2092 = arith.constant -65536 : i32
      %and3A_2093 = vector.broadcast %and3A_2092 : i32 to vector<16xi32>
      %and3A_2094 = arith.andi %add3A_2091, %and3A_2093 : vector<16xi32>
      %bitcast3A_2095 = vector.bitcast %and3A_2094 : vector<16xi32> to vector<16xf32>
      %get3A_2096 = arith.index_cast %select_n3A : i32 to index
      %get3A_2097 = arith.index_cast %mul3A_1523 : i32 to index
      %get3A_2098 = tpu.vector_load %arg13[%get3A_2096, %get3A_2097] {strides = array<i32>} : memref<4x128xi32, #tpu.memory_space<vmem>>, vector<16xi32>,
      %convert_element_type3A_2099 = arith.sitofp %get3A_2098 : vector<16xi32> to vector<16xf32>
      %bitcast3A_2100 = vector.bitcast %convert_element_type3A_2099 : vector<16xf32> to vector<16xi32>
      %add3A_2101 = arith.constant 32767 : i32
      %add3A_2102 = vector.broadcast %add3A_2101 : i32 to vector<16xi32>
      %add3A_2103 = arith.addi %bitcast3A_2100, %add3A_2102 : vector<16xi32>
      %shift_right_arithmetic3A_2104 = arith.constant 16 : i32
      %shift_right_arithmetic3A_2105 = vector.broadcast %shift_right_arithmetic3A_2104 : i32 to vector<16xi32>
      %shift_right_arithmetic3A_2106 = arith.shrsi %bitcast3A_2100, %shift_right_arithmetic3A_2105 : vector<16xi32>
      %and3A_2107 = arith.constant 1 : i32
      %and3A_2108 = vector.broadcast %and3A_2107 : i32 to vector<16xi32>
      %and3A_2109 = arith.andi %shift_right_arithmetic3A_2106, %and3A_2108 : vector<16xi32>
      %add3A_2110 = arith.addi %add3A_2103, %and3A_2109 : vector<16xi32>
      %and3A_2111 = arith.constant -65536 : i32
      %and3A_2112 = vector.broadcast %and3A_2111 : i32 to vector<16xi32>
      %and3A_2113 = arith.andi %add3A_2110, %and3A_2112 : vector<16xi32>
      %bitcast3A_2114 = vector.bitcast %and3A_2113 : vector<16xi32> to vector<16xf32>
      %get3A_2115 = arith.index_cast %select_n3A : i32 to index
      %get3A_2116 = arith.index_cast %mul3A_1523 : i32 to index
      %get3A_2117 = tpu.vector_load %arg14[%get3A_2115, %get3A_2116] {strides = array<i32>} : memref<4x128xi32, #tpu.memory_space<vmem>>, vector<16xi32>,
      %convert_element_type3A_2118 = arith.sitofp %get3A_2117 : vector<16xi32> to vector<16xf32>
      %bitcast3A_2119 = vector.bitcast %convert_element_type3A_2118 : vector<16xf32> to vector<16xi32>
      %add3A_2120 = arith.constant 32767 : i32
      %add3A_2121 = vector.broadcast %add3A_2120 : i32 to vector<16xi32>
      %add3A_2122 = arith.addi %bitcast3A_2119, %add3A_2121 : vector<16xi32>
      %shift_right_arithmetic3A_2123 = arith.constant 16 : i32
      %shift_right_arithmetic3A_2124 = vector.broadcast %shift_right_arithmetic3A_2123 : i32 to vector<16xi32>
      %shift_right_arithmetic3A_2125 = arith.shrsi %bitcast3A_2119, %shift_right_arithmetic3A_2124 : vector<16xi32>
      %and3A_2126 = arith.constant 1 : i32
      %and3A_2127 = vector.broadcast %and3A_2126 : i32 to vector<16xi32>
      %and3A_2128 = arith.andi %shift_right_arithmetic3A_2125, %and3A_2127 : vector<16xi32>
      %add3A_2129 = arith.addi %add3A_2122, %and3A_2128 : vector<16xi32>
      %and3A_2130 = arith.constant -65536 : i32
      %and3A_2131 = vector.broadcast %and3A_2130 : i32 to vector<16xi32>
      %and3A_2132 = arith.andi %add3A_2129, %and3A_2131 : vector<16xi32>
      %bitcast3A_2133 = vector.bitcast %and3A_2132 : vector<16xi32> to vector<16xf32>
      %mul3A_2134 = vector.broadcast %squeeze3A : f32 to vector<16xf32>
      %mul3A_2135 = arith.mulf %bitcast3A_2095, %mul3A_2134 : vector<16xf32>
      %mul3A_2136 = vector.broadcast %squeeze3A_1473 : f32 to vector<16xf32>
      %mul3A_2137 = arith.mulf %bitcast3A_2114, %mul3A_2136 : vector<16xf32>
      %add3A_2138 = arith.addf %mul3A_2135, %mul3A_2137 : vector<16xf32>
      %mul3A_2139 = vector.broadcast %squeeze3A_1475 : f32 to vector<16xf32>
      %mul3A_2140 = arith.mulf %bitcast3A_2133, %mul3A_2139 : vector<16xf32>
      %add3A_2141 = arith.addf %add3A_2138, %mul3A_2140 : vector<16xf32>
      %add3A_2142 = vector.broadcast %squeeze3A_1479 : f32 to vector<16xf32>
      %add3A_2143 = arith.addf %add3A_2141, %add3A_2142 : vector<16xf32>
      %get3A_2144 = arith.index_cast %mul3A_1490 : i32 to index
      %get3A_2145 = tpu.vector_load %arg21[%get3A_2144] {strides = array<i32>} : memref<512xf32, #tpu.memory_space<vmem>>, vector<16xf32>,
      %add3A_2146 = arith.addf %select_n3A_2077, %get3A_2145 : vector<16xf32>
      %get3A_2147 = arith.index_cast %mul3A_1490 : i32 to index
      %get3A_2148 = tpu.vector_load %arg22[%get3A_2147] {strides = array<i32>} : memref<512xf32, #tpu.memory_space<vmem>>, vector<16xf32>,
      %add3A_2149 = arith.addf %add3A_2146, %get3A_2148 : vector<16xf32>
      %add3A_2150 = arith.addf %add3A_2149, %add3A_2143 : vector<16xf32>
      %max3A = arith.constant -3.000000e+01 : f32
      %max3A_2151 = vector.broadcast %max3A : f32 to vector<16xf32>
      %max3A_2152 = arith.maximumf %add3A_2150, %max3A_2151 : vector<16xf32>
      %min3A = arith.constant 3.000000e+01 : f32
      %min3A_2153 = vector.broadcast %min3A : f32 to vector<16xf32>
      %min3A_2154 = arith.minimumf %max3A_2152, %min3A_2153 : vector<16xf32>
      %neg3A = arith.constant 0.000000e+00 : f32
      %neg3A_2155 = vector.broadcast %neg3A : f32 to vector<16xf32>
      %neg3A_2156 = arith.subf %neg3A_2155, %min3A_2154 : vector<16xf32>
      %exp3A = math.exp %neg3A_2156 : vector<16xf32>
      %add3A_2157 = arith.constant 1.000000e+00 : f32
      %add3A_2158 = vector.broadcast %add3A_2157 : f32 to vector<16xf32>
      %add3A_2159 = arith.addf %add3A_2158, %exp3A : vector<16xf32>
      %div3A_2160 = arith.constant 1.000000e+00 : f32
      %div3A_2161 = vector.broadcast %div3A_2160 : f32 to vector<16xf32>
      %div3A_2162 = arith.divf %div3A_2161, %add3A_2159 : vector<16xf32>
      %swap3A_2163 = arith.index_cast %mul3A_1490 : i32 to index
      %swap3A_2164 = tpu.vector_load %arg23[%swap3A_2163] {strides = array<i32>} : memref<512xf32, #tpu.memory_space<vmem>>, vector<16xf32>,
      tpu.vector_store %arg23[%swap3A_2163], %div3A_2162 {strides = array<i32>} : memref<512xf32, #tpu.memory_space<vmem>>, vector<16xf32>,
    }
    %scan3A_1483 = arith.constant 32 : i32
    "tpu.region"() ({
      %run_scoped3A_1484 = tpu.sem_alloc : memref<!tpu.dma_semaphore, #tpu.memory_space<semaphore_mem>>
      %dma_start3A_1485 = tpu.memref_slice %arg11[%mul3A_2] : memref<16384xf32, #tpu.memory_space<hbm>> -> memref<512xf32, #tpu.memory_space<hbm>>
      %dma_start3A_1486 = tpu.memref_slice %arg11[%mul3A_2] : memref<16384xf32, #tpu.memory_space<hbm>> -> memref<512xf32, #tpu.memory_space<hbm>>
      tpu.enqueue_dma source(%arg23 : memref<512xf32, #tpu.memory_space<vmem>>) target(%dma_start3A_1486 : memref<512xf32, #tpu.memory_space<hbm>>) target_semaphore(%run_scoped3A_1484 : memref<!tpu.dma_semaphore, #tpu.memory_space<semaphore_mem>>)
      %dma_wait3A_1487 = tpu.memref_slice %arg11[%mul3A_2] : memref<16384xf32, #tpu.memory_space<hbm>> -> memref<512xf32, #tpu.memory_space<hbm>>
      %dma_wait3A_1488 = tpu.memref_slice %arg11[%mul3A_2] : memref<16384xf32, #tpu.memory_space<hbm>> -> memref<512xf32, #tpu.memory_space<hbm>>
      tpu.wait_dma2 semaphore(%run_scoped3A_1484 : memref<!tpu.dma_semaphore, #tpu.memory_space<semaphore_mem>>) src(%arg23 : memref<512xf32, #tpu.memory_space<vmem>>) dst(%dma_wait3A_1488 : memref<512xf32, #tpu.memory_space<hbm>>)
      tpu.yield
    }) : () -> ()
    return
  }
}

</mosaic_0001>

<sc_bundles>
// kernel: kernel.3.cloned.1.call-start
scs
__scs_entry_jumppad:
0x0: {  	(pc) =	sbr.rel $0x88, $3  }
0x1: {  	(tag) =	ssettag $0x0;
	lr =	simm.s32 $0x1  }
0x2: {  	[smem:$0x3F99] =	sst lr;
	_ =	strace $0xD0000000  }
0x3: {  	_ = 	snop  }
0x4: {  	_ = 	snop  }
0x5: {  	_ = 	snop  }
0x6: {  	_ = 	snop  }
0x7: {  	_ = 	snop  }
__scs_overlays_trampoline_lowered:
0x8: {  	[smem:$0x3FA8] =	sst s0  }
0x9: {  	[smem:$0x3FA9] =	sst s1  }
0xa: {  	[smem:$0x3FAA] =	sst s2  }
0xb: {  	[smem:$0x3FAB] =	sst s3  }
0xc: {  	[smem:$0x3FAC] =	sst s4  }
0xd: {  	[smem:$0x3FAD] =	sst s5  }
0xe: {  	[smem:$0x3FAE] =	sst s6  }
0xf: {  	[smem:$0x3FAF] =	sst s7  }
0x10: {  	[smem:$0x3FB0] =	sst s8  }
0x11: {  	[smem:$0x3FB1] =	sst s9;
	s0 =	simm.s32 @!p0 $0x0  }
0x12: {  	s1 =	sld [smem:$0x3F97];
	s0 =	simm.s32 @p0 $0x1  }
0x13: {  	[smem:$0x3FB2] =	sst s0;
	s0 =	simm.s32 @!p1 $0x0  }
0x14: {  	s2 =	sld [smem:$0x3F96];
	s0 =	simm.s32 @p1 $0x1  }
0x15: {  	[smem:$0x3FB3] =	sst s0;
	s0 =	simm.s32 @!p2 $0x0  }
0x16: {  	s3 =	sld [smem:$0x3FDB];
	s0 =	simm.s32 @p2 $0x1  }
0x17: {  	s4 =	simm.s32 $0x1BF5;
	[smem:$0x3FB5] =	sst s0  }
0x18: {  	s0 =	sld [smem:$0x3F98];
	_ =	swait.ge [sflag:s4], $0x0  }
0x19: {  	s7 =	sld [smem:$0x3F99]  }
0x1a: {  	s8 =	sadd.s32 $0xFFFFE003, lr  }
0x1b: {  	s9 =	sadd.s32 $0xFFFFFEF7, lr;
	s5 =	simm.s32 $0xFFFFFFFF;
	p2 =	slt.u32 s8, $0xFFFFF086  }
0x1c: {  	p1 =	slt.u32 s9, $0xF7A;
	s5 =	simm.s32 @!p2 $0x0  }
0x1d: {  	s5 =	simm.s32 @p1 $0x1;
	p0 =	seq.s32 s7, s2  }
0x1e: {  	s7 =	smul.u32 @!p0 $0xF7A, s2;
	p2 =	seq.s32 @!p0 s5, $0x0  }
0x1f: {  	s9 =	smul.u32 $0xF7A, s1;
	s8 =	simm.s32 @!p0 $0x1BF5;
	p2 =	por !p2, p0  }
0x20: {  	[sflag:s8] =	ssyncset.s32 @!p0 $0xFFFFF086;
	s6 =	sadd.s32 @!p0 s3, s7;
	s7 =	simm.s32 @!p0 $0x108  }
0x21: {  	s3 =	sadd.s32 s3, s9;
	s6 =	sadd.s32 @!p0 $0x88, s6;
	s7 =	simm.s32 @p2 $0x1082  }
0x22: {  	[simem:s7], [sflag:s8] =	dma.local @!p0 [hbm:s6], $0xF7A  }
0x23: {  	s9 =	sor.u32 $0xD0000000, s2;
	s6 =	simm.s32 $0x108;
	_ =	swait.ge @!p0 [sflag:s8], $0x0  }
0x24: {  	s3 =	sadd.s32 $0x88, s3;
	s6 =	simm.s32 @!p1 $0x1082;
	[sflag:s4] =	ssyncset.s32 $0xFFFFF086  }
0x25: {  	[simem:s6], [sflag:s4] =	dma.local [hbm:s3], $0xF7A  }
0x26: {  	[smem:$0x3F99] =	sst s1;
	(tag) =	ssettag s2;
	_ =	strace s9  }
0x27: {  	s1 =	sld [smem:$0x3FA9]  }
0x28: {  	s2 =	sld [smem:$0x3FAA]  }
0x29: {  	s4 =	sld [smem:$0x3FAC]  }
0x2a: {  	p0 =	seq.s32 s5, $0x0;
	s5 =	sld [smem:$0x3FAD]  }
0x2b: {  	s6 =	sld [smem:$0x3FAE]  }
0x2c: {  	s7 =	sld [smem:$0x3FAF]  }
0x2d: {  	s3 =	simm.s32 $0x108;
	s8 =	sld [smem:$0x3FB0]  }
0x2e: {  	s3 =	simm.s32 @!p0 $0x1082;
	s9 =	sld [smem:$0x3FB1]  }
0x2f: {  	lr =	sadd.s32 s0, s3;
	s0 =	sld [smem:$0x3FA8]  }
0x30: {  	s3 =	sld [smem:$0x3FAB]  }
0x31: {  	[smem:$0x3FB4] =	sst s10  }
0x32: {  	s10 =	sld [smem:$0x3FB2];
	_ =	sdelay $0x3  }
0x33: {  	p0 =	seq.s32 s10, $0x1;
	s10 =	sld [smem:$0x3FB4];
	_ =	sdelay $0x3  }
0x34: {  	[smem:$0x3FB4] =	sst s10  }
0x35: {  	s10 =	sld [smem:$0x3FB3];
	_ =	sdelay $0x3  }
0x36: {  	p1 =	seq.s32 s10, $0x1;
	s10 =	sld [smem:$0x3FB4];
	_ =	sdelay $0x3  }
0x37: {  	[smem:$0x3FB4] =	sst s10  }
0x38: {  	s10 =	sld [smem:$0x3FB5]  }
0x39: {  	_ = 	snop;
	(pc) =	sbr.ind lr, $3  }
0x3a: {  	_ = 	snop  }
0x3b: {  	_ = 	snop  }
0x3c: {  	p2 =	seq.s32 s10, $0x1;
	s10 =	sld [smem:$0x3FB4]  }
0x3d: {  	_ =	shalt  }
0x3e: {  	_ =	shalt  }
0x3f: {  	_ =	shalt  }
0x40: {  	_ =	shalt  }
0x41: {  	_ =	shalt  }
0x42: {  	_ =	shalt  }
0x43: {  	_ =	shalt  }
0x44: {  	_ =	shalt  }
0x45: {  	_ =	shalt  }
0x46: {  	_ =	shalt  }
0x47: {  	_ =	shalt  }
0x48: {  	_ =	shalt  }
0x49: {  	_ =	shalt  }
0x4a: {  	_ =	shalt  }
0x4b: {  	_ =	shalt  }
0x4c: {  	_ =	shalt  }
0x4d: {  	_ =	shalt  }
0x4e: {  	_ =	shalt  }
0x4f: {  	_ =	shalt  }
0x50: {  	_ =	shalt  }
0x51: {  	_ =	shalt  }
0x52: {  	_ =	shalt  }
0x53: {  	_ =	shalt  }
0x54: {  	_ =	shalt  }
0x55: {  	_ =	shalt  }
0x56: {  	_ =	shalt  }
0x57: {  	_ =	shalt  }
0x58: {  	_ =	shalt  }
0x59: {  	_ =	shalt  }
0x5a: {  	_ =	shalt  }
0x5b: {  	_ =	shalt  }
0x5c: {  	_ =	shalt  }
0x5d: {  	_ =	shalt  }
0x5e: {  	_ =	shalt  }
0x5f: {  	_ =	shalt  }
0x60: {  	_ =	shalt  }
0x61: {  	_ =	shalt  }
0x62: {  	_ =	shalt  }
0x63: {  	_ =	shalt  }
0x64: {  	_ =	shalt  }
0x65: {  	_ =	shalt  }
0x66: {  	_ =	shalt  }
0x67: {  	_ =	shalt  }
0x68: {  	_ =	shalt  }
0x69: {  	_ =	shalt  }
0x6a: {  	_ =	shalt  }
0x6b: {  	_ =	shalt  }
0x6c: {  	_ =	shalt  }
0x6d: {  	_ =	shalt  }
0x6e: {  	_ =	shalt  }
0x6f: {  	_ =	shalt  }
0x70: {  	_ =	shalt  }
0x71: {  	_ =	shalt  }
0x72: {  	_ =	shalt  }
0x73: {  	_ =	shalt  }
0x74: {  	_ =	shalt  }
0x75: {  	_ =	shalt  }
0x76: {  	_ =	shalt  }
0x77: {  	_ =	shalt  }
0x78: {  	_ =	shalt  }
0x79: {  	_ =	shalt  }
0x7a: {  	_ =	shalt  }
0x7b: {  	_ =	shalt  }
0x7c: {  	_ =	shalt  }
0x7d: {  	_ =	shalt  }
0x7e: {  	_ =	shalt  }
0x7f: {  	_ =	shalt  }
0x80: {  	_ =	shalt  }
0x81: {  	_ =	shalt  }
0x82: {  	_ =	shalt  }
0x83: {  	_ =	shalt  }
0x84: {  	_ =	shalt  }
0x85: {  	_ =	shalt  }
0x86: {  	_ =	shalt  }
0x87: {  	_ =	shalt  }
.Lfunc_end0:
.L_simem_size_0:
called_computation.3_lowered:
.L_overlay_start_0:
0x88: {  	s2 =	sld [smem:$0x3FD9]  }
0x89: {  	s3 =	sld [smem:$0x3FFE];
	_ =	sdelay $0x1  }
0x8a: {  	s1 =	srdreg.scid  }
0x8b: {  	s0 =	sand.u32 $0x1, s1  }
0x8c: {  	s17 =	sshll.u32 s0, $0xA;
	s2 =	sadd.s32 s3, s2  }
0x8d: {  	s2 =	sadd.s32 s2, s17  }
0x8e: {  	[smem:$0x3FC0] =	sst s2  }
0x8f: {  	_ = 	snop  }
0x90: {  	s2 =	sld [smem:$0x3FD0];
	(tm) =	ssettm $0x1  }
0x91: {  	s18 =	sld [smem:$0x3FFB];
	_ =	sdelay $0x3  }
0x92: {  	_ =	strace s18  }
0x93: {  	s3 =	sld [smem:$0x3FFC];
	_ =	sdelay $0x3  }
0x94: {  	_ =	strace s3  }
0x95: {  	s3 =	sld [smem:$0x3FFD];
	_ =	sdelay $0x3  }
0x96: {  	_ =	strace s3  }
0x97: {  	_ =	strace $0x8FFFFFFF  }
0x98: {  	s19 =	sld [smem:$0x3FDB];
	_ =	sdelay $0x1  }
0x99: {  	s4 =	simm.s32 $_scs_section_size  }
0x9a: {  	s5 =	simm.s32 $_size__tile_overlayer_lowered;
	s6 =	simm.s32 $_tile_overlayer_lowered  }
0x9b: {  	s22 =	simm.s32 $0x1BFF;
	s21 =	sshll.u32 s6, $0x1;
	s3 =	sadd.s32 s4, s19  }
0x9c: {  	s7 =	simm.s32 $0x0;
	s20 =	sshll.u32 s5, $0x1;
	s5 =	sadd.s32 s21, s3  }
0x9d: {  	[timem:s7], [sflag:s22] =	dma.local [hbm:s5], s20  }
0x9e: {  	_ =	swait.ge [sflag:s22], s20  }
0x9f: {  	s4 =	ssub.s32 $0x0, s20;
	[sflag:s22] =	ssyncset.done $0x0  }
0xa0: {  	[sflag:s22] =	ssyncadd.s32 s4;
	_ =	sdelay $0x1  }
0xa1: {  	s23 =	simm.s32 $0x1B8B  }
0xa2: {  	_ =	swait.ge [sflag:s23], $0x1  }
0xa3: {  	[sflag:s23] =	ssyncset.done $0x0  }
0xa4: {  	s25 =	simm.s32 $0x1B8E;
	s24 =	sld [smem:$0x3FFE];
	[sflag:s23] =	ssyncadd.s32 $0xFFFFFFFF  }
0xa5: {  	s26 =	simm.s32 $execute0_lowered;
	[smem:$0x3FD2] =	sst s25  }
0xa6: {  	s5 =	sshll.u32 s26, $0x1;
	_ =	strace $0x8000004F;
	[dreg:$0x1] =	wrdreg $0xFFFFFFFF  }
0xa7: {  	s28 =	simm.s32 $_size_execute0_lowered;
	s3 =	sadd.s32 s3, s5;
	[dreg:$0x0] =	wrdreg $0x0  }
0xa8: {  	s5 =	sshll.u32 s28, $0x1;
	[dreg:$0x2] =	wrdreg s3  }
0xa9: {  	[dreg:$0x3] =	wrdreg s5  }
0xaa: {  	[dreg:$0x4] =	wrdreg $0xC0  }
0xab: {  	_ =	task [dreg:s7], $0x5FFFF  }
0xac: {  	[dreg:$0x1] =	wrdreg $0xFFFFFFFF  }
0xad: {  	[dreg:$0x0] =	wrdreg $0x60  }
0xae: {  	[dreg:$0x2] =	wrdreg s24  }
0xaf: {  	[dreg:$0x3] =	wrdreg s2  }
0xb0: {  	[dreg:$0x4] =	wrdreg $0x9  }
0xb1: {  	_ =	task.clear_ibuf [dreg:s7], $0x5FFFF;
	_ =	strace $0x9000004F  }
0xb2: {  	s29 =	simm.s32 $0x9;
	_ =	strace $0x80000051  }
0xb3: {  	_ =	swait.ge [sflag:s29], $0x1  }
0xb4: {  	[sflag:s29] =	ssyncadd.s32 $0xFFFFFFFF  }
0xb5: {  	_ =	strace $0x90000051  }
0xb6: {  	_ =	sfence  }
0xb7: {  	s30 =	sld [smem:$0x0];
	_ =	sdelay $0x2  }
0xb8: {  	s31 =	sshll.u32 s1, $0xD;
	s1 =	sshrl.u32 s1, $0x2  }
0xb9: {  	s3 =	sand.u32 $0x4000, s31;
	s1 =	sadd.s32 s1, s30  }
0xba: {  	s0 =	sor.u32 s3, s0;
	s1 =	sshll.u32 s1, $0x11  }
0xbb: {  	s0 =	sor.u32 s1, s0  }
0xbc: {  	s0 =	sadd.s32 $0x8F2B, s0  }
0xbd: {  	[sflag:s0] =	ssyncadd.remote.s32 $0x1  }
0xbe: {  	_ =	sfence.sel $0xFFFF  }
0xbf: {  	[dreg:$0x0] =	wrdreg $0xFFFFFFFF;
	(pc) =	sbr.abs _section_cstart, $3  }
0xc0: {  	[dreg:$0x1] =	wrdreg $0xFFFFFFFF  }
0xc1: {  	_ =	task.clear_ibuf [dreg:s7], $0x2FFFF;
	_ =	strace $0x9FFFFFFF  }
0xc2: {  	(tm) =	ssettm $0x7FFFFFFF  }
0xc3: {  	_ =	shalt  }
tec
execute0_lowered:
.L_overlay_start_1:
0x0: {  	(tag) =	ssettag $0x1  }
0x1: {  	s0 =	rddreg [dreg:$0x0]  }
0x2: {  	s3 =	rddreg [dreg:$0x1]  }
0x3: {  	s1 =	simm.s32 $0x0;
	s7 =	srdreg.scid;
	s12 =	stileid.u32  }
0x4: {  	s29 =	simm.s32 $0x300;
	s31 =	simm.s32 $0x180;
	s8 =	sadd.s32 $0x1CDBE00, s0  }
0x5: {  	s30 =	simm.s32 $0x1;
	s9 =	sadd.s32 $0x1CDB600, s0;
	s10 =	sadd.s32 $0x1CDAE00, s0  }
0x6: {  	[smem:$0x7FF] =	sst s1;
	s2 =	sadd.s32 $0x1000, s0;
	s4 =	sadd.s32 $0x1E9600, s0  }
0x7: {  	s5 =	sadd.s32 $0x3D1C00, s0;
	s6 =	sadd.s32 $0x1CBC200, s0;
	s7 =	sand.u32 $0x1, s7  }
0x8: {  	s12 =	sshll.u32 s12, $0x7;
	_ =	strace $0x80000050;
	s11 =	ssub.s32 $0x2, s7  }
0x9: {  	s13 =	sshll.u32 s7, $0x6;
	s7 =	sadd.s32 $0x1C9D800, s0;
	s0 =	sadd.s32 $0x1CDAC00, s0  }
0xa: {  	s14 =	sshrl.u32 s11, $0x1;
	s12 =	sor.u32 s13, s12;
	[dreg:$0x3] =	wrdreg s0  }
0xb: {  	s0 =	ssub.s32 s11, s14;
	s21 =	sadd.s32 s8, s12;
	s22 =	sadd.s32 s9, s12  }
0xc: {  	s23 =	sadd.s32 s10, s12;
	s24 =	sor.u32 $0x10, s12;
	[dreg:$0x4] =	wrdreg s21  }
0xd: {  	s17 =	sor.u32 $0x20, s12;
	s28 =	sor.u32 $0x30, s12;
	[dreg:$0x5] =	wrdreg s22  }
0xe: {  	[dreg:$0x6] =	wrdreg s23;
	s25 =	sadd.s32 s8, s24;
	s26 =	sadd.s32 s9, s24  }
0xf: {  	vm0 =	vmmov $0x1;
	vm1 =	vmmov $0x3;
	vm2 =	vmmov $0x7;
	s14 =	sadd.s32 s10, s24;
	s15 =	sadd.s32 s8, s17;
	s16 =	sadd.s32 s9, s17  }
0x10: {  	vm3 =	vmmov $0xf;
	vm4 =	vmmov $0x1f;
	vm5 =	vmmov $0x3f;
	s17 =	sadd.s32 s10, s17;
	s18 =	sadd.s32 s8, s28;
	s19 =	sadd.s32 s9, s28  }
0x11: {  	vm6 =	vmmov $0x7f;
	vm7 =	vmmov $0xff;
	vm8 =	vmmov $0x1ff;
	s20 =	sadd.s32 s10, s28;
	s21 =	sadd.s32 s3, s12;
	s22 =	smax.u32 s0, $0x1  }
0x12: {  	vm9 =	vmmov $0x3ff;
	vm10 =	vmmov $0x7ff;
	vm11 =	vmmov $0xfff;
	s23 =	simm.s32 $0x2;
	s24 =	simm.s32 $0x80;
	[dreg:$0x7] =	wrdreg s25  }
0x13: {  	vm12 =	vmmov $0x1fff;
	vm13 =	vmmov $0x3fff;
	vm14 =	vmmov $0x7fff;
	s0 =	simm.s32 $0x380;
	[dreg:$0x8] =	wrdreg s26;
	s26 =	simm.s32 $0x0  }
.LBB2_1:
0x14: {  	s3 =	rddreg [dreg:$0x4]  }
0x15: {  	[tilespmem:s1], [sflag:$0x2] =	stream.linear.gather [hbm4b:s3+s1], $0x80, $0x38;
	[tilespmem:$0x19210] =	vst v63  }
0x16: {  	_ =	swait.ge [sflag:s23], $0x80  }
0x17: {  	[sflag:s23] =	ssyncset.done $0x0  }
0x18: {  	s3 =	simm.s32 $0x200;
	s8 =	rddreg [dreg:$0x5];
	[sflag:s23] =	ssyncadd.s32 $0xFFFFFF80  }
0x19: {  	[tilespmem:s3], [sflag:$0x2] =	stream.linear.gather [hbm4b:s8+s1], $0x80, $0x38;
	[tilespmem:$0x19210] =	vst v63  }
0x1a: {  	_ =	swait.ge [sflag:s23], $0x80  }
0x1b: {  	[sflag:s23] =	ssyncset.done $0x0  }
0x1c: {  	s8 =	simm.s32 $0x400;
	s9 =	rddreg [dreg:$0x6];
	[sflag:s23] =	ssyncadd.s32 $0xFFFFFF80  }
0x1d: {  	[tilespmem:s8], [sflag:$0x2] =	stream.linear.gather [hbm4b:s9+s1], $0x80, $0x38;
	[tilespmem:$0x19210] =	vst v63  }
0x1e: {  	_ =	swait.ge [sflag:s23], $0x80  }
0x1f: {  	[sflag:s23] =	ssyncset.done $0x0  }
0x20: {  	s28 =	rddreg [dreg:$0x7];
	[sflag:s23] =	ssyncadd.s32 $0xFFFFFF80  }
0x21: {  	[tilespmem:s24], [sflag:$0x2] =	stream.linear.gather [hbm4b:s28+s1], $0x80, $0x38;
	[tilespmem:$0x19210] =	vst v63  }
0x22: {  	_ =	swait.ge [sflag:s23], $0x80  }
0x23: {  	[sflag:s23] =	ssyncset.done $0x0  }
0x24: {  	s11 =	simm.s32 $0x280;
	s10 =	rddreg [dreg:$0x8];
	[sflag:s23] =	ssyncadd.s32 $0xFFFFFF80  }
0x25: {  	[tilespmem:s11], [sflag:$0x2] =	stream.linear.gather [hbm4b:s10+s1], $0x80, $0x38;
	[tilespmem:$0x19210] =	vst v63  }
0x26: {  	_ =	swait.ge [sflag:s23], $0x80  }
0x27: {  	[sflag:s23] =	ssyncset.done $0x0  }
0x28: {  	s12 =	simm.s32 $0x480;
	[sflag:s23] =	ssyncadd.s32 $0xFFFFFF80  }
0x29: {  	[tilespmem:s12], [sflag:$0x2] =	stream.linear.gather [hbm4b:s14+s1], $0x80, $0x38;
	[tilespmem:$0x19210] =	vst v63  }
0x2a: {  	_ =	swait.ge [sflag:s23], $0x80  }
0x2b: {  	[sflag:s23] =	ssyncset.done $0x0  }
0x2c: {  	s12 =	simm.s32 $0x100;
	[sflag:s23] =	ssyncadd.s32 $0xFFFFFF80  }
0x2d: {  	[tilespmem:s12], [sflag:$0x2] =	stream.linear.gather [hbm4b:s15+s1], $0x80, $0x38;
	[tilespmem:$0x19210] =	vst v63  }
0x2e: {  	_ =	swait.ge [sflag:s23], $0x80  }
0x2f: {  	[sflag:s23] =	ssyncset.done $0x0  }
0x30: {  	[sflag:s23] =	ssyncadd.s32 $0xFFFFFF80  }
0x31: {  	[tilespmem:s29], [sflag:$0x2] =	stream.linear.gather [hbm4b:s16+s1], $0x80, $0x38;
	[tilespmem:$0x19210] =	vst v63  }
0x32: {  	_ =	swait.ge [sflag:s23], $0x80  }
0x33: {  	[sflag:s23] =	ssyncset.done $0x0  }
0x34: {  	s13 =	simm.s32 $0x500;
	[sflag:s23] =	ssyncadd.s32 $0xFFFFFF80  }
0x35: {  	[tilespmem:s13], [sflag:$0x2] =	stream.linear.gather [hbm4b:s17+s1], $0x80, $0x38;
	[tilespmem:$0x19210] =	vst v63  }
0x36: {  	_ =	swait.ge [sflag:s23], $0x80  }
0x37: {  	[sflag:s23] =	ssyncset.done $0x0  }
0x38: {  	[sflag:s23] =	ssyncadd.s32 $0xFFFFFF80  }
0x39: {  	[tilespmem:s31], [sflag:$0x2] =	stream.linear.gather [hbm4b:s18+s1], $0x80, $0x38;
	[tilespmem:$0x19210] =	vst v63  }
0x3a: {  	_ =	swait.ge [sflag:s23], $0x80  }
0x3b: {  	[sflag:s23] =	ssyncset.done $0x0  }
0x3c: {  	[sflag:s23] =	ssyncadd.s32 $0xFFFFFF80  }
0x3d: {  	[tilespmem:s0], [sflag:$0x2] =	stream.linear.gather [hbm4b:s19+s1], $0x80, $0x38;
	[tilespmem:$0x19210] =	vst v63  }
0x3e: {  	_ =	swait.ge [sflag:s23], $0x80  }
0x3f: {  	[sflag:s23] =	ssyncset.done $0x0  }
0x40: {  	s25 =	simm.s32 $0x580;
	[sflag:s23] =	ssyncadd.s32 $0xFFFFFF80  }
0x41: {  	[tilespmem:s25], [sflag:$0x2] =	stream.linear.gather [hbm4b:s20+s1], $0x80, $0x38;
	[tilespmem:$0x19210] =	vst v63  }
0x42: {  	_ =	swait.ge [sflag:s23], $0x80  }
0x43: {  	[sflag:s23] =	ssyncset.done $0x0  }
0x44: {  	s10 =	simm.s32 $0x19200;
	s28 =	rddreg [dreg:$0x3];
	[sflag:s23] =	ssyncadd.s32 $0xFFFFFF80  }
0x45: {  	[tilespmem:s10], [sflag:$0x2] =	stream.linear.gather [hbm4b:s28+s1], $0x10, $0x38;
	[tilespmem:$0x19210] =	vst v63  }
0x46: {  	_ =	swait.ge [sflag:s23], $0x10  }
0x47: {  	[sflag:s23] =	ssyncset.done $0x0  }
0x48: {  	[sflag:s23] =	ssyncadd.s32 $0xFFFFFFF0  }
0x49: {  	v0 =	vld [tilespmem:$0x0]  }
0x4a: {  	v1 =	vld [tilespmem:$0x200]  }
0x4b: {  	v2 =	vld [tilespmem:$0x400]  }
0x4c: {  	v3 =	vld [tilespmem:$0x10]  }
0x4d: {  	v4 =	vld [tilespmem:$0x210]  }
0x4e: {  	v5 =	vld [tilespmem:$0x410];
	v0 =	vshra.s32 v0, $0x2  }
0x4f: {  	[tilespmem:$0x600] =	vst v0;
	v0 =	vshra.s32 v1, $0x2;
	v1 =	vld [tilespmem:$0x20]  }
0x50: {  	[tilespmem:$0x800] =	vst v0;
	v0 =	vshra.s32 v2, $0x2;
	v2 =	vld [tilespmem:$0x220]  }
0x51: {  	[tilespmem:$0xA00] =	vst v0;
	v0 =	vshra.s32 v3, $0x2;
	v3 =	vld [tilespmem:$0x420]  }
0x52: {  	[tilespmem:$0x610] =	vst v0;
	v0 =	vshra.s32 v4, $0x2;
	v4 =	vld [tilespmem:$0x30]  }
0x53: {  	[tilespmem:$0x810] =	vst v0;
	v0 =	vshra.s32 v5, $0x2;
	v5 =	vld [tilespmem:$0x230]  }
0x54: {  	[tilespmem:$0xA10] =	vst v0;
	v0 =	vshra.s32 v1, $0x2;
	v1 =	vld [tilespmem:$0x430]  }
0x55: {  	[tilespmem:$0x620] =	vst v0;
	v0 =	vshra.s32 v2, $0x2;
	v2 =	vld [tilespmem:$0x40]  }
0x56: {  	[tilespmem:$0x820] =	vst v0;
	v0 =	vshra.s32 v3, $0x2;
	v3 =	vld [tilespmem:$0x240]  }
0x57: {  	[tilespmem:$0xA20] =	vst v0;
	v0 =	vshra.s32 v4, $0x2;
	v4 =	vld [tilespmem:$0x440]  }
0x58: {  	[tilespmem:$0x630] =	vst v0;
	v0 =	vshra.s32 v5, $0x2;
	v5 =	vld [tilespmem:$0x50]  }
0x59: {  	[tilespmem:$0x830] =	vst v0;
	v0 =	vshra.s32 v1, $0x2;
	v1 =	vld [tilespmem:$0x250]  }
0x5a: {  	[tilespmem:$0xA30] =	vst v0;
	v0 =	vshra.s32 v2, $0x2;
	v2 =	vld [tilespmem:$0x450]  }
0x5b: {  	[tilespmem:$0x640] =	vst v0;
	v0 =	vshra.s32 v3, $0x2;
	v3 =	vld [tilespmem:$0x60]  }
0x5c: {  	[tilespmem:$0x840] =	vst v0;
	v0 =	vshra.s32 v4, $0x2;
	v4 =	vld [tilespmem:$0x260]  }
0x5d: {  	[tilespmem:$0xA40] =	vst v0;
	v0 =	vshra.s32 v5, $0x2;
	v5 =	vld [tilespmem:$0x460]  }
0x5e: {  	[tilespmem:$0x650] =	vst v0;
	v0 =	vshra.s32 v1, $0x2;
	v1 =	vld [tilespmem:$0x70]  }
0x5f: {  	[tilespmem:$0x850] =	vst v0;
	v0 =	vshra.s32 v2, $0x2;
	v2 =	vld [tilespmem:$0x270]  }
0x60: {  	[tilespmem:$0xA50] =	vst v0;
	v0 =	vshra.s32 v3, $0x2;
	v3 =	vld [tilespmem:$0x470]  }
0x61: {  	[tilespmem:$0x660] =	vst v0;
	v0 =	vshra.s32 v4, $0x2;
	v4 =	vld [tilespmem:$0x80]  }
0x62: {  	[tilespmem:$0x860] =	vst v0;
	v0 =	vshra.s32 v5, $0x2;
	v5 =	vld [tilespmem:$0x280]  }
0x63: {  	[tilespmem:$0xA60] =	vst v0;
	v0 =	vshra.s32 v1, $0x2;
	v1 =	vld [tilespmem:$0x480]  }
0x64: {  	[tilespmem:$0x670] =	vst v0;
	v0 =	vshra.s32 v2, $0x2;
	v2 =	vld [tilespmem:$0x90]  }
0x65: {  	[tilespmem:$0x870] =	vst v0;
	v0 =	vshra.s32 v3, $0x2;
	v3 =	vld [tilespmem:$0x290]  }
0x66: {  	[tilespmem:$0xA70] =	vst v0;
	v0 =	vshra.s32 v4, $0x2;
	v4 =	vld [tilespmem:$0x490]  }
0x67: {  	[tilespmem:$0x680] =	vst v0;
	v0 =	vshra.s32 v5, $0x2;
	v5 =	vld [tilespmem:$0xA0]  }
0x68: {  	[tilespmem:$0x880] =	vst v0;
	v0 =	vshra.s32 v1, $0x2;
	v1 =	vld [tilespmem:$0x2A0]  }
0x69: {  	[tilespmem:$0xA80] =	vst v0;
	v0 =	vshra.s32 v2, $0x2;
	v2 =	vld [tilespmem:$0x4A0]  }
0x6a: {  	[tilespmem:$0x690] =	vst v0;
	v0 =	vshra.s32 v3, $0x2;
	v3 =	vld [tilespmem:$0xB0]  }
0x6b: {  	[tilespmem:$0x890] =	vst v0;
	v0 =	vshra.s32 v4, $0x2;
	v4 =	vld [tilespmem:$0x2B0]  }
0x6c: {  	[tilespmem:$0xA90] =	vst v0;
	v0 =	vshra.s32 v5, $0x2;
	v5 =	vld [tilespmem:$0x4B0]  }
0x6d: {  	[tilespmem:$0x6A0] =	vst v0;
	v0 =	vshra.s32 v1, $0x2;
	v1 =	vld [tilespmem:$0xC0]  }
0x6e: {  	[tilespmem:$0x8A0] =	vst v0;
	v0 =	vshra.s32 v2, $0x2;
	v2 =	vld [tilespmem:$0x2C0]  }
0x6f: {  	[tilespmem:$0xAA0] =	vst v0;
	v0 =	vshra.s32 v3, $0x2;
	v3 =	vld [tilespmem:$0x4C0]  }
0x70: {  	[tilespmem:$0x6B0] =	vst v0;
	v0 =	vshra.s32 v4, $0x2;
	v4 =	vld [tilespmem:$0xD0]  }
0x71: {  	[tilespmem:$0x8B0] =	vst v0;
	v0 =	vshra.s32 v5, $0x2;
	v5 =	vld [tilespmem:$0x2D0]  }
0x72: {  	[tilespmem:$0xAB0] =	vst v0;
	v0 =	vshra.s32 v1, $0x2;
	v1 =	vld [tilespmem:$0x4D0]  }
0x73: {  	[tilespmem:$0x6C0] =	vst v0;
	v0 =	vshra.s32 v2, $0x2;
	v2 =	vld [tilespmem:$0xE0]  }
0x74: {  	[tilespmem:$0x8C0] =	vst v0;
	v0 =	vshra.s32 v3, $0x2;
	v3 =	vld [tilespmem:$0x2E0]  }
0x75: {  	[tilespmem:$0xAC0] =	vst v0;
	v0 =	vshra.s32 v4, $0x2;
	v4 =	vld [tilespmem:$0x4E0]  }
0x76: {  	[tilespmem:$0x6D0] =	vst v0;
	v0 =	vshra.s32 v5, $0x2;
	v5 =	vld [tilespmem:$0xF0]  }
0x77: {  	[tilespmem:$0x8D0] =	vst v0;
	v0 =	vshra.s32 v1, $0x2;
	v1 =	vld [tilespmem:$0x2F0]  }
0x78: {  	[tilespmem:$0xAD0] =	vst v0;
	v0 =	vshra.s32 v2, $0x2;
	v2 =	vld [tilespmem:$0x4F0]  }
0x79: {  	[tilespmem:$0x6E0] =	vst v0;
	v0 =	vshra.s32 v3, $0x2;
	v3 =	vld [tilespmem:$0x100]  }
0x7a: {  	[tilespmem:$0x8E0] =	vst v0;
	v0 =	vshra.s32 v4, $0x2;
	v4 =	vld [tilespmem:$0x300]  }
0x7b: {  	[tilespmem:$0xAE0] =	vst v0;
	v0 =	vshra.s32 v5, $0x2;
	v5 =	vld [tilespmem:$0x500]  }
0x7c: {  	[tilespmem:$0x6F0] =	vst v0;
	v0 =	vshra.s32 v1, $0x2;
	v1 =	vld [tilespmem:$0x110]  }
0x7d: {  	[tilespmem:$0x8F0] =	vst v0;
	v0 =	vshra.s32 v2, $0x2;
	v2 =	vld [tilespmem:$0x310]  }
0x7e: {  	[tilespmem:$0xAF0] =	vst v0;
	v0 =	vshra.s32 v3, $0x2;
	v3 =	vld [tilespmem:$0x510]  }
0x7f: {  	[tilespmem:$0x700] =	vst v0;
	v0 =	vshra.s32 v4, $0x2;
	v4 =	vld [tilespmem:$0x120]  }
0x80: {  	[tilespmem:$0x900] =	vst v0;
	v0 =	vshra.s32 v5, $0x2;
	v5 =	vld [tilespmem:$0x320]  }
0x81: {  	[tilespmem:$0xB00] =	vst v0;
	v0 =	vshra.s32 v1, $0x2;
	v1 =	vld [tilespmem:$0x520]  }
0x82: {  	[tilespmem:$0x710] =	vst v0;
	v0 =	vshra.s32 v2, $0x2;
	v2 =	vld [tilespmem:$0x130]  }
0x83: {  	[tilespmem:$0x910] =	vst v0;
	v0 =	vshra.s32 v3, $0x2;
	v3 =	vld [tilespmem:$0x330]  }
0x84: {  	[tilespmem:$0xB10] =	vst v0;
	v0 =	vshra.s32 v4, $0x2;
	v4 =	vld [tilespmem:$0x530]  }
0x85: {  	[tilespmem:$0x720] =	vst v0;
	v0 =	vshra.s32 v5, $0x2;
	v5 =	vld [tilespmem:$0x140]  }
0x86: {  	[tilespmem:$0x920] =	vst v0;
	v0 =	vshra.s32 v1, $0x2;
	v1 =	vld [tilespmem:$0x340]  }
0x87: {  	[tilespmem:$0xB20] =	vst v0;
	v0 =	vshra.s32 v2, $0x2;
	v2 =	vld [tilespmem:$0x540]  }
0x88: {  	[tilespmem:$0x730] =	vst v0;
	v0 =	vshra.s32 v3, $0x2;
	v3 =	vld [tilespmem:$0x150]  }
0x89: {  	[tilespmem:$0x930] =	vst v0;
	v0 =	vshra.s32 v4, $0x2;
	v4 =	vld [tilespmem:$0x350]  }
0x8a: {  	[tilespmem:$0xB30] =	vst v0;
	v0 =	vshra.s32 v5, $0x2;
	v5 =	vld [tilespmem:$0x550]  }
0x8b: {  	[tilespmem:$0x740] =	vst v0;
	v0 =	vshra.s32 v1, $0x2;
	v1 =	vld [tilespmem:$0x160]  }
0x8c: {  	[tilespmem:$0x940] =	vst v0;
	v0 =	vshra.s32 v2, $0x2;
	v2 =	vld [tilespmem:$0x360]  }
0x8d: {  	[tilespmem:$0xB40] =	vst v0;
	v0 =	vshra.s32 v3, $0x2;
	v3 =	vld [tilespmem:$0x560]  }
0x8e: {  	[tilespmem:$0x750] =	vst v0;
	v0 =	vshra.s32 v4, $0x2;
	v4 =	vld [tilespmem:$0x170]  }
0x8f: {  	[tilespmem:$0x950] =	vst v0;
	v0 =	vshra.s32 v5, $0x2;
	v5 =	vld [tilespmem:$0x370]  }
0x90: {  	[tilespmem:$0xB50] =	vst v0;
	v0 =	vshra.s32 v1, $0x2;
	v1 =	vld [tilespmem:$0x570]  }
0x91: {  	[tilespmem:$0x760] =	vst v0;
	v0 =	vshra.s32 v2, $0x2;
	v2 =	vld [tilespmem:$0x180]  }
0x92: {  	[tilespmem:$0x960] =	vst v0;
	v0 =	vshra.s32 v3, $0x2;
	v3 =	vld [tilespmem:$0x380]  }
0x93: {  	[tilespmem:$0xB60] =	vst v0;
	v0 =	vshra.s32 v4, $0x2;
	v4 =	vld [tilespmem:$0x580]  }
0x94: {  	[tilespmem:$0x770] =	vst v0;
	v0 =	vshra.s32 v5, $0x2;
	v5 =	vld [tilespmem:$0x190]  }
0x95: {  	[tilespmem:$0x970] =	vst v0;
	v0 =	vshra.s32 v1, $0x2;
	v1 =	vld [tilespmem:$0x390]  }
0x96: {  	[tilespmem:$0xB70] =	vst v0;
	v0 =	vshra.s32 v2, $0x2;
	v2 =	vld [tilespmem:$0x590]  }
0x97: {  	[tilespmem:$0x780] =	vst v0;
	v0 =	vshra.s32 v3, $0x2;
	v3 =	vld [tilespmem:$0x1A0]  }
0x98: {  	[tilespmem:$0x980] =	vst v0;
	v0 =	vshra.s32 v4, $0x2;
	v4 =	vld [tilespmem:$0x3A0]  }
0x99: {  	[tilespmem:$0xB80] =	vst v0;
	v0 =	vshra.s32 v5, $0x2;
	v5 =	vld [tilespmem:$0x5A0]  }
0x9a: {  	[tilespmem:$0x790] =	vst v0;
	v0 =	vshra.s32 v1, $0x2;
	v1 =	vld [tilespmem:$0x1B0]  }
0x9b: {  	[tilespmem:$0x990] =	vst v0;
	v0 =	vshra.s32 v2, $0x2;
	v2 =	vld [tilespmem:$0x3B0]  }
0x9c: {  	[tilespmem:$0xB90] =	vst v0;
	v0 =	vshra.s32 v3, $0x2;
	v3 =	vld [tilespmem:$0x5B0]  }
0x9d: {  	[tilespmem:$0x7A0] =	vst v0;
	v0 =	vshra.s32 v4, $0x2;
	v4 =	vld [tilespmem:$0x1C0]  }
0x9e: {  	[tilespmem:$0x9A0] =	vst v0;
	v0 =	vshra.s32 v5, $0x2;
	v5 =	vld [tilespmem:$0x3C0]  }
0x9f: {  	[tilespmem:$0xBA0] =	vst v0;
	v0 =	vshra.s32 v1, $0x2;
	v1 =	vld [tilespmem:$0x5C0]  }
0xa0: {  	[tilespmem:$0x7B0] =	vst v0;
	v0 =	vshra.s32 v2, $0x2;
	v2 =	vld [tilespmem:$0x1D0]  }
0xa1: {  	[tilespmem:$0x9B0] =	vst v0;
	v0 =	vshra.s32 v3, $0x2;
	v3 =	vld [tilespmem:$0x3D0]  }
0xa2: {  	[tilespmem:$0xBB0] =	vst v0;
	v0 =	vshra.s32 v4, $0x2;
	v4 =	vld [tilespmem:$0x5D0]  }
0xa3: {  	[tilespmem:$0x7C0] =	vst v0;
	v0 =	vshra.s32 v5, $0x2;
	v5 =	vld [tilespmem:$0x1E0]  }
0xa4: {  	[tilespmem:$0x9C0] =	vst v0;
	v0 =	vshra.s32 v1, $0x2;
	v1 =	vld [tilespmem:$0x3E0]  }
0xa5: {  	[tilespmem:$0xBC0] =	vst v0;
	v0 =	vshra.s32 v2, $0x2;
	v2 =	vld [tilespmem:$0x5E0]  }
0xa6: {  	[tilespmem:$0x7D0] =	vst v0;
	v0 =	vshra.s32 v3, $0x2;
	v3 =	vld [tilespmem:$0x1F0]  }
0xa7: {  	[tilespmem:$0x9D0] =	vst v0;
	v0 =	vshra.s32 v4, $0x2;
	v4 =	vld [tilespmem:$0x3F0]  }
0xa8: {  	[tilespmem:$0xBD0] =	vst v0;
	v0 =	vshra.s32 v5, $0x2;
	v5 =	vld [tilespmem:$0x5F0]  }
0xa9: {  	[tilespmem:$0x7E0] =	vst v0;
	v0 =	vshra.s32 v1, $0x2  }
0xaa: {  	[tilespmem:$0x9E0] =	vst v0;
	v0 =	vshra.s32 v2, $0x2  }
0xab: {  	[tilespmem:$0xBE0] =	vst v0;
	v0 =	vshra.s32 v3, $0x2  }
0xac: {  	[tilespmem:$0x7F0] =	vst v0;
	v0 =	vshra.s32 v4, $0x2  }
0xad: {  	[tilespmem:$0x9F0] =	vst v0;
	v0 =	vshra.s32 v5, $0x2  }
0xae: {  	s13 =	simm.s32 $0xC00;
	s10 =	simm.s32 $0x600;
	[tilespmem:$0xBF0] =	vst v0  }
0xaf: {  	[tilespmem:s13], [sflag:$0x1] =	stream.indirect.gather [hbm4b:s2+s24], $0x40, s10, s24, $0xb8;
	[tilespmem:$0x19210] =	vst v63  }
0xb0: {  	s25 =	simm.s32 $0x800;
	s28 =	simm.s32 $0x8C00  }
0xb1: {  	[tilespmem:s28], [sflag:$0x1] =	stream.indirect.gather [hbm4b:s4+s24], $0x40, s25, s24, $0xb8;
	[tilespmem:$0x19210] =	vst v63  }
0xb2: {  	s10 =	simm.s32 $0xA00;
	s13 =	simm.s32 $0x10C00  }
0xb3: {  	[tilespmem:s13], [sflag:$0x1] =	stream.indirect.gather [hbm4b:s5+s24], $0x40, s10, s24, $0xb8;
	[tilespmem:$0x19210] =	vst v63  }
0xb4: {  	s9 =	simm.s32 $0x18C00  }
0xb5: {  	[tilespmem:s9], [sflag:$0x1] =	stream.indirect.gather [hbm4b:s6+s24], $0x1, s1, s24, $0xb8;
	[tilespmem:$0x19210] =	vst v63  }
0xb6: {  	s10 =	simm.s32 $0x18E00  }
0xb7: {  	[tilespmem:s10], [sflag:$0x1] =	stream.indirect.gather [hbm4b:s7+s24], $0x1, s3, s24, $0xb8;
	[tilespmem:$0x19210] =	vst v63  }
0xb8: {  	s25 =	simm.s32 $0x2C00;
	s13 =	simm.s32 $0x680  }
0xb9: {  	[tilespmem:s25], [sflag:$0x1] =	stream.indirect.gather [hbm4b:s2+s24], $0x40, s13, s24, $0xb8;
	[tilespmem:$0x19210] =	vst v63  }
0xba: {  	s28 =	simm.s32 $0xAC00;
	s25 =	simm.s32 $0x880  }
0xbb: {  	[tilespmem:s28], [sflag:$0x1] =	stream.indirect.gather [hbm4b:s4+s24], $0x40, s25, s24, $0xb8;
	[tilespmem:$0x19210] =	vst v63  }
0xbc: {  	s25 =	simm.s32 $0xA80;
	s28 =	simm.s32 $0x12C00  }
0xbd: {  	[tilespmem:s28], [sflag:$0x1] =	stream.indirect.gather [hbm4b:s5+s24], $0x40, s25, s24, $0xb8;
	[tilespmem:$0x19210] =	vst v63  }
0xbe: {  	s25 =	simm.s32 $0x18C80  }
0xbf: {  	[tilespmem:s25], [sflag:$0x1] =	stream.indirect.gather [hbm4b:s6+s24], $0x1, s24, s24, $0xb8;
	[tilespmem:$0x19210] =	vst v63  }
0xc0: {  	s28 =	simm.s32 $0x18E80  }
0xc1: {  	[tilespmem:s28], [sflag:$0x1] =	stream.indirect.gather [hbm4b:s7+s24], $0x1, s11, s24, $0xb8;
	[tilespmem:$0x19210] =	vst v63  }
0xc2: {  	s25 =	simm.s32 $0x700;
	s28 =	simm.s32 $0x4C00  }
0xc3: {  	[tilespmem:s28], [sflag:$0x1] =	stream.indirect.gather [hbm4b:s2+s24], $0x40, s25, s24, $0xb8;
	[tilespmem:$0x19210] =	vst v63  }
0xc4: {  	s25 =	simm.s32 $0x900;
	s28 =	simm.s32 $0xCC00  }
0xc5: {  	[tilespmem:s28], [sflag:$0x1] =	stream.indirect.gather [hbm4b:s4+s24], $0x40, s25, s24, $0xb8;
	[tilespmem:$0x19210] =	vst v63  }
0xc6: {  	s25 =	simm.s32 $0xB00;
	s28 =	simm.s32 $0x14C00  }
0xc7: {  	[tilespmem:s28], [sflag:$0x1] =	stream.indirect.gather [hbm4b:s5+s24], $0x40, s25, s24, $0xb8;
	[tilespmem:$0x19210] =	vst v63  }
0xc8: {  	s25 =	simm.s32 $0x18D00  }
0xc9: {  	[tilespmem:s25], [sflag:$0x1] =	stream.indirect.gather [hbm4b:s6+s24], $0x1, s12, s24, $0xb8;
	[tilespmem:$0x19210] =	vst v63  }
0xca: {  	s28 =	simm.s32 $0x18F00  }
0xcb: {  	[tilespmem:s28], [sflag:$0x1] =	stream.indirect.gather [hbm4b:s7+s24], $0x1, s29, s24, $0xb8;
	[tilespmem:$0x19210] =	vst v63  }
0xcc: {  	s13 =	simm.s32 $0x6C00;
	s12 =	simm.s32 $0x780  }
0xcd: {  	[tilespmem:s13], [sflag:$0x1] =	stream.indirect.gather [hbm4b:s2+s24], $0x40, s12, s24, $0xb8;
	[tilespmem:$0x19210] =	vst v63  }
0xce: {  	s25 =	simm.s32 $0x980;
	s28 =	simm.s32 $0xEC00  }
0xcf: {  	[tilespmem:s28], [sflag:$0x1] =	stream.indirect.gather [hbm4b:s4+s24], $0x40, s25, s24, $0xb8;
	[tilespmem:$0x19210] =	vst v63  }
0xd0: {  	s12 =	simm.s32 $0xB80;
	s13 =	simm.s32 $0x16C00  }
0xd1: {  	[tilespmem:s13], [sflag:$0x1] =	stream.indirect.gather [hbm4b:s5+s24], $0x40, s12, s24, $0xb8;
	[tilespmem:$0x19210] =	vst v63  }
0xd2: {  	s25 =	simm.s32 $0x18D80  }
0xd3: {  	[tilespmem:s25], [sflag:$0x1] =	stream.indirect.gather [hbm4b:s6+s24], $0x1, s31, s24, $0xb8;
	[tilespmem:$0x19210] =	vst v63  }
0xd4: {  	s28 =	simm.s32 $0x18F80  }
0xd5: {  	[tilespmem:s28], [sflag:$0x1] =	stream.indirect.gather [hbm4b:s7+s24], $0x1, s0, s24, $0xb8;
	[tilespmem:$0x19210] =	vst v63  }
0xd6: {  	_ =	swait.ge [sflag:s30], $0x2000  }
0xd7: {  	[sflag:s30] =	ssyncset.done $0x0  }
0xd8: {  	[sflag:s30] =	ssyncadd.s32 $0xFFFFE000  }
0xd9: {  	_ =	swait.ge [sflag:s30], $0x2000  }
0xda: {  	[sflag:s30] =	ssyncset.done $0x0  }
0xdb: {  	[sflag:s30] =	ssyncadd.s32 $0xFFFFE000  }
0xdc: {  	_ =	swait.ge [sflag:s30], $0x2000  }
0xdd: {  	[sflag:s30] =	ssyncset.done $0x0  }
0xde: {  	[sflag:s30] =	ssyncadd.s32 $0xFFFFE000  }
0xdf: {  	_ =	swait.ge [sflag:s30], $0x80  }
0xe0: {  	[sflag:s30] =	ssyncset.done $0x0  }
0xe1: {  	[sflag:s30] =	ssyncadd.s32 $0xFFFFFF80  }
0xe2: {  	_ =	swait.ge [sflag:s30], $0x80  }
0xe3: {  	[sflag:s30] =	ssyncset.done $0x0  }
0xe4: {  	[sflag:s30] =	ssyncadd.s32 $0xFFFFFF80  }
0xe5: {  	_ =	swait.ge [sflag:s30], $0x2000  }
0xe6: {  	[sflag:s30] =	ssyncset.done $0x0  }
0xe7: {  	[sflag:s30] =	ssyncadd.s32 $0xFFFFE000  }
0xe8: {  	_ =	swait.ge [sflag:s30], $0x2000  }
0xe9: {  	[sflag:s30] =	ssyncset.done $0x0  }
0xea: {  	[sflag:s30] =	ssyncadd.s32 $0xFFFFE000  }
0xeb: {  	_ =	swait.ge [sflag:s30], $0x2000  }
0xec: {  	[sflag:s30] =	ssyncset.done $0x0  }
0xed: {  	[sflag:s30] =	ssyncadd.s32 $0xFFFFE000  }
0xee: {  	_ =	swait.ge [sflag:s30], $0x80  }
0xef: {  	[sflag:s30] =	ssyncset.done $0x0  }
0xf0: {  	[sflag:s30] =	ssyncadd.s32 $0xFFFFFF80  }
0xf1: {  	_ =	swait.ge [sflag:s30], $0x80  }
0xf2: {  	[sflag:s30] =	ssyncset.done $0x0  }
0xf3: {  	[sflag:s30] =	ssyncadd.s32 $0xFFFFFF80  }
0xf4: {  	_ =	swait.ge [sflag:s30], $0x2000  }
0xf5: {  	[sflag:s30] =	ssyncset.done $0x0  }
0xf6: {  	[sflag:s30] =	ssyncadd.s32 $0xFFFFE000  }
0xf7: {  	_ =	swait.ge [sflag:s30], $0x2000  }
0xf8: {  	[sflag:s30] =	ssyncset.done $0x0  }
0xf9: {  	[sflag:s30] =	ssyncadd.s32 $0xFFFFE000  }
0xfa: {  	_ =	swait.ge [sflag:s30], $0x2000  }
0xfb: {  	[sflag:s30] =	ssyncset.done $0x0  }
0xfc: {  	[sflag:s30] =	ssyncadd.s32 $0xFFFFE000  }
0xfd: {  	_ =	swait.ge [sflag:s30], $0x80  }
0xfe: {  	[sflag:s30] =	ssyncset.done $0x0  }
0xff: {  	[sflag:s30] =	ssyncadd.s32 $0xFFFFFF80  }
0x100: {  	_ =	swait.ge [sflag:s30], $0x80  }
0x101: {  	[sflag:s30] =	ssyncset.done $0x0  }
0x102: {  	[sflag:s30] =	ssyncadd.s32 $0xFFFFFF80  }
0x103: {  	_ =	swait.ge [sflag:s30], $0x2000  }
0x104: {  	[sflag:s30] =	ssyncset.done $0x0  }
0x105: {  	[sflag:s30] =	ssyncadd.s32 $0xFFFFE000  }
0x106: {  	_ =	swait.ge [sflag:s30], $0x2000  }
0x107: {  	[sflag:s30] =	ssyncset.done $0x0  }
0x108: {  	[sflag:s30] =	ssyncadd.s32 $0xFFFFE000  }
0x109: {  	_ =	swait.ge [sflag:s30], $0x2000  }
0x10a: {  	[sflag:s30] =	ssyncset.done $0x0  }
0x10b: {  	[sflag:s30] =	ssyncadd.s32 $0xFFFFE000  }
0x10c: {  	_ =	swait.ge [sflag:s30], $0x80  }
0x10d: {  	[sflag:s30] =	ssyncset.done $0x0  }
0x10e: {  	[sflag:s30] =	ssyncadd.s32 $0xFFFFFF80  }
0x10f: {  	_ =	swait.ge [sflag:s30], $0x80  }
0x110: {  	[sflag:s30] =	ssyncset.done $0x0  }
0x111: {  	[sflag:s30] =	ssyncadd.s32 $0xFFFFFF80  }
0x112: {  	v3 =	vld [tilespmem:$0x19200];
	_ =	sdelay $0x4  }
0x113: {  	v0 =	vshrl.u32 v3, $0x10  }
0x114: {  	v0 =	vand.u32 $0x1, v0  }
0x115: {  	v0 =	vadd.s32 v0, v3  }
0x116: {  	v0 =	vadd.s32 $0x7FFF, v0  }
0x117: {  	v2 =	vand.u32 $0xFFFF0000, v0  }
0x118: {  	v3 =	vbroadcast v3, $0x3;
	v0 =	vbroadcast v2, $0x0  }
0x119: {  	s11 =	simm.s32 $0x19000;
	s12 =	simm.s32 $0x0;
	s25 =	simm.s32 $0x0;
	v1 =	vbroadcast v2, $0x1;
	v2 =	vbroadcast v2, $0x2  }
.LBB2_2:
0x11a: {  	v5 =	vld [tilespmem:s12+$0x0]  }
0x11b: {  	v6 =	vld [tilespmem:s3+$0x0]  }
0x11c: {  	v4 =	vld [tilespmem:s8+$0x0];
	_ =	sdelay $0x2  }
0x11d: {  	v7 =	vshll.u32 v5, $0x5  }
0x11e: {  	v8 =	vshll.u32 v6, $0x5;
	v7 =	vand.u32 $0x60, v7  }
0x11f: {  	s13 =	sshra.s32 s25, $0x2;
	v9 =	vshll.u32 v4, $0x5;
	v8 =	vand.u32 $0x60, v8;
	v7 =	vshrl.u32 v7, $0x1  }
0x120: {  	v10 =	vand.u32 $0x60, v9;
	v27 =	vshrl.u32 v8, $0x1;
	v63 =	vadd.s32 s13, v7  }
0x121: {  	v28 =	vshrl.u32 v10, $0x1;
	v8 =	vadd.s32 s13, v27;
	(v2sf) =	vpush v63, $0x0  }
0x122: {  	v7 =	vadd.s32 s13, v28;
	(v2sf) =	vpush v8, $0x0  }
0x123: {  	(v2sf) =	vpush v7, $0x0;
	_ =	sdelay $0x3  }
0x124: {  	(v2sf) =	vpush v63, $0x1  }
0x125: {  	(v2sf) =	vpush v8, $0x1  }
0x126: {  	(v2sf) =	vpush v7, $0x1  }
0x127: {  	(v2sf) =	vpush v63, $0x2  }
0x128: {  	(v2sf) =	vpush v8, $0x2  }
0x129: {  	(v2sf) =	vpush v7, $0x2  }
0x12a: {  	(v2sf) =	vpush v63, $0x3  }
0x12b: {  	(v2sf) =	vpush v8, $0x3  }
0x12c: {  	(v2sf) =	vpush v7, $0x3  }
0x12d: {  	s13 =	spop (v2sf);
	(v2sf) =	vpush v63, $0x4  }
0x12e: {  	s28 =	spop (v2sf);
	(v2sf) =	vpush v8, $0x4  }
0x12f: {  	v29 =	vld [tilespmem:s28+$0x8C00];
	s28 =	spop (v2sf);
	(v2sf) =	vpush v7, $0x4  }
0x130: {  	(v2sf) =	vpush v63, $0x5  }
0x131: {  	(v2sf) =	vpush v8, $0x5  }
0x132: {  	v12 =	vld [tilespmem:s13+$0xC00];
	(v2sf) =	vpush v7, $0x5  }
0x133: {  	v11 =	vld [tilespmem:s28+$0x10C00];
	s13 =	spop (v2sf);
	(v2sf) =	vpush v63, $0x6  }
0x134: {  	s28 =	spop (v2sf);
	v14 =	vld [tilespmem:s13+$0xC40];
	(v2sf) =	vpush v8, $0x6  }
0x135: {  	s13 =	spop (v2sf);
	v15 =	vld [tilespmem:s28+$0x8C40];
	(v2sf) =	vpush v7, $0x6  }
0x136: {  	s28 =	spop (v2sf);
	v30 =	vld [tilespmem:s13+$0x10C40];
	(v2sf) =	vpush v63, $0x7  }
0x137: {  	s13 =	spop (v2sf);
	(v2sf) =	vpush v8, $0x7  }
0x138: {  	v13 =	vadd.bf16 v11, v29;
	v31 =	vld [tilespmem:s13+$0x8C80];
	s13 =	spop (v2sf);
	(v2sf) =	vpush v7, $0x7  }
0x139: {  	v32 =	vld [tilespmem:s13+$0x10C80];
	s13 =	spop (v2sf);
	(v2sf) =	vpush v63, $0x8  }
0x13a: {  	v16 =	vld [tilespmem:s28+$0xC80];
	v10 =	vmul.bf16 v11, v29;
	v12 =	vmul.bf16 v13, v12;
	s28 =	spop (v2sf);
	(v2sf) =	vpush v8, $0x8  }
0x13b: {  	v18 =	vld [tilespmem:s13+$0xCC0];
	s13 =	spop (v2sf);
	v19 =	vadd.bf16 v30, v15;
	(v2sf) =	vpush v7, $0x8  }
0x13c: {  	v33 =	vld [tilespmem:s28+$0x8CC0];
	v10 =	vadd.bf16 v12, v10;
	s28 =	spop (v2sf);
	(v2sf) =	vpush v63, $0x9  }
0x13d: {  	v11 =	vmul.bf16 v30, v15;
	v20 =	vld [tilespmem:s13+$0x10CC0];
	s13 =	spop (v2sf);
	(v2sf) =	vpush v8, $0x9  }
0x13e: {  	v14 =	vmul.bf16 v19, v14;
	v17 =	vunpack.i.u.bf16.f32 v10;
	v22 =	vld [tilespmem:s28+$0xD00];
	s28 =	spop (v2sf);
	(v2sf) =	vpush v7, $0x9  }
0x13f: {  	v10 =	vunpack.i.l.bf16.f32 v10;
	v21 =	vadd.bf16 v32, v31;
	v34 =	vld [tilespmem:s13+$0x8D00];
	s13 =	spop (v2sf);
	(v2sf) =	vpush v63, $0xA  }
0x140: {  	v12 =	vmul.bf16 v32, v31;
	v11 =	vadd.bf16 v14, v11;
	v35 =	vld [tilespmem:s28+$0x10D00];
	s28 =	spop (v2sf);
	(v2sf) =	vpush v8, $0xA  }
0x141: {  	v10 =	vadd.f32 v10, v17;
	v16 =	vmul.bf16 v21, v16;
	v36 =	vld [tilespmem:s13+$0xD40];
	s13 =	spop (v2sf);
	(v2sf) =	vpush v7, $0xA  }
0x142: {  	v38 =	vunpack.i.u.bf16.f32 v11;
	v24 =	vadd.bf16 v20, v33;
	v37 =	vld [tilespmem:s28+$0x8D40];
	s28 =	spop (v2sf);
	(v2sf) =	vpush v63, $0xB  }
0x143: {  	v11 =	vunpack.i.l.bf16.f32 v11;
	v17 =	vmul.bf16 v20, v33;
	v39 =	vld [tilespmem:s13+$0x10D40];
	s13 =	spop (v2sf);
	(v2sf) =	vpush v8, $0xB  }
0x144: {  	v12 =	vadd.bf16 v16, v12;
	v18 =	vmul.bf16 v24, v18;
	v23 =	vld [tilespmem:s28+$0xD80];
	s28 =	spop (v2sf);
	(v2sf) =	vpush v7, $0xB  }
0x145: {  	v11 =	vadd.f32 v11, v38;
	v25 =	vld [tilespmem:s13+$0x8D80];
	s13 =	spop (v2sf)  }
0x146: {  	v40 =	vunpack.i.u.bf16.f32 v12;
	v12 =	vunpack.i.l.bf16.f32 v12;
	v17 =	vadd.bf16 v18, v17;
	v41 =	vld [tilespmem:s28+$0x10D80];
	s28 =	spop (v2sf)  }
0x147: {  	v12 =	vadd.f32 v12, v40;
	v43 =	vadd.bf16 v35, v34;
	v13 =	vmul.bf16 v35, v34;
	v42 =	vld [tilespmem:s13+$0xDC0];
	s13 =	spop (v2sf)  }
0x148: {  	v46 =	vunpack.i.u.bf16.f32 v17;
	v17 =	vunpack.i.l.bf16.f32 v17;
	(v2sf) =	vpush v63, $0xC;
	v26 =	vld [tilespmem:s28+$0x8DC0];
	s28 =	spop (v2sf)  }
0x149: {  	v17 =	vadd.f32 v17, v46;
	(v2sf) =	vpush v8, $0xC;
	v22 =	vmul.bf16 v43, v22;
	v44 =	vld [tilespmem:s13+$0x10DC0];
	s13 =	spop (v2sf)  }
0x14a: {  	(v2sf) =	vpush v7, $0xC;
	v27 =	vadd.bf16 v39, v37;
	v45 =	vld [tilespmem:s28+$0xE00];
	s28 =	spop (v2sf)  }
0x14b: {  	(v2sf) =	vpush v63, $0xD;
	v13 =	vadd.bf16 v22, v13;
	v28 =	vld [tilespmem:s13+$0x8E00];
	s13 =	spop (v2sf)  }
0x14c: {  	v16 =	vmul.bf16 v39, v37;
	(v2sf) =	vpush v8, $0xD;
	v14 =	vmul.bf16 v27, v36;
	v47 =	vld [tilespmem:s28+$0x10E00];
	s28 =	spop (v2sf)  }
0x14d: {  	(v2sf) =	vpush v7, $0xD;
	v50 =	vadd.bf16 v41, v25;
	v30 =	vunpack.i.u.bf16.f32 v13;
	v48 =	vld [tilespmem:s13+$0xE40];
	s13 =	spop (v2sf)  }
0x14e: {  	v13 =	vunpack.i.l.bf16.f32 v13;
	(v2sf) =	vpush v63, $0xE;
	v14 =	vadd.bf16 v14, v16;
	v49 =	vld [tilespmem:s28+$0x8E40];
	s28 =	spop (v2sf)  }
0x14f: {  	(xrf2) =	vadd.scan.msk.f32 $0xffff, v10;
	v19 =	vmul.bf16 v41, v25;
	v13 =	vadd.f32 v13, v30;
	(v2sf) =	vpush v8, $0xE;
	v29 =	vld [tilespmem:s13+$0x10E40];
	s13 =	spop (v2sf)  }
0x150: {  	(xrf2) =	vadd.scan.msk.f32 $0xffff, v11;
	v23 =	vmul.bf16 v50, v23;
	(v2sf) =	vpush v7, $0xE;
	v53 =	vunpack.i.u.bf16.f32 v14;
	v51 =	vld [tilespmem:s28+$0xE80];
	s28 =	spop (v2sf)  }
0x151: {  	(xrf2) =	vadd.scan.msk.f32 $0xffff, v12;
	v14 =	vunpack.i.l.bf16.f32 v14;
	v54 =	vadd.bf16 v44, v26;
	v52 =	vld [tilespmem:s13+$0x8E80];
	s13 =	spop (v2sf);
	(v2sf) =	vpush v63, $0xF  }
0x152: {  	(xrf2) =	vadd.scan.msk.f32 $0xffff, v17;
	v14 =	vadd.f32 v14, v53;
	v55 =	vld [tilespmem:s28+$0x10E80];
	s28 =	spop (v2sf);
	(v2sf) =	vpush v8, $0xF  }
0x153: {  	v19 =	vadd.bf16 v23, v19;
	v56 =	vld [tilespmem:s13+$0xEC0];
	s13 =	spop (v2sf);
	(v2sf) =	vpush v7, $0xF  }
0x154: {  	v18 =	vmul.bf16 v44, v26;
	(xrf2) =	vadd.scan.msk.f32 $0xffff, v13;
	v20 =	vmul.bf16 v54, v42  }
0x155: {  	v6 =	vcvt.s32.f32 v6;
	v57 =	vadd.bf16 v47, v28;
	v59 =	vunpack.i.u.bf16.f32 v19;
	(xrf2) =	vadd.scan.msk.f32 $0xffff, v14  }
0x156: {  	v19 =	vunpack.i.l.bf16.f32 v19;
	v62 =	vmul.bf16 v47, v28;
	v18 =	vadd.bf16 v20, v18  }
0x157: {  	v9 =	vmul.bf16 v57, v45;
	v8 =	vadd.f32 v19, v59;
	v58 =	vld [tilespmem:s28+$0x8EC0];
	v33 =	vadd.bf16 v29, v49;
	s28 =	spop (v2sf)  }
0x158: {  	v32 =	vunpack.i.u.bf16.f32 v18;
	v18 =	vunpack.i.l.bf16.f32 v18;
	v38 =	vmul.bf16 v29, v49;
	v60 =	vld [tilespmem:s13+$0x10EC0];
	s13 =	spop (v2sf)  }
0x159: {  	v9 =	vadd.bf16 v9, v62;
	v36 =	vadd.f32 v18, v32;
	v57, _, _ =	vpop (xrf2);
	v61 =	vld [tilespmem:s28+$0xF00];
	v37 =	vmul.bf16 v33, v48;
	s28 =	spop (v2sf)  }
0x15a: {  	v11 =	vbroadcast v57, $0xF;
	v59, _, _ =	vpop (xrf2);
	v63 =	vld [tilespmem:s13+$0x8F00];
	v35 =	vadd.bf16 v55, v52;
	v23 =	vmul.bf16 v55, v52;
	s13 =	spop (v2sf)  }
0x15b: {  	(xrf2) =	vadd.scan.msk.f32 $0xffff, v8;
	v41 =	vunpack.i.u.bf16.f32 v9;
	v9 =	vunpack.i.l.bf16.f32 v9;
	v21, _, _ =	vpop (xrf2);
	v34 =	vld [tilespmem:s28+$0x10F00];
	v18 =	vadd.bf16 v37, v38;
	s28 =	spop (v2sf)  }
0x15c: {  	v9 =	vadd.f32 v9, v41;
	v26 =	vbroadcast v21, $0xF;
	v27, _, _ =	vpop (xrf2);
	v15 =	vmul.bf16 v35, v51;
	v39 =	vld [tilespmem:s28+$0x8F40];
	s28 =	spop (v2sf)  }
0x15d: {  	v8 =	vbroadcast v27, $0xF;
	v43 =	vadd.bf16 v60, v58;
	v45 =	vunpack.i.u.bf16.f32 v18;
	v40 =	vld [tilespmem:s28+$0x10F40];
	s28 =	spop (v2sf)  }
0x15e: {  	v42 =	vld [tilespmem:s13+$0xF40];
	v30, _, _ =	vpop (xrf2);
	v20 =	vmul.bf16 v60, v58;
	v47 =	vunpack.i.l.bf16.f32 v18;
	v60 =	vbroadcast v59, $0xF;
	s13 =	spop (v2sf)  }
0x15f: {  	(xrf2) =	vadd.scan.msk.f32 $0xffff, v36;
	v35 =	vbroadcast v30, $0xF;
	v15 =	vadd.bf16 v15, v23;
	v54 =	vadd.f32 v47, v45;
	v32, _, _ =	vpop (xrf2);
	v44 =	vld [tilespmem:s13+$0x8F80];
	s13 =	spop (v2sf)  }
0x160: {  	(xrf2) =	vadd.scan.msk.f32 $0xffff, v9;
	v19 =	vmul.bf16 v43, v56;
	v9 =	vsel vm0, v11, v60;
	v38 =	vbroadcast v32, $0xF;
	v46 =	vld [tilespmem:s13+$0x10F80];
	s13 =	spop (v2sf)  }
0x161: {  	v53 =	vld [tilespmem:s28+$0xF80];
	v48 =	vunpack.i.u.bf16.f32 v15;
	v49 =	vadd.bf16 v34, v63;
	v50 =	vunpack.i.l.bf16.f32 v15;
	s28 =	spop (v2sf)  }
0x162: {  	v10 =	vmul.bf16 v34, v63;
	v9 =	vsel vm1, v9, v26;
	v51 =	vadd.bf16 v19, v20;
	v63 =	vld [tilespmem:s28+$0x8FC0];
	s28 =	spop (v2sf)  }
0x163: {  	v55 =	vadd.f32 v50, v48;
	v8 =	vsel vm2, v9, v8;
	v52 =	vadd.bf16 v40, v39;
	v25 =	vld [tilespmem:s28+$0x10FC0]  }
0x164: {  	(xrf2) =	vadd.scan.msk.f32 $0xffff, v54;
	v7 =	vmul.bf16 v49, v61;
	v56 =	vunpack.i.u.bf16.f32 v51;
	v15 =	vunpack.i.l.bf16.f32 v51  }
0x165: {  	v34, _, _ =	vpop (xrf2);
	v16 =	vmul.bf16 v40, v39;
	v12 =	vmul.bf16 v52, v42;
	v29 =	vld [tilespmem:s13+$0xFC0];
	v58 =	vadd.bf16 v46, v44  }
0x166: {  	v39 =	vbroadcast v34, $0xF;
	v14 =	vadd.f32 v15, v56;
	v7 =	vadd.bf16 v7, v10  }
0x167: {  	(xrf2) =	vadd.scan.msk.f32 $0xffff, v55;
	v24 =	vmul.bf16 v46, v44;
	v61 =	vadd.bf16 v12, v16;
	v62 =	vmul.bf16 v58, v53  }
0x168: {  	v22 =	vunpack.i.u.bf16.f32 v7;
	v7 =	vunpack.i.l.bf16.f32 v7;
	v37 =	vadd.bf16 v25, v63  }
0x169: {  	v7 =	vadd.f32 v7, v22;
	v28 =	vunpack.i.u.bf16.f32 v61;
	v12 =	vadd.bf16 v62, v24  }
0x16a: {  	(xrf2) =	vadd.scan.msk.f32 $0xffff, v14;
	v10 =	vunpack.i.l.bf16.f32 v61;
	v42 =	vmul.bf16 v25, v63;
	v41 =	vmul.bf16 v37, v29  }
0x16b: {  	v40, _, _ =	vpop (xrf2);
	(xrf2) =	vadd.scan.msk.f32 $0xffff, v7;
	v31 =	vadd.f32 v10, v28;
	v33 =	vunpack.i.u.bf16.f32 v12;
	v12 =	vunpack.i.l.bf16.f32 v12  }
0x16c: {  	v43, _, _ =	vpop (xrf2);
	v7 =	vsel vm3, v8, v35;
	v36 =	vadd.f32 v12, v33;
	v44 =	vadd.bf16 v41, v42  }
0x16d: {  	v46 =	vbroadcast v43, $0xF;
	v8 =	vbroadcast v40, $0xF;
	v7 =	vsel vm4, v7, v38;
	(xrf2) =	vadd.scan.msk.f32 $0xffff, v31  }
0x16e: {  	v45, _, _ =	vpop (xrf2);
	v7 =	vsel vm5, v7, v39;
	(xrf2) =	vadd.scan.msk.f32 $0xffff, v36;
	v12 =	vunpack.i.u.bf16.f32 v44;
	v10 =	vunpack.i.l.bf16.f32 v44  }
0x16f: {  	v11 =	vbroadcast v45, $0xF;
	v7 =	vsel vm6, v7, v8;
	v50 =	vadd.f32 v10, v12  }
0x170: {  	v58 =	vshrl.u32 v6, $0x10;
	v7 =	vsel vm7, v7, v46  }
0x171: {  	v5 =	vcvt.s32.f32 v5;
	v47, _, _ =	vpop (xrf2);
	v7 =	vsel vm8, v7, v11;
	v11 =	vand.u32 $0x1, v58;
	(xrf2) =	vadd.scan.msk.f32 $0xffff, v50  }
0x172: {  	v4 =	vcvt.s32.f32 v4;
	v49 =	vbroadcast v47, $0xF;
	v6 =	vadd.s32 v11, v6  }
0x173: {  	v57 =	vshrl.u32 v5, $0x10;
	v6 =	vadd.s32 $0x7FFF, v6  }
0x174: {  	v59 =	vshrl.u32 v4, $0x10;
	v48, _, _ =	vpop (xrf2);
	v7 =	vsel vm9, v7, v49;
	v6 =	vand.u32 $0xFFFF0000, v6  }
0x175: {  	v51 =	vbroadcast v48, $0xF;
	v6 =	vmul.f32 v6, v1;
	v52, _, _ =	vpop (xrf2);
	v10 =	vand.u32 $0x1, v57  }
0x176: {  	v53 =	vbroadcast v52, $0xF;
	v5 =	vadd.s32 v10, v5;
	v10 =	vand.u32 $0x1, v59  }
0x177: {  	v7 =	vsel vm10, v7, v51;
	v5 =	vadd.s32 $0x7FFF, v5;
	v4 =	vadd.s32 v10, v4;
	v54, _, _ =	vpop (xrf2)  }
0x178: {  	v60 =	vld [tilespmem:s9+$0x0];
	v7 =	vsel vm11, v7, v53;
	v5 =	vand.u32 $0xFFFF0000, v5;
	v55 =	vbroadcast v54, $0xF;
	v56, _, _ =	vpop (xrf2)  }
0x179: {  	v4 =	vadd.s32 $0x7FFF, v4;
	v5 =	vmul.f32 v5, v0;
	v9 =	vbroadcast v56, $0xF  }
0x17a: {  	v61 =	vld [tilespmem:s10+$0x0];
	v4 =	vand.u32 $0xFFFF0000, v4;
	v7 =	vsel vm12, v7, v55  }
0x17b: {  	v4 =	vmul.f32 v4, v2;
	v5 =	vadd.f32 v6, v5;
	v7 =	vsel vm13, v7, v9;
	v62, _, _ =	vpop (xrf2)  }
0x17c: {  	v63 =	vsel vm14, v7, v62  }
0x17d: {  	v4 =	vadd.f32 v4, v5;
	v5 =	vadd.f32 v63, v60;
	_ =	sdelay $0x1  }
0x17e: {  	v4 =	vadd.f32 v4, v3;
	v5 =	vadd.f32 v5, v61;
	_ =	sdelay $0x1  }
0x17f: {  	v4 =	vadd.f32 v5, v4;
	_ =	sdelay $0x1  }
0x180: {  	v4 =	vmax.f32 v4, $-3.000000000e+01  }
0x181: {  	v4 =	vmin.f32 v4, $3.000000000e+01  }
0x182: {  	v4 =	vsub.f32 $0.0e+00, v4;
	_ =	sdelay $0x1  }
0x183: {  	v4 =	vmul.f32 $1.442695020e+00, v4;
	_ =	sdelay $0x1  }
0x184: {  	(erf) = vpow2.f32 v4;
	_ =	sdelay $0x8  }
0x185: {  	v4 =	vpop (erf)  }
0x186: {  	v4 =	vadd.f32 $1.000000000e+00, v4;
	_ =	sdelay $0x1  }
0x187: {  	(erf) = vrcp.f32 v4;
	_ =	sdelay $0x4  }
0x188: {  	p0 =	sne.s32 s25, $0x1F000  }
.Ltmp0:
0x189: {  	_ = 	snop;
	(pc) =	sbr.rel @p0 .LBB2_2-.Ltmp0, $4  }
0x18a: {  	_ = 	snop  }
0x18b: {  	s12 =	sadd.s32 $0x10, s12  }
0x18c: {  	s3 =	sadd.s32 $0x10, s3;
	s8 =	sadd.s32 $0x10, s8;
	s25 =	sadd.s32 $0x1000, s25;
	v4 =	vpop (erf)  }
0x18d: {  	s9 =	sadd.s32 $0x10, s9;
	s10 =	sadd.s32 $0x10, s10;
	[tilespmem:s11+$0x0] =	vst v4;
	s11 =	sadd.s32 $0x10, s11  }
0x18e: {  	s26 =	sadd.s32 $0x1, s26  }
0x18f: {  	p0 =	sne.s32 s26, s22  }
.Ltmp1:
0x190: {  	s3 =	simm.s32 $0x19000;
	(pc) =	sbr.rel @p0 .LBB2_1-.Ltmp1, $4  }
0x191: {  	[hbm4b:s21+s1] =	stream.linear.scatter [tilespmem:s3], [sflag:$0x2], $0x200, $0x38;
	[tilespmem:$0x19210] =	vst v63  }
0x192: {  	_ =	swait.ge [sflag:s23], $0x200  }
0x193: {  	[sflag:s23] =	ssyncset.done $0x0  }
0x194: {  	[sflag:s23] =	ssyncadd.s32 $0xFFFFFE00  }
0x195: {  	_ =	sfence.sel $0x180000  }
0x196: {  	[bflag:$0x0] =	sbarrier.arrive $0xFFFF  }
0x197: {  	_ =	strace $0x90000050  }
0x198: {  	s0 =	stileid.u32;
	[bflag:$0x2] =	sbarrier.arrive $0xFFFF  }
0x199: {  	p0 =	sne.s32 s0, $0x0;
	s0 =	rddreg [dreg:$0x2]  }
0x19a: {  	s0 =	sadd.s32 @!p0 $0x100000, s0  }
0x19b: {  	[sflag:s0] =	ssyncadd.tile.s32 @!p0 $0x1;
	_ =	shalt  }
.Lfunc_end2:
_tile_overlayer_lowered:
.L_overlay_start_2:
0x19c: {  	(tag) =	ssettag $0x2  }
0x19d: {  	s0 =	rddreg [dreg:$0x0];
	s2 =	stileid.u32  }
0x19e: {  	s1 =	rddreg [dreg:$0x1];
	p0 =	sne.s32 s2, $0x0  }
0x19f: {  	s3 =	rddreg [dreg:$0x2];
	[bflag:$0x3] =	sbarrier.arrive $0xFFFF;
	s2 =	simm.s32 @!p0 $0x1C02  }
0x1a0: {  	[timem:s3], [sflag:s2] =	dma.local @!p0 [hbm:s0], s1  }
0x1a1: {  	s0 =	simm.s32 @!p0 $0x2  }
0x1a2: {  	_ =	swait.ge @!p0 [sflag:s0], s1  }
0x1a3: {  	s1 =	ssub.s32 @!p0 $0x0, s1;
	[sflag:s0] =	ssyncset.done @!p0 $0x0  }
0x1a4: {  	[sflag:s0] =	ssyncadd.s32 @!p0 s1  }
0x1a5: {  	[bflag:$0x3] =	sbarrier.arrive $0xFFFF  }
0x1a6: {  	_ =	shalt  }

// kernel: sparse-core-data-format-call.1.cloned.1.call-start
scs
called_computation.1_lowered:
.L_overlay_start_0:
0x0: {  	s2 =	sld [smem:$0x3FD9]  }
0x1: {  	s3 =	sld [smem:$0x3FFE];
	_ =	sdelay $0x1  }
0x2: {  	s1 =	srdreg.scid  }
0x3: {  	s0 =	sand.u32 $0x1, s1  }
0x4: {  	s18 =	sshll.u32 s0, $0xA;
	s2 =	sadd.s32 s3, s2  }
0x5: {  	s2 =	sadd.s32 s2, s18  }
0x6: {  	[smem:$0x3FC0] =	sst s2  }
0x7: {  	_ = 	snop  }
0x8: {  	(tm) =	ssettm $0x1  }
0x9: {  	s19 =	sld [smem:$0x3FFB];
	_ =	sdelay $0x3  }
0xa: {  	_ =	strace s19  }
0xb: {  	s2 =	sld [smem:$0x3FFC];
	_ =	sdelay $0x3  }
0xc: {  	_ =	strace s2  }
0xd: {  	s2 =	sld [smem:$0x3FFD];
	_ =	sdelay $0x3  }
0xe: {  	_ =	strace s2  }
0xf: {  	_ =	strace $0x8FFFFFFF  }
0x10: {  	s20 =	sld [smem:$0x3FDB];
	_ =	sdelay $0x1  }
0x11: {  	s21 =	simm.s32 $_scs_section_size  }
0x12: {  	s4 =	simm.s32 $_size__tile_overlayer_lowered;
	s5 =	simm.s32 $_tile_overlayer_lowered  }
0x13: {  	s6 =	simm.s32 $0x1BFF;
	s22 =	sshll.u32 s5, $0x1;
	s3 =	sadd.s32 s21, s20  }
0x14: {  	s23 =	simm.s32 $0x0;
	s4 =	sshll.u32 s4, $0x1;
	s5 =	sadd.s32 s22, s3  }
0x15: {  	[timem:s23], [sflag:s6] =	dma.local [hbm:s5], s4  }
0x16: {  	_ =	swait.ge [sflag:s6], s4  }
0x17: {  	s4 =	ssub.s32 $0x0, s4;
	[sflag:s6] =	ssyncset.done $0x0  }
0x18: {  	[sflag:s6] =	ssyncadd.s32 s4;
	_ =	sdelay $0x1  }
0x19: {  	s24 =	simm.s32 $0x1B8B  }
0x1a: {  	_ =	swait.ge [sflag:s24], $0x1  }
0x1b: {  	[sflag:s24] =	ssyncset.done $0x0  }
0x1c: {  	[sflag:s24] =	ssyncadd.s32 $0xFFFFFFFF  }
0x1d: {  	s4 =	sld [smem:$0x0]  }
0x1e: {  	s5 =	sand.u32 $0xFFFFFFFE, s1  }
0x1f: {  	p0 =	sne.s32 s1, s5  }
0x20: {  	s5 =	sshll.u32 @p0 s5, $0xE  }
0x21: {  	s5 =	sadd.s32 @p0 $0x11B8D, s5;
	s6 =	sshll.u32 @p0 s4, $0x11  }
0x22: {  	s5 =	sor.u32 @p0 s6, s5  }
0x23: {  	[sflag:s5] =	ssyncadd.remote.s32 @p0 $0x1;
	_ =	sdelay $0x1  }
0x24: {  	s5 =	simm.s32 @p0 $0x1B8D  }
0x25: {  	_ =	swait.eq @p0 [sflag:s5], $0x1  }
0x26: {  	[sflag:s5] =	ssyncadd.s32 @p0 $0xFFFFFFFF  }
0x27: {  	s6 =	sshll.u32 @!p0 s1, $0xE  }
0x28: {  	s6 =	sor.u32 @!p0 $0x4000, s6;
	s5 =	simm.s32 @!p0 $0x1B8D  }
0x29: {  	s4 =	sshll.u32 @!p0 s4, $0x11;
	s6 =	sadd.s32 @!p0 $0x11B8D, s6;
	_ =	swait.eq @!p0 [sflag:s5], $0x1  }
0x2a: {  	s4 =	sor.u32 @!p0 s4, s6;
	[sflag:s5] =	ssyncadd.s32 @!p0 $0xFFFFFFFF  }
0x2b: {  	s26 =	simm.s32 $0x1B8E;
	s25 =	sld [smem:$0x3FFE];
	[sflag:s4] =	ssyncadd.remote.s32 @!p0 $0x1  }
0x2c: {  	s27 =	simm.s32 $execute0_lowered;
	[smem:$0x3FD2] =	sst s26  }
0x2d: {  	s5 =	sshll.u32 s27, $0x1;
	_ =	strace $0x80000049;
	[dreg:$0x1] =	wrdreg $0xFFFFFFFF  }
0x2e: {  	s28 =	simm.s32 $_size_execute0_lowered;
	s3 =	sadd.s32 s3, s5;
	[dreg:$0x0] =	wrdreg $0x0  }
0x2f: {  	s5 =	sshll.u32 s28, $0x1;
	[dreg:$0x2] =	wrdreg s3  }
0x30: {  	[dreg:$0x3] =	wrdreg s5  }
0x31: {  	[dreg:$0x4] =	wrdreg $0xC0  }
0x32: {  	_ =	task [dreg:s23], $0x5FFFF  }
0x33: {  	[dreg:$0x1] =	wrdreg $0xFFFFFFFF  }
0x34: {  	[dreg:$0x0] =	wrdreg $0x60  }
0x35: {  	[dreg:$0x2] =	wrdreg s25  }
0x36: {  	[dreg:$0x3] =	wrdreg $0xA  }
0x37: {  	_ =	task.clear_ibuf [dreg:s23], $0x4FFFF;
	_ =	strace $0x90000049  }
0x38: {  	s29 =	simm.s32 $0xA;
	_ =	strace $0x8000004B  }
0x39: {  	_ =	swait.ge [sflag:s29], $0x1  }
0x3a: {  	[sflag:s29] =	ssyncadd.s32 $0xFFFFFFFF  }
0x3b: {  	_ =	strace $0x9000004B  }
0x3c: {  	_ =	sfence  }
0x3d: {  	s30 =	sld [smem:$0x0];
	_ =	sdelay $0x2  }
0x3e: {  	s31 =	sshll.u32 s1, $0xD;
	s1 =	sshrl.u32 s1, $0x2  }
0x3f: {  	s4 =	sand.u32 $0x4000, s31;
	s1 =	sadd.s32 s1, s30  }
0x40: {  	s0 =	sor.u32 s4, s0;
	s1 =	sshll.u32 s1, $0x11  }
0x41: {  	s0 =	sor.u32 s1, s0  }
0x42: {  	s0 =	sadd.s32 $0x8F2B, s0  }
0x43: {  	[sflag:s0] =	ssyncadd.remote.s32 $0x1  }
0x44: {  	_ =	sfence.sel $0xFFFF  }
0x45: {  	[dreg:$0x0] =	wrdreg $0xFFFFFFFF;
	(pc) =	sbr.abs _section_cstart, $3  }
0x46: {  	[dreg:$0x1] =	wrdreg $0xFFFFFFFF  }
0x47: {  	_ =	task.clear_ibuf [dreg:s23], $0x2FFFF;
	_ =	strace $0x9FFFFFFF  }
0x48: {  	(tm) =	ssettm $0x7FFFFFFF  }
0x49: {  	_ =	shalt  }
tec
execute0_lowered:
.L_overlay_start_1:
0x0: {  	(tag) =	ssettag $0x1  }
0x1: {  	s0 =	srdreg.scid  }
0x2: {  	s5 =	rddreg [dreg:$0x0];
	s1 =	stileid.u32;
	s4 =	simm.s32 $0x1  }
0x3: {  	s6 =	simm.s32 $0x2;
	s15 =	simm.s32 $0x0;
	p0 =	por $0x0, $0x0  }
0x4: {  	s8 =	simm.s32 $0x80;
	s14 =	simm.s32 $0x0;
	s2 =	sshll.u32 s0, $0x4  }
0x5: {  	s9 =	simm.s32 $0x0;
	s10 =	simm.s32 $0x0;
	s2 =	sand.u32 $0x10, s2  }
.Ltmp0:
0x6: {  	s12 =	simm.s32 $0x0;
	s3 =	sor.u32 s1, s2;
	(pc) =	sbr.rel .LBB1_1-.Ltmp0, $4  }
0x7: {  	s0 =	rddreg [dreg:$0x1];
	_ =	strace $0x8000004A;
	s3 =	sshll.u32 s3, $0x7  }
0x8: {  	s13 =	simm.s32 $0x0;
	[sflag:s4] =	ssyncpa.u1 $0x0;
	s7 =	ssub.s32 $0xF4200, s3  }
0x9: {  	s2 =	sadd.s32 $0x98A800, s5;
	[sflag:s6] =	ssyncpa.u1 $0x0;
	s6 =	sshrl.u32 s7, $0xC  }
0xa: {  	s5 =	sadd.s32 $0xB72E00, s5;
	s11 =	smov.u32 s3;
	s7 =	sadd.s32 $0x2, s6  }
.LBB1_5:
0xb: {  	p1 =	slt.u32 s13, $0x2  }
0xc: {  	s17 =	smov.u32 s15;
	p2 =	sgt.s32 @!p1 s15, $0xF41C0;
	s16 =	sshra.s32 @!p1 s15, $0x1F  }
0xd: {  	p3 =	sgt.s32 @!p1 s14, $0x60;
	s18 =	sshra.s32 @!p1 s14, $0x1F;
	p2 =	por !p2, p1  }
0xe: {  	s15 =	sand.u32 @!p1 s16, s15;
	p3 =	por !p3, p1;
	s16 =	smov.u32 s14  }
0xf: {  	s14 =	sand.u32 @!p1 s18, s14;
	s17 =	simm.s32 @p2 $0xF41C0;
	s16 =	simm.s32 @p3 $0x60  }
0x10: {  	s15 =	ssub.s32 @!p1 s17, s15;
	s14 =	ssub.s32 @!p1 s16, s14  }
0x11: {  	s18 =	smov.u32 s12;
	s16 =	sadd.s32 @!p1 $0xFFF0BE40, s15;
	s17 =	sadd.s32 @!p1 $0xFFFFFFA0, s14  }
0x12: {  	s15 =	ssub.s32 @!p1 $0xF4240, s15;
	p2 =	sgt.s32 @!p1 s16, $0x7F;
	p3 =	sgt.s32 @!p1 s17, $0x1F  }
0x13: {  	s14 =	ssub.s32 @!p1 $0x80, s14;
	p2 =	por !p2, p1;
	p3 =	por !p3, p1  }
0x14: {  	s16 =	sadd.s32 $0x1000, s11;
	s15 =	simm.s32 @!p2 $0x0;
	s14 =	simm.s32 @!p3 $0x0  }
0x15: {  	p2 =	sgt.s32 s16, $0xF423F;
	s14 =	smul.u32 @!p1 s14, s15;
	s15 =	sadd.s32 $0x20, s12  }
0x16: {  	s18 =	smov.u32 @p2 s15  }
0x17: {  	s16 =	smov.u32 @p2 s3;
	p2 =	sgt.s32 s18, $0x1F  }
0x18: {  	p0 =	por !p0, !p0;
	s18 =	simm.s32 @p2 $0x0;
	p2 =	sne.s32 s13, s7  }
.Ltmp1:
0x19: {  	s17 =	simm.s32 @!p1 $0x2;
	s14 =	sshrl.u32 @!p1 s14, $0x1;
	(pc) =	sbr.rel @!p2 .LBB1_6-.Ltmp1, $4  }
0x1a: {  	s15 =	smov.u32 s9;
	s9 =	smov.u32 s11;
	s14 =	sand.u32 @!p1 $0x3FFFFFFF, s14  }
0x1b: {  	s11 =	smov.u32 s16;
	s13 =	sadd.s32 $0x1, s13;
	_ =	swait.ge @!p1 [sflag:s17], s14  }
0x1c: {  	s19 =	ssub.s32 @!p1 $0x0, s14;
	s14 =	smov.u32 s10;
	[sflag:s17] =	ssyncset.done @!p1 $0x0  }
0x1d: {  	s10 =	smov.u32 s12;
	s12 =	smov.u32 s18;
	[sflag:s17] =	ssyncadd.s32 @!p1 s19  }
.LBB1_1:
0x1e: {  	p1 =	sgt.u32 s13, s6  }
0x1f: {  	s16 =	sshrl.u32 @!p1 s12, $0x3  }
0x20: {  	s17 =	sshll.u32 @!p1 s11, $0x3;
	s16 =	smul.u32 @!p1 $0x7A1400, s16  }
0x21: {  	s18 =	sshll.u32 @!p1 s12, $0x7;
	s17 =	sand.u32 @!p1 $0xFFFFFC00, s17  }
0x22: {  	s16 =	sadd.s32 @!p1 s16, s17;
	s17 =	sand.u32 @!p1 $0x300, s18;
	s18 =	sshll.u32 @!p1 s11, $0x1  }
0x23: {  	s16 =	sor.u32 @!p1 s17, s16;
	s17 =	sand.u32 @!p1 $0xFE, s18  }
0x24: {  	s18 =	sand.u32 @!p1 $0x1, s12;
	s16 =	sor.u32 @!p1 s17, s16  }
0x25: {  	s17 =	sor.u32 @!p1 s18, s16  }
0x26: {  	s18 =	smulhi.u32 @!p1 $0x218D6287, s17;
	_ =	sdelay $0x1  }
0x27: {  	s16 =	smulhi.u32 @!p1 $0x218D6287, s16;
	s18 =	sshrl.u32 @!p1 s18, $0x11  }
0x28: {  	s18 =	smul.u32 @!p1 $0xF4280, s18  }
0x29: {  	s16 =	sshrl.u32 @!p1 s16, $0x11  }
0x2a: {  	s16 =	sand.u32 @!p1 $0x1F, s16;
	s17 =	ssub.s32 @!p1 s17, s18  }
0x2b: {  	s16 =	smul.u32 @!p1 $0xF428, s16;
	s18 =	sshrl.u32 @!p1 s17, $0x4  }
0x2c: {  	s19 =	sxor.u32 @!p1 $0xFFFFFFFF, s13;
	s17 =	sshll.u32 @!p1 s17, $0x11;
	s18 =	sadd.s32 @!p1 s2, s18  }
0x2d: {  	s17 =	sand.u32 @!p1 $0x1C0000, s17;
	s16 =	sadd.s32 @!p1 s16, s18;
	s18 =	sshll.u32 @!p1 s19, $0xB  }
0x2e: {  	s17 =	sor.u32 @!p1 $0x200, s17;
	s19 =	simm.s32 @!p1 $0x3D0A00;
	s18 =	sand.u32 @!p1 $0x800, s18  }
0x2f: {  	[tilespmem:s18], [sflag:$0x1] =	stream.strided.gather @!p1 [hbm4b:s16+s17], $0x800, s19, s17, $0x38;
	[tilespmem:$0x2080] =	vst v63  }
0x30: {  	p1 =	seq.s32 s13, $0x0  }
0x31: {  	p2 =	sge.u32 @!p1 s13, s7  }
0x32: {  	p1 =	por p1, p2  }
.Ltmp2:
0x33: {  	_ = 	snop;
	(pc) =	sbr.rel @p1 .LBB1_5-.Ltmp2, $1  }
0x34: {  	_ =	sdelay $0x3  }
0x35: {  	s16 =	simm.s32 $0x1  }
0x36: {  	_ =	swait.ge [sflag:s4], $0x800;
	s16 =	simm.s32 @!p0 $0x0  }
0x37: {  	[sflag:s4] =	ssyncset.done $0x0;
	s16 =	sshll.u32 s16, $0xB  }
0x38: {  	[sflag:s4] =	ssyncadd.s32 $0xFFFFF800;
	s16 =	sor.u32 $0x40, s16  }
0x39: {  	v0 =	vld [tilespmem:s16+$0x20]  }
0x3a: {  	v1 =	vld [tilespmem:s16+$0x30]  }
0x3b: {  	v2 =	vld [tilespmem:s16+$0xFFFFFFD0]  }
0x3c: {  	v5 =	vld [tilespmem:s16+$0x0]  }
0x3d: {  	v6 =	vld [tilespmem:s16+$0x10]  }
0x3e: {  	s17 =	sand.u32 $0x1, s13;
	v3 =	vld [tilespmem:s16+$0xFFFFFFE0]  }
0x3f: {  	s17 =	smul.u32 $0x2100, s17;
	v4 =	vld [tilespmem:s16+$0xFFFFFFF0]  }
0x40: {  	s18 =	simm.s32 $0x0;
	v1 =	vperm.xlane.i2c.b16 v1  }
0x41: {  	s19 =	sand.u32 $0x1C, s18;
	s17 =	sshrl.u32 s17, $0x2;
	v8 =	vld [tilespmem:s16+$0xFFFFFFC0];
	s20 =	sadd.s32 $0x80, s16;
	v7 =	vperm.xlane.i2c.b16 v0;
	v0 =	vperm.xlane.i2c.b16 v2  }
0x42: {  	s30 =	sand.u32 $0x20, s18;
	s31 =	sshrl.u32 s19, $0x1;
	s16 =	sor.u32 $0x1000, s17;
	v11 =	vld [tilespmem:s20+$0x30];
	v10 =	vperm.xlane.i2c.b16 v5;
	v13 =	vperm.xlane.i2c.b16 v6  }
0x43: {  	s17 =	sshrl.u32 s30, $0x1;
	s18 =	sadd.s32 s31, s16;
	v2 =	vld [tilespmem:s20+$0x20];
	v3 =	vperm.xlane.i2c.b16 v3;
	v9 =	vcombine.low v7, v1  }
0x44: {  	v12 =	vld [tilespmem:s20+$0xFFFFFFD0];
	s17 =	sadd.s32 s17, s18;
	v4 =	vperm.xlane.i2c.b16 v4;
	v14 =	vcombine.low v10, v13  }
0x45: {  	v1 =	vcombine.high v7, v1;
	v7 =	vld [tilespmem:s20+$0xFFFFFFE0];
	[tilespmem:s17+$0x630 ss:$0x21] =	vst.msk $0xffff, v9  }
0x46: {  	v6 =	vld [tilespmem:s20+$0xFFFFFFF0];
	v5 =	vperm.xlane.i2c.b16 v8;
	v9 =	vcombine.low v3, v4;
	[tilespmem:s17+$0x420 ss:$0x21] =	vst.msk $0xffff, v14  }
0x47: {  	s18 =	simm.s32 $0x4;
	v8 =	vperm.xlane.i2c.b16 v11;
	[tilespmem:s17+$0x631 ss:$0x21] =	vst.msk $0xffff, v1;
	v1 =	vcombine.high v3, v4;
	v4 =	vld [tilespmem:s20+$0x0]  }
0x48: {  	s19 =	simm.s32 $0x2;
	s22 =	sand.u32 $0x1C, s18;
	v10 =	vcombine.high v10, v13;
	v3 =	vld [tilespmem:s20+$0x10];
	[tilespmem:s17+$0x210 ss:$0x21] =	vst.msk $0xffff, v9;
	v9 =	vperm.xlane.i2c.b16 v2  }
0x49: {  	s21 =	sand.u32 $0x20, s18;
	s22 =	sshrl.u32 s22, $0x1;
	v11 =	vcombine.low v5, v0;
	v2 =	vld [tilespmem:s20+$0xFFFFFFC0];
	s20 =	sadd.s32 $0x80, s20;
	[tilespmem:s17+$0x211 ss:$0x21] =	vst.msk $0xffff, v1;
	v1 =	vperm.xlane.i2c.b16 v12  }
.LBB1_3:
0x4a: {  	v12 =	vld [tilespmem:s20+$0x20];
	s22 =	sadd.s32 s22, s16;
	s21 =	sshrl.u32 s21, $0x1;
	v13 =	vperm.xlane.i2c.b16 v7;
	v7 =	vcombine.low v9, v8;
	[tilespmem:s17+$0x421 ss:$0x21] =	vst.msk $0xffff, v10  }
0x4b: {  	s19 =	sadd.s32 $0x2, s19;
	v14 =	vld [tilespmem:s20+$0x30];
	s21 =	sadd.s32 s21, s22;
	v10 =	vperm.xlane.i2c.b16 v6;
	v6 =	vcombine.high v9, v8;
	[tilespmem:s17+$0x0 ss:$0x21] =	vst.msk $0xffff, v11  }
0x4c: {  	p1 =	slt.u32 s19, $0x1E;
	v11 =	vld [tilespmem:s20+$0xFFFFFFD0];
	v8 =	vperm.xlane.i2c.b16 v4;
	[tilespmem:s21+$0x630 ss:$0x21] =	vst.msk $0xffff, v7;
	v4 =	vcombine.high v5, v0;
	v0 =	vmov v1  }
.Ltmp3:
0x4d: {  	v7 =	vld [tilespmem:s20+$0xFFFFFFE0];
	v1 =	vcombine.low v13, v10;
	v3 =	vperm.xlane.i2c.b16 v3;
	[tilespmem:s21+$0x631 ss:$0x21] =	vst.msk $0xffff, v6;
	(pc) =	sbr.rel @p1 .LBB1_3-.Ltmp3, $4  }
0x4e: {  	v6 =	vld [tilespmem:s20+$0xFFFFFFF0];
	v5 =	vperm.xlane.i2c.b16 v2;
	v2 =	vcombine.high v13, v10;
	[tilespmem:s17+$0x1 ss:$0x21] =	vst.msk $0xffff, v4;
	s17 =	smov.u32 s21  }
0x4f: {  	s18 =	sadd.s32 $0x4, s18;
	v4 =	vld [tilespmem:s20+$0x0];
	[tilespmem:s17+$0x210 ss:$0x21] =	vst.msk $0xffff, v1;
	v13 =	vcombine.low v8, v3;
	v10 =	vcombine.high v8, v3  }
0x50: {  	s22 =	sand.u32 $0x1C, s18;
	v9 =	vperm.xlane.i2c.b16 v12;
	v3 =	vld [tilespmem:s20+$0x10];
	v8 =	vperm.xlane.i2c.b16 v14;
	[tilespmem:s17+$0x211 ss:$0x21] =	vst.msk $0xffff, v2  }
0x51: {  	s22 =	sshrl.u32 s22, $0x1;
	s21 =	sand.u32 $0x20, s18;
	v2 =	vld [tilespmem:s20+$0xFFFFFFC0];
	v1 =	vperm.xlane.i2c.b16 v11;
	s20 =	sadd.s32 $0x80, s20;
	v11 =	vcombine.low v5, v0;
	[tilespmem:s17+$0x420 ss:$0x21] =	vst.msk $0xffff, v13  }
0x52: {  	s18 =	sadd.s32 s22, s16;
	s19 =	sshll.u32 s9, $0x7;
	s20 =	sshll.u32 s10, $0x3  }
0x53: {  	s21 =	sshrl.u32 s21, $0x1;
	s24 =	sshll.u32 s10, $0x1;
	p1 =	sgt.s32 s9, $0xF41C0  }
0x54: {  	s22 =	smov.u32 s9;
	s26 =	sshra.s32 s9, $0x1F;
	s23 =	sand.u32 $0xFFFFFC00, s19  }
0x55: {  	s20 =	sand.u32 $0xFFFFFC00, s20;
	s19 =	sand.u32 $0x300, s19;
	s25 =	sand.u32 $0x80, s24  }
0x56: {  	s18 =	sadd.s32 s21, s18;
	s22 =	simm.s32 @!p1 $0xF41C0;
	p1 =	sgt.s32 s10, $0x60  }
0x57: {  	s21 =	smov.u32 s10;
	s20 =	sadd.s32 s20, s23;
	s23 =	sshra.s32 s10, $0x1F  }
0x58: {  	s21 =	simm.s32 @!p1 $0x60;
	s19 =	sor.u32 s19, s20;
	s20 =	sand.u32 s26, s9  }
0x59: {  	v7 =	vperm.xlane.i2c.b16 v7;
	[tilespmem:s17+$0x421 ss:$0x21] =	vst.msk $0xffff, v10;
	v0 =	vcombine.high v5, v0;
	s23 =	sand.u32 s23, s10;
	s19 =	sor.u32 s25, s19;
	s20 =	ssub.s32 s22, s20  }
0x5a: {  	v57 =	vcombine.low v9, v8;
	v6 =	vperm.xlane.i2c.b16 v6;
	[tilespmem:s17+$0x0 ss:$0x21] =	vst.msk $0xffff, v11;
	s21 =	ssub.s32 s21, s23;
	s19 =	sshrl.u32 s19, $0x7;
	s22 =	sadd.s32 $0xFFF0BE40, s20  }
0x5b: {  	v58 =	vcombine.high v9, v8;
	v4 =	vperm.xlane.i2c.b16 v4;
	[tilespmem:s17+$0x1 ss:$0x21] =	vst.msk $0xffff, v0;
	s23 =	sadd.s32 $0xFFFFFFA0, s21;
	s20 =	ssub.s32 $0xF4240, s20;
	s21 =	ssub.s32 $0x80, s21  }
0x5c: {  	[tilespmem:s18+$0x630 ss:$0x21] =	vst.msk $0xffff, v57;
	v59 =	vcombine.low v7, v6;
	v3 =	vperm.xlane.i2c.b16 v3;
	s27 =	smulhi.u32 $0x218DEF5, s19;
	p1 =	sgt.s32 s22, $0x7F;
	p2 =	sgt.s32 s23, $0x1F  }
0x5d: {  	[tilespmem:s18+$0x631 ss:$0x21] =	vst.msk $0xffff, v58;
	v60 =	vcombine.high v7, v6;
	s20 =	simm.s32 @p1 $0x0;
	s21 =	simm.s32 @p2 $0x0  }
0x5e: {  	v2 =	vperm.xlane.i2c.b16 v2;
	[tilespmem:s18+$0x210 ss:$0x21] =	vst.msk $0xffff, v59;
	v61 =	vcombine.low v4, v3;
	s17 =	sshrl.u32 s27, $0xD;
	s20 =	smul.u32 s21, s20  }
0x5f: {  	v3 =	vcombine.high v4, v3;
	[tilespmem:s18+$0x211 ss:$0x21] =	vst.msk $0xffff, v60;
	s17 =	smul.u32 $0xF4240, s17  }
.Ltmp4:
0x60: {  	s28 =	sshrl.u32 s10, $0x3;
	s29 =	sand.u32 $0x7, s10;
	v62 =	vcombine.low v2, v1;
	[tilespmem:s18+$0x420 ss:$0x21] =	vst.msk $0xffff, v61;
	(pc) =	sbr.rel .LBB1_5-.Ltmp4, $4  }
0x61: {  	v63 =	vcombine.high v2, v1;
	[tilespmem:s18+$0x421 ss:$0x21] =	vst.msk $0xffff, v3;
	s21 =	sshll.u32 s29, $0x12;
	s17 =	ssub.s32 s19, s17;
	s19 =	sand.u32 $0x7, s28  }
0x62: {  	[tilespmem:s18+$0x0 ss:$0x21] =	vst.msk $0xffff, v62;
	s20 =	sshrl.u32 s20, $0x1;
	s17 =	sshll.u32 s17, $0x3;
	s19 =	sadd.s32 s5, s19  }
0x63: {  	[tilespmem:s18+$0x1 ss:$0x21] =	vst.msk $0xffff, v63;
	s31 =	sor.u32 $0x20, s21;
	s30 =	sand.u32 $0x3FFFFFFF, s20;
	s17 =	sadd.s32 s17, s19  }
0x64: {  	[hbm4b:s17+s31] =	stream.strided.scatter [tilespmem:s16], [sflag:$0x2], s30, s8, s31, $0x10;
	[tilespmem:$0x2080] =	vst v63  }
.LBB1_6:
0x65: {  	_ =	sfence.sel $0x180000  }
0x66: {  	s2 =	simm.s32 $0x1;
	[bflag:$0x0] =	sbarrier.arrive $0xFFFF  }
0x67: {  	s31 =	simm.s32 $0x2;
	[sflag:s2] =	ssyncpa.u1 $0x1  }
0x68: {  	[sflag:s31] =	ssyncpa.u1 $0x1  }
0x69: {  	p0 =	sne.s32 s1, $0x0;
	_ =	strace $0x9000004A  }
0x6a: {  	s0 =	sadd.s32 @!p0 $0x100000, s0;
	[bflag:$0x2] =	sbarrier.arrive $0xFFFF  }
0x6b: {  	[sflag:s0] =	ssyncadd.tile.s32 @!p0 $0x1;
	_ =	shalt  }
.Lfunc_end1:
_tile_overlayer_lowered:
.L_overlay_start_2:
0x6c: {  	(tag) =	ssettag $0x2  }
0x6d: {  	s0 =	rddreg [dreg:$0x0];
	s2 =	stileid.u32  }
0x6e: {  	s1 =	rddreg [dreg:$0x1];
	p0 =	sne.s32 s2, $0x0  }
0x6f: {  	s3 =	rddreg [dreg:$0x2];
	[bflag:$0x3] =	sbarrier.arrive $0xFFFF;
	s2 =	simm.s32 @!p0 $0x1C01  }
0x70: {  	[timem:s3], [sflag:s2] =	dma.local @!p0 [hbm:s0], s1  }
0x71: {  	s0 =	simm.s32 @!p0 $0x1  }
0x72: {  	_ =	swait.ge @!p0 [sflag:s0], s1  }
0x73: {  	s1 =	ssub.s32 @!p0 $0x0, s1;
	[sflag:s0] =	ssyncset.done @!p0 $0x0  }
0x74: {  	[sflag:s0] =	ssyncadd.s32 @!p0 s1  }
0x75: {  	[bflag:$0x3] =	sbarrier.arrive $0xFFFF  }
0x76: {  	_ =	shalt  }

// kernel: sparse-core-data-format-call.2.cloned.1.call-start
scs
called_computation.2_lowered:
.L_overlay_start_0:
0x0: {  	s1 =	sld [smem:$0x3FD9]  }
0x1: {  	s2 =	sld [smem:$0x3FFE];
	_ =	sdelay $0x1  }
0x2: {  	s3 =	srdreg.scid  }
0x3: {  	s0 =	sand.u32 $0x1, s3  }
0x4: {  	s17 =	sshll.u32 s0, $0xA;
	s1 =	sadd.s32 s2, s1  }
0x5: {  	s1 =	sadd.s32 s1, s17  }
0x6: {  	[smem:$0x3FC0] =	sst s1  }
0x7: {  	_ = 	snop  }
0x8: {  	(tm) =	ssettm $0x1  }
0x9: {  	s18 =	sld [smem:$0x3FFB];
	_ =	sdelay $0x3  }
0xa: {  	_ =	strace s18  }
0xb: {  	s1 =	sld [smem:$0x3FFC];
	_ =	sdelay $0x3  }
0xc: {  	_ =	strace s1  }
0xd: {  	s1 =	sld [smem:$0x3FFD];
	_ =	sdelay $0x3  }
0xe: {  	_ =	strace s1  }
0xf: {  	_ =	strace $0x8FFFFFFF  }
0x10: {  	s19 =	sld [smem:$0x3FDB];
	_ =	sdelay $0x1  }
0x11: {  	s20 =	simm.s32 $_scs_section_size  }
0x12: {  	s4 =	simm.s32 $_size__tile_overlayer_lowered;
	s5 =	simm.s32 $_tile_overlayer_lowered  }
0x13: {  	s23 =	simm.s32 $0x1BFF;
	s22 =	sshll.u32 s5, $0x1;
	s1 =	sadd.s32 s20, s19  }
0x14: {  	s6 =	simm.s32 $0x0;
	s21 =	sshll.u32 s4, $0x1;
	s4 =	sadd.s32 s22, s1  }
0x15: {  	[timem:s6], [sflag:s23] =	dma.local [hbm:s4], s21  }
0x16: {  	_ =	swait.ge [sflag:s23], s21  }
0x17: {  	s2 =	ssub.s32 $0x0, s21;
	[sflag:s23] =	ssyncset.done $0x0  }
0x18: {  	[sflag:s23] =	ssyncadd.s32 s2;
	_ =	sdelay $0x1  }
0x19: {  	s24 =	simm.s32 $0x1B8B  }
0x1a: {  	_ =	swait.ge [sflag:s24], $0x1  }
0x1b: {  	[sflag:s24] =	ssyncset.done $0x0  }
0x1c: {  	s26 =	simm.s32 $0x1B8E;
	s25 =	sld [smem:$0x3FFE];
	[sflag:s24] =	ssyncadd.s32 $0xFFFFFFFF  }
0x1d: {  	s27 =	simm.s32 $execute0_lowered;
	[smem:$0x3FD2] =	sst s26  }
0x1e: {  	s4 =	sshll.u32 s27, $0x1;
	_ =	strace $0x80000046;
	[dreg:$0x1] =	wrdreg $0xFFFFFFFF  }
0x1f: {  	s28 =	simm.s32 $_size_execute0_lowered;
	s1 =	sadd.s32 s1, s4;
	[dreg:$0x0] =	wrdreg $0x0  }
0x20: {  	s4 =	sshll.u32 s28, $0x1;
	[dreg:$0x2] =	wrdreg s1  }
0x21: {  	[dreg:$0x3] =	wrdreg s4  }
0x22: {  	[dreg:$0x4] =	wrdreg $0xC0  }
0x23: {  	_ =	task [dreg:s6], $0x5FFFF  }
0x24: {  	[dreg:$0x1] =	wrdreg $0xFFFFFFFF  }
0x25: {  	[dreg:$0x0] =	wrdreg $0x60  }
0x26: {  	[dreg:$0x2] =	wrdreg s25  }
0x27: {  	[dreg:$0x3] =	wrdreg $0xB  }
0x28: {  	_ =	task.clear_ibuf [dreg:s6], $0x4FFFF;
	_ =	strace $0x90000046  }
0x29: {  	s29 =	simm.s32 $0xB;
	_ =	strace $0x80000048  }
0x2a: {  	_ =	swait.ge [sflag:s29], $0x1  }
0x2b: {  	[sflag:s29] =	ssyncadd.s32 $0xFFFFFFFF  }
0x2c: {  	_ =	strace $0x90000048  }
0x2d: {  	_ =	sfence  }
0x2e: {  	s30 =	sld [smem:$0x0];
	_ =	sdelay $0x2  }
0x2f: {  	s31 =	sshll.u32 s3, $0xD;
	s3 =	sshrl.u32 s3, $0x2  }
0x30: {  	s2 =	sand.u32 $0x4000, s31;
	s1 =	sadd.s32 s3, s30  }
0x31: {  	s0 =	sor.u32 s2, s0;
	s1 =	sshll.u32 s1, $0x11  }
0x32: {  	s0 =	sor.u32 s1, s0  }
0x33: {  	s0 =	sadd.s32 $0x8F2B, s0  }
0x34: {  	[sflag:s0] =	ssyncadd.remote.s32 $0x1  }
0x35: {  	_ =	sfence.sel $0xFFFF  }
0x36: {  	[dreg:$0x0] =	wrdreg $0xFFFFFFFF;
	(pc) =	sbr.abs _section_cstart, $3  }
0x37: {  	[dreg:$0x1] =	wrdreg $0xFFFFFFFF  }
0x38: {  	_ =	task.clear_ibuf [dreg:s6], $0x2FFFF;
	_ =	strace $0x9FFFFFFF  }
0x39: {  	(tm) =	ssettm $0x7FFFFFFF  }
tec
execute0_lowered:
.L_overlay_start_1:
0x0: {  	(tag) =	ssettag $0x1  }
0x1: {  	s0 =	srdreg.scid  }
0x2: {  	s5 =	rddreg [dreg:$0x0];
	s1 =	stileid.u32;
	s4 =	simm.s32 $0x1  }
0x3: {  	s6 =	simm.s32 $0x2;
	s15 =	simm.s32 $0x0;
	p0 =	por $0x0, $0x0  }
0x4: {  	s8 =	simm.s32 $0x80;
	s14 =	simm.s32 $0x0;
	s2 =	sshll.u32 s0, $0x4  }
0x5: {  	s9 =	simm.s32 $0x0;
	s10 =	simm.s32 $0x0;
	s2 =	sand.u32 $0x10, s2  }
.Ltmp0:
0x6: {  	s12 =	simm.s32 $0x0;
	s3 =	sor.u32 s1, s2;
	(pc) =	sbr.rel .LBB1_1-.Ltmp0, $4  }
0x7: {  	s0 =	rddreg [dreg:$0x1];
	_ =	strace $0x80000047;
	s3 =	sshll.u32 s3, $0x7  }
0x8: {  	s13 =	simm.s32 $0x0;
	[sflag:s4] =	ssyncpa.u1 $0x0;
	s7 =	ssub.s32 $0xF4200, s3  }
0x9: {  	s2 =	sadd.s32 $0x1000, s5;
	[sflag:s6] =	ssyncpa.u1 $0x0;
	s6 =	sshrl.u32 s7, $0xC  }
0xa: {  	s5 =	sadd.s32 $0x1E9600, s5;
	s11 =	smov.u32 s3;
	s7 =	sadd.s32 $0x2, s6  }
.LBB1_5:
0xb: {  	p1 =	slt.u32 s13, $0x2  }
0xc: {  	s17 =	smov.u32 s15;
	p2 =	sgt.s32 @!p1 s15, $0xF41C0;
	s16 =	sshra.s32 @!p1 s15, $0x1F  }
0xd: {  	p3 =	sgt.s32 @!p1 s14, $0x60;
	s18 =	sshra.s32 @!p1 s14, $0x1F;
	p2 =	por !p2, p1  }
0xe: {  	s15 =	sand.u32 @!p1 s16, s15;
	p3 =	por !p3, p1;
	s16 =	smov.u32 s14  }
0xf: {  	s14 =	sand.u32 @!p1 s18, s14;
	s17 =	simm.s32 @p2 $0xF41C0;
	s16 =	simm.s32 @p3 $0x60  }
0x10: {  	s15 =	ssub.s32 @!p1 s17, s15;
	s14 =	ssub.s32 @!p1 s16, s14  }
0x11: {  	s18 =	smov.u32 s12;
	s16 =	sadd.s32 @!p1 $0xFFF0BE40, s15;
	s17 =	sadd.s32 @!p1 $0xFFFFFFA0, s14  }
0x12: {  	s15 =	ssub.s32 @!p1 $0xF4240, s15;
	p2 =	sgt.s32 @!p1 s16, $0x7F;
	p3 =	sgt.s32 @!p1 s17, $0x1F  }
0x13: {  	s14 =	ssub.s32 @!p1 $0x80, s14;
	p2 =	por !p2, p1;
	p3 =	por !p3, p1  }
0x14: {  	s16 =	sadd.s32 $0x1000, s11;
	s15 =	simm.s32 @!p2 $0x0;
	s14 =	simm.s32 @!p3 $0x0  }
0x15: {  	p2 =	sgt.s32 s16, $0xF423F;
	s14 =	smul.u32 @!p1 s14, s15;
	s15 =	sadd.s32 $0x20, s12  }
0x16: {  	s18 =	smov.u32 @p2 s15  }
0x17: {  	s16 =	smov.u32 @p2 s3;
	p2 =	sgt.s32 s18, $0x1F  }
0x18: {  	p0 =	por !p0, !p0;
	s18 =	simm.s32 @p2 $0x0;
	p2 =	sne.s32 s13, s7  }
.Ltmp1:
0x19: {  	s17 =	simm.s32 @!p1 $0x2;
	s14 =	sshrl.u32 @!p1 s14, $0x1;
	(pc) =	sbr.rel @!p2 .LBB1_6-.Ltmp1, $4  }
0x1a: {  	s15 =	smov.u32 s9;
	s9 =	smov.u32 s11;
	s14 =	sand.u32 @!p1 $0x3FFFFFFF, s14  }
0x1b: {  	s11 =	smov.u32 s16;
	s13 =	sadd.s32 $0x1, s13;
	_ =	swait.ge @!p1 [sflag:s17], s14  }
0x1c: {  	s19 =	ssub.s32 @!p1 $0x0, s14;
	s14 =	smov.u32 s10;
	[sflag:s17] =	ssyncset.done @!p1 $0x0  }
0x1d: {  	s10 =	smov.u32 s12;
	s12 =	smov.u32 s18;
	[sflag:s17] =	ssyncadd.s32 @!p1 s19  }
.LBB1_1:
0x1e: {  	p1 =	sgt.u32 s13, s6  }
0x1f: {  	s16 =	sshrl.u32 @!p1 s12, $0x3  }
0x20: {  	s17 =	sshll.u32 @!p1 s11, $0x3;
	s16 =	smul.u32 @!p1 $0x7A1400, s16  }
0x21: {  	s18 =	sshll.u32 @!p1 s12, $0x7;
	s17 =	sand.u32 @!p1 $0xFFFFFC00, s17  }
0x22: {  	s16 =	sadd.s32 @!p1 s16, s17;
	s17 =	sand.u32 @!p1 $0x300, s18;
	s18 =	sshll.u32 @!p1 s11, $0x1  }
0x23: {  	s16 =	sor.u32 @!p1 s17, s16;
	s17 =	sand.u32 @!p1 $0xFE, s18  }
0x24: {  	s18 =	sand.u32 @!p1 $0x1, s12;
	s16 =	sor.u32 @!p1 s17, s16  }
0x25: {  	s17 =	sor.u32 @!p1 s18, s16  }
0x26: {  	s18 =	smulhi.u32 @!p1 $0x218D6287, s17;
	_ =	sdelay $0x1  }
0x27: {  	s16 =	smulhi.u32 @!p1 $0x218D6287, s16;
	s18 =	sshrl.u32 @!p1 s18, $0x11  }
0x28: {  	s18 =	smul.u32 @!p1 $0xF4280, s18  }
0x29: {  	s16 =	sshrl.u32 @!p1 s16, $0x11  }
0x2a: {  	s16 =	sand.u32 @!p1 $0x1F, s16;
	s17 =	ssub.s32 @!p1 s17, s18  }
0x2b: {  	s16 =	smul.u32 @!p1 $0xF428, s16;
	s18 =	sshrl.u32 @!p1 s17, $0x4  }
0x2c: {  	s19 =	sxor.u32 @!p1 $0xFFFFFFFF, s13;
	s17 =	sshll.u32 @!p1 s17, $0x11;
	s18 =	sadd.s32 @!p1 s2, s18  }
0x2d: {  	s17 =	sand.u32 @!p1 $0x1C0000, s17;
	s16 =	sadd.s32 @!p1 s16, s18;
	s18 =	sshll.u32 @!p1 s19, $0xB  }
0x2e: {  	s17 =	sor.u32 @!p1 $0x200, s17;
	s19 =	simm.s32 @!p1 $0x3D0A00;
	s18 =	sand.u32 @!p1 $0x800, s18  }
0x2f: {  	[tilespmem:s18], [sflag:$0x1] =	stream.strided.gather @!p1 [hbm4b:s16+s17], $0x800, s19, s17, $0x38;
	[tilespmem:$0x2080] =	vst v63  }
0x30: {  	p1 =	seq.s32 s13, $0x0  }
0x31: {  	p2 =	sge.u32 @!p1 s13, s7  }
0x32: {  	p1 =	por p1, p2  }
.Ltmp2:
0x33: {  	_ = 	snop;
	(pc) =	sbr.rel @p1 .LBB1_5-.Ltmp2, $1  }
0x34: {  	_ =	sdelay $0x3  }
0x35: {  	s16 =	simm.s32 $0x1  }
0x36: {  	_ =	swait.ge [sflag:s4], $0x800;
	s16 =	simm.s32 @!p0 $0x0  }
0x37: {  	[sflag:s4] =	ssyncset.done $0x0;
	s16 =	sshll.u32 s16, $0xB  }
0x38: {  	[sflag:s4] =	ssyncadd.s32 $0xFFFFF800;
	s16 =	sor.u32 $0x40, s16  }
0x39: {  	v0 =	vld [tilespmem:s16+$0x20]  }
0x3a: {  	v1 =	vld [tilespmem:s16+$0x30]  }
0x3b: {  	v2 =	vld [tilespmem:s16+$0xFFFFFFD0]  }
0x3c: {  	v5 =	vld [tilespmem:s16+$0x0]  }
0x3d: {  	v6 =	vld [tilespmem:s16+$0x10]  }
0x3e: {  	s17 =	sand.u32 $0x1, s13;
	v3 =	vld [tilespmem:s16+$0xFFFFFFE0]  }
0x3f: {  	s17 =	smul.u32 $0x2100, s17;
	v4 =	vld [tilespmem:s16+$0xFFFFFFF0]  }
0x40: {  	s18 =	simm.s32 $0x0;
	v1 =	vperm.xlane.i2c.b16 v1  }
0x41: {  	s19 =	sand.u32 $0x1C, s18;
	s17 =	sshrl.u32 s17, $0x2;
	v8 =	vld [tilespmem:s16+$0xFFFFFFC0];
	s20 =	sadd.s32 $0x80, s16;
	v7 =	vperm.xlane.i2c.b16 v0;
	v0 =	vperm.xlane.i2c.b16 v2  }
0x42: {  	s30 =	sand.u32 $0x20, s18;
	s31 =	sshrl.u32 s19, $0x1;
	s16 =	sor.u32 $0x1000, s17;
	v11 =	vld [tilespmem:s20+$0x30];
	v10 =	vperm.xlane.i2c.b16 v5;
	v13 =	vperm.xlane.i2c.b16 v6  }
0x43: {  	s17 =	sshrl.u32 s30, $0x1;
	s18 =	sadd.s32 s31, s16;
	v2 =	vld [tilespmem:s20+$0x20];
	v3 =	vperm.xlane.i2c.b16 v3;
	v9 =	vcombine.low v7, v1  }
0x44: {  	v12 =	vld [tilespmem:s20+$0xFFFFFFD0];
	s17 =	sadd.s32 s17, s18;
	v4 =	vperm.xlane.i2c.b16 v4;
	v14 =	vcombine.low v10, v13  }
0x45: {  	v1 =	vcombine.high v7, v1;
	v7 =	vld [tilespmem:s20+$0xFFFFFFE0];
	[tilespmem:s17+$0x630 ss:$0x21] =	vst.msk $0xffff, v9  }
0x46: {  	v6 =	vld [tilespmem:s20+$0xFFFFFFF0];
	v5 =	vperm.xlane.i2c.b16 v8;
	v9 =	vcombine.low v3, v4;
	[tilespmem:s17+$0x420 ss:$0x21] =	vst.msk $0xffff, v14  }
0x47: {  	s18 =	simm.s32 $0x4;
	v8 =	vperm.xlane.i2c.b16 v11;
	[tilespmem:s17+$0x631 ss:$0x21] =	vst.msk $0xffff, v1;
	v1 =	vcombine.high v3, v4;
	v4 =	vld [tilespmem:s20+$0x0]  }
0x48: {  	s19 =	simm.s32 $0x2;
	s22 =	sand.u32 $0x1C, s18;
	v10 =	vcombine.high v10, v13;
	v3 =	vld [tilespmem:s20+$0x10];
	[tilespmem:s17+$0x210 ss:$0x21] =	vst.msk $0xffff, v9;
	v9 =	vperm.xlane.i2c.b16 v2  }
0x49: {  	s21 =	sand.u32 $0x20, s18;
	s22 =	sshrl.u32 s22, $0x1;
	v11 =	vcombine.low v5, v0;
	v2 =	vld [tilespmem:s20+$0xFFFFFFC0];
	s20 =	sadd.s32 $0x80, s20;
	[tilespmem:s17+$0x211 ss:$0x21] =	vst.msk $0xffff, v1;
	v1 =	vperm.xlane.i2c.b16 v12  }
.LBB1_3:
0x4a: {  	v12 =	vld [tilespmem:s20+$0x20];
	s22 =	sadd.s32 s22, s16;
	s21 =	sshrl.u32 s21, $0x1;
	v13 =	vperm.xlane.i2c.b16 v7;
	v7 =	vcombine.low v9, v8;
	[tilespmem:s17+$0x421 ss:$0x21] =	vst.msk $0xffff, v10  }
0x4b: {  	s19 =	sadd.s32 $0x2, s19;
	v14 =	vld [tilespmem:s20+$0x30];
	s21 =	sadd.s32 s21, s22;
	v10 =	vperm.xlane.i2c.b16 v6;
	v6 =	vcombine.high v9, v8;
	[tilespmem:s17+$0x0 ss:$0x21] =	vst.msk $0xffff, v11  }
0x4c: {  	p1 =	slt.u32 s19, $0x1E;
	v11 =	vld [tilespmem:s20+$0xFFFFFFD0];
	v8 =	vperm.xlane.i2c.b16 v4;
	[tilespmem:s21+$0x630 ss:$0x21] =	vst.msk $0xffff, v7;
	v4 =	vcombine.high v5, v0;
	v0 =	vmov v1  }
.Ltmp3:
0x4d: {  	v7 =	vld [tilespmem:s20+$0xFFFFFFE0];
	v1 =	vcombine.low v13, v10;
	v3 =	vperm.xlane.i2c.b16 v3;
	[tilespmem:s21+$0x631 ss:$0x21] =	vst.msk $0xffff, v6;
	(pc) =	sbr.rel @p1 .LBB1_3-.Ltmp3, $4  }
0x4e: {  	v6 =	vld [tilespmem:s20+$0xFFFFFFF0];
	v5 =	vperm.xlane.i2c.b16 v2;
	v2 =	vcombine.high v13, v10;
	[tilespmem:s17+$0x1 ss:$0x21] =	vst.msk $0xffff, v4;
	s17 =	smov.u32 s21  }
0x4f: {  	s18 =	sadd.s32 $0x4, s18;
	v4 =	vld [tilespmem:s20+$0x0];
	[tilespmem:s17+$0x210 ss:$0x21] =	vst.msk $0xffff, v1;
	v13 =	vcombine.low v8, v3;
	v10 =	vcombine.high v8, v3  }
0x50: {  	s22 =	sand.u32 $0x1C, s18;
	v9 =	vperm.xlane.i2c.b16 v12;
	v3 =	vld [tilespmem:s20+$0x10];
	v8 =	vperm.xlane.i2c.b16 v14;
	[tilespmem:s17+$0x211 ss:$0x21] =	vst.msk $0xffff, v2  }
0x51: {  	s22 =	sshrl.u32 s22, $0x1;
	s21 =	sand.u32 $0x20, s18;
	v2 =	vld [tilespmem:s20+$0xFFFFFFC0];
	v1 =	vperm.xlane.i2c.b16 v11;
	s20 =	sadd.s32 $0x80, s20;
	v11 =	vcombine.low v5, v0;
	[tilespmem:s17+$0x420 ss:$0x21] =	vst.msk $0xffff, v13  }
0x52: {  	s18 =	sadd.s32 s22, s16;
	s19 =	sshll.u32 s9, $0x7;
	s20 =	sshll.u32 s10, $0x3  }
0x53: {  	s21 =	sshrl.u32 s21, $0x1;
	s24 =	sshll.u32 s10, $0x1;
	p1 =	sgt.s32 s9, $0xF41C0  }
0x54: {  	s22 =	smov.u32 s9;
	s26 =	sshra.s32 s9, $0x1F;
	s23 =	sand.u32 $0xFFFFFC00, s19  }
0x55: {  	s20 =	sand.u32 $0xFFFFFC00, s20;
	s19 =	sand.u32 $0x300, s19;
	s25 =	sand.u32 $0x80, s24  }
0x56: {  	s18 =	sadd.s32 s21, s18;
	s22 =	simm.s32 @!p1 $0xF41C0;
	p1 =	sgt.s32 s10, $0x60  }
0x57: {  	s21 =	smov.u32 s10;
	s20 =	sadd.s32 s20, s23;
	s23 =	sshra.s32 s10, $0x1F  }
0x58: {  	s21 =	simm.s32 @!p1 $0x60;
	s19 =	sor.u32 s19, s20;
	s20 =	sand.u32 s26, s9  }
0x59: {  	v7 =	vperm.xlane.i2c.b16 v7;
	[tilespmem:s17+$0x421 ss:$0x21] =	vst.msk $0xffff, v10;
	v0 =	vcombine.high v5, v0;
	s23 =	sand.u32 s23, s10;
	s19 =	sor.u32 s25, s19;
	s20 =	ssub.s32 s22, s20  }
0x5a: {  	v57 =	vcombine.low v9, v8;
	v6 =	vperm.xlane.i2c.b16 v6;
	[tilespmem:s17+$0x0 ss:$0x21] =	vst.msk $0xffff, v11;
	s21 =	ssub.s32 s21, s23;
	s19 =	sshrl.u32 s19, $0x7;
	s22 =	sadd.s32 $0xFFF0BE40, s20  }
0x5b: {  	v58 =	vcombine.high v9, v8;
	v4 =	vperm.xlane.i2c.b16 v4;
	[tilespmem:s17+$0x1 ss:$0x21] =	vst.msk $0xffff, v0;
	s23 =	sadd.s32 $0xFFFFFFA0, s21;
	s20 =	ssub.s32 $0xF4240, s20;
	s21 =	ssub.s32 $0x80, s21  }
0x5c: {  	[tilespmem:s18+$0x630 ss:$0x21] =	vst.msk $0xffff, v57;
	v59 =	vcombine.low v7, v6;
	v3 =	vperm.xlane.i2c.b16 v3;
	s27 =	smulhi.u32 $0x218DEF5, s19;
	p1 =	sgt.s32 s22, $0x7F;
	p2 =	sgt.s32 s23, $0x1F  }
0x5d: {  	[tilespmem:s18+$0x631 ss:$0x21] =	vst.msk $0xffff, v58;
	v60 =	vcombine.high v7, v6;
	s20 =	simm.s32 @p1 $0x0;
	s21 =	simm.s32 @p2 $0x0  }
0x5e: {  	v2 =	vperm.xlane.i2c.b16 v2;
	[tilespmem:s18+$0x210 ss:$0x21] =	vst.msk $0xffff, v59;
	v61 =	vcombine.low v4, v3;
	s17 =	sshrl.u32 s27, $0xD;
	s20 =	smul.u32 s21, s20  }
0x5f: {  	v3 =	vcombine.high v4, v3;
	[tilespmem:s18+$0x211 ss:$0x21] =	vst.msk $0xffff, v60;
	s17 =	smul.u32 $0xF4240, s17  }
.Ltmp4:
0x60: {  	s28 =	sshrl.u32 s10, $0x3;
	s29 =	sand.u32 $0x7, s10;
	v62 =	vcombine.low v2, v1;
	[tilespmem:s18+$0x420 ss:$0x21] =	vst.msk $0xffff, v61;
	(pc) =	sbr.rel .LBB1_5-.Ltmp4, $4  }
0x61: {  	v63 =	vcombine.high v2, v1;
	[tilespmem:s18+$0x421 ss:$0x21] =	vst.msk $0xffff, v3;
	s21 =	sshll.u32 s29, $0x12;
	s17 =	ssub.s32 s19, s17;
	s19 =	sand.u32 $0x7, s28  }
0x62: {  	[tilespmem:s18+$0x0 ss:$0x21] =	vst.msk $0xffff, v62;
	s20 =	sshrl.u32 s20, $0x1;
	s17 =	sshll.u32 s17, $0x3;
	s19 =	sadd.s32 s5, s19  }
0x63: {  	[tilespmem:s18+$0x1 ss:$0x21] =	vst.msk $0xffff, v63;
	s31 =	sor.u32 $0x20, s21;
	s30 =	sand.u32 $0x3FFFFFFF, s20;
	s17 =	sadd.s32 s17, s19  }
0x64: {  	[hbm4b:s17+s31] =	stream.strided.scatter [tilespmem:s16], [sflag:$0x2], s30, s8, s31, $0x10;
	[tilespmem:$0x2080] =	vst v63  }
.LBB1_6:
0x65: {  	_ =	sfence.sel $0x180000  }
0x66: {  	s2 =	simm.s32 $0x1;
	[bflag:$0x0] =	sbarrier.arrive $0xFFFF  }
0x67: {  	s31 =	simm.s32 $0x2;
	[sflag:s2] =	ssyncpa.u1 $0x1  }
0x68: {  	[sflag:s31] =	ssyncpa.u1 $0x1  }
0x69: {  	p0 =	sne.s32 s1, $0x0;
	_ =	strace $0x90000047  }
0x6a: {  	s0 =	sadd.s32 @!p0 $0x100000, s0;
	[bflag:$0x2] =	sbarrier.arrive $0xFFFF  }
0x6b: {  	[sflag:s0] =	ssyncadd.tile.s32 @!p0 $0x1;
	_ =	shalt  }
.Lfunc_end1:
_tile_overlayer_lowered:
.L_overlay_start_2:
0x6c: {  	(tag) =	ssettag $0x2  }
0x6d: {  	s0 =	rddreg [dreg:$0x0];
	s2 =	stileid.u32  }
0x6e: {  	s1 =	rddreg [dreg:$0x1];
	p0 =	sne.s32 s2, $0x0  }
0x6f: {  	s3 =	rddreg [dreg:$0x2];
	[bflag:$0x3] =	sbarrier.arrive $0xFFFF;
	s2 =	simm.s32 @!p0 $0x1C01  }
0x70: {  	[timem:s3], [sflag:s2] =	dma.local @!p0 [hbm:s0], s1  }
0x71: {  	s0 =	simm.s32 @!p0 $0x1  }
0x72: {  	_ =	swait.ge @!p0 [sflag:s0], s1  }
0x73: {  	s1 =	ssub.s32 @!p0 $0x0, s1;
	[sflag:s0] =	ssyncset.done @!p0 $0x0  }
0x74: {  	[sflag:s0] =	ssyncadd.s32 @!p0 s1  }
0x75: {  	[bflag:$0x3] =	sbarrier.arrive $0xFFFF  }
0x76: {  	_ =	shalt  }

// kernel: sparse-core-data-format-call.cloned.1.call-start
scs
called_computation_lowered:
.L_overlay_start_0:
0x0: {  	s2 =	sld [smem:$0x3FD9]  }
0x1: {  	s3 =	sld [smem:$0x3FFE];
	_ =	sdelay $0x1  }
0x2: {  	s1 =	srdreg.scid  }
0x3: {  	s0 =	sand.u32 $0x1, s1  }
0x4: {  	s18 =	sshll.u32 s0, $0xA;
	s2 =	sadd.s32 s3, s2  }
0x5: {  	s2 =	sadd.s32 s2, s18  }
0x6: {  	[smem:$0x3FC0] =	sst s2  }
0x7: {  	_ = 	snop  }
0x8: {  	(tm) =	ssettm $0x1  }
0x9: {  	s19 =	sld [smem:$0x3FFB];
	_ =	sdelay $0x3  }
0xa: {  	_ =	strace s19  }
0xb: {  	s2 =	sld [smem:$0x3FFC];
	_ =	sdelay $0x3  }
0xc: {  	_ =	strace s2  }
0xd: {  	s2 =	sld [smem:$0x3FFD];
	_ =	sdelay $0x3  }
0xe: {  	_ =	strace s2  }
0xf: {  	_ =	strace $0x8FFFFFFF  }
0x10: {  	s20 =	sld [smem:$0x3FDB];
	_ =	sdelay $0x1  }
0x11: {  	s21 =	simm.s32 $_scs_section_size  }
0x12: {  	s4 =	simm.s32 $_size__tile_overlayer_lowered;
	s5 =	simm.s32 $_tile_overlayer_lowered  }
0x13: {  	s6 =	simm.s32 $0x1BFF;
	s22 =	sshll.u32 s5, $0x1;
	s3 =	sadd.s32 s21, s20  }
0x14: {  	s23 =	simm.s32 $0x0;
	s4 =	sshll.u32 s4, $0x1;
	s5 =	sadd.s32 s22, s3  }
0x15: {  	[timem:s23], [sflag:s6] =	dma.local [hbm:s5], s4  }
0x16: {  	_ =	swait.ge [sflag:s6], s4  }
0x17: {  	s4 =	ssub.s32 $0x0, s4;
	[sflag:s6] =	ssyncset.done $0x0  }
0x18: {  	[sflag:s6] =	ssyncadd.s32 s4;
	_ =	sdelay $0x1  }
0x19: {  	s24 =	simm.s32 $0x1B8B  }
0x1a: {  	_ =	swait.ge [sflag:s24], $0x1  }
0x1b: {  	[sflag:s24] =	ssyncset.done $0x0  }
0x1c: {  	[sflag:s24] =	ssyncadd.s32 $0xFFFFFFFF  }
0x1d: {  	s4 =	sld [smem:$0x0]  }
0x1e: {  	s5 =	sand.u32 $0xFFFFFFFE, s1  }
0x1f: {  	p0 =	sne.s32 s1, s5  }
0x20: {  	s5 =	sshll.u32 @p0 s5, $0xE  }
0x21: {  	s5 =	sadd.s32 @p0 $0x11B8D, s5;
	s6 =	sshll.u32 @p0 s4, $0x11  }
0x22: {  	s5 =	sor.u32 @p0 s6, s5  }
0x23: {  	[sflag:s5] =	ssyncadd.remote.s32 @p0 $0x1;
	_ =	sdelay $0x1  }
0x24: {  	s5 =	simm.s32 @p0 $0x1B8D  }
0x25: {  	_ =	swait.eq @p0 [sflag:s5], $0x1  }
0x26: {  	[sflag:s5] =	ssyncadd.s32 @p0 $0xFFFFFFFF  }
0x27: {  	s6 =	sshll.u32 @!p0 s1, $0xE  }
0x28: {  	s6 =	sor.u32 @!p0 $0x4000, s6;
	s5 =	simm.s32 @!p0 $0x1B8D  }
0x29: {  	s4 =	sshll.u32 @!p0 s4, $0x11;
	s6 =	sadd.s32 @!p0 $0x11B8D, s6;
	_ =	swait.eq @!p0 [sflag:s5], $0x1  }
0x2a: {  	s4 =	sor.u32 @!p0 s4, s6;
	[sflag:s5] =	ssyncadd.s32 @!p0 $0xFFFFFFFF  }
0x2b: {  	s26 =	simm.s32 $0x1B8E;
	s25 =	sld [smem:$0x3FFE];
	[sflag:s4] =	ssyncadd.remote.s32 @!p0 $0x1  }
0x2c: {  	s27 =	simm.s32 $execute0_lowered;
	[smem:$0x3FD2] =	sst s26  }
0x2d: {  	s5 =	sshll.u32 s27, $0x1;
	_ =	strace $0x8000004C;
	[dreg:$0x1] =	wrdreg $0xFFFFFFFF  }
0x2e: {  	s28 =	simm.s32 $_size_execute0_lowered;
	s3 =	sadd.s32 s3, s5;
	[dreg:$0x0] =	wrdreg $0x0  }
0x2f: {  	s5 =	sshll.u32 s28, $0x1;
	[dreg:$0x2] =	wrdreg s3  }
0x30: {  	[dreg:$0x3] =	wrdreg s5  }
0x31: {  	[dreg:$0x4] =	wrdreg $0xC0  }
0x32: {  	_ =	task [dreg:s23], $0x5FFFF  }
0x33: {  	[dreg:$0x1] =	wrdreg $0xFFFFFFFF  }
0x34: {  	[dreg:$0x0] =	wrdreg $0x60  }
0x35: {  	[dreg:$0x2] =	wrdreg s25  }
0x36: {  	[dreg:$0x3] =	wrdreg $0x9  }
0x37: {  	_ =	task.clear_ibuf [dreg:s23], $0x4FFFF;
	_ =	strace $0x9000004C  }
0x38: {  	s29 =	simm.s32 $0x9;
	_ =	strace $0x8000004E  }
0x39: {  	_ =	swait.ge [sflag:s29], $0x1  }
0x3a: {  	[sflag:s29] =	ssyncadd.s32 $0xFFFFFFFF  }
0x3b: {  	_ =	strace $0x9000004E  }
0x3c: {  	_ =	sfence  }
0x3d: {  	s30 =	sld [smem:$0x0];
	_ =	sdelay $0x2  }
0x3e: {  	s31 =	sshll.u32 s1, $0xD;
	s1 =	sshrl.u32 s1, $0x2  }
0x3f: {  	s4 =	sand.u32 $0x4000, s31;
	s1 =	sadd.s32 s1, s30  }
0x40: {  	s0 =	sor.u32 s4, s0;
	s1 =	sshll.u32 s1, $0x11  }
0x41: {  	s0 =	sor.u32 s1, s0  }
0x42: {  	s0 =	sadd.s32 $0x8F2B, s0  }
0x43: {  	[sflag:s0] =	ssyncadd.remote.s32 $0x1  }
0x44: {  	_ =	sfence.sel $0xFFFF  }
0x45: {  	[dreg:$0x0] =	wrdreg $0xFFFFFFFF;
	(pc) =	sbr.abs _section_cstart, $3  }
0x46: {  	[dreg:$0x1] =	wrdreg $0xFFFFFFFF  }
0x47: {  	_ =	task.clear_ibuf [dreg:s23], $0x2FFFF;
	_ =	strace $0x9FFFFFFF  }
0x48: {  	(tm) =	ssettm $0x7FFFFFFF  }
0x49: {  	_ =	shalt  }
tec
execute0_lowered:
.L_overlay_start_1:
0x0: {  	(tag) =	ssettag $0x1  }
0x1: {  	s0 =	srdreg.scid  }
0x2: {  	s5 =	rddreg [dreg:$0x0];
	s1 =	stileid.u32;
	s4 =	simm.s32 $0x1  }
0x3: {  	s6 =	simm.s32 $0x2;
	s15 =	simm.s32 $0x0;
	p0 =	por $0x0, $0x0  }
0x4: {  	s8 =	simm.s32 $0x80;
	s14 =	simm.s32 $0x0;
	s2 =	sshll.u32 s0, $0x4  }
0x5: {  	s9 =	simm.s32 $0x0;
	s10 =	simm.s32 $0x0;
	s2 =	sand.u32 $0x10, s2  }
.Ltmp0:
0x6: {  	s12 =	simm.s32 $0x0;
	s3 =	sor.u32 s1, s2;
	(pc) =	sbr.rel .LBB1_1-.Ltmp0, $4  }
0x7: {  	s0 =	rddreg [dreg:$0x1];
	_ =	strace $0x8000004D;
	s3 =	sshll.u32 s3, $0x7  }
0x8: {  	s13 =	simm.s32 $0x0;
	[sflag:s4] =	ssyncpa.u1 $0x0;
	s7 =	ssub.s32 $0xF4200, s3  }
0x9: {  	s2 =	sadd.s32 $0x1314000, s5;
	[sflag:s6] =	ssyncpa.u1 $0x0;
	s6 =	sshrl.u32 s7, $0xC  }
0xa: {  	s5 =	sadd.s32 $0x14FC600, s5;
	s11 =	smov.u32 s3;
	s7 =	sadd.s32 $0x2, s6  }
.LBB1_5:
0xb: {  	p1 =	slt.u32 s13, $0x2  }
0xc: {  	s17 =	smov.u32 s15;
	p2 =	sgt.s32 @!p1 s15, $0xF41C0;
	s16 =	sshra.s32 @!p1 s15, $0x1F  }
0xd: {  	p3 =	sgt.s32 @!p1 s14, $0x60;
	s18 =	sshra.s32 @!p1 s14, $0x1F;
	p2 =	por !p2, p1  }
0xe: {  	s15 =	sand.u32 @!p1 s16, s15;
	p3 =	por !p3, p1;
	s16 =	smov.u32 s14  }
0xf: {  	s14 =	sand.u32 @!p1 s18, s14;
	s17 =	simm.s32 @p2 $0xF41C0;
	s16 =	simm.s32 @p3 $0x60  }
0x10: {  	s15 =	ssub.s32 @!p1 s17, s15;
	s14 =	ssub.s32 @!p1 s16, s14  }
0x11: {  	s18 =	smov.u32 s12;
	s16 =	sadd.s32 @!p1 $0xFFF0BE40, s15;
	s17 =	sadd.s32 @!p1 $0xFFFFFFA0, s14  }
0x12: {  	s15 =	ssub.s32 @!p1 $0xF4240, s15;
	p2 =	sgt.s32 @!p1 s16, $0x7F;
	p3 =	sgt.s32 @!p1 s17, $0x1F  }
0x13: {  	s14 =	ssub.s32 @!p1 $0x80, s14;
	p2 =	por !p2, p1;
	p3 =	por !p3, p1  }
0x14: {  	s16 =	sadd.s32 $0x1000, s11;
	s15 =	simm.s32 @!p2 $0x0;
	s14 =	simm.s32 @!p3 $0x0  }
0x15: {  	p2 =	sgt.s32 s16, $0xF423F;
	s14 =	smul.u32 @!p1 s14, s15;
	s15 =	sadd.s32 $0x20, s12  }
0x16: {  	s18 =	smov.u32 @p2 s15  }
0x17: {  	s16 =	smov.u32 @p2 s3;
	p2 =	sgt.s32 s18, $0x1F  }
0x18: {  	p0 =	por !p0, !p0;
	s18 =	simm.s32 @p2 $0x0;
	p2 =	sne.s32 s13, s7  }
.Ltmp1:
0x19: {  	s17 =	simm.s32 @!p1 $0x2;
	s14 =	sshrl.u32 @!p1 s14, $0x1;
	(pc) =	sbr.rel @!p2 .LBB1_6-.Ltmp1, $4  }
0x1a: {  	s15 =	smov.u32 s9;
	s9 =	smov.u32 s11;
	s14 =	sand.u32 @!p1 $0x3FFFFFFF, s14  }
0x1b: {  	s11 =	smov.u32 s16;
	s13 =	sadd.s32 $0x1, s13;
	_ =	swait.ge @!p1 [sflag:s17], s14  }
0x1c: {  	s19 =	ssub.s32 @!p1 $0x0, s14;
	s14 =	smov.u32 s10;
	[sflag:s17] =	ssyncset.done @!p1 $0x0  }
0x1d: {  	s10 =	smov.u32 s12;
	s12 =	smov.u32 s18;
	[sflag:s17] =	ssyncadd.s32 @!p1 s19  }
.LBB1_1:
0x1e: {  	p1 =	sgt.u32 s13, s6  }
0x1f: {  	s16 =	sshrl.u32 @!p1 s12, $0x3  }
0x20: {  	s17 =	sshll.u32 @!p1 s11, $0x3;
	s16 =	smul.u32 @!p1 $0x7A1400, s16  }
0x21: {  	s18 =	sshll.u32 @!p1 s12, $0x7;
	s17 =	sand.u32 @!p1 $0xFFFFFC00, s17  }
0x22: {  	s16 =	sadd.s32 @!p1 s16, s17;
	s17 =	sand.u32 @!p1 $0x300, s18;
	s18 =	sshll.u32 @!p1 s11, $0x1  }
0x23: {  	s16 =	sor.u32 @!p1 s17, s16;
	s17 =	sand.u32 @!p1 $0xFE, s18  }
0x24: {  	s18 =	sand.u32 @!p1 $0x1, s12;
	s16 =	sor.u32 @!p1 s17, s16  }
0x25: {  	s17 =	sor.u32 @!p1 s18, s16  }
0x26: {  	s18 =	smulhi.u32 @!p1 $0x218D6287, s17;
	_ =	sdelay $0x1  }
0x27: {  	s16 =	smulhi.u32 @!p1 $0x218D6287, s16;
	s18 =	sshrl.u32 @!p1 s18, $0x11  }
0x28: {  	s18 =	smul.u32 @!p1 $0xF4280, s18  }
0x29: {  	s16 =	sshrl.u32 @!p1 s16, $0x11  }
0x2a: {  	s16 =	sand.u32 @!p1 $0x1F, s16;
	s17 =	ssub.s32 @!p1 s17, s18  }
0x2b: {  	s16 =	smul.u32 @!p1 $0xF428, s16;
	s18 =	sshrl.u32 @!p1 s17, $0x4  }
0x2c: {  	s19 =	sxor.u32 @!p1 $0xFFFFFFFF, s13;
	s17 =	sshll.u32 @!p1 s17, $0x11;
	s18 =	sadd.s32 @!p1 s2, s18  }
0x2d: {  	s17 =	sand.u32 @!p1 $0x1C0000, s17;
	s16 =	sadd.s32 @!p1 s16, s18;
	s18 =	sshll.u32 @!p1 s19, $0xB  }
0x2e: {  	s17 =	sor.u32 @!p1 $0x200, s17;
	s19 =	simm.s32 @!p1 $0x3D0A00;
	s18 =	sand.u32 @!p1 $0x800, s18  }
0x2f: {  	[tilespmem:s18], [sflag:$0x1] =	stream.strided.gather @!p1 [hbm4b:s16+s17], $0x800, s19, s17, $0x38;
	[tilespmem:$0x2080] =	vst v63  }
0x30: {  	p1 =	seq.s32 s13, $0x0  }
0x31: {  	p2 =	sge.u32 @!p1 s13, s7  }
0x32: {  	p1 =	por p1, p2  }
.Ltmp2:
0x33: {  	_ = 	snop;
	(pc) =	sbr.rel @p1 .LBB1_5-.Ltmp2, $1  }
0x34: {  	_ =	sdelay $0x3  }
0x35: {  	s16 =	simm.s32 $0x1  }
0x36: {  	_ =	swait.ge [sflag:s4], $0x800;
	s16 =	simm.s32 @!p0 $0x0  }
0x37: {  	[sflag:s4] =	ssyncset.done $0x0;
	s16 =	sshll.u32 s16, $0xB  }
0x38: {  	[sflag:s4] =	ssyncadd.s32 $0xFFFFF800;
	s16 =	sor.u32 $0x40, s16  }
0x39: {  	v0 =	vld [tilespmem:s16+$0x20]  }
0x3a: {  	v1 =	vld [tilespmem:s16+$0x30]  }
0x3b: {  	v2 =	vld [tilespmem:s16+$0xFFFFFFD0]  }
0x3c: {  	v5 =	vld [tilespmem:s16+$0x0]  }
0x3d: {  	v6 =	vld [tilespmem:s16+$0x10]  }
0x3e: {  	s17 =	sand.u32 $0x1, s13;
	v3 =	vld [tilespmem:s16+$0xFFFFFFE0]  }
0x3f: {  	s17 =	smul.u32 $0x2100, s17;
	v4 =	vld [tilespmem:s16+$0xFFFFFFF0]  }
0x40: {  	s18 =	simm.s32 $0x0;
	v1 =	vperm.xlane.i2c.b16 v1  }
0x41: {  	s19 =	sand.u32 $0x1C, s18;
	s17 =	sshrl.u32 s17, $0x2;
	v8 =	vld [tilespmem:s16+$0xFFFFFFC0];
	s20 =	sadd.s32 $0x80, s16;
	v7 =	vperm.xlane.i2c.b16 v0;
	v0 =	vperm.xlane.i2c.b16 v2  }
0x42: {  	s30 =	sand.u32 $0x20, s18;
	s31 =	sshrl.u32 s19, $0x1;
	s16 =	sor.u32 $0x1000, s17;
	v11 =	vld [tilespmem:s20+$0x30];
	v10 =	vperm.xlane.i2c.b16 v5;
	v13 =	vperm.xlane.i2c.b16 v6  }
0x43: {  	s17 =	sshrl.u32 s30, $0x1;
	s18 =	sadd.s32 s31, s16;
	v2 =	vld [tilespmem:s20+$0x20];
	v3 =	vperm.xlane.i2c.b16 v3;
	v9 =	vcombine.low v7, v1  }
0x44: {  	v12 =	vld [tilespmem:s20+$0xFFFFFFD0];
	s17 =	sadd.s32 s17, s18;
	v4 =	vperm.xlane.i2c.b16 v4;
	v14 =	vcombine.low v10, v13  }
0x45: {  	v1 =	vcombine.high v7, v1;
	v7 =	vld [tilespmem:s20+$0xFFFFFFE0];
	[tilespmem:s17+$0x630 ss:$0x21] =	vst.msk $0xffff, v9  }
0x46: {  	v6 =	vld [tilespmem:s20+$0xFFFFFFF0];
	v5 =	vperm.xlane.i2c.b16 v8;
	v9 =	vcombine.low v3, v4;
	[tilespmem:s17+$0x420 ss:$0x21] =	vst.msk $0xffff, v14  }
0x47: {  	s18 =	simm.s32 $0x4;
	v8 =	vperm.xlane.i2c.b16 v11;
	[tilespmem:s17+$0x631 ss:$0x21] =	vst.msk $0xffff, v1;
	v1 =	vcombine.high v3, v4;
	v4 =	vld [tilespmem:s20+$0x0]  }
0x48: {  	s19 =	simm.s32 $0x2;
	s22 =	sand.u32 $0x1C, s18;
	v10 =	vcombine.high v10, v13;
	v3 =	vld [tilespmem:s20+$0x10];
	[tilespmem:s17+$0x210 ss:$0x21] =	vst.msk $0xffff, v9;
	v9 =	vperm.xlane.i2c.b16 v2  }
0x49: {  	s21 =	sand.u32 $0x20, s18;
	s22 =	sshrl.u32 s22, $0x1;
	v11 =	vcombine.low v5, v0;
	v2 =	vld [tilespmem:s20+$0xFFFFFFC0];
	s20 =	sadd.s32 $0x80, s20;
	[tilespmem:s17+$0x211 ss:$0x21] =	vst.msk $0xffff, v1;
	v1 =	vperm.xlane.i2c.b16 v12  }
.LBB1_3:
0x4a: {  	v12 =	vld [tilespmem:s20+$0x20];
	s22 =	sadd.s32 s22, s16;
	s21 =	sshrl.u32 s21, $0x1;
	v13 =	vperm.xlane.i2c.b16 v7;
	v7 =	vcombine.low v9, v8;
	[tilespmem:s17+$0x421 ss:$0x21] =	vst.msk $0xffff, v10  }
0x4b: {  	s19 =	sadd.s32 $0x2, s19;
	v14 =	vld [tilespmem:s20+$0x30];
	s21 =	sadd.s32 s21, s22;
	v10 =	vperm.xlane.i2c.b16 v6;
	v6 =	vcombine.high v9, v8;
	[tilespmem:s17+$0x0 ss:$0x21] =	vst.msk $0xffff, v11  }
0x4c: {  	p1 =	slt.u32 s19, $0x1E;
	v11 =	vld [tilespmem:s20+$0xFFFFFFD0];
	v8 =	vperm.xlane.i2c.b16 v4;
	[tilespmem:s21+$0x630 ss:$0x21] =	vst.msk $0xffff, v7;
	v4 =	vcombine.high v5, v0;
	v0 =	vmov v1  }
.Ltmp3:
0x4d: {  	v7 =	vld [tilespmem:s20+$0xFFFFFFE0];
	v1 =	vcombine.low v13, v10;
	v3 =	vperm.xlane.i2c.b16 v3;
	[tilespmem:s21+$0x631 ss:$0x21] =	vst.msk $0xffff, v6;
	(pc) =	sbr.rel @p1 .LBB1_3-.Ltmp3, $4  }
0x4e: {  	v6 =	vld [tilespmem:s20+$0xFFFFFFF0];
	v5 =	vperm.xlane.i2c.b16 v2;
	v2 =	vcombine.high v13, v10;
	[tilespmem:s17+$0x1 ss:$0x21] =	vst.msk $0xffff, v4;
	s17 =	smov.u32 s21  }
0x4f: {  	s18 =	sadd.s32 $0x4, s18;
	v4 =	vld [tilespmem:s20+$0x0];
	[tilespmem:s17+$0x210 ss:$0x21] =	vst.msk $0xffff, v1;
	v13 =	vcombine.low v8, v3;
	v10 =	vcombine.high v8, v3  }
0x50: {  	s22 =	sand.u32 $0x1C, s18;
	v9 =	vperm.xlane.i2c.b16 v12;
	v3 =	vld [tilespmem:s20+$0x10];
	v8 =	vperm.xlane.i2c.b16 v14;
	[tilespmem:s17+$0x211 ss:$0x21] =	vst.msk $0xffff, v2  }
0x51: {  	s22 =	sshrl.u32 s22, $0x1;
	s21 =	sand.u32 $0x20, s18;
	v2 =	vld [tilespmem:s20+$0xFFFFFFC0];
	v1 =	vperm.xlane.i2c.b16 v11;
	s20 =	sadd.s32 $0x80, s20;
	v11 =	vcombine.low v5, v0;
	[tilespmem:s17+$0x420 ss:$0x21] =	vst.msk $0xffff, v13  }
0x52: {  	s18 =	sadd.s32 s22, s16;
	s19 =	sshll.u32 s9, $0x7;
	s20 =	sshll.u32 s10, $0x3  }
0x53: {  	s21 =	sshrl.u32 s21, $0x1;
	s24 =	sshll.u32 s10, $0x1;
	p1 =	sgt.s32 s9, $0xF41C0  }
0x54: {  	s22 =	smov.u32 s9;
	s26 =	sshra.s32 s9, $0x1F;
	s23 =	sand.u32 $0xFFFFFC00, s19  }
0x55: {  	s20 =	sand.u32 $0xFFFFFC00, s20;
	s19 =	sand.u32 $0x300, s19;
	s25 =	sand.u32 $0x80, s24  }
0x56: {  	s18 =	sadd.s32 s21, s18;
	s22 =	simm.s32 @!p1 $0xF41C0;
	p1 =	sgt.s32 s10, $0x60  }
0x57: {  	s21 =	smov.u32 s10;
	s20 =	sadd.s32 s20, s23;
	s23 =	sshra.s32 s10, $0x1F  }
0x58: {  	s21 =	simm.s32 @!p1 $0x60;
	s19 =	sor.u32 s19, s20;
	s20 =	sand.u32 s26, s9  }
0x59: {  	v7 =	vperm.xlane.i2c.b16 v7;
	[tilespmem:s17+$0x421 ss:$0x21] =	vst.msk $0xffff, v10;
	v0 =	vcombine.high v5, v0;
	s23 =	sand.u32 s23, s10;
	s19 =	sor.u32 s25, s19;
	s20 =	ssub.s32 s22, s20  }
0x5a: {  	v57 =	vcombine.low v9, v8;
	v6 =	vperm.xlane.i2c.b16 v6;
	[tilespmem:s17+$0x0 ss:$0x21] =	vst.msk $0xffff, v11;
	s21 =	ssub.s32 s21, s23;
	s19 =	sshrl.u32 s19, $0x7;
	s22 =	sadd.s32 $0xFFF0BE40, s20  }
0x5b: {  	v58 =	vcombine.high v9, v8;
	v4 =	vperm.xlane.i2c.b16 v4;
	[tilespmem:s17+$0x1 ss:$0x21] =	vst.msk $0xffff, v0;
	s23 =	sadd.s32 $0xFFFFFFA0, s21;
	s20 =	ssub.s32 $0xF4240, s20;
	s21 =	ssub.s32 $0x80, s21  }
0x5c: {  	[tilespmem:s18+$0x630 ss:$0x21] =	vst.msk $0xffff, v57;
	v59 =	vcombine.low v7, v6;
	v3 =	vperm.xlane.i2c.b16 v3;
	s27 =	smulhi.u32 $0x218DEF5, s19;
	p1 =	sgt.s32 s22, $0x7F;
	p2 =	sgt.s32 s23, $0x1F  }
0x5d: {  	[tilespmem:s18+$0x631 ss:$0x21] =	vst.msk $0xffff, v58;
	v60 =	vcombine.high v7, v6;
	s20 =	simm.s32 @p1 $0x0;
	s21 =	simm.s32 @p2 $0x0  }
0x5e: {  	v2 =	vperm.xlane.i2c.b16 v2;
	[tilespmem:s18+$0x210 ss:$0x21] =	vst.msk $0xffff, v59;
	v61 =	vcombine.low v4, v3;
	s17 =	sshrl.u32 s27, $0xD;
	s20 =	smul.u32 s21, s20  }
0x5f: {  	v3 =	vcombine.high v4, v3;
	[tilespmem:s18+$0x211 ss:$0x21] =	vst.msk $0xffff, v60;
	s17 =	smul.u32 $0xF4240, s17  }
.Ltmp4:
0x60: {  	s28 =	sshrl.u32 s10, $0x3;
	s29 =	sand.u32 $0x7, s10;
	v62 =	vcombine.low v2, v1;
	[tilespmem:s18+$0x420 ss:$0x21] =	vst.msk $0xffff, v61;
	(pc) =	sbr.rel .LBB1_5-.Ltmp4, $4  }
0x61: {  	v63 =	vcombine.high v2, v1;
	[tilespmem:s18+$0x421 ss:$0x21] =	vst.msk $0xffff, v3;
	s21 =	sshll.u32 s29, $0x12;
	s17 =	ssub.s32 s19, s17;
	s19 =	sand.u32 $0x7, s28  }
0x62: {  	[tilespmem:s18+$0x0 ss:$0x21] =	vst.msk $0xffff, v62;
	s20 =	sshrl.u32 s20, $0x1;
	s17 =	sshll.u32 s17, $0x3;
	s19 =	sadd.s32 s5, s19  }
0x63: {  	[tilespmem:s18+$0x1 ss:$0x21] =	vst.msk $0xffff, v63;
	s31 =	sor.u32 $0x20, s21;
	s30 =	sand.u32 $0x3FFFFFFF, s20;
	s17 =	sadd.s32 s17, s19  }
0x64: {  	[hbm4b:s17+s31] =	stream.strided.scatter [tilespmem:s16], [sflag:$0x2], s30, s8, s31, $0x10;
	[tilespmem:$0x2080] =	vst v63  }
.LBB1_6:
0x65: {  	_ =	sfence.sel $0x180000  }
0x66: {  	s2 =	simm.s32 $0x1;
	[bflag:$0x0] =	sbarrier.arrive $0xFFFF  }
0x67: {  	s31 =	simm.s32 $0x2;
	[sflag:s2] =	ssyncpa.u1 $0x1  }
0x68: {  	[sflag:s31] =	ssyncpa.u1 $0x1  }
0x69: {  	p0 =	sne.s32 s1, $0x0;
	_ =	strace $0x9000004D  }
0x6a: {  	s0 =	sadd.s32 @!p0 $0x100000, s0;
	[bflag:$0x2] =	sbarrier.arrive $0xFFFF  }
0x6b: {  	[sflag:s0] =	ssyncadd.tile.s32 @!p0 $0x1;
	_ =	shalt  }
.Lfunc_end1:
_tile_overlayer_lowered:
.L_overlay_start_2:
0x6c: {  	(tag) =	ssettag $0x2  }
0x6d: {  	s0 =	rddreg [dreg:$0x0];
	s2 =	stileid.u32  }
0x6e: {  	s1 =	rddreg [dreg:$0x1];
	p0 =	sne.s32 s2, $0x0  }
0x6f: {  	s3 =	rddreg [dreg:$0x2];
	[bflag:$0x3] =	sbarrier.arrive $0xFFFF;
	s2 =	simm.s32 @!p0 $0x1C01  }
0x70: {  	[timem:s3], [sflag:s2] =	dma.local @!p0 [hbm:s0], s1  }
0x71: {  	s0 =	simm.s32 @!p0 $0x1  }
0x72: {  	_ =	swait.ge @!p0 [sflag:s0], s1  }
0x73: {  	s1 =	ssub.s32 @!p0 $0x0, s1;
	[sflag:s0] =	ssyncset.done @!p0 $0x0  }
0x74: {  	[sflag:s0] =	ssyncadd.s32 @!p0 s1  }
0x75: {  	[bflag:$0x3] =	sbarrier.arrive $0xFFFF  }
0x76: {  	_ =	shalt  }

</sc_bundles>
